<compile_context>
chip_gen: v7x
topology: tpu7x:2x2x1
jax: 0.10.2.dev20260603
libtpu: 0.0.44.dev20260713+nightly
codegen_flags: <defaults>
</compile_context>

<pallas_src>
import functools

import jax
import jax.numpy as jnp
from jax import lax
from jax.experimental import pallas as pl
from jax.experimental.pallas import tpu as pltpu
from jax.experimental.pallas import tpu_sc as plsc

KNN = 20
CPAD = 128



def _knn_body(x_rows_ref, xt_ref, idx_ref, *, n, k, rows):
    b = pl.program_id(0)
    xr = x_rows_ref[0]
    xt = xt_ref[0]
    sq_r = jnp.sum(xr * xr, axis=1, keepdims=True)
    sq_a = jnp.sum(xt * xt, axis=0, keepdims=True)
    inner = jnp.dot(xr, xt, preferred_element_type=jnp.float32)
    dist = (sq_r - 2.0 * inner) + sq_a

    iota_f = lax.broadcasted_iota(jnp.int32, (rows, n), 1).astype(jnp.float32)
    cur = dist
    cols = []
    for _ in range(k):
        m = jnp.min(cur, axis=1, keepdims=True)
        eqm = cur == m
        amin = jnp.min(jnp.where(eqm, iota_f, 4096.0), axis=1,
                       keepdims=True)
        cur = jnp.where(eqm, jnp.inf, cur)
        cols.append(amin)
    idx = jnp.concatenate(cols, axis=1).astype(jnp.int32)
    idx_ref[0] = idx + b * n


def _knn(x, *, rows=256):
    bsz, n, c = x.shape
    xt = jnp.swapaxes(x, 1, 2)
    body = functools.partial(_knn_body, n=n, k=KNN, rows=rows)
    return pl.pallas_call(
        body,
        grid=(bsz, n // rows),
        in_specs=[
            pl.BlockSpec((1, rows, c), lambda b, r: (b, r, 0)),
            pl.BlockSpec((1, c, n), lambda b, r: (b, 0, 0)),
        ],
        out_specs=pl.BlockSpec((1, rows, KNN), lambda b, r: (b, r, 0)),
        out_shape=jax.ShapeDtypeStruct((bsz, n, KNN), jnp.int32),
    )(x, xt)



def _gather_rows(xpad, idx_wmajor):
    m = xpad.shape[0]
    info = plsc.get_sparse_core_info()
    nw = info.num_cores * info.num_subcores
    pts_w = m // nw
    half = pts_w // 2
    mesh = plsc.VectorSubcoreMesh(core_axis_name="c", subcore_axis_name="s")

    @functools.partial(
        pl.kernel, mesh=mesh,
        out_type=jax.ShapeDtypeStruct((KNN, m, CPAD), jnp.float32),
        scratch_types=[
            pltpu.VMEM((KNN * pts_w,), jnp.int32),
            pltpu.VMEM((half, CPAD), jnp.float32),
            pltpu.VMEM((half, CPAD), jnp.float32),
            pltpu.SemaphoreType.DMA,
            pltpu.SemaphoreType.DMA,
        ],
    )
    def k(x_hbm, idx_hbm, nb_hbm, idx_v, buf0, buf1, sem0, sem1):
        wid = lax.axis_index("s") * info.num_cores + lax.axis_index("c")
        base = wid * pts_w
        pltpu.sync_copy(idx_hbm.at[pl.ds(wid * (KNN * pts_w), KNN * pts_w)],
                        idx_v)
        bufs = ((buf0, sem0), (buf1, sem1))

        n_chunks = max(1, half // 128)
        chunk = half // n_chunks

        def fire(t, buf, sem):
            off = t * half
            for j in range(n_chunks):
                pltpu.async_copy(
                    x_hbm.at[idx_v.at[pl.ds(off + j * chunk, chunk)]],
                    buf.at[pl.ds(j * chunk, chunk), :], sem)

        fire(0, buf0, sem0)
        fire(1, buf1, sem1)

        def body(i, carry):
            for b in range(2):
                buf, sem = bufs[b]
                for j in range(n_chunks):
                    pltpu.make_async_copy(
                        x_hbm.at[idx_v.at[pl.ds(0, chunk)]],
                        buf.at[pl.ds(j * chunk, chunk), :], sem).wait()
                pltpu.sync_copy(buf,
                                nb_hbm.at[i, pl.ds(base + b * half, half), :])

                @pl.when(i < KNN - 1)
                def _():
                    fire(2 * i + b + 2, buf, sem)

            return carry

        lax.fori_loop(0, KNN, body, 0)

    return k(xpad, idx_wmajor)



def _edge_mlp_body(xp_ref, nb_ref, w_ref, b_ref, o_ref, *, c, rows):
    center = xp_ref[:, :c]
    parts = []
    for k in range(KNN):
        parts.append(center)
        parts.append(nb_ref[k][:, :c] - center)
    e = jnp.concatenate(
        [jnp.concatenate(parts[2 * k:2 * k + 2], axis=1)
         for k in range(KNN)], axis=0)
    hmat = jnp.dot(e, w_ref[...], preferred_element_type=jnp.float32)
    h = hmat[:rows]
    for k in range(1, KNN):
        h = jnp.maximum(h, hmat[k * rows:(k + 1) * rows])
    o_ref[...] = h + b_ref[...]


def _edge_mlp(xpad, nb, w, bias, c, *, rows=128):
    m = xpad.shape[0]
    cout = w.shape[1]
    body = functools.partial(_edge_mlp_body, c=c, rows=rows)
    return pl.pallas_call(
        body,
        grid=(m // rows,),
        in_specs=[
            pl.BlockSpec((rows, CPAD), lambda r: (r, 0)),
            pl.BlockSpec((KNN, rows, CPAD), lambda r: (0, r, 0)),
            pl.BlockSpec(w.shape, lambda r: (0, 0)),
            pl.BlockSpec((1, cout), lambda r: (0, 0)),
        ],
        out_specs=pl.BlockSpec((rows, cout), lambda r: (r, 0)),
        out_shape=jax.ShapeDtypeStruct((m, cout), jnp.float32),
    )(xpad, nb, w, bias[None, :])



def _head_body(h_ref, wf1_ref, bf1_ref, wf2_ref, bf2_ref, wf3_ref, bf3_ref,
               o_ref):
    g = jnp.max(h_ref[...], axis=1)
    z = jnp.dot(g, wf1_ref[...], preferred_element_type=jnp.float32)
    z = jnp.maximum(z + bf1_ref[...], 0.0)
    z = jnp.dot(z, wf2_ref[...], preferred_element_type=jnp.float32)
    z = jnp.maximum(z + bf2_ref[...], 0.0)
    z = jnp.dot(z, wf3_ref[...], preferred_element_type=jnp.float32)
    o_ref[...] = z + bf3_ref[...]


def _head(h, wf1, bf1, wf2, bf2, wf3, bf3):
    bsz = h.shape[0]
    return pl.pallas_call(
        _head_body,
        out_shape=jax.ShapeDtypeStruct((bsz, wf3.shape[1]), jnp.float32),
    )(h, wf1, bf1[None, :], wf2, bf2[None, :], wf3, bf3[None, :])



def _prep(h):
    bsz, n, c = h.shape
    m = bsz * n
    idx = _knn(h)
    nw = 32
    idx_wmajor = idx.reshape(nw, m // nw, KNN)
    idx_wmajor = jnp.swapaxes(idx_wmajor, 1, 2).reshape(-1)
    hflat = h.reshape(m, c)
    xpad = hflat if c == CPAD else jnp.pad(hflat, ((0, 0), (0, CPAD - c)))
    return xpad, idx_wmajor


def kernel(x, W1, b1, W2, b2, W3, b3, Wf1, bf1, Wf2, bf2, Wf3, bf3):
    splits = 2
    bs = x.shape[0] // splits
    parts = [x[i * bs:(i + 1) * bs] for i in range(splits)]
    for w, b in ((W1, b1), (W2, b2), (W3, b3)):
        bsz, n, c = parts[0].shape
        cout = w.shape[1]
        staged = []
        for hp in parts:
            xp, ip = _prep(hp)
            staged.append((xp, _gather_rows(xp, ip)))
        parts = [
            _edge_mlp(xp, nbp, w, b, c).reshape(bsz, n, cout)
            for xp, nbp in staged
        ]
    h3 = jnp.concatenate(parts, axis=0)
    return _head(h3, Wf1, bf1, Wf2, bf2, Wf3, bf3)

# --- scband reference (transcript-rebuilt; emitter-appended) ---
"""Pipeline reference for scband-dgcnn-44805098831877 (READ-ONLY COPY).

The authoritative reference and input builder live on the scoring server;
editing this copy changes nothing except your own understanding.
"""

import jax, jax.numpy as jnp
import numpy as np

K = 20

def knn_idx(x, k):
    # x: [B, N, C] -> idx: [B, N, k] indices of k nearest neighbors (incl. self)
    inner = jnp.einsum('bnc,bmc->bnm', x, x)
    sq = jnp.sum(x * x, axis=-1)
    dist = sq[:, :, None] - 2.0 * inner + sq[:, None, :]
    _, idx = jax.lax.top_k(-dist, k)
    return idx

def edge_conv(x, W, b, k):
    # DynamicEdgeConv with nn.Linear and max aggregation:
    # h_i = max_j Linear([x_i, x_j - x_i])
    idx = knn_idx(x, k)                                  # [B, N, k]
    nb = jax.vmap(lambda xb, ib: xb[ib])(x, idx)         # [B, N, k, C]
    center = jnp.broadcast_to(x[:, :, None, :], nb.shape)
    e = jnp.concatenate([center, nb - center], axis=-1)  # [B, N, k, 2C]
    h = e @ W + b                                        # [B, N, k, out]
    return jnp.max(h, axis=2)                            # [B, N, out]

def setup_inputs(seed: int = 0) -> dict:
    key = jax.random.key(seed)
    ks = jax.random.split(key, 13)
    B, N = 8, 2048
    x = jax.random.normal(ks[0], (B, N, 3), dtype=jnp.float32)
    def lin(k1, k2, fan_in, fan_out):
        lim = 1.0 / np.sqrt(fan_in)
        W = jax.random.uniform(k1, (fan_in, fan_out), jnp.float32, -lim, lim)
        b = jax.random.uniform(k2, (fan_out,), jnp.float32, -lim, lim)
        return W, b
    W1, b1 = lin(ks[1], ks[2], 6, 64)
    W2, b2 = lin(ks[3], ks[4], 128, 128)
    W3, b3 = lin(ks[5], ks[6], 256, 256)
    Wf1, bf1 = lin(ks[7], ks[8], 256, 512)
    Wf2, bf2 = lin(ks[9], ks[10], 512, 256)
    Wf3, bf3 = lin(ks[11], ks[12], 256, 10)
    return {"x": x, "W1": W1, "b1": b1, "W2": W2, "b2": b2, "W3": W3, "b3": b3,
            "Wf1": Wf1, "bf1": bf1, "Wf2": Wf2, "bf2": bf2, "Wf3": Wf3, "bf3": bf3}

def reference(x, W1, b1, W2, b2, W3, b3, Wf1, bf1, Wf2, bf2, Wf3, bf3):
    h1 = edge_conv(x, W1, b1, K)    # [B, N, 64]
    h2 = edge_conv(h1, W2, b2, K)   # [B, N, 128]
    h3 = edge_conv(h2, W3, b3, K)   # [B, N, 256]
    g = jnp.max(h3, axis=1)         # global max pool -> [B, 256]
    g = jax.nn.relu(g @ Wf1 + bf1)
    g = jax.nn.relu(g @ Wf2 + bf2)
    out = g @ Wf3 + bf3             # [B, 10]
    return out

if __name__ == "__main__":
    import jax
    _d = setup_inputs()
    print(jax.jit(kernel)(*tuple(_d.values())))

</pallas_src>

<mosaic_0001>
#map = affine_map<(d0, d1) -> (0, 0)>
#map1 = affine_map<(d0, d1) -> (0)>
#map2 = affine_map<(d0, d1) -> (0, 0, 0)>
module attributes {stable_mosaic.version = 14 : i64} {
  func.func @k(%arg0: i32, %arg1: i32, %arg2: memref<8192x128xf32, #tpu.memory_space<hbm>>, %arg3: memref<163840xi32, #tpu.memory_space<hbm>>, %arg4: memref<20x8192x128xf32, #tpu.memory_space<hbm>>, %arg5: memref<5120xi32, #tpu.memory_space<vmem>>, %arg6: memref<128x128xf32, #tpu.memory_space<vmem>>, %arg7: memref<128x128xf32, #tpu.memory_space<vmem>>, %arg8: memref<!tpu.dma_semaphore, #tpu.memory_space<semaphore_mem>>, %arg9: memref<!tpu.dma_semaphore, #tpu.memory_space<semaphore_mem>>) attributes {dimension_semantics = [#tpu.dimension_semantics<core_parallel>, #tpu.dimension_semantics<subcore_parallel>], iteration_bounds = array<i64: 2, 16>, scalar_prefetch = 0 : i64, scratch_operands = 5 : i64, tpu.core_type = #tpu.core_type<sc_vector_subcore>, window_params = [{transform_indices = #map}, {transform_indices = #map1}, {transform_indices = #map2}]} {
    %mul3A = arith.constant 2 : i32
    %mul3A_0 = arith.muli %arg1, %mul3A : i32
    %add3A = arith.addi %mul3A_0, %arg0 : i32
    %mul3A_1 = arith.constant 256 : i32
    %mul3A_2 = arith.muli %add3A, %mul3A_1 : i32
    %mul3A_3 = arith.constant 5120 : i32
    %mul3A_4 = arith.muli %add3A, %mul3A_3 : i32
    "tpu.region"() ({
      %run_scoped3A = tpu.sem_alloc : memref<!tpu.dma_semaphore, #tpu.memory_space<semaphore_mem>>
      %dma_start3A_25 = tpu.memref_slice %arg3[%mul3A_4] : memref<163840xi32, #tpu.memory_space<hbm>> -> memref<5120xi32, #tpu.memory_space<hbm>>
      %dma_start3A_26 = tpu.memref_slice %arg3[%mul3A_4] : memref<163840xi32, #tpu.memory_space<hbm>> -> memref<5120xi32, #tpu.memory_space<hbm>>
      tpu.enqueue_dma source(%dma_start3A_26 : memref<5120xi32, #tpu.memory_space<hbm>>) target(%arg5 : memref<5120xi32, #tpu.memory_space<vmem>>) target_semaphore(%run_scoped3A : memref<!tpu.dma_semaphore, #tpu.memory_space<semaphore_mem>>)
      %dma_wait3A = tpu.memref_slice %arg3[%mul3A_4] : memref<163840xi32, #tpu.memory_space<hbm>> -> memref<5120xi32, #tpu.memory_space<hbm>>
      %dma_wait3A_27 = tpu.memref_slice %arg3[%mul3A_4] : memref<163840xi32, #tpu.memory_space<hbm>> -> memref<5120xi32, #tpu.memory_space<hbm>>
      tpu.wait_dma2 semaphore(%run_scoped3A : memref<!tpu.dma_semaphore, #tpu.memory_space<semaphore_mem>>) src(%dma_wait3A_27 : memref<5120xi32, #tpu.memory_space<hbm>>) dst(%arg5 : memref<5120xi32, #tpu.memory_space<vmem>>)
      tpu.yield
    }) : () -> ()
    %dma_start3A = arith.constant 0 : i32
    %dma_start3A_5 = arith.constant 0 : i32
    %dma_start3A_6 = tpu.memref_slice %arg6[%dma_start3A, %dma_start3A_5] : memref<128x128xf32, #tpu.memory_space<vmem>> -> memref<128x128xf32, #tpu.memory_space<vmem>>
    %dma_start3A_7 = arith.constant 0 : i32
    %dma_start3A_8 = tpu.memref_slice %arg5[%dma_start3A_7] : memref<5120xi32, #tpu.memory_space<vmem>> -> memref<128xi32, #tpu.memory_space<vmem>>
    %dma_start3A_9 = arith.constant 0 : i32
    %dma_start3A_10 = arith.constant 0 : i32
    %dma_start3A_11 = tpu.memref_slice %arg2[%dma_start3A_9, %dma_start3A_10] : memref<8192x128xf32, #tpu.memory_space<hbm>> -> memref<8192x128xf32, #tpu.memory_space<hbm>>
    tpu.enqueue_indirect_dma source(%dma_start3A_11 : memref<8192x128xf32, #tpu.memory_space<hbm>>) target(%dma_start3A_6 : memref<128x128xf32, #tpu.memory_space<vmem>>) offsets(%dma_start3A_8 : memref<128xi32, #tpu.memory_space<vmem>>) semaphore(%arg8 : memref<!tpu.dma_semaphore, #tpu.memory_space<semaphore_mem>>)
    %dma_start3A_12 = arith.constant 0 : i32
    %dma_start3A_13 = arith.constant 0 : i32
    %dma_start3A_14 = tpu.memref_slice %arg7[%dma_start3A_12, %dma_start3A_13] : memref<128x128xf32, #tpu.memory_space<vmem>> -> memref<128x128xf32, #tpu.memory_space<vmem>>
    %dma_start3A_15 = arith.constant 128 : i32
    %dma_start3A_16 = tpu.memref_slice %arg5[%dma_start3A_15] : memref<5120xi32, #tpu.memory_space<vmem>> -> memref<128xi32, #tpu.memory_space<vmem>>
    %dma_start3A_17 = arith.constant 0 : i32
    %dma_start3A_18 = arith.constant 0 : i32
    %dma_start3A_19 = tpu.memref_slice %arg2[%dma_start3A_17, %dma_start3A_18] : memref<8192x128xf32, #tpu.memory_space<hbm>> -> memref<8192x128xf32, #tpu.memory_space<hbm>>
    tpu.enqueue_indirect_dma source(%dma_start3A_19 : memref<8192x128xf32, #tpu.memory_space<hbm>>) target(%dma_start3A_14 : memref<128x128xf32, #tpu.memory_space<vmem>>) offsets(%dma_start3A_16 : memref<128xi32, #tpu.memory_space<vmem>>) semaphore(%arg9 : memref<!tpu.dma_semaphore, #tpu.memory_space<semaphore_mem>>)
    %scan3A = arith.constant 0 : i32
    %scan3A_20 = arith.constant 0 : i32
    %scan3A_21 = arith.constant 20 : i32
    %scan3A_22 = arith.addi %scan3A_20, %scan3A_21 : i32
    %scan3A_23 = arith.constant 1 : i32
    scf.for %scan3A_25 = %scan3A_20 to %scan3A_22 step %scan3A_23  : i32 {
      %dma_wait3A = arith.constant 0 : i32
      %dma_wait3A_26 = arith.constant 0 : i32
      %dma_wait3A_27 = tpu.memref_slice %arg6[%dma_wait3A, %dma_wait3A_26] : memref<128x128xf32, #tpu.memory_space<vmem>> -> memref<128x128xf32, #tpu.memory_space<vmem>>
      %dma_wait3A_28 = arith.constant 0 : i32
      %dma_wait3A_29 = tpu.memref_slice %arg5[%dma_wait3A_28] : memref<5120xi32, #tpu.memory_space<vmem>> -> memref<128xi32, #tpu.memory_space<vmem>>
      %dma_wait3A_30 = arith.constant 0 : i32
      %dma_wait3A_31 = arith.constant 0 : i32
      %dma_wait3A_32 = tpu.memref_slice %arg2[%dma_wait3A_30, %dma_wait3A_31] : memref<8192x128xf32, #tpu.memory_space<hbm>> -> memref<8192x128xf32, #tpu.memory_space<hbm>>
      tpu.wait_indirect_dma semaphore(%arg8 : memref<!tpu.dma_semaphore, #tpu.memory_space<semaphore_mem>>) src(%dma_wait3A_32 : memref<8192x128xf32, #tpu.memory_space<hbm>>) dst(%dma_wait3A_27 : memref<128x128xf32, #tpu.memory_space<vmem>>)
      %add3A_33 = arith.constant 0 : i32
      %add3A_34 = arith.addi %mul3A_2, %add3A_33 : i32
      "tpu.region"() ({
        %run_scoped3A = tpu.sem_alloc : memref<!tpu.dma_semaphore, #tpu.memory_space<semaphore_mem>>
        %dma_start3A_52 = arith.constant 0 : i32
        %dma_start3A_53 = tpu.memref_slice %arg4[%scan3A_25, %add3A_34, %dma_start3A_52] : memref<20x8192x128xf32, #tpu.memory_space<hbm>> -> memref<1x128x128xf32, #tpu.memory_space<hbm>>
        %dma_start3A_54 = tpu.memref_squeeze %dma_start3A_53 : memref<1x128x128xf32, #tpu.memory_space<hbm>> -> memref<128x128xf32, #tpu.memory_space<hbm>>
        %dma_start3A_55 = arith.constant 0 : i32
        %dma_start3A_56 = tpu.memref_slice %arg4[%scan3A_25, %add3A_34, %dma_start3A_55] : memref<20x8192x128xf32, #tpu.memory_space<hbm>> -> memref<1x128x128xf32, #tpu.memory_space<hbm>>
        %dma_start3A_57 = tpu.memref_squeeze %dma_start3A_56 : memref<1x128x128xf32, #tpu.memory_space<hbm>> -> memref<128x128xf32, #tpu.memory_space<hbm>>
        tpu.enqueue_dma source(%arg6 : memref<128x128xf32, #tpu.memory_space<vmem>>) target(%dma_start3A_57 : memref<128x128xf32, #tpu.memory_space<hbm>>) target_semaphore(%run_scoped3A : memref<!tpu.dma_semaphore, #tpu.memory_space<semaphore_mem>>)
        %dma_wait3A_58 = arith.constant 0 : i32
        %dma_wait3A_59 = tpu.memref_slice %arg4[%scan3A_25, %add3A_34, %dma_wait3A_58] : memref<20x8192x128xf32, #tpu.memory_space<hbm>> -> memref<1x128x128xf32, #tpu.memory_space<hbm>>
        %dma_wait3A_60 = tpu.memref_squeeze %dma_wait3A_59 : memref<1x128x128xf32, #tpu.memory_space<hbm>> -> memref<128x128xf32, #tpu.memory_space<hbm>>
        %dma_wait3A_61 = arith.constant 0 : i32
        %dma_wait3A_62 = tpu.memref_slice %arg4[%scan3A_25, %add3A_34, %dma_wait3A_61] : memref<20x8192x128xf32, #tpu.memory_space<hbm>> -> memref<1x128x128xf32, #tpu.memory_space<hbm>>
        %dma_wait3A_63 = tpu.memref_squeeze %dma_wait3A_62 : memref<1x128x128xf32, #tpu.memory_space<hbm>> -> memref<128x128xf32, #tpu.memory_space<hbm>>
        tpu.wait_dma2 semaphore(%run_scoped3A : memref<!tpu.dma_semaphore, #tpu.memory_space<semaphore_mem>>) src(%arg6 : memref<128x128xf32, #tpu.memory_space<vmem>>) dst(%dma_wait3A_63 : memref<128x128xf32, #tpu.memory_space<hbm>>)
        tpu.yield
      }) : () -> ()
      %lt3A = arith.constant 19 : i32
      %lt3A_35 = arith.cmpi slt, %scan3A_25, %lt3A : i32
      %convert_element_type3A = arith.extui %lt3A_35 : i1 to i32
      %cond3A = arith.constant 0 : i32
      %cond3A_36 = arith.cmpi ne, %convert_element_type3A, %cond3A : i32
      scf.if %cond3A_36 {
        %mul3A_52 = arith.constant 2 : i32
        %mul3A_53 = arith.muli %mul3A_52, %scan3A_25 : i32
        %add3A_54 = arith.constant 0 : i32
        %add3A_55 = arith.addi %mul3A_53, %add3A_54 : i32
        %add3A_56 = arith.constant 2 : i32
        %add3A_57 = arith.addi %add3A_55, %add3A_56 : i32
        %mul3A_58 = arith.constant 128 : i32
        %mul3A_59 = arith.muli %add3A_57, %mul3A_58 : i32
        %add3A_60 = arith.constant 0 : i32
        %add3A_61 = arith.addi %mul3A_59, %add3A_60 : i32
        %dma_start3A_62 = arith.constant 0 : i32
        %dma_start3A_63 = arith.constant 0 : i32
        %dma_start3A_64 = tpu.memref_slice %arg6[%dma_start3A_62, %dma_start3A_63] : memref<128x128xf32, #tpu.memory_space<vmem>> -> memref<128x128xf32, #tpu.memory_space<vmem>>
        %dma_start3A_65 = tpu.memref_slice %arg5[%add3A_61] : memref<5120xi32, #tpu.memory_space<vmem>> -> memref<128xi32, #tpu.memory_space<vmem>>
        %dma_start3A_66 = arith.constant 0 : i32
        %dma_start3A_67 = arith.constant 0 : i32
        %dma_start3A_68 = tpu.memref_slice %arg2[%dma_start3A_66, %dma_start3A_67] : memref<8192x128xf32, #tpu.memory_space<hbm>> -> memref<8192x128xf32, #tpu.memory_space<hbm>>
        tpu.enqueue_indirect_dma source(%dma_start3A_68 : memref<8192x128xf32, #tpu.memory_space<hbm>>) target(%dma_start3A_64 : memref<128x128xf32, #tpu.memory_space<vmem>>) offsets(%dma_start3A_65 : memref<128xi32, #tpu.memory_space<vmem>>) semaphore(%arg8 : memref<!tpu.dma_semaphore, #tpu.memory_space<semaphore_mem>>)
      } else {
      }
      %dma_wait3A_37 = arith.constant 0 : i32
      %dma_wait3A_38 = arith.constant 0 : i32
      %dma_wait3A_39 = tpu.memref_slice %arg7[%dma_wait3A_37, %dma_wait3A_38] : memref<128x128xf32, #tpu.memory_space<vmem>> -> memref<128x128xf32, #tpu.memory_space<vmem>>
      %dma_wait3A_40 = arith.constant 0 : i32
      %dma_wait3A_41 = tpu.memref_slice %arg5[%dma_wait3A_40] : memref<5120xi32, #tpu.memory_space<vmem>> -> memref<128xi32, #tpu.memory_space<vmem>>
      %dma_wait3A_42 = arith.constant 0 : i32
      %dma_wait3A_43 = arith.constant 0 : i32
      %dma_wait3A_44 = tpu.memref_slice %arg2[%dma_wait3A_42, %dma_wait3A_43] : memref<8192x128xf32, #tpu.memory_space<hbm>> -> memref<8192x128xf32, #tpu.memory_space<hbm>>
      tpu.wait_indirect_dma semaphore(%arg9 : memref<!tpu.dma_semaphore, #tpu.memory_space<semaphore_mem>>) src(%dma_wait3A_44 : memref<8192x128xf32, #tpu.memory_space<hbm>>) dst(%dma_wait3A_39 : memref<128x128xf32, #tpu.memory_space<vmem>>)
      %add3A_45 = arith.constant 128 : i32
      %add3A_46 = arith.addi %mul3A_2, %add3A_45 : i32
      "tpu.region"() ({
        %run_scoped3A = tpu.sem_alloc : memref<!tpu.dma_semaphore, #tpu.memory_space<semaphore_mem>>
        %dma_start3A_52 = arith.constant 0 : i32
        %dma_start3A_53 = tpu.memref_slice %arg4[%scan3A_25, %add3A_46, %dma_start3A_52] : memref<20x8192x128xf32, #tpu.memory_space<hbm>> -> memref<1x128x128xf32, #tpu.memory_space<hbm>>
        %dma_start3A_54 = tpu.memref_squeeze %dma_start3A_53 : memref<1x128x128xf32, #tpu.memory_space<hbm>> -> memref<128x128xf32, #tpu.memory_space<hbm>>
        %dma_start3A_55 = arith.constant 0 : i32
        %dma_start3A_56 = tpu.memref_slice %arg4[%scan3A_25, %add3A_46, %dma_start3A_55] : memref<20x8192x128xf32, #tpu.memory_space<hbm>> -> memref<1x128x128xf32, #tpu.memory_space<hbm>>
        %dma_start3A_57 = tpu.memref_squeeze %dma_start3A_56 : memref<1x128x128xf32, #tpu.memory_space<hbm>> -> memref<128x128xf32, #tpu.memory_space<hbm>>
        tpu.enqueue_dma source(%arg7 : memref<128x128xf32, #tpu.memory_space<vmem>>) target(%dma_start3A_57 : memref<128x128xf32, #tpu.memory_space<hbm>>) target_semaphore(%run_scoped3A : memref<!tpu.dma_semaphore, #tpu.memory_space<semaphore_mem>>)
        %dma_wait3A_58 = arith.constant 0 : i32
        %dma_wait3A_59 = tpu.memref_slice %arg4[%scan3A_25, %add3A_46, %dma_wait3A_58] : memref<20x8192x128xf32, #tpu.memory_space<hbm>> -> memref<1x128x128xf32, #tpu.memory_space<hbm>>
        %dma_wait3A_60 = tpu.memref_squeeze %dma_wait3A_59 : memref<1x128x128xf32, #tpu.memory_space<hbm>> -> memref<128x128xf32, #tpu.memory_space<hbm>>
        %dma_wait3A_61 = arith.constant 0 : i32
        %dma_wait3A_62 = tpu.memref_slice %arg4[%scan3A_25, %add3A_46, %dma_wait3A_61] : memref<20x8192x128xf32, #tpu.memory_space<hbm>> -> memref<1x128x128xf32, #tpu.memory_space<hbm>>
        %dma_wait3A_63 = tpu.memref_squeeze %dma_wait3A_62 : memref<1x128x128xf32, #tpu.memory_space<hbm>> -> memref<128x128xf32, #tpu.memory_space<hbm>>
        tpu.wait_dma2 semaphore(%run_scoped3A : memref<!tpu.dma_semaphore, #tpu.memory_space<semaphore_mem>>) src(%arg7 : memref<128x128xf32, #tpu.memory_space<vmem>>) dst(%dma_wait3A_63 : memref<128x128xf32, #tpu.memory_space<hbm>>)
        tpu.yield
      }) : () -> ()
      %lt3A_47 = arith.constant 19 : i32
      %lt3A_48 = arith.cmpi slt, %scan3A_25, %lt3A_47 : i32
      %convert_element_type3A_49 = arith.extui %lt3A_48 : i1 to i32
      %cond3A_50 = arith.constant 0 : i32
      %cond3A_51 = arith.cmpi ne, %convert_element_type3A_49, %cond3A_50 : i32
      scf.if %cond3A_51 {
        %mul3A_52 = arith.constant 2 : i32
        %mul3A_53 = arith.muli %mul3A_52, %scan3A_25 : i32
        %add3A_54 = arith.constant 1 : i32
        %add3A_55 = arith.addi %mul3A_53, %add3A_54 : i32
        %add3A_56 = arith.constant 2 : i32
        %add3A_57 = arith.addi %add3A_55, %add3A_56 : i32
        %mul3A_58 = arith.constant 128 : i32
        %mul3A_59 = arith.muli %add3A_57, %mul3A_58 : i32
        %add3A_60 = arith.constant 0 : i32
        %add3A_61 = arith.addi %mul3A_59, %add3A_60 : i32
        %dma_start3A_62 = arith.constant 0 : i32
        %dma_start3A_63 = arith.constant 0 : i32
        %dma_start3A_64 = tpu.memref_slice %arg7[%dma_start3A_62, %dma_start3A_63] : memref<128x128xf32, #tpu.memory_space<vmem>> -> memref<128x128xf32, #tpu.memory_space<vmem>>
        %dma_start3A_65 = tpu.memref_slice %arg5[%add3A_61] : memref<5120xi32, #tpu.memory_space<vmem>> -> memref<128xi32, #tpu.memory_space<vmem>>
        %dma_start3A_66 = arith.constant 0 : i32
        %dma_start3A_67 = arith.constant 0 : i32
        %dma_start3A_68 = tpu.memref_slice %arg2[%dma_start3A_66, %dma_start3A_67] : memref<8192x128xf32, #tpu.memory_space<hbm>> -> memref<8192x128xf32, #tpu.memory_space<hbm>>
        tpu.enqueue_indirect_dma source(%dma_start3A_68 : memref<8192x128xf32, #tpu.memory_space<hbm>>) target(%dma_start3A_64 : memref<128x128xf32, #tpu.memory_space<vmem>>) offsets(%dma_start3A_65 : memref<128xi32, #tpu.memory_space<vmem>>) semaphore(%arg9 : memref<!tpu.dma_semaphore, #tpu.memory_space<semaphore_mem>>)
      } else {
      }
    }
    %scan3A_24 = arith.constant 20 : i32
    return
  }
}

#map = affine_map<(d0, d1) -> (0, 0)>
#map1 = affine_map<(d0, d1) -> (0)>
#map2 = affine_map<(d0, d1) -> (0, 0, 0)>
module attributes {stable_mosaic.version = 14 : i64} {
  func.func @k(%arg0: i32, %arg1: i32, %arg2: memref<8192x128xf32, #tpu.memory_space<hbm>>, %arg3: memref<163840xi32, #tpu.memory_space<hbm>>, %arg4: memref<20x8192x128xf32, #tpu.memory_space<hbm>>, %arg5: memref<5120xi32, #tpu.memory_space<vmem>>, %arg6: memref<128x128xf32, #tpu.memory_space<vmem>>, %arg7: memref<128x128xf32, #tpu.memory_space<vmem>>, %arg8: memref<!tpu.dma_semaphore, #tpu.memory_space<semaphore_mem>>, %arg9: memref<!tpu.dma_semaphore, #tpu.memory_space<semaphore_mem>>) attributes {dimension_semantics = [#tpu.dimension_semantics<core_parallel>, #tpu.dimension_semantics<subcore_parallel>], iteration_bounds = array<i64: 2, 16>, scalar_prefetch = 0 : i64, scratch_operands = 5 : i64, tpu.core_type = #tpu.core_type<sc_vector_subcore>, window_params = [{transform_indices = #map}, {transform_indices = #map1}, {transform_indices = #map2}]} {
    %mul3A = arith.constant 2 : i32
    %mul3A_0 = arith.muli %arg1, %mul3A : i32
    %add3A = arith.addi %mul3A_0, %arg0 : i32
    %mul3A_1 = arith.constant 256 : i32
    %mul3A_2 = arith.muli %add3A, %mul3A_1 : i32
    %mul3A_3 = arith.constant 5120 : i32
    %mul3A_4 = arith.muli %add3A, %mul3A_3 : i32
    "tpu.region"() ({
      %run_scoped3A = tpu.sem_alloc : memref<!tpu.dma_semaphore, #tpu.memory_space<semaphore_mem>>
      %dma_start3A_25 = tpu.memref_slice %arg3[%mul3A_4] : memref<163840xi32, #tpu.memory_space<hbm>> -> memref<5120xi32, #tpu.memory_space<hbm>>
      %dma_start3A_26 = tpu.memref_slice %arg3[%mul3A_4] : memref<163840xi32, #tpu.memory_space<hbm>> -> memref<5120xi32, #tpu.memory_space<hbm>>
      tpu.enqueue_dma source(%dma_start3A_26 : memref<5120xi32, #tpu.memory_space<hbm>>) target(%arg5 : memref<5120xi32, #tpu.memory_space<vmem>>) target_semaphore(%run_scoped3A : memref<!tpu.dma_semaphore, #tpu.memory_space<semaphore_mem>>)
      %dma_wait3A = tpu.memref_slice %arg3[%mul3A_4] : memref<163840xi32, #tpu.memory_space<hbm>> -> memref<5120xi32, #tpu.memory_space<hbm>>
      %dma_wait3A_27 = tpu.memref_slice %arg3[%mul3A_4] : memref<163840xi32, #tpu.memory_space<hbm>> -> memref<5120xi32, #tpu.memory_space<hbm>>
      tpu.wait_dma2 semaphore(%run_scoped3A : memref<!tpu.dma_semaphore, #tpu.memory_space<semaphore_mem>>) src(%dma_wait3A_27 : memref<5120xi32, #tpu.memory_space<hbm>>) dst(%arg5 : memref<5120xi32, #tpu.memory_space<vmem>>)
      tpu.yield
    }) : () -> ()
    %dma_start3A = arith.constant 0 : i32
    %dma_start3A_5 = arith.constant 0 : i32
    %dma_start3A_6 = tpu.memref_slice %arg6[%dma_start3A, %dma_start3A_5] : memref<128x128xf32, #tpu.memory_space<vmem>> -> memref<128x128xf32, #tpu.memory_space<vmem>>
    %dma_start3A_7 = arith.constant 0 : i32
    %dma_start3A_8 = tpu.memref_slice %arg5[%dma_start3A_7] : memref<5120xi32, #tpu.memory_space<vmem>> -> memref<128xi32, #tpu.memory_space<vmem>>
    %dma_start3A_9 = arith.constant 0 : i32
    %dma_start3A_10 = arith.constant 0 : i32
    %dma_start3A_11 = tpu.memref_slice %arg2[%dma_start3A_9, %dma_start3A_10] : memref<8192x128xf32, #tpu.memory_space<hbm>> -> memref<8192x128xf32, #tpu.memory_space<hbm>>
    tpu.enqueue_indirect_dma source(%dma_start3A_11 : memref<8192x128xf32, #tpu.memory_space<hbm>>) target(%dma_start3A_6 : memref<128x128xf32, #tpu.memory_space<vmem>>) offsets(%dma_start3A_8 : memref<128xi32, #tpu.memory_space<vmem>>) semaphore(%arg8 : memref<!tpu.dma_semaphore, #tpu.memory_space<semaphore_mem>>)
    %dma_start3A_12 = arith.constant 0 : i32
    %dma_start3A_13 = arith.constant 0 : i32
    %dma_start3A_14 = tpu.memref_slice %arg7[%dma_start3A_12, %dma_start3A_13] : memref<128x128xf32, #tpu.memory_space<vmem>> -> memref<128x128xf32, #tpu.memory_space<vmem>>
    %dma_start3A_15 = arith.constant 128 : i32
    %dma_start3A_16 = tpu.memref_slice %arg5[%dma_start3A_15] : memref<5120xi32, #tpu.memory_space<vmem>> -> memref<128xi32, #tpu.memory_space<vmem>>
    %dma_start3A_17 = arith.constant 0 : i32
    %dma_start3A_18 = arith.constant 0 : i32
    %dma_start3A_19 = tpu.memref_slice %arg2[%dma_start3A_17, %dma_start3A_18] : memref<8192x128xf32, #tpu.memory_space<hbm>> -> memref<8192x128xf32, #tpu.memory_space<hbm>>
    tpu.enqueue_indirect_dma source(%dma_start3A_19 : memref<8192x128xf32, #tpu.memory_space<hbm>>) target(%dma_start3A_14 : memref<128x128xf32, #tpu.memory_space<vmem>>) offsets(%dma_start3A_16 : memref<128xi32, #tpu.memory_space<vmem>>) semaphore(%arg9 : memref<!tpu.dma_semaphore, #tpu.memory_space<semaphore_mem>>)
    %scan3A = arith.constant 0 : i32
    %scan3A_20 = arith.constant 0 : i32
    %scan3A_21 = arith.constant 20 : i32
    %scan3A_22 = arith.addi %scan3A_20, %scan3A_21 : i32
    %scan3A_23 = arith.constant 1 : i32
    scf.for %scan3A_25 = %scan3A_20 to %scan3A_22 step %scan3A_23  : i32 {
      %dma_wait3A = arith.constant 0 : i32
      %dma_wait3A_26 = arith.constant 0 : i32
      %dma_wait3A_27 = tpu.memref_slice %arg6[%dma_wait3A, %dma_wait3A_26] : memref<128x128xf32, #tpu.memory_space<vmem>> -> memref<128x128xf32, #tpu.memory_space<vmem>>
      %dma_wait3A_28 = arith.constant 0 : i32
      %dma_wait3A_29 = tpu.memref_slice %arg5[%dma_wait3A_28] : memref<5120xi32, #tpu.memory_space<vmem>> -> memref<128xi32, #tpu.memory_space<vmem>>
      %dma_wait3A_30 = arith.constant 0 : i32
      %dma_wait3A_31 = arith.constant 0 : i32
      %dma_wait3A_32 = tpu.memref_slice %arg2[%dma_wait3A_30, %dma_wait3A_31] : memref<8192x128xf32, #tpu.memory_space<hbm>> -> memref<8192x128xf32, #tpu.memory_space<hbm>>
      tpu.wait_indirect_dma semaphore(%arg8 : memref<!tpu.dma_semaphore, #tpu.memory_space<semaphore_mem>>) src(%dma_wait3A_32 : memref<8192x128xf32, #tpu.memory_space<hbm>>) dst(%dma_wait3A_27 : memref<128x128xf32, #tpu.memory_space<vmem>>)
      %add3A_33 = arith.constant 0 : i32
      %add3A_34 = arith.addi %mul3A_2, %add3A_33 : i32
      "tpu.region"() ({
        %run_scoped3A = tpu.sem_alloc : memref<!tpu.dma_semaphore, #tpu.memory_space<semaphore_mem>>
        %dma_start3A_52 = arith.constant 0 : i32
        %dma_start3A_53 = tpu.memref_slice %arg4[%scan3A_25, %add3A_34, %dma_start3A_52] : memref<20x8192x128xf32, #tpu.memory_space<hbm>> -> memref<1x128x128xf32, #tpu.memory_space<hbm>>
        %dma_start3A_54 = tpu.memref_squeeze %dma_start3A_53 : memref<1x128x128xf32, #tpu.memory_space<hbm>> -> memref<128x128xf32, #tpu.memory_space<hbm>>
        %dma_start3A_55 = arith.constant 0 : i32
        %dma_start3A_56 = tpu.memref_slice %arg4[%scan3A_25, %add3A_34, %dma_start3A_55] : memref<20x8192x128xf32, #tpu.memory_space<hbm>> -> memref<1x128x128xf32, #tpu.memory_space<hbm>>
        %dma_start3A_57 = tpu.memref_squeeze %dma_start3A_56 : memref<1x128x128xf32, #tpu.memory_space<hbm>> -> memref<128x128xf32, #tpu.memory_space<hbm>>
        tpu.enqueue_dma source(%arg6 : memref<128x128xf32, #tpu.memory_space<vmem>>) target(%dma_start3A_57 : memref<128x128xf32, #tpu.memory_space<hbm>>) target_semaphore(%run_scoped3A : memref<!tpu.dma_semaphore, #tpu.memory_space<semaphore_mem>>)
        %dma_wait3A_58 = arith.constant 0 : i32
        %dma_wait3A_59 = tpu.memref_slice %arg4[%scan3A_25, %add3A_34, %dma_wait3A_58] : memref<20x8192x128xf32, #tpu.memory_space<hbm>> -> memref<1x128x128xf32, #tpu.memory_space<hbm>>
        %dma_wait3A_60 = tpu.memref_squeeze %dma_wait3A_59 : memref<1x128x128xf32, #tpu.memory_space<hbm>> -> memref<128x128xf32, #tpu.memory_space<hbm>>
        %dma_wait3A_61 = arith.constant 0 : i32
        %dma_wait3A_62 = tpu.memref_slice %arg4[%scan3A_25, %add3A_34, %dma_wait3A_61] : memref<20x8192x128xf32, #tpu.memory_space<hbm>> -> memref<1x128x128xf32, #tpu.memory_space<hbm>>
        %dma_wait3A_63 = tpu.memref_squeeze %dma_wait3A_62 : memref<1x128x128xf32, #tpu.memory_space<hbm>> -> memref<128x128xf32, #tpu.memory_space<hbm>>
        tpu.wait_dma2 semaphore(%run_scoped3A : memref<!tpu.dma_semaphore, #tpu.memory_space<semaphore_mem>>) src(%arg6 : memref<128x128xf32, #tpu.memory_space<vmem>>) dst(%dma_wait3A_63 : memref<128x128xf32, #tpu.memory_space<hbm>>)
        tpu.yield
      }) : () -> ()
      %lt3A = arith.constant 19 : i32
      %lt3A_35 = arith.cmpi slt, %scan3A_25, %lt3A : i32
      %convert_element_type3A = arith.extui %lt3A_35 : i1 to i32
      %cond3A = arith.constant 0 : i32
      %cond3A_36 = arith.cmpi ne, %convert_element_type3A, %cond3A : i32
      scf.if %cond3A_36 {
        %mul3A_52 = arith.constant 2 : i32
        %mul3A_53 = arith.muli %mul3A_52, %scan3A_25 : i32
        %add3A_54 = arith.constant 0 : i32
        %add3A_55 = arith.addi %mul3A_53, %add3A_54 : i32
        %add3A_56 = arith.constant 2 : i32
        %add3A_57 = arith.addi %add3A_55, %add3A_56 : i32
        %mul3A_58 = arith.constant 128 : i32
        %mul3A_59 = arith.muli %add3A_57, %mul3A_58 : i32
        %add3A_60 = arith.constant 0 : i32
        %add3A_61 = arith.addi %mul3A_59, %add3A_60 : i32
        %dma_start3A_62 = arith.constant 0 : i32
        %dma_start3A_63 = arith.constant 0 : i32
        %dma_start3A_64 = tpu.memref_slice %arg6[%dma_start3A_62, %dma_start3A_63] : memref<128x128xf32, #tpu.memory_space<vmem>> -> memref<128x128xf32, #tpu.memory_space<vmem>>
        %dma_start3A_65 = tpu.memref_slice %arg5[%add3A_61] : memref<5120xi32, #tpu.memory_space<vmem>> -> memref<128xi32, #tpu.memory_space<vmem>>
        %dma_start3A_66 = arith.constant 0 : i32
        %dma_start3A_67 = arith.constant 0 : i32
        %dma_start3A_68 = tpu.memref_slice %arg2[%dma_start3A_66, %dma_start3A_67] : memref<8192x128xf32, #tpu.memory_space<hbm>> -> memref<8192x128xf32, #tpu.memory_space<hbm>>
        tpu.enqueue_indirect_dma source(%dma_start3A_68 : memref<8192x128xf32, #tpu.memory_space<hbm>>) target(%dma_start3A_64 : memref<128x128xf32, #tpu.memory_space<vmem>>) offsets(%dma_start3A_65 : memref<128xi32, #tpu.memory_space<vmem>>) semaphore(%arg8 : memref<!tpu.dma_semaphore, #tpu.memory_space<semaphore_mem>>)
      } else {
      }
      %dma_wait3A_37 = arith.constant 0 : i32
      %dma_wait3A_38 = arith.constant 0 : i32
      %dma_wait3A_39 = tpu.memref_slice %arg7[%dma_wait3A_37, %dma_wait3A_38] : memref<128x128xf32, #tpu.memory_space<vmem>> -> memref<128x128xf32, #tpu.memory_space<vmem>>
      %dma_wait3A_40 = arith.constant 0 : i32
      %dma_wait3A_41 = tpu.memref_slice %arg5[%dma_wait3A_40] : memref<5120xi32, #tpu.memory_space<vmem>> -> memref<128xi32, #tpu.memory_space<vmem>>
      %dma_wait3A_42 = arith.constant 0 : i32
      %dma_wait3A_43 = arith.constant 0 : i32
      %dma_wait3A_44 = tpu.memref_slice %arg2[%dma_wait3A_42, %dma_wait3A_43] : memref<8192x128xf32, #tpu.memory_space<hbm>> -> memref<8192x128xf32, #tpu.memory_space<hbm>>
      tpu.wait_indirect_dma semaphore(%arg9 : memref<!tpu.dma_semaphore, #tpu.memory_space<semaphore_mem>>) src(%dma_wait3A_44 : memref<8192x128xf32, #tpu.memory_space<hbm>>) dst(%dma_wait3A_39 : memref<128x128xf32, #tpu.memory_space<vmem>>)
      %add3A_45 = arith.constant 128 : i32
      %add3A_46 = arith.addi %mul3A_2, %add3A_45 : i32
      "tpu.region"() ({
        %run_scoped3A = tpu.sem_alloc : memref<!tpu.dma_semaphore, #tpu.memory_space<semaphore_mem>>
        %dma_start3A_52 = arith.constant 0 : i32
        %dma_start3A_53 = tpu.memref_slice %arg4[%scan3A_25, %add3A_46, %dma_start3A_52] : memref<20x8192x128xf32, #tpu.memory_space<hbm>> -> memref<1x128x128xf32, #tpu.memory_space<hbm>>
        %dma_start3A_54 = tpu.memref_squeeze %dma_start3A_53 : memref<1x128x128xf32, #tpu.memory_space<hbm>> -> memref<128x128xf32, #tpu.memory_space<hbm>>
        %dma_start3A_55 = arith.constant 0 : i32
        %dma_start3A_56 = tpu.memref_slice %arg4[%scan3A_25, %add3A_46, %dma_start3A_55] : memref<20x8192x128xf32, #tpu.memory_space<hbm>> -> memref<1x128x128xf32, #tpu.memory_space<hbm>>
        %dma_start3A_57 = tpu.memref_squeeze %dma_start3A_56 : memref<1x128x128xf32, #tpu.memory_space<hbm>> -> memref<128x128xf32, #tpu.memory_space<hbm>>
        tpu.enqueue_dma source(%arg7 : memref<128x128xf32, #tpu.memory_space<vmem>>) target(%dma_start3A_57 : memref<128x128xf32, #tpu.memory_space<hbm>>) target_semaphore(%run_scoped3A : memref<!tpu.dma_semaphore, #tpu.memory_space<semaphore_mem>>)
        %dma_wait3A_58 = arith.constant 0 : i32
        %dma_wait3A_59 = tpu.memref_slice %arg4[%scan3A_25, %add3A_46, %dma_wait3A_58] : memref<20x8192x128xf32, #tpu.memory_space<hbm>> -> memref<1x128x128xf32, #tpu.memory_space<hbm>>
        %dma_wait3A_60 = tpu.memref_squeeze %dma_wait3A_59 : memref<1x128x128xf32, #tpu.memory_space<hbm>> -> memref<128x128xf32, #tpu.memory_space<hbm>>
        %dma_wait3A_61 = arith.constant 0 : i32
        %dma_wait3A_62 = tpu.memref_slice %arg4[%scan3A_25, %add3A_46, %dma_wait3A_61] : memref<20x8192x128xf32, #tpu.memory_space<hbm>> -> memref<1x128x128xf32, #tpu.memory_space<hbm>>
        %dma_wait3A_63 = tpu.memref_squeeze %dma_wait3A_62 : memref<1x128x128xf32, #tpu.memory_space<hbm>> -> memref<128x128xf32, #tpu.memory_space<hbm>>
        tpu.wait_dma2 semaphore(%run_scoped3A : memref<!tpu.dma_semaphore, #tpu.memory_space<semaphore_mem>>) src(%arg7 : memref<128x128xf32, #tpu.memory_space<vmem>>) dst(%dma_wait3A_63 : memref<128x128xf32, #tpu.memory_space<hbm>>)
        tpu.yield
      }) : () -> ()
      %lt3A_47 = arith.constant 19 : i32
      %lt3A_48 = arith.cmpi slt, %scan3A_25, %lt3A_47 : i32
      %convert_element_type3A_49 = arith.extui %lt3A_48 : i1 to i32
      %cond3A_50 = arith.constant 0 : i32
      %cond3A_51 = arith.cmpi ne, %convert_element_type3A_49, %cond3A_50 : i32
      scf.if %cond3A_51 {
        %mul3A_52 = arith.constant 2 : i32
        %mul3A_53 = arith.muli %mul3A_52, %scan3A_25 : i32
        %add3A_54 = arith.constant 1 : i32
        %add3A_55 = arith.addi %mul3A_53, %add3A_54 : i32
        %add3A_56 = arith.constant 2 : i32
        %add3A_57 = arith.addi %add3A_55, %add3A_56 : i32
        %mul3A_58 = arith.constant 128 : i32
        %mul3A_59 = arith.muli %add3A_57, %mul3A_58 : i32
        %add3A_60 = arith.constant 0 : i32
        %add3A_61 = arith.addi %mul3A_59, %add3A_60 : i32
        %dma_start3A_62 = arith.constant 0 : i32
        %dma_start3A_63 = arith.constant 0 : i32
        %dma_start3A_64 = tpu.memref_slice %arg7[%dma_start3A_62, %dma_start3A_63] : memref<128x128xf32, #tpu.memory_space<vmem>> -> memref<128x128xf32, #tpu.memory_space<vmem>>
        %dma_start3A_65 = tpu.memref_slice %arg5[%add3A_61] : memref<5120xi32, #tpu.memory_space<vmem>> -> memref<128xi32, #tpu.memory_space<vmem>>
        %dma_start3A_66 = arith.constant 0 : i32
        %dma_start3A_67 = arith.constant 0 : i32
        %dma_start3A_68 = tpu.memref_slice %arg2[%dma_start3A_66, %dma_start3A_67] : memref<8192x128xf32, #tpu.memory_space<hbm>> -> memref<8192x128xf32, #tpu.memory_space<hbm>>
        tpu.enqueue_indirect_dma source(%dma_start3A_68 : memref<8192x128xf32, #tpu.memory_space<hbm>>) target(%dma_start3A_64 : memref<128x128xf32, #tpu.memory_space<vmem>>) offsets(%dma_start3A_65 : memref<128xi32, #tpu.memory_space<vmem>>) semaphore(%arg9 : memref<!tpu.dma_semaphore, #tpu.memory_space<semaphore_mem>>)
      } else {
      }
    }
    %scan3A_24 = arith.constant 20 : i32
    return
  }
}

#map = affine_map<(d0, d1) -> (0, 0)>
#map1 = affine_map<(d0, d1) -> (0)>
#map2 = affine_map<(d0, d1) -> (0, 0, 0)>
module attributes {stable_mosaic.version = 14 : i64} {
  func.func @k(%arg0: i32, %arg1: i32, %arg2: memref<8192x128xf32, #tpu.memory_space<hbm>>, %arg3: memref<163840xi32, #tpu.memory_space<hbm>>, %arg4: memref<20x8192x128xf32, #tpu.memory_space<hbm>>, %arg5: memref<5120xi32, #tpu.memory_space<vmem>>, %arg6: memref<128x128xf32, #tpu.memory_space<vmem>>, %arg7: memref<128x128xf32, #tpu.memory_space<vmem>>, %arg8: memref<!tpu.dma_semaphore, #tpu.memory_space<semaphore_mem>>, %arg9: memref<!tpu.dma_semaphore, #tpu.memory_space<semaphore_mem>>) attributes {dimension_semantics = [#tpu.dimension_semantics<core_parallel>, #tpu.dimension_semantics<subcore_parallel>], iteration_bounds = array<i64: 2, 16>, scalar_prefetch = 0 : i64, scratch_operands = 5 : i64, tpu.core_type = #tpu.core_type<sc_vector_subcore>, window_params = [{transform_indices = #map}, {transform_indices = #map1}, {transform_indices = #map2}]} {
    %mul3A = arith.constant 2 : i32
    %mul3A_0 = arith.muli %arg1, %mul3A : i32
    %add3A = arith.addi %mul3A_0, %arg0 : i32
    %mul3A_1 = arith.constant 256 : i32
    %mul3A_2 = arith.muli %add3A, %mul3A_1 : i32
    %mul3A_3 = arith.constant 5120 : i32
    %mul3A_4 = arith.muli %add3A, %mul3A_3 : i32
    "tpu.region"() ({
      %run_scoped3A = tpu.sem_alloc : memref<!tpu.dma_semaphore, #tpu.memory_space<semaphore_mem>>
      %dma_start3A_25 = tpu.memref_slice %arg3[%mul3A_4] : memref<163840xi32, #tpu.memory_space<hbm>> -> memref<5120xi32, #tpu.memory_space<hbm>>
      %dma_start3A_26 = tpu.memref_slice %arg3[%mul3A_4] : memref<163840xi32, #tpu.memory_space<hbm>> -> memref<5120xi32, #tpu.memory_space<hbm>>
      tpu.enqueue_dma source(%dma_start3A_26 : memref<5120xi32, #tpu.memory_space<hbm>>) target(%arg5 : memref<5120xi32, #tpu.memory_space<vmem>>) target_semaphore(%run_scoped3A : memref<!tpu.dma_semaphore, #tpu.memory_space<semaphore_mem>>)
      %dma_wait3A = tpu.memref_slice %arg3[%mul3A_4] : memref<163840xi32, #tpu.memory_space<hbm>> -> memref<5120xi32, #tpu.memory_space<hbm>>
      %dma_wait3A_27 = tpu.memref_slice %arg3[%mul3A_4] : memref<163840xi32, #tpu.memory_space<hbm>> -> memref<5120xi32, #tpu.memory_space<hbm>>
      tpu.wait_dma2 semaphore(%run_scoped3A : memref<!tpu.dma_semaphore, #tpu.memory_space<semaphore_mem>>) src(%dma_wait3A_27 : memref<5120xi32, #tpu.memory_space<hbm>>) dst(%arg5 : memref<5120xi32, #tpu.memory_space<vmem>>)
      tpu.yield
    }) : () -> ()
    %dma_start3A = arith.constant 0 : i32
    %dma_start3A_5 = arith.constant 0 : i32
    %dma_start3A_6 = tpu.memref_slice %arg6[%dma_start3A, %dma_start3A_5] : memref<128x128xf32, #tpu.memory_space<vmem>> -> memref<128x128xf32, #tpu.memory_space<vmem>>
    %dma_start3A_7 = arith.constant 0 : i32
    %dma_start3A_8 = tpu.memref_slice %arg5[%dma_start3A_7] : memref<5120xi32, #tpu.memory_space<vmem>> -> memref<128xi32, #tpu.memory_space<vmem>>
    %dma_start3A_9 = arith.constant 0 : i32
    %dma_start3A_10 = arith.constant 0 : i32
    %dma_start3A_11 = tpu.memref_slice %arg2[%dma_start3A_9, %dma_start3A_10] : memref<8192x128xf32, #tpu.memory_space<hbm>> -> memref<8192x128xf32, #tpu.memory_space<hbm>>
    tpu.enqueue_indirect_dma source(%dma_start3A_11 : memref<8192x128xf32, #tpu.memory_space<hbm>>) target(%dma_start3A_6 : memref<128x128xf32, #tpu.memory_space<vmem>>) offsets(%dma_start3A_8 : memref<128xi32, #tpu.memory_space<vmem>>) semaphore(%arg8 : memref<!tpu.dma_semaphore, #tpu.memory_space<semaphore_mem>>)
    %dma_start3A_12 = arith.constant 0 : i32
    %dma_start3A_13 = arith.constant 0 : i32
    %dma_start3A_14 = tpu.memref_slice %arg7[%dma_start3A_12, %dma_start3A_13] : memref<128x128xf32, #tpu.memory_space<vmem>> -> memref<128x128xf32, #tpu.memory_space<vmem>>
    %dma_start3A_15 = arith.constant 128 : i32
    %dma_start3A_16 = tpu.memref_slice %arg5[%dma_start3A_15] : memref<5120xi32, #tpu.memory_space<vmem>> -> memref<128xi32, #tpu.memory_space<vmem>>
    %dma_start3A_17 = arith.constant 0 : i32
    %dma_start3A_18 = arith.constant 0 : i32
    %dma_start3A_19 = tpu.memref_slice %arg2[%dma_start3A_17, %dma_start3A_18] : memref<8192x128xf32, #tpu.memory_space<hbm>> -> memref<8192x128xf32, #tpu.memory_space<hbm>>
    tpu.enqueue_indirect_dma source(%dma_start3A_19 : memref<8192x128xf32, #tpu.memory_space<hbm>>) target(%dma_start3A_14 : memref<128x128xf32, #tpu.memory_space<vmem>>) offsets(%dma_start3A_16 : memref<128xi32, #tpu.memory_space<vmem>>) semaphore(%arg9 : memref<!tpu.dma_semaphore, #tpu.memory_space<semaphore_mem>>)
    %scan3A = arith.constant 0 : i32
    %scan3A_20 = arith.constant 0 : i32
    %scan3A_21 = arith.constant 20 : i32
    %scan3A_22 = arith.addi %scan3A_20, %scan3A_21 : i32
    %scan3A_23 = arith.constant 1 : i32
    scf.for %scan3A_25 = %scan3A_20 to %scan3A_22 step %scan3A_23  : i32 {
      %dma_wait3A = arith.constant 0 : i32
      %dma_wait3A_26 = arith.constant 0 : i32
      %dma_wait3A_27 = tpu.memref_slice %arg6[%dma_wait3A, %dma_wait3A_26] : memref<128x128xf32, #tpu.memory_space<vmem>> -> memref<128x128xf32, #tpu.memory_space<vmem>>
      %dma_wait3A_28 = arith.constant 0 : i32
      %dma_wait3A_29 = tpu.memref_slice %arg5[%dma_wait3A_28] : memref<5120xi32, #tpu.memory_space<vmem>> -> memref<128xi32, #tpu.memory_space<vmem>>
      %dma_wait3A_30 = arith.constant 0 : i32
      %dma_wait3A_31 = arith.constant 0 : i32
      %dma_wait3A_32 = tpu.memref_slice %arg2[%dma_wait3A_30, %dma_wait3A_31] : memref<8192x128xf32, #tpu.memory_space<hbm>> -> memref<8192x128xf32, #tpu.memory_space<hbm>>
      tpu.wait_indirect_dma semaphore(%arg8 : memref<!tpu.dma_semaphore, #tpu.memory_space<semaphore_mem>>) src(%dma_wait3A_32 : memref<8192x128xf32, #tpu.memory_space<hbm>>) dst(%dma_wait3A_27 : memref<128x128xf32, #tpu.memory_space<vmem>>)
      %add3A_33 = arith.constant 0 : i32
      %add3A_34 = arith.addi %mul3A_2, %add3A_33 : i32
      "tpu.region"() ({
        %run_scoped3A = tpu.sem_alloc : memref<!tpu.dma_semaphore, #tpu.memory_space<semaphore_mem>>
        %dma_start3A_52 = arith.constant 0 : i32
        %dma_start3A_53 = tpu.memref_slice %arg4[%scan3A_25, %add3A_34, %dma_start3A_52] : memref<20x8192x128xf32, #tpu.memory_space<hbm>> -> memref<1x128x128xf32, #tpu.memory_space<hbm>>
        %dma_start3A_54 = tpu.memref_squeeze %dma_start3A_53 : memref<1x128x128xf32, #tpu.memory_space<hbm>> -> memref<128x128xf32, #tpu.memory_space<hbm>>
        %dma_start3A_55 = arith.constant 0 : i32
        %dma_start3A_56 = tpu.memref_slice %arg4[%scan3A_25, %add3A_34, %dma_start3A_55] : memref<20x8192x128xf32, #tpu.memory_space<hbm>> -> memref<1x128x128xf32, #tpu.memory_space<hbm>>
        %dma_start3A_57 = tpu.memref_squeeze %dma_start3A_56 : memref<1x128x128xf32, #tpu.memory_space<hbm>> -> memref<128x128xf32, #tpu.memory_space<hbm>>
        tpu.enqueue_dma source(%arg6 : memref<128x128xf32, #tpu.memory_space<vmem>>) target(%dma_start3A_57 : memref<128x128xf32, #tpu.memory_space<hbm>>) target_semaphore(%run_scoped3A : memref<!tpu.dma_semaphore, #tpu.memory_space<semaphore_mem>>)
        %dma_wait3A_58 = arith.constant 0 : i32
        %dma_wait3A_59 = tpu.memref_slice %arg4[%scan3A_25, %add3A_34, %dma_wait3A_58] : memref<20x8192x128xf32, #tpu.memory_space<hbm>> -> memref<1x128x128xf32, #tpu.memory_space<hbm>>
        %dma_wait3A_60 = tpu.memref_squeeze %dma_wait3A_59 : memref<1x128x128xf32, #tpu.memory_space<hbm>> -> memref<128x128xf32, #tpu.memory_space<hbm>>
        %dma_wait3A_61 = arith.constant 0 : i32
        %dma_wait3A_62 = tpu.memref_slice %arg4[%scan3A_25, %add3A_34, %dma_wait3A_61] : memref<20x8192x128xf32, #tpu.memory_space<hbm>> -> memref<1x128x128xf32, #tpu.memory_space<hbm>>
        %dma_wait3A_63 = tpu.memref_squeeze %dma_wait3A_62 : memref<1x128x128xf32, #tpu.memory_space<hbm>> -> memref<128x128xf32, #tpu.memory_space<hbm>>
        tpu.wait_dma2 semaphore(%run_scoped3A : memref<!tpu.dma_semaphore, #tpu.memory_space<semaphore_mem>>) src(%arg6 : memref<128x128xf32, #tpu.memory_space<vmem>>) dst(%dma_wait3A_63 : memref<128x128xf32, #tpu.memory_space<hbm>>)
        tpu.yield
      }) : () -> ()
      %lt3A = arith.constant 19 : i32
      %lt3A_35 = arith.cmpi slt, %scan3A_25, %lt3A : i32
      %convert_element_type3A = arith.extui %lt3A_35 : i1 to i32
      %cond3A = arith.constant 0 : i32
      %cond3A_36 = arith.cmpi ne, %convert_element_type3A, %cond3A : i32
      scf.if %cond3A_36 {
        %mul3A_52 = arith.constant 2 : i32
        %mul3A_53 = arith.muli %mul3A_52, %scan3A_25 : i32
        %add3A_54 = arith.constant 0 : i32
        %add3A_55 = arith.addi %mul3A_53, %add3A_54 : i32
        %add3A_56 = arith.constant 2 : i32
        %add3A_57 = arith.addi %add3A_55, %add3A_56 : i32
        %mul3A_58 = arith.constant 128 : i32
        %mul3A_59 = arith.muli %add3A_57, %mul3A_58 : i32
        %add3A_60 = arith.constant 0 : i32
        %add3A_61 = arith.addi %mul3A_59, %add3A_60 : i32
        %dma_start3A_62 = arith.constant 0 : i32
        %dma_start3A_63 = arith.constant 0 : i32
        %dma_start3A_64 = tpu.memref_slice %arg6[%dma_start3A_62, %dma_start3A_63] : memref<128x128xf32, #tpu.memory_space<vmem>> -> memref<128x128xf32, #tpu.memory_space<vmem>>
        %dma_start3A_65 = tpu.memref_slice %arg5[%add3A_61] : memref<5120xi32, #tpu.memory_space<vmem>> -> memref<128xi32, #tpu.memory_space<vmem>>
        %dma_start3A_66 = arith.constant 0 : i32
        %dma_start3A_67 = arith.constant 0 : i32
        %dma_start3A_68 = tpu.memref_slice %arg2[%dma_start3A_66, %dma_start3A_67] : memref<8192x128xf32, #tpu.memory_space<hbm>> -> memref<8192x128xf32, #tpu.memory_space<hbm>>
        tpu.enqueue_indirect_dma source(%dma_start3A_68 : memref<8192x128xf32, #tpu.memory_space<hbm>>) target(%dma_start3A_64 : memref<128x128xf32, #tpu.memory_space<vmem>>) offsets(%dma_start3A_65 : memref<128xi32, #tpu.memory_space<vmem>>) semaphore(%arg8 : memref<!tpu.dma_semaphore, #tpu.memory_space<semaphore_mem>>)
      } else {
      }
      %dma_wait3A_37 = arith.constant 0 : i32
      %dma_wait3A_38 = arith.constant 0 : i32
      %dma_wait3A_39 = tpu.memref_slice %arg7[%dma_wait3A_37, %dma_wait3A_38] : memref<128x128xf32, #tpu.memory_space<vmem>> -> memref<128x128xf32, #tpu.memory_space<vmem>>
      %dma_wait3A_40 = arith.constant 0 : i32
      %dma_wait3A_41 = tpu.memref_slice %arg5[%dma_wait3A_40] : memref<5120xi32, #tpu.memory_space<vmem>> -> memref<128xi32, #tpu.memory_space<vmem>>
      %dma_wait3A_42 = arith.constant 0 : i32
      %dma_wait3A_43 = arith.constant 0 : i32
      %dma_wait3A_44 = tpu.memref_slice %arg2[%dma_wait3A_42, %dma_wait3A_43] : memref<8192x128xf32, #tpu.memory_space<hbm>> -> memref<8192x128xf32, #tpu.memory_space<hbm>>
      tpu.wait_indirect_dma semaphore(%arg9 : memref<!tpu.dma_semaphore, #tpu.memory_space<semaphore_mem>>) src(%dma_wait3A_44 : memref<8192x128xf32, #tpu.memory_space<hbm>>) dst(%dma_wait3A_39 : memref<128x128xf32, #tpu.memory_space<vmem>>)
      %add3A_45 = arith.constant 128 : i32
      %add3A_46 = arith.addi %mul3A_2, %add3A_45 : i32
      "tpu.region"() ({
        %run_scoped3A = tpu.sem_alloc : memref<!tpu.dma_semaphore, #tpu.memory_space<semaphore_mem>>
        %dma_start3A_52 = arith.constant 0 : i32
        %dma_start3A_53 = tpu.memref_slice %arg4[%scan3A_25, %add3A_46, %dma_start3A_52] : memref<20x8192x128xf32, #tpu.memory_space<hbm>> -> memref<1x128x128xf32, #tpu.memory_space<hbm>>
        %dma_start3A_54 = tpu.memref_squeeze %dma_start3A_53 : memref<1x128x128xf32, #tpu.memory_space<hbm>> -> memref<128x128xf32, #tpu.memory_space<hbm>>
        %dma_start3A_55 = arith.constant 0 : i32
        %dma_start3A_56 = tpu.memref_slice %arg4[%scan3A_25, %add3A_46, %dma_start3A_55] : memref<20x8192x128xf32, #tpu.memory_space<hbm>> -> memref<1x128x128xf32, #tpu.memory_space<hbm>>
        %dma_start3A_57 = tpu.memref_squeeze %dma_start3A_56 : memref<1x128x128xf32, #tpu.memory_space<hbm>> -> memref<128x128xf32, #tpu.memory_space<hbm>>
        tpu.enqueue_dma source(%arg7 : memref<128x128xf32, #tpu.memory_space<vmem>>) target(%dma_start3A_57 : memref<128x128xf32, #tpu.memory_space<hbm>>) target_semaphore(%run_scoped3A : memref<!tpu.dma_semaphore, #tpu.memory_space<semaphore_mem>>)
        %dma_wait3A_58 = arith.constant 0 : i32
        %dma_wait3A_59 = tpu.memref_slice %arg4[%scan3A_25, %add3A_46, %dma_wait3A_58] : memref<20x8192x128xf32, #tpu.memory_space<hbm>> -> memref<1x128x128xf32, #tpu.memory_space<hbm>>
        %dma_wait3A_60 = tpu.memref_squeeze %dma_wait3A_59 : memref<1x128x128xf32, #tpu.memory_space<hbm>> -> memref<128x128xf32, #tpu.memory_space<hbm>>
        %dma_wait3A_61 = arith.constant 0 : i32
        %dma_wait3A_62 = tpu.memref_slice %arg4[%scan3A_25, %add3A_46, %dma_wait3A_61] : memref<20x8192x128xf32, #tpu.memory_space<hbm>> -> memref<1x128x128xf32, #tpu.memory_space<hbm>>
        %dma_wait3A_63 = tpu.memref_squeeze %dma_wait3A_62 : memref<1x128x128xf32, #tpu.memory_space<hbm>> -> memref<128x128xf32, #tpu.memory_space<hbm>>
        tpu.wait_dma2 semaphore(%run_scoped3A : memref<!tpu.dma_semaphore, #tpu.memory_space<semaphore_mem>>) src(%arg7 : memref<128x128xf32, #tpu.memory_space<vmem>>) dst(%dma_wait3A_63 : memref<128x128xf32, #tpu.memory_space<hbm>>)
        tpu.yield
      }) : () -> ()
      %lt3A_47 = arith.constant 19 : i32
      %lt3A_48 = arith.cmpi slt, %scan3A_25, %lt3A_47 : i32
      %convert_element_type3A_49 = arith.extui %lt3A_48 : i1 to i32
      %cond3A_50 = arith.constant 0 : i32
      %cond3A_51 = arith.cmpi ne, %convert_element_type3A_49, %cond3A_50 : i32
      scf.if %cond3A_51 {
        %mul3A_52 = arith.constant 2 : i32
        %mul3A_53 = arith.muli %mul3A_52, %scan3A_25 : i32
        %add3A_54 = arith.constant 1 : i32
        %add3A_55 = arith.addi %mul3A_53, %add3A_54 : i32
        %add3A_56 = arith.constant 2 : i32
        %add3A_57 = arith.addi %add3A_55, %add3A_56 : i32
        %mul3A_58 = arith.constant 128 : i32
        %mul3A_59 = arith.muli %add3A_57, %mul3A_58 : i32
        %add3A_60 = arith.constant 0 : i32
        %add3A_61 = arith.addi %mul3A_59, %add3A_60 : i32
        %dma_start3A_62 = arith.constant 0 : i32
        %dma_start3A_63 = arith.constant 0 : i32
        %dma_start3A_64 = tpu.memref_slice %arg7[%dma_start3A_62, %dma_start3A_63] : memref<128x128xf32, #tpu.memory_space<vmem>> -> memref<128x128xf32, #tpu.memory_space<vmem>>
        %dma_start3A_65 = tpu.memref_slice %arg5[%add3A_61] : memref<5120xi32, #tpu.memory_space<vmem>> -> memref<128xi32, #tpu.memory_space<vmem>>
        %dma_start3A_66 = arith.constant 0 : i32
        %dma_start3A_67 = arith.constant 0 : i32
        %dma_start3A_68 = tpu.memref_slice %arg2[%dma_start3A_66, %dma_start3A_67] : memref<8192x128xf32, #tpu.memory_space<hbm>> -> memref<8192x128xf32, #tpu.memory_space<hbm>>
        tpu.enqueue_indirect_dma source(%dma_start3A_68 : memref<8192x128xf32, #tpu.memory_space<hbm>>) target(%dma_start3A_64 : memref<128x128xf32, #tpu.memory_space<vmem>>) offsets(%dma_start3A_65 : memref<128xi32, #tpu.memory_space<vmem>>) semaphore(%arg9 : memref<!tpu.dma_semaphore, #tpu.memory_space<semaphore_mem>>)
      } else {
      }
    }
    %scan3A_24 = arith.constant 20 : i32
    return
  }
}

#map = affine_map<(d0, d1) -> (0, 0)>
#map1 = affine_map<(d0, d1) -> (0)>
#map2 = affine_map<(d0, d1) -> (0, 0, 0)>
module attributes {stable_mosaic.version = 14 : i64} {
  func.func @k(%arg0: i32, %arg1: i32, %arg2: memref<8192x128xf32, #tpu.memory_space<hbm>>, %arg3: memref<163840xi32, #tpu.memory_space<hbm>>, %arg4: memref<20x8192x128xf32, #tpu.memory_space<hbm>>, %arg5: memref<5120xi32, #tpu.memory_space<vmem>>, %arg6: memref<128x128xf32, #tpu.memory_space<vmem>>, %arg7: memref<128x128xf32, #tpu.memory_space<vmem>>, %arg8: memref<!tpu.dma_semaphore, #tpu.memory_space<semaphore_mem>>, %arg9: memref<!tpu.dma_semaphore, #tpu.memory_space<semaphore_mem>>) attributes {dimension_semantics = [#tpu.dimension_semantics<core_parallel>, #tpu.dimension_semantics<subcore_parallel>], iteration_bounds = array<i64: 2, 16>, scalar_prefetch = 0 : i64, scratch_operands = 5 : i64, tpu.core_type = #tpu.core_type<sc_vector_subcore>, window_params = [{transform_indices = #map}, {transform_indices = #map1}, {transform_indices = #map2}]} {
    %mul3A = arith.constant 2 : i32
    %mul3A_0 = arith.muli %arg1, %mul3A : i32
    %add3A = arith.addi %mul3A_0, %arg0 : i32
    %mul3A_1 = arith.constant 256 : i32
    %mul3A_2 = arith.muli %add3A, %mul3A_1 : i32
    %mul3A_3 = arith.constant 5120 : i32
    %mul3A_4 = arith.muli %add3A, %mul3A_3 : i32
    "tpu.region"() ({
      %run_scoped3A = tpu.sem_alloc : memref<!tpu.dma_semaphore, #tpu.memory_space<semaphore_mem>>
      %dma_start3A_25 = tpu.memref_slice %arg3[%mul3A_4] : memref<163840xi32, #tpu.memory_space<hbm>> -> memref<5120xi32, #tpu.memory_space<hbm>>
      %dma_start3A_26 = tpu.memref_slice %arg3[%mul3A_4] : memref<163840xi32, #tpu.memory_space<hbm>> -> memref<5120xi32, #tpu.memory_space<hbm>>
      tpu.enqueue_dma source(%dma_start3A_26 : memref<5120xi32, #tpu.memory_space<hbm>>) target(%arg5 : memref<5120xi32, #tpu.memory_space<vmem>>) target_semaphore(%run_scoped3A : memref<!tpu.dma_semaphore, #tpu.memory_space<semaphore_mem>>)
      %dma_wait3A = tpu.memref_slice %arg3[%mul3A_4] : memref<163840xi32, #tpu.memory_space<hbm>> -> memref<5120xi32, #tpu.memory_space<hbm>>
      %dma_wait3A_27 = tpu.memref_slice %arg3[%mul3A_4] : memref<163840xi32, #tpu.memory_space<hbm>> -> memref<5120xi32, #tpu.memory_space<hbm>>
      tpu.wait_dma2 semaphore(%run_scoped3A : memref<!tpu.dma_semaphore, #tpu.memory_space<semaphore_mem>>) src(%dma_wait3A_27 : memref<5120xi32, #tpu.memory_space<hbm>>) dst(%arg5 : memref<5120xi32, #tpu.memory_space<vmem>>)
      tpu.yield
    }) : () -> ()
    %dma_start3A = arith.constant 0 : i32
    %dma_start3A_5 = arith.constant 0 : i32
    %dma_start3A_6 = tpu.memref_slice %arg6[%dma_start3A, %dma_start3A_5] : memref<128x128xf32, #tpu.memory_space<vmem>> -> memref<128x128xf32, #tpu.memory_space<vmem>>
    %dma_start3A_7 = arith.constant 0 : i32
    %dma_start3A_8 = tpu.memref_slice %arg5[%dma_start3A_7] : memref<5120xi32, #tpu.memory_space<vmem>> -> memref<128xi32, #tpu.memory_space<vmem>>
    %dma_start3A_9 = arith.constant 0 : i32
    %dma_start3A_10 = arith.constant 0 : i32
    %dma_start3A_11 = tpu.memref_slice %arg2[%dma_start3A_9, %dma_start3A_10] : memref<8192x128xf32, #tpu.memory_space<hbm>> -> memref<8192x128xf32, #tpu.memory_space<hbm>>
    tpu.enqueue_indirect_dma source(%dma_start3A_11 : memref<8192x128xf32, #tpu.memory_space<hbm>>) target(%dma_start3A_6 : memref<128x128xf32, #tpu.memory_space<vmem>>) offsets(%dma_start3A_8 : memref<128xi32, #tpu.memory_space<vmem>>) semaphore(%arg8 : memref<!tpu.dma_semaphore, #tpu.memory_space<semaphore_mem>>)
    %dma_start3A_12 = arith.constant 0 : i32
    %dma_start3A_13 = arith.constant 0 : i32
    %dma_start3A_14 = tpu.memref_slice %arg7[%dma_start3A_12, %dma_start3A_13] : memref<128x128xf32, #tpu.memory_space<vmem>> -> memref<128x128xf32, #tpu.memory_space<vmem>>
    %dma_start3A_15 = arith.constant 128 : i32
    %dma_start3A_16 = tpu.memref_slice %arg5[%dma_start3A_15] : memref<5120xi32, #tpu.memory_space<vmem>> -> memref<128xi32, #tpu.memory_space<vmem>>
    %dma_start3A_17 = arith.constant 0 : i32
    %dma_start3A_18 = arith.constant 0 : i32
    %dma_start3A_19 = tpu.memref_slice %arg2[%dma_start3A_17, %dma_start3A_18] : memref<8192x128xf32, #tpu.memory_space<hbm>> -> memref<8192x128xf32, #tpu.memory_space<hbm>>
    tpu.enqueue_indirect_dma source(%dma_start3A_19 : memref<8192x128xf32, #tpu.memory_space<hbm>>) target(%dma_start3A_14 : memref<128x128xf32, #tpu.memory_space<vmem>>) offsets(%dma_start3A_16 : memref<128xi32, #tpu.memory_space<vmem>>) semaphore(%arg9 : memref<!tpu.dma_semaphore, #tpu.memory_space<semaphore_mem>>)
    %scan3A = arith.constant 0 : i32
    %scan3A_20 = arith.constant 0 : i32
    %scan3A_21 = arith.constant 20 : i32
    %scan3A_22 = arith.addi %scan3A_20, %scan3A_21 : i32
    %scan3A_23 = arith.constant 1 : i32
    scf.for %scan3A_25 = %scan3A_20 to %scan3A_22 step %scan3A_23  : i32 {
      %dma_wait3A = arith.constant 0 : i32
      %dma_wait3A_26 = arith.constant 0 : i32
      %dma_wait3A_27 = tpu.memref_slice %arg6[%dma_wait3A, %dma_wait3A_26] : memref<128x128xf32, #tpu.memory_space<vmem>> -> memref<128x128xf32, #tpu.memory_space<vmem>>
      %dma_wait3A_28 = arith.constant 0 : i32
      %dma_wait3A_29 = tpu.memref_slice %arg5[%dma_wait3A_28] : memref<5120xi32, #tpu.memory_space<vmem>> -> memref<128xi32, #tpu.memory_space<vmem>>
      %dma_wait3A_30 = arith.constant 0 : i32
      %dma_wait3A_31 = arith.constant 0 : i32
      %dma_wait3A_32 = tpu.memref_slice %arg2[%dma_wait3A_30, %dma_wait3A_31] : memref<8192x128xf32, #tpu.memory_space<hbm>> -> memref<8192x128xf32, #tpu.memory_space<hbm>>
      tpu.wait_indirect_dma semaphore(%arg8 : memref<!tpu.dma_semaphore, #tpu.memory_space<semaphore_mem>>) src(%dma_wait3A_32 : memref<8192x128xf32, #tpu.memory_space<hbm>>) dst(%dma_wait3A_27 : memref<128x128xf32, #tpu.memory_space<vmem>>)
      %add3A_33 = arith.constant 0 : i32
      %add3A_34 = arith.addi %mul3A_2, %add3A_33 : i32
      "tpu.region"() ({
        %run_scoped3A = tpu.sem_alloc : memref<!tpu.dma_semaphore, #tpu.memory_space<semaphore_mem>>
        %dma_start3A_52 = arith.constant 0 : i32
        %dma_start3A_53 = tpu.memref_slice %arg4[%scan3A_25, %add3A_34, %dma_start3A_52] : memref<20x8192x128xf32, #tpu.memory_space<hbm>> -> memref<1x128x128xf32, #tpu.memory_space<hbm>>
        %dma_start3A_54 = tpu.memref_squeeze %dma_start3A_53 : memref<1x128x128xf32, #tpu.memory_space<hbm>> -> memref<128x128xf32, #tpu.memory_space<hbm>>
        %dma_start3A_55 = arith.constant 0 : i32
        %dma_start3A_56 = tpu.memref_slice %arg4[%scan3A_25, %add3A_34, %dma_start3A_55] : memref<20x8192x128xf32, #tpu.memory_space<hbm>> -> memref<1x128x128xf32, #tpu.memory_space<hbm>>
        %dma_start3A_57 = tpu.memref_squeeze %dma_start3A_56 : memref<1x128x128xf32, #tpu.memory_space<hbm>> -> memref<128x128xf32, #tpu.memory_space<hbm>>
        tpu.enqueue_dma source(%arg6 : memref<128x128xf32, #tpu.memory_space<vmem>>) target(%dma_start3A_57 : memref<128x128xf32, #tpu.memory_space<hbm>>) target_semaphore(%run_scoped3A : memref<!tpu.dma_semaphore, #tpu.memory_space<semaphore_mem>>)
        %dma_wait3A_58 = arith.constant 0 : i32
        %dma_wait3A_59 = tpu.memref_slice %arg4[%scan3A_25, %add3A_34, %dma_wait3A_58] : memref<20x8192x128xf32, #tpu.memory_space<hbm>> -> memref<1x128x128xf32, #tpu.memory_space<hbm>>
        %dma_wait3A_60 = tpu.memref_squeeze %dma_wait3A_59 : memref<1x128x128xf32, #tpu.memory_space<hbm>> -> memref<128x128xf32, #tpu.memory_space<hbm>>
        %dma_wait3A_61 = arith.constant 0 : i32
        %dma_wait3A_62 = tpu.memref_slice %arg4[%scan3A_25, %add3A_34, %dma_wait3A_61] : memref<20x8192x128xf32, #tpu.memory_space<hbm>> -> memref<1x128x128xf32, #tpu.memory_space<hbm>>
        %dma_wait3A_63 = tpu.memref_squeeze %dma_wait3A_62 : memref<1x128x128xf32, #tpu.memory_space<hbm>> -> memref<128x128xf32, #tpu.memory_space<hbm>>
        tpu.wait_dma2 semaphore(%run_scoped3A : memref<!tpu.dma_semaphore, #tpu.memory_space<semaphore_mem>>) src(%arg6 : memref<128x128xf32, #tpu.memory_space<vmem>>) dst(%dma_wait3A_63 : memref<128x128xf32, #tpu.memory_space<hbm>>)
        tpu.yield
      }) : () -> ()
      %lt3A = arith.constant 19 : i32
      %lt3A_35 = arith.cmpi slt, %scan3A_25, %lt3A : i32
      %convert_element_type3A = arith.extui %lt3A_35 : i1 to i32
      %cond3A = arith.constant 0 : i32
      %cond3A_36 = arith.cmpi ne, %convert_element_type3A, %cond3A : i32
      scf.if %cond3A_36 {
        %mul3A_52 = arith.constant 2 : i32
        %mul3A_53 = arith.muli %mul3A_52, %scan3A_25 : i32
        %add3A_54 = arith.constant 0 : i32
        %add3A_55 = arith.addi %mul3A_53, %add3A_54 : i32
        %add3A_56 = arith.constant 2 : i32
        %add3A_57 = arith.addi %add3A_55, %add3A_56 : i32
        %mul3A_58 = arith.constant 128 : i32
        %mul3A_59 = arith.muli %add3A_57, %mul3A_58 : i32
        %add3A_60 = arith.constant 0 : i32
        %add3A_61 = arith.addi %mul3A_59, %add3A_60 : i32
        %dma_start3A_62 = arith.constant 0 : i32
        %dma_start3A_63 = arith.constant 0 : i32
        %dma_start3A_64 = tpu.memref_slice %arg6[%dma_start3A_62, %dma_start3A_63] : memref<128x128xf32, #tpu.memory_space<vmem>> -> memref<128x128xf32, #tpu.memory_space<vmem>>
        %dma_start3A_65 = tpu.memref_slice %arg5[%add3A_61] : memref<5120xi32, #tpu.memory_space<vmem>> -> memref<128xi32, #tpu.memory_space<vmem>>
        %dma_start3A_66 = arith.constant 0 : i32
        %dma_start3A_67 = arith.constant 0 : i32
        %dma_start3A_68 = tpu.memref_slice %arg2[%dma_start3A_66, %dma_start3A_67] : memref<8192x128xf32, #tpu.memory_space<hbm>> -> memref<8192x128xf32, #tpu.memory_space<hbm>>
        tpu.enqueue_indirect_dma source(%dma_start3A_68 : memref<8192x128xf32, #tpu.memory_space<hbm>>) target(%dma_start3A_64 : memref<128x128xf32, #tpu.memory_space<vmem>>) offsets(%dma_start3A_65 : memref<128xi32, #tpu.memory_space<vmem>>) semaphore(%arg8 : memref<!tpu.dma_semaphore, #tpu.memory_space<semaphore_mem>>)
      } else {
      }
      %dma_wait3A_37 = arith.constant 0 : i32
      %dma_wait3A_38 = arith.constant 0 : i32
      %dma_wait3A_39 = tpu.memref_slice %arg7[%dma_wait3A_37, %dma_wait3A_38] : memref<128x128xf32, #tpu.memory_space<vmem>> -> memref<128x128xf32, #tpu.memory_space<vmem>>
      %dma_wait3A_40 = arith.constant 0 : i32
      %dma_wait3A_41 = tpu.memref_slice %arg5[%dma_wait3A_40] : memref<5120xi32, #tpu.memory_space<vmem>> -> memref<128xi32, #tpu.memory_space<vmem>>
      %dma_wait3A_42 = arith.constant 0 : i32
      %dma_wait3A_43 = arith.constant 0 : i32
      %dma_wait3A_44 = tpu.memref_slice %arg2[%dma_wait3A_42, %dma_wait3A_43] : memref<8192x128xf32, #tpu.memory_space<hbm>> -> memref<8192x128xf32, #tpu.memory_space<hbm>>
      tpu.wait_indirect_dma semaphore(%arg9 : memref<!tpu.dma_semaphore, #tpu.memory_space<semaphore_mem>>) src(%dma_wait3A_44 : memref<8192x128xf32, #tpu.memory_space<hbm>>) dst(%dma_wait3A_39 : memref<128x128xf32, #tpu.memory_space<vmem>>)
      %add3A_45 = arith.constant 128 : i32
      %add3A_46 = arith.addi %mul3A_2, %add3A_45 : i32
      "tpu.region"() ({
        %run_scoped3A = tpu.sem_alloc : memref<!tpu.dma_semaphore, #tpu.memory_space<semaphore_mem>>
        %dma_start3A_52 = arith.constant 0 : i32
        %dma_start3A_53 = tpu.memref_slice %arg4[%scan3A_25, %add3A_46, %dma_start3A_52] : memref<20x8192x128xf32, #tpu.memory_space<hbm>> -> memref<1x128x128xf32, #tpu.memory_space<hbm>>
        %dma_start3A_54 = tpu.memref_squeeze %dma_start3A_53 : memref<1x128x128xf32, #tpu.memory_space<hbm>> -> memref<128x128xf32, #tpu.memory_space<hbm>>
        %dma_start3A_55 = arith.constant 0 : i32
        %dma_start3A_56 = tpu.memref_slice %arg4[%scan3A_25, %add3A_46, %dma_start3A_55] : memref<20x8192x128xf32, #tpu.memory_space<hbm>> -> memref<1x128x128xf32, #tpu.memory_space<hbm>>
        %dma_start3A_57 = tpu.memref_squeeze %dma_start3A_56 : memref<1x128x128xf32, #tpu.memory_space<hbm>> -> memref<128x128xf32, #tpu.memory_space<hbm>>
        tpu.enqueue_dma source(%arg7 : memref<128x128xf32, #tpu.memory_space<vmem>>) target(%dma_start3A_57 : memref<128x128xf32, #tpu.memory_space<hbm>>) target_semaphore(%run_scoped3A : memref<!tpu.dma_semaphore, #tpu.memory_space<semaphore_mem>>)
        %dma_wait3A_58 = arith.constant 0 : i32
        %dma_wait3A_59 = tpu.memref_slice %arg4[%scan3A_25, %add3A_46, %dma_wait3A_58] : memref<20x8192x128xf32, #tpu.memory_space<hbm>> -> memref<1x128x128xf32, #tpu.memory_space<hbm>>
        %dma_wait3A_60 = tpu.memref_squeeze %dma_wait3A_59 : memref<1x128x128xf32, #tpu.memory_space<hbm>> -> memref<128x128xf32, #tpu.memory_space<hbm>>
        %dma_wait3A_61 = arith.constant 0 : i32
        %dma_wait3A_62 = tpu.memref_slice %arg4[%scan3A_25, %add3A_46, %dma_wait3A_61] : memref<20x8192x128xf32, #tpu.memory_space<hbm>> -> memref<1x128x128xf32, #tpu.memory_space<hbm>>
        %dma_wait3A_63 = tpu.memref_squeeze %dma_wait3A_62 : memref<1x128x128xf32, #tpu.memory_space<hbm>> -> memref<128x128xf32, #tpu.memory_space<hbm>>
        tpu.wait_dma2 semaphore(%run_scoped3A : memref<!tpu.dma_semaphore, #tpu.memory_space<semaphore_mem>>) src(%arg7 : memref<128x128xf32, #tpu.memory_space<vmem>>) dst(%dma_wait3A_63 : memref<128x128xf32, #tpu.memory_space<hbm>>)
        tpu.yield
      }) : () -> ()
      %lt3A_47 = arith.constant 19 : i32
      %lt3A_48 = arith.cmpi slt, %scan3A_25, %lt3A_47 : i32
      %convert_element_type3A_49 = arith.extui %lt3A_48 : i1 to i32
      %cond3A_50 = arith.constant 0 : i32
      %cond3A_51 = arith.cmpi ne, %convert_element_type3A_49, %cond3A_50 : i32
      scf.if %cond3A_51 {
        %mul3A_52 = arith.constant 2 : i32
        %mul3A_53 = arith.muli %mul3A_52, %scan3A_25 : i32
        %add3A_54 = arith.constant 1 : i32
        %add3A_55 = arith.addi %mul3A_53, %add3A_54 : i32
        %add3A_56 = arith.constant 2 : i32
        %add3A_57 = arith.addi %add3A_55, %add3A_56 : i32
        %mul3A_58 = arith.constant 128 : i32
        %mul3A_59 = arith.muli %add3A_57, %mul3A_58 : i32
        %add3A_60 = arith.constant 0 : i32
        %add3A_61 = arith.addi %mul3A_59, %add3A_60 : i32
        %dma_start3A_62 = arith.constant 0 : i32
        %dma_start3A_63 = arith.constant 0 : i32
        %dma_start3A_64 = tpu.memref_slice %arg7[%dma_start3A_62, %dma_start3A_63] : memref<128x128xf32, #tpu.memory_space<vmem>> -> memref<128x128xf32, #tpu.memory_space<vmem>>
        %dma_start3A_65 = tpu.memref_slice %arg5[%add3A_61] : memref<5120xi32, #tpu.memory_space<vmem>> -> memref<128xi32, #tpu.memory_space<vmem>>
        %dma_start3A_66 = arith.constant 0 : i32
        %dma_start3A_67 = arith.constant 0 : i32
        %dma_start3A_68 = tpu.memref_slice %arg2[%dma_start3A_66, %dma_start3A_67] : memref<8192x128xf32, #tpu.memory_space<hbm>> -> memref<8192x128xf32, #tpu.memory_space<hbm>>
        tpu.enqueue_indirect_dma source(%dma_start3A_68 : memref<8192x128xf32, #tpu.memory_space<hbm>>) target(%dma_start3A_64 : memref<128x128xf32, #tpu.memory_space<vmem>>) offsets(%dma_start3A_65 : memref<128xi32, #tpu.memory_space<vmem>>) semaphore(%arg9 : memref<!tpu.dma_semaphore, #tpu.memory_space<semaphore_mem>>)
      } else {
      }
    }
    %scan3A_24 = arith.constant 20 : i32
    return
  }
}

#map = affine_map<(d0, d1) -> (0, 0)>
#map1 = affine_map<(d0, d1) -> (0)>
#map2 = affine_map<(d0, d1) -> (0, 0, 0)>
module attributes {stable_mosaic.version = 14 : i64} {
  func.func @k(%arg0: i32, %arg1: i32, %arg2: memref<8192x128xf32, #tpu.memory_space<hbm>>, %arg3: memref<163840xi32, #tpu.memory_space<hbm>>, %arg4: memref<20x8192x128xf32, #tpu.memory_space<hbm>>, %arg5: memref<5120xi32, #tpu.memory_space<vmem>>, %arg6: memref<128x128xf32, #tpu.memory_space<vmem>>, %arg7: memref<128x128xf32, #tpu.memory_space<vmem>>, %arg8: memref<!tpu.dma_semaphore, #tpu.memory_space<semaphore_mem>>, %arg9: memref<!tpu.dma_semaphore, #tpu.memory_space<semaphore_mem>>) attributes {dimension_semantics = [#tpu.dimension_semantics<core_parallel>, #tpu.dimension_semantics<subcore_parallel>], iteration_bounds = array<i64: 2, 16>, scalar_prefetch = 0 : i64, scratch_operands = 5 : i64, tpu.core_type = #tpu.core_type<sc_vector_subcore>, window_params = [{transform_indices = #map}, {transform_indices = #map1}, {transform_indices = #map2}]} {
    %mul3A = arith.constant 2 : i32
    %mul3A_0 = arith.muli %arg1, %mul3A : i32
    %add3A = arith.addi %mul3A_0, %arg0 : i32
    %mul3A_1 = arith.constant 256 : i32
    %mul3A_2 = arith.muli %add3A, %mul3A_1 : i32
    %mul3A_3 = arith.constant 5120 : i32
    %mul3A_4 = arith.muli %add3A, %mul3A_3 : i32
    "tpu.region"() ({
      %run_scoped3A = tpu.sem_alloc : memref<!tpu.dma_semaphore, #tpu.memory_space<semaphore_mem>>
      %dma_start3A_25 = tpu.memref_slice %arg3[%mul3A_4] : memref<163840xi32, #tpu.memory_space<hbm>> -> memref<5120xi32, #tpu.memory_space<hbm>>
      %dma_start3A_26 = tpu.memref_slice %arg3[%mul3A_4] : memref<163840xi32, #tpu.memory_space<hbm>> -> memref<5120xi32, #tpu.memory_space<hbm>>
      tpu.enqueue_dma source(%dma_start3A_26 : memref<5120xi32, #tpu.memory_space<hbm>>) target(%arg5 : memref<5120xi32, #tpu.memory_space<vmem>>) target_semaphore(%run_scoped3A : memref<!tpu.dma_semaphore, #tpu.memory_space<semaphore_mem>>)
      %dma_wait3A = tpu.memref_slice %arg3[%mul3A_4] : memref<163840xi32, #tpu.memory_space<hbm>> -> memref<5120xi32, #tpu.memory_space<hbm>>
      %dma_wait3A_27 = tpu.memref_slice %arg3[%mul3A_4] : memref<163840xi32, #tpu.memory_space<hbm>> -> memref<5120xi32, #tpu.memory_space<hbm>>
      tpu.wait_dma2 semaphore(%run_scoped3A : memref<!tpu.dma_semaphore, #tpu.memory_space<semaphore_mem>>) src(%dma_wait3A_27 : memref<5120xi32, #tpu.memory_space<hbm>>) dst(%arg5 : memref<5120xi32, #tpu.memory_space<vmem>>)
      tpu.yield
    }) : () -> ()
    %dma_start3A = arith.constant 0 : i32
    %dma_start3A_5 = arith.constant 0 : i32
    %dma_start3A_6 = tpu.memref_slice %arg6[%dma_start3A, %dma_start3A_5] : memref<128x128xf32, #tpu.memory_space<vmem>> -> memref<128x128xf32, #tpu.memory_space<vmem>>
    %dma_start3A_7 = arith.constant 0 : i32
    %dma_start3A_8 = tpu.memref_slice %arg5[%dma_start3A_7] : memref<5120xi32, #tpu.memory_space<vmem>> -> memref<128xi32, #tpu.memory_space<vmem>>
    %dma_start3A_9 = arith.constant 0 : i32
    %dma_start3A_10 = arith.constant 0 : i32
    %dma_start3A_11 = tpu.memref_slice %arg2[%dma_start3A_9, %dma_start3A_10] : memref<8192x128xf32, #tpu.memory_space<hbm>> -> memref<8192x128xf32, #tpu.memory_space<hbm>>
    tpu.enqueue_indirect_dma source(%dma_start3A_11 : memref<8192x128xf32, #tpu.memory_space<hbm>>) target(%dma_start3A_6 : memref<128x128xf32, #tpu.memory_space<vmem>>) offsets(%dma_start3A_8 : memref<128xi32, #tpu.memory_space<vmem>>) semaphore(%arg8 : memref<!tpu.dma_semaphore, #tpu.memory_space<semaphore_mem>>)
    %dma_start3A_12 = arith.constant 0 : i32
    %dma_start3A_13 = arith.constant 0 : i32
    %dma_start3A_14 = tpu.memref_slice %arg7[%dma_start3A_12, %dma_start3A_13] : memref<128x128xf32, #tpu.memory_space<vmem>> -> memref<128x128xf32, #tpu.memory_space<vmem>>
    %dma_start3A_15 = arith.constant 128 : i32
    %dma_start3A_16 = tpu.memref_slice %arg5[%dma_start3A_15] : memref<5120xi32, #tpu.memory_space<vmem>> -> memref<128xi32, #tpu.memory_space<vmem>>
    %dma_start3A_17 = arith.constant 0 : i32
    %dma_start3A_18 = arith.constant 0 : i32
    %dma_start3A_19 = tpu.memref_slice %arg2[%dma_start3A_17, %dma_start3A_18] : memref<8192x128xf32, #tpu.memory_space<hbm>> -> memref<8192x128xf32, #tpu.memory_space<hbm>>
    tpu.enqueue_indirect_dma source(%dma_start3A_19 : memref<8192x128xf32, #tpu.memory_space<hbm>>) target(%dma_start3A_14 : memref<128x128xf32, #tpu.memory_space<vmem>>) offsets(%dma_start3A_16 : memref<128xi32, #tpu.memory_space<vmem>>) semaphore(%arg9 : memref<!tpu.dma_semaphore, #tpu.memory_space<semaphore_mem>>)
    %scan3A = arith.constant 0 : i32
    %scan3A_20 = arith.constant 0 : i32
    %scan3A_21 = arith.constant 20 : i32
    %scan3A_22 = arith.addi %scan3A_20, %scan3A_21 : i32
    %scan3A_23 = arith.constant 1 : i32
    scf.for %scan3A_25 = %scan3A_20 to %scan3A_22 step %scan3A_23  : i32 {
      %dma_wait3A = arith.constant 0 : i32
      %dma_wait3A_26 = arith.constant 0 : i32
      %dma_wait3A_27 = tpu.memref_slice %arg6[%dma_wait3A, %dma_wait3A_26] : memref<128x128xf32, #tpu.memory_space<vmem>> -> memref<128x128xf32, #tpu.memory_space<vmem>>
      %dma_wait3A_28 = arith.constant 0 : i32
      %dma_wait3A_29 = tpu.memref_slice %arg5[%dma_wait3A_28] : memref<5120xi32, #tpu.memory_space<vmem>> -> memref<128xi32, #tpu.memory_space<vmem>>
      %dma_wait3A_30 = arith.constant 0 : i32
      %dma_wait3A_31 = arith.constant 0 : i32
      %dma_wait3A_32 = tpu.memref_slice %arg2[%dma_wait3A_30, %dma_wait3A_31] : memref<8192x128xf32, #tpu.memory_space<hbm>> -> memref<8192x128xf32, #tpu.memory_space<hbm>>
      tpu.wait_indirect_dma semaphore(%arg8 : memref<!tpu.dma_semaphore, #tpu.memory_space<semaphore_mem>>) src(%dma_wait3A_32 : memref<8192x128xf32, #tpu.memory_space<hbm>>) dst(%dma_wait3A_27 : memref<128x128xf32, #tpu.memory_space<vmem>>)
      %add3A_33 = arith.constant 0 : i32
      %add3A_34 = arith.addi %mul3A_2, %add3A_33 : i32
      "tpu.region"() ({
        %run_scoped3A = tpu.sem_alloc : memref<!tpu.dma_semaphore, #tpu.memory_space<semaphore_mem>>
        %dma_start3A_52 = arith.constant 0 : i32
        %dma_start3A_53 = tpu.memref_slice %arg4[%scan3A_25, %add3A_34, %dma_start3A_52] : memref<20x8192x128xf32, #tpu.memory_space<hbm>> -> memref<1x128x128xf32, #tpu.memory_space<hbm>>
        %dma_start3A_54 = tpu.memref_squeeze %dma_start3A_53 : memref<1x128x128xf32, #tpu.memory_space<hbm>> -> memref<128x128xf32, #tpu.memory_space<hbm>>
        %dma_start3A_55 = arith.constant 0 : i32
        %dma_start3A_56 = tpu.memref_slice %arg4[%scan3A_25, %add3A_34, %dma_start3A_55] : memref<20x8192x128xf32, #tpu.memory_space<hbm>> -> memref<1x128x128xf32, #tpu.memory_space<hbm>>
        %dma_start3A_57 = tpu.memref_squeeze %dma_start3A_56 : memref<1x128x128xf32, #tpu.memory_space<hbm>> -> memref<128x128xf32, #tpu.memory_space<hbm>>
        tpu.enqueue_dma source(%arg6 : memref<128x128xf32, #tpu.memory_space<vmem>>) target(%dma_start3A_57 : memref<128x128xf32, #tpu.memory_space<hbm>>) target_semaphore(%run_scoped3A : memref<!tpu.dma_semaphore, #tpu.memory_space<semaphore_mem>>)
        %dma_wait3A_58 = arith.constant 0 : i32
        %dma_wait3A_59 = tpu.memref_slice %arg4[%scan3A_25, %add3A_34, %dma_wait3A_58] : memref<20x8192x128xf32, #tpu.memory_space<hbm>> -> memref<1x128x128xf32, #tpu.memory_space<hbm>>
        %dma_wait3A_60 = tpu.memref_squeeze %dma_wait3A_59 : memref<1x128x128xf32, #tpu.memory_space<hbm>> -> memref<128x128xf32, #tpu.memory_space<hbm>>
        %dma_wait3A_61 = arith.constant 0 : i32
        %dma_wait3A_62 = tpu.memref_slice %arg4[%scan3A_25, %add3A_34, %dma_wait3A_61] : memref<20x8192x128xf32, #tpu.memory_space<hbm>> -> memref<1x128x128xf32, #tpu.memory_space<hbm>>
        %dma_wait3A_63 = tpu.memref_squeeze %dma_wait3A_62 : memref<1x128x128xf32, #tpu.memory_space<hbm>> -> memref<128x128xf32, #tpu.memory_space<hbm>>
        tpu.wait_dma2 semaphore(%run_scoped3A : memref<!tpu.dma_semaphore, #tpu.memory_space<semaphore_mem>>) src(%arg6 : memref<128x128xf32, #tpu.memory_space<vmem>>) dst(%dma_wait3A_63 : memref<128x128xf32, #tpu.memory_space<hbm>>)
        tpu.yield
      }) : () -> ()
      %lt3A = arith.constant 19 : i32
      %lt3A_35 = arith.cmpi slt, %scan3A_25, %lt3A : i32
      %convert_element_type3A = arith.extui %lt3A_35 : i1 to i32
      %cond3A = arith.constant 0 : i32
      %cond3A_36 = arith.cmpi ne, %convert_element_type3A, %cond3A : i32
      scf.if %cond3A_36 {
        %mul3A_52 = arith.constant 2 : i32
        %mul3A_53 = arith.muli %mul3A_52, %scan3A_25 : i32
        %add3A_54 = arith.constant 0 : i32
        %add3A_55 = arith.addi %mul3A_53, %add3A_54 : i32
        %add3A_56 = arith.constant 2 : i32
        %add3A_57 = arith.addi %add3A_55, %add3A_56 : i32
        %mul3A_58 = arith.constant 128 : i32
        %mul3A_59 = arith.muli %add3A_57, %mul3A_58 : i32
        %add3A_60 = arith.constant 0 : i32
        %add3A_61 = arith.addi %mul3A_59, %add3A_60 : i32
        %dma_start3A_62 = arith.constant 0 : i32
        %dma_start3A_63 = arith.constant 0 : i32
        %dma_start3A_64 = tpu.memref_slice %arg6[%dma_start3A_62, %dma_start3A_63] : memref<128x128xf32, #tpu.memory_space<vmem>> -> memref<128x128xf32, #tpu.memory_space<vmem>>
        %dma_start3A_65 = tpu.memref_slice %arg5[%add3A_61] : memref<5120xi32, #tpu.memory_space<vmem>> -> memref<128xi32, #tpu.memory_space<vmem>>
        %dma_start3A_66 = arith.constant 0 : i32
        %dma_start3A_67 = arith.constant 0 : i32
        %dma_start3A_68 = tpu.memref_slice %arg2[%dma_start3A_66, %dma_start3A_67] : memref<8192x128xf32, #tpu.memory_space<hbm>> -> memref<8192x128xf32, #tpu.memory_space<hbm>>
        tpu.enqueue_indirect_dma source(%dma_start3A_68 : memref<8192x128xf32, #tpu.memory_space<hbm>>) target(%dma_start3A_64 : memref<128x128xf32, #tpu.memory_space<vmem>>) offsets(%dma_start3A_65 : memref<128xi32, #tpu.memory_space<vmem>>) semaphore(%arg8 : memref<!tpu.dma_semaphore, #tpu.memory_space<semaphore_mem>>)
      } else {
      }
      %dma_wait3A_37 = arith.constant 0 : i32
      %dma_wait3A_38 = arith.constant 0 : i32
      %dma_wait3A_39 = tpu.memref_slice %arg7[%dma_wait3A_37, %dma_wait3A_38] : memref<128x128xf32, #tpu.memory_space<vmem>> -> memref<128x128xf32, #tpu.memory_space<vmem>>
      %dma_wait3A_40 = arith.constant 0 : i32
      %dma_wait3A_41 = tpu.memref_slice %arg5[%dma_wait3A_40] : memref<5120xi32, #tpu.memory_space<vmem>> -> memref<128xi32, #tpu.memory_space<vmem>>
      %dma_wait3A_42 = arith.constant 0 : i32
      %dma_wait3A_43 = arith.constant 0 : i32
      %dma_wait3A_44 = tpu.memref_slice %arg2[%dma_wait3A_42, %dma_wait3A_43] : memref<8192x128xf32, #tpu.memory_space<hbm>> -> memref<8192x128xf32, #tpu.memory_space<hbm>>
      tpu.wait_indirect_dma semaphore(%arg9 : memref<!tpu.dma_semaphore, #tpu.memory_space<semaphore_mem>>) src(%dma_wait3A_44 : memref<8192x128xf32, #tpu.memory_space<hbm>>) dst(%dma_wait3A_39 : memref<128x128xf32, #tpu.memory_space<vmem>>)
      %add3A_45 = arith.constant 128 : i32
      %add3A_46 = arith.addi %mul3A_2, %add3A_45 : i32
      "tpu.region"() ({
        %run_scoped3A = tpu.sem_alloc : memref<!tpu.dma_semaphore, #tpu.memory_space<semaphore_mem>>
        %dma_start3A_52 = arith.constant 0 : i32
        %dma_start3A_53 = tpu.memref_slice %arg4[%scan3A_25, %add3A_46, %dma_start3A_52] : memref<20x8192x128xf32, #tpu.memory_space<hbm>> -> memref<1x128x128xf32, #tpu.memory_space<hbm>>
        %dma_start3A_54 = tpu.memref_squeeze %dma_start3A_53 : memref<1x128x128xf32, #tpu.memory_space<hbm>> -> memref<128x128xf32, #tpu.memory_space<hbm>>
        %dma_start3A_55 = arith.constant 0 : i32
        %dma_start3A_56 = tpu.memref_slice %arg4[%scan3A_25, %add3A_46, %dma_start3A_55] : memref<20x8192x128xf32, #tpu.memory_space<hbm>> -> memref<1x128x128xf32, #tpu.memory_space<hbm>>
        %dma_start3A_57 = tpu.memref_squeeze %dma_start3A_56 : memref<1x128x128xf32, #tpu.memory_space<hbm>> -> memref<128x128xf32, #tpu.memory_space<hbm>>
        tpu.enqueue_dma source(%arg7 : memref<128x128xf32, #tpu.memory_space<vmem>>) target(%dma_start3A_57 : memref<128x128xf32, #tpu.memory_space<hbm>>) target_semaphore(%run_scoped3A : memref<!tpu.dma_semaphore, #tpu.memory_space<semaphore_mem>>)
        %dma_wait3A_58 = arith.constant 0 : i32
        %dma_wait3A_59 = tpu.memref_slice %arg4[%scan3A_25, %add3A_46, %dma_wait3A_58] : memref<20x8192x128xf32, #tpu.memory_space<hbm>> -> memref<1x128x128xf32, #tpu.memory_space<hbm>>
        %dma_wait3A_60 = tpu.memref_squeeze %dma_wait3A_59 : memref<1x128x128xf32, #tpu.memory_space<hbm>> -> memref<128x128xf32, #tpu.memory_space<hbm>>
        %dma_wait3A_61 = arith.constant 0 : i32
        %dma_wait3A_62 = tpu.memref_slice %arg4[%scan3A_25, %add3A_46, %dma_wait3A_61] : memref<20x8192x128xf32, #tpu.memory_space<hbm>> -> memref<1x128x128xf32, #tpu.memory_space<hbm>>
        %dma_wait3A_63 = tpu.memref_squeeze %dma_wait3A_62 : memref<1x128x128xf32, #tpu.memory_space<hbm>> -> memref<128x128xf32, #tpu.memory_space<hbm>>
        tpu.wait_dma2 semaphore(%run_scoped3A : memref<!tpu.dma_semaphore, #tpu.memory_space<semaphore_mem>>) src(%arg7 : memref<128x128xf32, #tpu.memory_space<vmem>>) dst(%dma_wait3A_63 : memref<128x128xf32, #tpu.memory_space<hbm>>)
        tpu.yield
      }) : () -> ()
      %lt3A_47 = arith.constant 19 : i32
      %lt3A_48 = arith.cmpi slt, %scan3A_25, %lt3A_47 : i32
      %convert_element_type3A_49 = arith.extui %lt3A_48 : i1 to i32
      %cond3A_50 = arith.constant 0 : i32
      %cond3A_51 = arith.cmpi ne, %convert_element_type3A_49, %cond3A_50 : i32
      scf.if %cond3A_51 {
        %mul3A_52 = arith.constant 2 : i32
        %mul3A_53 = arith.muli %mul3A_52, %scan3A_25 : i32
        %add3A_54 = arith.constant 1 : i32
        %add3A_55 = arith.addi %mul3A_53, %add3A_54 : i32
        %add3A_56 = arith.constant 2 : i32
        %add3A_57 = arith.addi %add3A_55, %add3A_56 : i32
        %mul3A_58 = arith.constant 128 : i32
        %mul3A_59 = arith.muli %add3A_57, %mul3A_58 : i32
        %add3A_60 = arith.constant 0 : i32
        %add3A_61 = arith.addi %mul3A_59, %add3A_60 : i32
        %dma_start3A_62 = arith.constant 0 : i32
        %dma_start3A_63 = arith.constant 0 : i32
        %dma_start3A_64 = tpu.memref_slice %arg7[%dma_start3A_62, %dma_start3A_63] : memref<128x128xf32, #tpu.memory_space<vmem>> -> memref<128x128xf32, #tpu.memory_space<vmem>>
        %dma_start3A_65 = tpu.memref_slice %arg5[%add3A_61] : memref<5120xi32, #tpu.memory_space<vmem>> -> memref<128xi32, #tpu.memory_space<vmem>>
        %dma_start3A_66 = arith.constant 0 : i32
        %dma_start3A_67 = arith.constant 0 : i32
        %dma_start3A_68 = tpu.memref_slice %arg2[%dma_start3A_66, %dma_start3A_67] : memref<8192x128xf32, #tpu.memory_space<hbm>> -> memref<8192x128xf32, #tpu.memory_space<hbm>>
        tpu.enqueue_indirect_dma source(%dma_start3A_68 : memref<8192x128xf32, #tpu.memory_space<hbm>>) target(%dma_start3A_64 : memref<128x128xf32, #tpu.memory_space<vmem>>) offsets(%dma_start3A_65 : memref<128xi32, #tpu.memory_space<vmem>>) semaphore(%arg9 : memref<!tpu.dma_semaphore, #tpu.memory_space<semaphore_mem>>)
      } else {
      }
    }
    %scan3A_24 = arith.constant 20 : i32
    return
  }
}

#map = affine_map<(d0, d1) -> (0, 0)>
#map1 = affine_map<(d0, d1) -> (0)>
#map2 = affine_map<(d0, d1) -> (0, 0, 0)>
module attributes {stable_mosaic.version = 14 : i64} {
  func.func @k(%arg0: i32, %arg1: i32, %arg2: memref<8192x128xf32, #tpu.memory_space<hbm>>, %arg3: memref<163840xi32, #tpu.memory_space<hbm>>, %arg4: memref<20x8192x128xf32, #tpu.memory_space<hbm>>, %arg5: memref<5120xi32, #tpu.memory_space<vmem>>, %arg6: memref<128x128xf32, #tpu.memory_space<vmem>>, %arg7: memref<128x128xf32, #tpu.memory_space<vmem>>, %arg8: memref<!tpu.dma_semaphore, #tpu.memory_space<semaphore_mem>>, %arg9: memref<!tpu.dma_semaphore, #tpu.memory_space<semaphore_mem>>) attributes {dimension_semantics = [#tpu.dimension_semantics<core_parallel>, #tpu.dimension_semantics<subcore_parallel>], iteration_bounds = array<i64: 2, 16>, scalar_prefetch = 0 : i64, scratch_operands = 5 : i64, tpu.core_type = #tpu.core_type<sc_vector_subcore>, window_params = [{transform_indices = #map}, {transform_indices = #map1}, {transform_indices = #map2}]} {
    %mul3A = arith.constant 2 : i32
    %mul3A_0 = arith.muli %arg1, %mul3A : i32
    %add3A = arith.addi %mul3A_0, %arg0 : i32
    %mul3A_1 = arith.constant 256 : i32
    %mul3A_2 = arith.muli %add3A, %mul3A_1 : i32
    %mul3A_3 = arith.constant 5120 : i32
    %mul3A_4 = arith.muli %add3A, %mul3A_3 : i32
    "tpu.region"() ({
      %run_scoped3A = tpu.sem_alloc : memref<!tpu.dma_semaphore, #tpu.memory_space<semaphore_mem>>
      %dma_start3A_25 = tpu.memref_slice %arg3[%mul3A_4] : memref<163840xi32, #tpu.memory_space<hbm>> -> memref<5120xi32, #tpu.memory_space<hbm>>
      %dma_start3A_26 = tpu.memref_slice %arg3[%mul3A_4] : memref<163840xi32, #tpu.memory_space<hbm>> -> memref<5120xi32, #tpu.memory_space<hbm>>
      tpu.enqueue_dma source(%dma_start3A_26 : memref<5120xi32, #tpu.memory_space<hbm>>) target(%arg5 : memref<5120xi32, #tpu.memory_space<vmem>>) target_semaphore(%run_scoped3A : memref<!tpu.dma_semaphore, #tpu.memory_space<semaphore_mem>>)
      %dma_wait3A = tpu.memref_slice %arg3[%mul3A_4] : memref<163840xi32, #tpu.memory_space<hbm>> -> memref<5120xi32, #tpu.memory_space<hbm>>
      %dma_wait3A_27 = tpu.memref_slice %arg3[%mul3A_4] : memref<163840xi32, #tpu.memory_space<hbm>> -> memref<5120xi32, #tpu.memory_space<hbm>>
      tpu.wait_dma2 semaphore(%run_scoped3A : memref<!tpu.dma_semaphore, #tpu.memory_space<semaphore_mem>>) src(%dma_wait3A_27 : memref<5120xi32, #tpu.memory_space<hbm>>) dst(%arg5 : memref<5120xi32, #tpu.memory_space<vmem>>)
      tpu.yield
    }) : () -> ()
    %dma_start3A = arith.constant 0 : i32
    %dma_start3A_5 = arith.constant 0 : i32
    %dma_start3A_6 = tpu.memref_slice %arg6[%dma_start3A, %dma_start3A_5] : memref<128x128xf32, #tpu.memory_space<vmem>> -> memref<128x128xf32, #tpu.memory_space<vmem>>
    %dma_start3A_7 = arith.constant 0 : i32
    %dma_start3A_8 = tpu.memref_slice %arg5[%dma_start3A_7] : memref<5120xi32, #tpu.memory_space<vmem>> -> memref<128xi32, #tpu.memory_space<vmem>>
    %dma_start3A_9 = arith.constant 0 : i32
    %dma_start3A_10 = arith.constant 0 : i32
    %dma_start3A_11 = tpu.memref_slice %arg2[%dma_start3A_9, %dma_start3A_10] : memref<8192x128xf32, #tpu.memory_space<hbm>> -> memref<8192x128xf32, #tpu.memory_space<hbm>>
    tpu.enqueue_indirect_dma source(%dma_start3A_11 : memref<8192x128xf32, #tpu.memory_space<hbm>>) target(%dma_start3A_6 : memref<128x128xf32, #tpu.memory_space<vmem>>) offsets(%dma_start3A_8 : memref<128xi32, #tpu.memory_space<vmem>>) semaphore(%arg8 : memref<!tpu.dma_semaphore, #tpu.memory_space<semaphore_mem>>)
    %dma_start3A_12 = arith.constant 0 : i32
    %dma_start3A_13 = arith.constant 0 : i32
    %dma_start3A_14 = tpu.memref_slice %arg7[%dma_start3A_12, %dma_start3A_13] : memref<128x128xf32, #tpu.memory_space<vmem>> -> memref<128x128xf32, #tpu.memory_space<vmem>>
    %dma_start3A_15 = arith.constant 128 : i32
    %dma_start3A_16 = tpu.memref_slice %arg5[%dma_start3A_15] : memref<5120xi32, #tpu.memory_space<vmem>> -> memref<128xi32, #tpu.memory_space<vmem>>
    %dma_start3A_17 = arith.constant 0 : i32
    %dma_start3A_18 = arith.constant 0 : i32
    %dma_start3A_19 = tpu.memref_slice %arg2[%dma_start3A_17, %dma_start3A_18] : memref<8192x128xf32, #tpu.memory_space<hbm>> -> memref<8192x128xf32, #tpu.memory_space<hbm>>
    tpu.enqueue_indirect_dma source(%dma_start3A_19 : memref<8192x128xf32, #tpu.memory_space<hbm>>) target(%dma_start3A_14 : memref<128x128xf32, #tpu.memory_space<vmem>>) offsets(%dma_start3A_16 : memref<128xi32, #tpu.memory_space<vmem>>) semaphore(%arg9 : memref<!tpu.dma_semaphore, #tpu.memory_space<semaphore_mem>>)
    %scan3A = arith.constant 0 : i32
    %scan3A_20 = arith.constant 0 : i32
    %scan3A_21 = arith.constant 20 : i32
    %scan3A_22 = arith.addi %scan3A_20, %scan3A_21 : i32
    %scan3A_23 = arith.constant 1 : i32
    scf.for %scan3A_25 = %scan3A_20 to %scan3A_22 step %scan3A_23  : i32 {
      %dma_wait3A = arith.constant 0 : i32
      %dma_wait3A_26 = arith.constant 0 : i32
      %dma_wait3A_27 = tpu.memref_slice %arg6[%dma_wait3A, %dma_wait3A_26] : memref<128x128xf32, #tpu.memory_space<vmem>> -> memref<128x128xf32, #tpu.memory_space<vmem>>
      %dma_wait3A_28 = arith.constant 0 : i32
      %dma_wait3A_29 = tpu.memref_slice %arg5[%dma_wait3A_28] : memref<5120xi32, #tpu.memory_space<vmem>> -> memref<128xi32, #tpu.memory_space<vmem>>
      %dma_wait3A_30 = arith.constant 0 : i32
      %dma_wait3A_31 = arith.constant 0 : i32
      %dma_wait3A_32 = tpu.memref_slice %arg2[%dma_wait3A_30, %dma_wait3A_31] : memref<8192x128xf32, #tpu.memory_space<hbm>> -> memref<8192x128xf32, #tpu.memory_space<hbm>>
      tpu.wait_indirect_dma semaphore(%arg8 : memref<!tpu.dma_semaphore, #tpu.memory_space<semaphore_mem>>) src(%dma_wait3A_32 : memref<8192x128xf32, #tpu.memory_space<hbm>>) dst(%dma_wait3A_27 : memref<128x128xf32, #tpu.memory_space<vmem>>)
      %add3A_33 = arith.constant 0 : i32
      %add3A_34 = arith.addi %mul3A_2, %add3A_33 : i32
      "tpu.region"() ({
        %run_scoped3A = tpu.sem_alloc : memref<!tpu.dma_semaphore, #tpu.memory_space<semaphore_mem>>
        %dma_start3A_52 = arith.constant 0 : i32
        %dma_start3A_53 = tpu.memref_slice %arg4[%scan3A_25, %add3A_34, %dma_start3A_52] : memref<20x8192x128xf32, #tpu.memory_space<hbm>> -> memref<1x128x128xf32, #tpu.memory_space<hbm>>
        %dma_start3A_54 = tpu.memref_squeeze %dma_start3A_53 : memref<1x128x128xf32, #tpu.memory_space<hbm>> -> memref<128x128xf32, #tpu.memory_space<hbm>>
        %dma_start3A_55 = arith.constant 0 : i32
        %dma_start3A_56 = tpu.memref_slice %arg4[%scan3A_25, %add3A_34, %dma_start3A_55] : memref<20x8192x128xf32, #tpu.memory_space<hbm>> -> memref<1x128x128xf32, #tpu.memory_space<hbm>>
        %dma_start3A_57 = tpu.memref_squeeze %dma_start3A_56 : memref<1x128x128xf32, #tpu.memory_space<hbm>> -> memref<128x128xf32, #tpu.memory_space<hbm>>
        tpu.enqueue_dma source(%arg6 : memref<128x128xf32, #tpu.memory_space<vmem>>) target(%dma_start3A_57 : memref<128x128xf32, #tpu.memory_space<hbm>>) target_semaphore(%run_scoped3A : memref<!tpu.dma_semaphore, #tpu.memory_space<semaphore_mem>>)
        %dma_wait3A_58 = arith.constant 0 : i32
        %dma_wait3A_59 = tpu.memref_slice %arg4[%scan3A_25, %add3A_34, %dma_wait3A_58] : memref<20x8192x128xf32, #tpu.memory_space<hbm>> -> memref<1x128x128xf32, #tpu.memory_space<hbm>>
        %dma_wait3A_60 = tpu.memref_squeeze %dma_wait3A_59 : memref<1x128x128xf32, #tpu.memory_space<hbm>> -> memref<128x128xf32, #tpu.memory_space<hbm>>
        %dma_wait3A_61 = arith.constant 0 : i32
        %dma_wait3A_62 = tpu.memref_slice %arg4[%scan3A_25, %add3A_34, %dma_wait3A_61] : memref<20x8192x128xf32, #tpu.memory_space<hbm>> -> memref<1x128x128xf32, #tpu.memory_space<hbm>>
        %dma_wait3A_63 = tpu.memref_squeeze %dma_wait3A_62 : memref<1x128x128xf32, #tpu.memory_space<hbm>> -> memref<128x128xf32, #tpu.memory_space<hbm>>
        tpu.wait_dma2 semaphore(%run_scoped3A : memref<!tpu.dma_semaphore, #tpu.memory_space<semaphore_mem>>) src(%arg6 : memref<128x128xf32, #tpu.memory_space<vmem>>) dst(%dma_wait3A_63 : memref<128x128xf32, #tpu.memory_space<hbm>>)
        tpu.yield
      }) : () -> ()
      %lt3A = arith.constant 19 : i32
      %lt3A_35 = arith.cmpi slt, %scan3A_25, %lt3A : i32
      %convert_element_type3A = arith.extui %lt3A_35 : i1 to i32
      %cond3A = arith.constant 0 : i32
      %cond3A_36 = arith.cmpi ne, %convert_element_type3A, %cond3A : i32
      scf.if %cond3A_36 {
        %mul3A_52 = arith.constant 2 : i32
        %mul3A_53 = arith.muli %mul3A_52, %scan3A_25 : i32
        %add3A_54 = arith.constant 0 : i32
        %add3A_55 = arith.addi %mul3A_53, %add3A_54 : i32
        %add3A_56 = arith.constant 2 : i32
        %add3A_57 = arith.addi %add3A_55, %add3A_56 : i32
        %mul3A_58 = arith.constant 128 : i32
        %mul3A_59 = arith.muli %add3A_57, %mul3A_58 : i32
        %add3A_60 = arith.constant 0 : i32
        %add3A_61 = arith.addi %mul3A_59, %add3A_60 : i32
        %dma_start3A_62 = arith.constant 0 : i32
        %dma_start3A_63 = arith.constant 0 : i32
        %dma_start3A_64 = tpu.memref_slice %arg6[%dma_start3A_62, %dma_start3A_63] : memref<128x128xf32, #tpu.memory_space<vmem>> -> memref<128x128xf32, #tpu.memory_space<vmem>>
        %dma_start3A_65 = tpu.memref_slice %arg5[%add3A_61] : memref<5120xi32, #tpu.memory_space<vmem>> -> memref<128xi32, #tpu.memory_space<vmem>>
        %dma_start3A_66 = arith.constant 0 : i32
        %dma_start3A_67 = arith.constant 0 : i32
        %dma_start3A_68 = tpu.memref_slice %arg2[%dma_start3A_66, %dma_start3A_67] : memref<8192x128xf32, #tpu.memory_space<hbm>> -> memref<8192x128xf32, #tpu.memory_space<hbm>>
        tpu.enqueue_indirect_dma source(%dma_start3A_68 : memref<8192x128xf32, #tpu.memory_space<hbm>>) target(%dma_start3A_64 : memref<128x128xf32, #tpu.memory_space<vmem>>) offsets(%dma_start3A_65 : memref<128xi32, #tpu.memory_space<vmem>>) semaphore(%arg8 : memref<!tpu.dma_semaphore, #tpu.memory_space<semaphore_mem>>)
      } else {
      }
      %dma_wait3A_37 = arith.constant 0 : i32
      %dma_wait3A_38 = arith.constant 0 : i32
      %dma_wait3A_39 = tpu.memref_slice %arg7[%dma_wait3A_37, %dma_wait3A_38] : memref<128x128xf32, #tpu.memory_space<vmem>> -> memref<128x128xf32, #tpu.memory_space<vmem>>
      %dma_wait3A_40 = arith.constant 0 : i32
      %dma_wait3A_41 = tpu.memref_slice %arg5[%dma_wait3A_40] : memref<5120xi32, #tpu.memory_space<vmem>> -> memref<128xi32, #tpu.memory_space<vmem>>
      %dma_wait3A_42 = arith.constant 0 : i32
      %dma_wait3A_43 = arith.constant 0 : i32
      %dma_wait3A_44 = tpu.memref_slice %arg2[%dma_wait3A_42, %dma_wait3A_43] : memref<8192x128xf32, #tpu.memory_space<hbm>> -> memref<8192x128xf32, #tpu.memory_space<hbm>>
      tpu.wait_indirect_dma semaphore(%arg9 : memref<!tpu.dma_semaphore, #tpu.memory_space<semaphore_mem>>) src(%dma_wait3A_44 : memref<8192x128xf32, #tpu.memory_space<hbm>>) dst(%dma_wait3A_39 : memref<128x128xf32, #tpu.memory_space<vmem>>)
      %add3A_45 = arith.constant 128 : i32
      %add3A_46 = arith.addi %mul3A_2, %add3A_45 : i32
      "tpu.region"() ({
        %run_scoped3A = tpu.sem_alloc : memref<!tpu.dma_semaphore, #tpu.memory_space<semaphore_mem>>
        %dma_start3A_52 = arith.constant 0 : i32
        %dma_start3A_53 = tpu.memref_slice %arg4[%scan3A_25, %add3A_46, %dma_start3A_52] : memref<20x8192x128xf32, #tpu.memory_space<hbm>> -> memref<1x128x128xf32, #tpu.memory_space<hbm>>
        %dma_start3A_54 = tpu.memref_squeeze %dma_start3A_53 : memref<1x128x128xf32, #tpu.memory_space<hbm>> -> memref<128x128xf32, #tpu.memory_space<hbm>>
        %dma_start3A_55 = arith.constant 0 : i32
        %dma_start3A_56 = tpu.memref_slice %arg4[%scan3A_25, %add3A_46, %dma_start3A_55] : memref<20x8192x128xf32, #tpu.memory_space<hbm>> -> memref<1x128x128xf32, #tpu.memory_space<hbm>>
        %dma_start3A_57 = tpu.memref_squeeze %dma_start3A_56 : memref<1x128x128xf32, #tpu.memory_space<hbm>> -> memref<128x128xf32, #tpu.memory_space<hbm>>
        tpu.enqueue_dma source(%arg7 : memref<128x128xf32, #tpu.memory_space<vmem>>) target(%dma_start3A_57 : memref<128x128xf32, #tpu.memory_space<hbm>>) target_semaphore(%run_scoped3A : memref<!tpu.dma_semaphore, #tpu.memory_space<semaphore_mem>>)
        %dma_wait3A_58 = arith.constant 0 : i32
        %dma_wait3A_59 = tpu.memref_slice %arg4[%scan3A_25, %add3A_46, %dma_wait3A_58] : memref<20x8192x128xf32, #tpu.memory_space<hbm>> -> memref<1x128x128xf32, #tpu.memory_space<hbm>>
        %dma_wait3A_60 = tpu.memref_squeeze %dma_wait3A_59 : memref<1x128x128xf32, #tpu.memory_space<hbm>> -> memref<128x128xf32, #tpu.memory_space<hbm>>
        %dma_wait3A_61 = arith.constant 0 : i32
        %dma_wait3A_62 = tpu.memref_slice %arg4[%scan3A_25, %add3A_46, %dma_wait3A_61] : memref<20x8192x128xf32, #tpu.memory_space<hbm>> -> memref<1x128x128xf32, #tpu.memory_space<hbm>>
        %dma_wait3A_63 = tpu.memref_squeeze %dma_wait3A_62 : memref<1x128x128xf32, #tpu.memory_space<hbm>> -> memref<128x128xf32, #tpu.memory_space<hbm>>
        tpu.wait_dma2 semaphore(%run_scoped3A : memref<!tpu.dma_semaphore, #tpu.memory_space<semaphore_mem>>) src(%arg7 : memref<128x128xf32, #tpu.memory_space<vmem>>) dst(%dma_wait3A_63 : memref<128x128xf32, #tpu.memory_space<hbm>>)
        tpu.yield
      }) : () -> ()
      %lt3A_47 = arith.constant 19 : i32
      %lt3A_48 = arith.cmpi slt, %scan3A_25, %lt3A_47 : i32
      %convert_element_type3A_49 = arith.extui %lt3A_48 : i1 to i32
      %cond3A_50 = arith.constant 0 : i32
      %cond3A_51 = arith.cmpi ne, %convert_element_type3A_49, %cond3A_50 : i32
      scf.if %cond3A_51 {
        %mul3A_52 = arith.constant 2 : i32
        %mul3A_53 = arith.muli %mul3A_52, %scan3A_25 : i32
        %add3A_54 = arith.constant 1 : i32
        %add3A_55 = arith.addi %mul3A_53, %add3A_54 : i32
        %add3A_56 = arith.constant 2 : i32
        %add3A_57 = arith.addi %add3A_55, %add3A_56 : i32
        %mul3A_58 = arith.constant 128 : i32
        %mul3A_59 = arith.muli %add3A_57, %mul3A_58 : i32
        %add3A_60 = arith.constant 0 : i32
        %add3A_61 = arith.addi %mul3A_59, %add3A_60 : i32
        %dma_start3A_62 = arith.constant 0 : i32
        %dma_start3A_63 = arith.constant 0 : i32
        %dma_start3A_64 = tpu.memref_slice %arg7[%dma_start3A_62, %dma_start3A_63] : memref<128x128xf32, #tpu.memory_space<vmem>> -> memref<128x128xf32, #tpu.memory_space<vmem>>
        %dma_start3A_65 = tpu.memref_slice %arg5[%add3A_61] : memref<5120xi32, #tpu.memory_space<vmem>> -> memref<128xi32, #tpu.memory_space<vmem>>
        %dma_start3A_66 = arith.constant 0 : i32
        %dma_start3A_67 = arith.constant 0 : i32
        %dma_start3A_68 = tpu.memref_slice %arg2[%dma_start3A_66, %dma_start3A_67] : memref<8192x128xf32, #tpu.memory_space<hbm>> -> memref<8192x128xf32, #tpu.memory_space<hbm>>
        tpu.enqueue_indirect_dma source(%dma_start3A_68 : memref<8192x128xf32, #tpu.memory_space<hbm>>) target(%dma_start3A_64 : memref<128x128xf32, #tpu.memory_space<vmem>>) offsets(%dma_start3A_65 : memref<128xi32, #tpu.memory_space<vmem>>) semaphore(%arg9 : memref<!tpu.dma_semaphore, #tpu.memory_space<semaphore_mem>>)
      } else {
      }
    }
    %scan3A_24 = arith.constant 20 : i32
    return
  }
}

module attributes {stable_mosaic.version = 14 : i64} {
  func.func @_knn_body(%arg0: i32, %arg1: i32, %arg2: memref<1x256x3xf32, #tpu.memory_space<vmem>>, %arg3: memref<1x3x2048xf32, #tpu.memory_space<vmem>>, %arg4: memref<1x256x20xi32, #tpu.memory_space<vmem>>) attributes {dimension_semantics = [#tpu.dimension_semantics<arbitrary>, #tpu.dimension_semantics<arbitrary>], iteration_bounds = array<i64: 4, 8>, scalar_prefetch = 0 : i64, scratch_operands = 0 : i64, tpu.core_type = #tpu.core_type<tc>, window_params = [{transform_indices = @transform_0, window_bounds = array<i64: 1, 256, 3>}, {transform_indices = @transform_1, window_bounds = array<i64: 1, 3, 2048>}, {transform_indices = @transform_2, window_bounds = array<i64: 1, 256, 20>}]} {
    %get3A = arith.constant 0 : index
    %get3A_0 = arith.constant 0 : index
    %get3A_1 = arith.constant 0 : index
    %get3A_2 = vector.load %arg2[%get3A, %get3A_0, %get3A_1] : memref<1x256x3xf32, #tpu.memory_space<vmem>>, vector<1x256x3xf32>
    %get3A_3 = vector.shape_cast %get3A_2 : vector<1x256x3xf32> to vector<256x3xf32>
    %get3A_4 = arith.constant 0 : index
    %get3A_5 = arith.constant 0 : index
    %get3A_6 = arith.constant 0 : index
    %get3A_7 = vector.load %arg3[%get3A_4, %get3A_5, %get3A_6] : memref<1x3x2048xf32, #tpu.memory_space<vmem>>, vector<1x3x2048xf32>
    %get3A_8 = vector.shape_cast %get3A_7 : vector<1x3x2048xf32> to vector<3x2048xf32>
    %mul3A = arith.mulf %get3A_3, %get3A_3 : vector<256x3xf32>
    %reduce_sum3A = arith.constant dense<0.000000e+00> : vector<256xf32>
    %reduce_sum3A_9 = vector.multi_reduction <add>, %mul3A, %reduce_sum3A [1] : vector<256x3xf32> to vector<256xf32>
    %broadcast_in_dim3A = vector.shape_cast %reduce_sum3A_9 : vector<256xf32> to vector<256x1xf32>
    %mul3A_10 = arith.mulf %get3A_8, %get3A_8 : vector<3x2048xf32>
    %reduce_sum3A_11 = arith.constant dense<0.000000e+00> : vector<2048xf32>
    %reduce_sum3A_12 = vector.multi_reduction <add>, %mul3A_10, %reduce_sum3A_11 [0] : vector<3x2048xf32> to vector<2048xf32>
    %broadcast_in_dim3A_13 = vector.shape_cast %reduce_sum3A_12 : vector<2048xf32> to vector<1x2048xf32>
    %dot_general3A = arith.constant dense<0.000000e+00> : vector<256x2048xf32>
    %dot_general3A_14 = tpu.matmul %get3A_3, %get3A_8, %dot_general3A {dimension_numbers = #tpu.dot_dimension_numbers<[1], [0], [0], [1], [0, 0, 1, 1], [], []>, transpose_lhs_hint = false} : vector<256x3xf32>, vector<3x2048xf32>, vector<256x2048xf32> -> vector<256x2048xf32>
    %mul3A_15 = arith.constant 2.000000e+00 : f32
    %mul3A_16 = vector.broadcast %mul3A_15 : f32 to vector<256x2048xf32>
    %mul3A_17 = arith.mulf %mul3A_16, %dot_general3A_14 : vector<256x2048xf32>
    %sub3A = vector.broadcast %broadcast_in_dim3A : vector<256x1xf32> to vector<256x2048xf32>
    %sub3A_18 = arith.subf %sub3A, %mul3A_17 : vector<256x2048xf32>
    %add3A = vector.broadcast %broadcast_in_dim3A_13 : vector<1x2048xf32> to vector<256x2048xf32>
    %add3A_19 = arith.addf %sub3A_18, %add3A : vector<256x2048xf32>
    %iota3A = tpu.iota {dimensions = array<i32: 1>} : vector<256x2048xi32>
    %convert_element_type3A = arith.sitofp %iota3A : vector<256x2048xi32> to vector<256x2048xf32>
    %reduce_min3A = arith.constant dense<0x7F800000> : vector<256xf32>
    %reduce_min3A_20 = vector.multi_reduction <minimumf>, %add3A_19, %reduce_min3A [1] : vector<256x2048xf32> to vector<256xf32>
    %broadcast_in_dim3A_21 = vector.shape_cast %reduce_min3A_20 : vector<256xf32> to vector<256x1xf32>
    %eq3A = vector.broadcast %broadcast_in_dim3A_21 : vector<256x1xf32> to vector<256x2048xf32>
    %eq3A_22 = arith.cmpf oeq, %add3A_19, %eq3A : vector<256x2048xf32>
    %jit3A = arith.constant 4.096000e+03 : f32
    %broadcast_in_dim3A_23 = vector.broadcast %jit3A : f32 to vector<256x2048xf32>
    %select_n3A = arith.select %eq3A_22, %convert_element_type3A, %broadcast_in_dim3A_23 : vector<256x2048xi1>, vector<256x2048xf32>
    %reduce_min3A_24 = arith.constant dense<0x7F800000> : vector<256xf32>
    %reduce_min3A_25 = vector.multi_reduction <minimumf>, %select_n3A, %reduce_min3A_24 [1] : vector<256x2048xf32> to vector<256xf32>
    %broadcast_in_dim3A_26 = vector.shape_cast %reduce_min3A_25 : vector<256xf32> to vector<256x1xf32>
    %jit3A_27 = arith.constant 0x7F800000 : f32
    %broadcast_in_dim3A_28 = vector.broadcast %jit3A_27 : f32 to vector<256x2048xf32>
    %select_n3A_29 = arith.select %eq3A_22, %broadcast_in_dim3A_28, %add3A_19 : vector<256x2048xi1>, vector<256x2048xf32>
    %reduce_min3A_30 = arith.constant dense<0x7F800000> : vector<256xf32>
    %reduce_min3A_31 = vector.multi_reduction <minimumf>, %select_n3A_29, %reduce_min3A_30 [1] : vector<256x2048xf32> to vector<256xf32>
    %broadcast_in_dim3A_32 = vector.shape_cast %reduce_min3A_31 : vector<256xf32> to vector<256x1xf32>
    %eq3A_33 = vector.broadcast %broadcast_in_dim3A_32 : vector<256x1xf32> to vector<256x2048xf32>
    %eq3A_34 = arith.cmpf oeq, %select_n3A_29, %eq3A_33 : vector<256x2048xf32>
    %jit3A_35 = arith.constant 4.096000e+03 : f32
    %broadcast_in_dim3A_36 = vector.broadcast %jit3A_35 : f32 to vector<256x2048xf32>
    %select_n3A_37 = arith.select %eq3A_34, %convert_element_type3A, %broadcast_in_dim3A_36 : vector<256x2048xi1>, vector<256x2048xf32>
    %reduce_min3A_38 = arith.constant dense<0x7F800000> : vector<256xf32>
    %reduce_min3A_39 = vector.multi_reduction <minimumf>, %select_n3A_37, %reduce_min3A_38 [1] : vector<256x2048xf32> to vector<256xf32>
    %broadcast_in_dim3A_40 = vector.shape_cast %reduce_min3A_39 : vector<256xf32> to vector<256x1xf32>
    %jit3A_41 = arith.constant 0x7F800000 : f32
    %broadcast_in_dim3A_42 = vector.broadcast %jit3A_41 : f32 to vector<256x2048xf32>
    %select_n3A_43 = arith.select %eq3A_34, %broadcast_in_dim3A_42, %select_n3A_29 : vector<256x2048xi1>, vector<256x2048xf32>
    %reduce_min3A_44 = arith.constant dense<0x7F800000> : vector<256xf32>
    %reduce_min3A_45 = vector.multi_reduction <minimumf>, %select_n3A_43, %reduce_min3A_44 [1] : vector<256x2048xf32> to vector<256xf32>
    %broadcast_in_dim3A_46 = vector.shape_cast %reduce_min3A_45 : vector<256xf32> to vector<256x1xf32>
    %eq3A_47 = vector.broadcast %broadcast_in_dim3A_46 : vector<256x1xf32> to vector<256x2048xf32>
    %eq3A_48 = arith.cmpf oeq, %select_n3A_43, %eq3A_47 : vector<256x2048xf32>
    %jit3A_49 = arith.constant 4.096000e+03 : f32
    %broadcast_in_dim3A_50 = vector.broadcast %jit3A_49 : f32 to vector<256x2048xf32>
    %select_n3A_51 = arith.select %eq3A_48, %convert_element_type3A, %broadcast_in_dim3A_50 : vector<256x2048xi1>, vector<256x2048xf32>
    %reduce_min3A_52 = arith.constant dense<0x7F800000> : vector<256xf32>
    %reduce_min3A_53 = vector.multi_reduction <minimumf>, %select_n3A_51, %reduce_min3A_52 [1] : vector<256x2048xf32> to vector<256xf32>
    %broadcast_in_dim3A_54 = vector.shape_cast %reduce_min3A_53 : vector<256xf32> to vector<256x1xf32>
    %jit3A_55 = arith.constant 0x7F800000 : f32
    %broadcast_in_dim3A_56 = vector.broadcast %jit3A_55 : f32 to vector<256x2048xf32>
    %select_n3A_57 = arith.select %eq3A_48, %broadcast_in_dim3A_56, %select_n3A_43 : vector<256x2048xi1>, vector<256x2048xf32>
    %reduce_min3A_58 = arith.constant dense<0x7F800000> : vector<256xf32>
    %reduce_min3A_59 = vector.multi_reduction <minimumf>, %select_n3A_57, %reduce_min3A_58 [1] : vector<256x2048xf32> to vector<256xf32>
    %broadcast_in_dim3A_60 = vector.shape_cast %reduce_min3A_59 : vector<256xf32> to vector<256x1xf32>
    %eq3A_61 = vector.broadcast %broadcast_in_dim3A_60 : vector<256x1xf32> to vector<256x2048xf32>
    %eq3A_62 = arith.cmpf oeq, %select_n3A_57, %eq3A_61 : vector<256x2048xf32>
    %jit3A_63 = arith.constant 4.096000e+03 : f32
    %broadcast_in_dim3A_64 = vector.broadcast %jit3A_63 : f32 to vector<256x2048xf32>
    %select_n3A_65 = arith.select %eq3A_62, %convert_element_type3A, %broadcast_in_dim3A_64 : vector<256x2048xi1>, vector<256x2048xf32>
    %reduce_min3A_66 = arith.constant dense<0x7F800000> : vector<256xf32>
    %reduce_min3A_67 = vector.multi_reduction <minimumf>, %select_n3A_65, %reduce_min3A_66 [1] : vector<256x2048xf32> to vector<256xf32>
    %broadcast_in_dim3A_68 = vector.shape_cast %reduce_min3A_67 : vector<256xf32> to vector<256x1xf32>
    %jit3A_69 = arith.constant 0x7F800000 : f32
    %broadcast_in_dim3A_70 = vector.broadcast %jit3A_69 : f32 to vector<256x2048xf32>
    %select_n3A_71 = arith.select %eq3A_62, %broadcast_in_dim3A_70, %select_n3A_57 : vector<256x2048xi1>, vector<256x2048xf32>
    %reduce_min3A_72 = arith.constant dense<0x7F800000> : vector<256xf32>
    %reduce_min3A_73 = vector.multi_reduction <minimumf>, %select_n3A_71, %reduce_min3A_72 [1] : vector<256x2048xf32> to vector<256xf32>
    %broadcast_in_dim3A_74 = vector.shape_cast %reduce_min3A_73 : vector<256xf32> to vector<256x1xf32>
    %eq3A_75 = vector.broadcast %broadcast_in_dim3A_74 : vector<256x1xf32> to vector<256x2048xf32>
    %eq3A_76 = arith.cmpf oeq, %select_n3A_71, %eq3A_75 : vector<256x2048xf32>
    %jit3A_77 = arith.constant 4.096000e+03 : f32
    %broadcast_in_dim3A_78 = vector.broadcast %jit3A_77 : f32 to vector<256x2048xf32>
    %select_n3A_79 = arith.select %eq3A_76, %convert_element_type3A, %broadcast_in_dim3A_78 : vector<256x2048xi1>, vector<256x2048xf32>
    %reduce_min3A_80 = arith.constant dense<0x7F800000> : vector<256xf32>
    %reduce_min3A_81 = vector.multi_reduction <minimumf>, %select_n3A_79, %reduce_min3A_80 [1] : vector<256x2048xf32> to vector<256xf32>
    %broadcast_in_dim3A_82 = vector.shape_cast %reduce_min3A_81 : vector<256xf32> to vector<256x1xf32>
    %jit3A_83 = arith.constant 0x7F800000 : f32
    %broadcast_in_dim3A_84 = vector.broadcast %jit3A_83 : f32 to vector<256x2048xf32>
    %select_n3A_85 = arith.select %eq3A_76, %broadcast_in_dim3A_84, %select_n3A_71 : vector<256x2048xi1>, vector<256x2048xf32>
    %reduce_min3A_86 = arith.constant dense<0x7F800000> : vector<256xf32>
    %reduce_min3A_87 = vector.multi_reduction <minimumf>, %select_n3A_85, %reduce_min3A_86 [1] : vector<256x2048xf32> to vector<256xf32>
    %broadcast_in_dim3A_88 = vector.shape_cast %reduce_min3A_87 : vector<256xf32> to vector<256x1xf32>
    %eq3A_89 = vector.broadcast %broadcast_in_dim3A_88 : vector<256x1xf32> to vector<256x2048xf32>
    %eq3A_90 = arith.cmpf oeq, %select_n3A_85, %eq3A_89 : vector<256x2048xf32>
    %jit3A_91 = arith.constant 4.096000e+03 : f32
    %broadcast_in_dim3A_92 = vector.broadcast %jit3A_91 : f32 to vector<256x2048xf32>
    %select_n3A_93 = arith.select %eq3A_90, %convert_element_type3A, %broadcast_in_dim3A_92 : vector<256x2048xi1>, vector<256x2048xf32>
    %reduce_min3A_94 = arith.constant dense<0x7F800000> : vector<256xf32>
    %reduce_min3A_95 = vector.multi_reduction <minimumf>, %select_n3A_93, %reduce_min3A_94 [1] : vector<256x2048xf32> to vector<256xf32>
    %broadcast_in_dim3A_96 = vector.shape_cast %reduce_min3A_95 : vector<256xf32> to vector<256x1xf32>
    %jit3A_97 = arith.constant 0x7F800000 : f32
    %broadcast_in_dim3A_98 = vector.broadcast %jit3A_97 : f32 to vector<256x2048xf32>
    %select_n3A_99 = arith.select %eq3A_90, %broadcast_in_dim3A_98, %select_n3A_85 : vector<256x2048xi1>, vector<256x2048xf32>
    %reduce_min3A_100 = arith.constant dense<0x7F800000> : vector<256xf32>
    %reduce_min3A_101 = vector.multi_reduction <minimumf>, %select_n3A_99, %reduce_min3A_100 [1] : vector<256x2048xf32> to vector<256xf32>
    %broadcast_in_dim3A_102 = vector.shape_cast %reduce_min3A_101 : vector<256xf32> to vector<256x1xf32>
    %eq3A_103 = vector.broadcast %broadcast_in_dim3A_102 : vector<256x1xf32> to vector<256x2048xf32>
    %eq3A_104 = arith.cmpf oeq, %select_n3A_99, %eq3A_103 : vector<256x2048xf32>
    %jit3A_105 = arith.constant 4.096000e+03 : f32
    %broadcast_in_dim3A_106 = vector.broadcast %jit3A_105 : f32 to vector<256x2048xf32>
    %select_n3A_107 = arith.select %eq3A_104, %convert_element_type3A, %broadcast_in_dim3A_106 : vector<256x2048xi1>, vector<256x2048xf32>
    %reduce_min3A_108 = arith.constant dense<0x7F800000> : vector<256xf32>
    %reduce_min3A_109 = vector.multi_reduction <minimumf>, %select_n3A_107, %reduce_min3A_108 [1] : vector<256x2048xf32> to vector<256xf32>
    %broadcast_in_dim3A_110 = vector.shape_cast %reduce_min3A_109 : vector<256xf32> to vector<256x1xf32>
    %jit3A_111 = arith.constant 0x7F800000 : f32
    %broadcast_in_dim3A_112 = vector.broadcast %jit3A_111 : f32 to vector<256x2048xf32>
    %select_n3A_113 = arith.select %eq3A_104, %broadcast_in_dim3A_112, %select_n3A_99 : vector<256x2048xi1>, vector<256x2048xf32>
    %reduce_min3A_114 = arith.constant dense<0x7F800000> : vector<256xf32>
    %reduce_min3A_115 = vector.multi_reduction <minimumf>, %select_n3A_113, %reduce_min3A_114 [1] : vector<256x2048xf32> to vector<256xf32>
    %broadcast_in_dim3A_116 = vector.shape_cast %reduce_min3A_115 : vector<256xf32> to vector<256x1xf32>
    %eq3A_117 = vector.broadcast %broadcast_in_dim3A_116 : vector<256x1xf32> to vector<256x2048xf32>
    %eq3A_118 = arith.cmpf oeq, %select_n3A_113, %eq3A_117 : vector<256x2048xf32>
    %jit3A_119 = arith.constant 4.096000e+03 : f32
    %broadcast_in_dim3A_120 = vector.broadcast %jit3A_119 : f32 to vector<256x2048xf32>
    %select_n3A_121 = arith.select %eq3A_118, %convert_element_type3A, %broadcast_in_dim3A_120 : vector<256x2048xi1>, vector<256x2048xf32>
    %reduce_min3A_122 = arith.constant dense<0x7F800000> : vector<256xf32>
    %reduce_min3A_123 = vector.multi_reduction <minimumf>, %select_n3A_121, %reduce_min3A_122 [1] : vector<256x2048xf32> to vector<256xf32>
    %broadcast_in_dim3A_124 = vector.shape_cast %reduce_min3A_123 : vector<256xf32> to vector<256x1xf32>
    %jit3A_125 = arith.constant 0x7F800000 : f32
    %broadcast_in_dim3A_126 = vector.broadcast %jit3A_125 : f32 to vector<256x2048xf32>
    %select_n3A_127 = arith.select %eq3A_118, %broadcast_in_dim3A_126, %select_n3A_113 : vector<256x2048xi1>, vector<256x2048xf32>
    %reduce_min3A_128 = arith.constant dense<0x7F800000> : vector<256xf32>
    %reduce_min3A_129 = vector.multi_reduction <minimumf>, %select_n3A_127, %reduce_min3A_128 [1] : vector<256x2048xf32> to vector<256xf32>
    %broadcast_in_dim3A_130 = vector.shape_cast %reduce_min3A_129 : vector<256xf32> to vector<256x1xf32>
    %eq3A_131 = vector.broadcast %broadcast_in_dim3A_130 : vector<256x1xf32> to vector<256x2048xf32>
    %eq3A_132 = arith.cmpf oeq, %select_n3A_127, %eq3A_131 : vector<256x2048xf32>
    %jit3A_133 = arith.constant 4.096000e+03 : f32
    %broadcast_in_dim3A_134 = vector.broadcast %jit3A_133 : f32 to vector<256x2048xf32>
    %select_n3A_135 = arith.select %eq3A_132, %convert_element_type3A, %broadcast_in_dim3A_134 : vector<256x2048xi1>, vector<256x2048xf32>
    %reduce_min3A_136 = arith.constant dense<0x7F800000> : vector<256xf32>
    %reduce_min3A_137 = vector.multi_reduction <minimumf>, %select_n3A_135, %reduce_min3A_136 [1] : vector<256x2048xf32> to vector<256xf32>
    %broadcast_in_dim3A_138 = vector.shape_cast %reduce_min3A_137 : vector<256xf32> to vector<256x1xf32>
    %jit3A_139 = arith.constant 0x7F800000 : f32
    %broadcast_in_dim3A_140 = vector.broadcast %jit3A_139 : f32 to vector<256x2048xf32>
    %select_n3A_141 = arith.select %eq3A_132, %broadcast_in_dim3A_140, %select_n3A_127 : vector<256x2048xi1>, vector<256x2048xf32>
    %reduce_min3A_142 = arith.constant dense<0x7F800000> : vector<256xf32>
    %reduce_min3A_143 = vector.multi_reduction <minimumf>, %select_n3A_141, %reduce_min3A_142 [1] : vector<256x2048xf32> to vector<256xf32>
    %broadcast_in_dim3A_144 = vector.shape_cast %reduce_min3A_143 : vector<256xf32> to vector<256x1xf32>
    %eq3A_145 = vector.broadcast %broadcast_in_dim3A_144 : vector<256x1xf32> to vector<256x2048xf32>
    %eq3A_146 = arith.cmpf oeq, %select_n3A_141, %eq3A_145 : vector<256x2048xf32>
    %jit3A_147 = arith.constant 4.096000e+03 : f32
    %broadcast_in_dim3A_148 = vector.broadcast %jit3A_147 : f32 to vector<256x2048xf32>
    %select_n3A_149 = arith.select %eq3A_146, %convert_element_type3A, %broadcast_in_dim3A_148 : vector<256x2048xi1>, vector<256x2048xf32>
    %reduce_min3A_150 = arith.constant dense<0x7F800000> : vector<256xf32>
    %reduce_min3A_151 = vector.multi_reduction <minimumf>, %select_n3A_149, %reduce_min3A_150 [1] : vector<256x2048xf32> to vector<256xf32>
    %broadcast_in_dim3A_152 = vector.shape_cast %reduce_min3A_151 : vector<256xf32> to vector<256x1xf32>
    %jit3A_153 = arith.constant 0x7F800000 : f32
    %broadcast_in_dim3A_154 = vector.broadcast %jit3A_153 : f32 to vector<256x2048xf32>
    %select_n3A_155 = arith.select %eq3A_146, %broadcast_in_dim3A_154, %select_n3A_141 : vector<256x2048xi1>, vector<256x2048xf32>
    %reduce_min3A_156 = arith.constant dense<0x7F800000> : vector<256xf32>
    %reduce_min3A_157 = vector.multi_reduction <minimumf>, %select_n3A_155, %reduce_min3A_156 [1] : vector<256x2048xf32> to vector<256xf32>
    %broadcast_in_dim3A_158 = vector.shape_cast %reduce_min3A_157 : vector<256xf32> to vector<256x1xf32>
    %eq3A_159 = vector.broadcast %broadcast_in_dim3A_158 : vector<256x1xf32> to vector<256x2048xf32>
    %eq3A_160 = arith.cmpf oeq, %select_n3A_155, %eq3A_159 : vector<256x2048xf32>
    %jit3A_161 = arith.constant 4.096000e+03 : f32
    %broadcast_in_dim3A_162 = vector.broadcast %jit3A_161 : f32 to vector<256x2048xf32>
    %select_n3A_163 = arith.select %eq3A_160, %convert_element_type3A, %broadcast_in_dim3A_162 : vector<256x2048xi1>, vector<256x2048xf32>
    %reduce_min3A_164 = arith.constant dense<0x7F800000> : vector<256xf32>
    %reduce_min3A_165 = vector.multi_reduction <minimumf>, %select_n3A_163, %reduce_min3A_164 [1] : vector<256x2048xf32> to vector<256xf32>
    %broadcast_in_dim3A_166 = vector.shape_cast %reduce_min3A_165 : vector<256xf32> to vector<256x1xf32>
    %jit3A_167 = arith.constant 0x7F800000 : f32
    %broadcast_in_dim3A_168 = vector.broadcast %jit3A_167 : f32 to vector<256x2048xf32>
    %select_n3A_169 = arith.select %eq3A_160, %broadcast_in_dim3A_168, %select_n3A_155 : vector<256x2048xi1>, vector<256x2048xf32>
    %reduce_min3A_170 = arith.constant dense<0x7F800000> : vector<256xf32>
    %reduce_min3A_171 = vector.multi_reduction <minimumf>, %select_n3A_169, %reduce_min3A_170 [1] : vector<256x2048xf32> to vector<256xf32>
    %broadcast_in_dim3A_172 = vector.shape_cast %reduce_min3A_171 : vector<256xf32> to vector<256x1xf32>
    %eq3A_173 = vector.broadcast %broadcast_in_dim3A_172 : vector<256x1xf32> to vector<256x2048xf32>
    %eq3A_174 = arith.cmpf oeq, %select_n3A_169, %eq3A_173 : vector<256x2048xf32>
    %jit3A_175 = arith.constant 4.096000e+03 : f32
    %broadcast_in_dim3A_176 = vector.broadcast %jit3A_175 : f32 to vector<256x2048xf32>
    %select_n3A_177 = arith.select %eq3A_174, %convert_element_type3A, %broadcast_in_dim3A_176 : vector<256x2048xi1>, vector<256x2048xf32>
    %reduce_min3A_178 = arith.constant dense<0x7F800000> : vector<256xf32>
    %reduce_min3A_179 = vector.multi_reduction <minimumf>, %select_n3A_177, %reduce_min3A_178 [1] : vector<256x2048xf32> to vector<256xf32>
    %broadcast_in_dim3A_180 = vector.shape_cast %reduce_min3A_179 : vector<256xf32> to vector<256x1xf32>
    %jit3A_181 = arith.constant 0x7F800000 : f32
    %broadcast_in_dim3A_182 = vector.broadcast %jit3A_181 : f32 to vector<256x2048xf32>
    %select_n3A_183 = arith.select %eq3A_174, %broadcast_in_dim3A_182, %select_n3A_169 : vector<256x2048xi1>, vector<256x2048xf32>
    %reduce_min3A_184 = arith.constant dense<0x7F800000> : vector<256xf32>
    %reduce_min3A_185 = vector.multi_reduction <minimumf>, %select_n3A_183, %reduce_min3A_184 [1] : vector<256x2048xf32> to vector<256xf32>
    %broadcast_in_dim3A_186 = vector.shape_cast %reduce_min3A_185 : vector<256xf32> to vector<256x1xf32>
    %eq3A_187 = vector.broadcast %broadcast_in_dim3A_186 : vector<256x1xf32> to vector<256x2048xf32>
    %eq3A_188 = arith.cmpf oeq, %select_n3A_183, %eq3A_187 : vector<256x2048xf32>
    %jit3A_189 = arith.constant 4.096000e+03 : f32
    %broadcast_in_dim3A_190 = vector.broadcast %jit3A_189 : f32 to vector<256x2048xf32>
    %select_n3A_191 = arith.select %eq3A_188, %convert_element_type3A, %broadcast_in_dim3A_190 : vector<256x2048xi1>, vector<256x2048xf32>
    %reduce_min3A_192 = arith.constant dense<0x7F800000> : vector<256xf32>
    %reduce_min3A_193 = vector.multi_reduction <minimumf>, %select_n3A_191, %reduce_min3A_192 [1] : vector<256x2048xf32> to vector<256xf32>
    %broadcast_in_dim3A_194 = vector.shape_cast %reduce_min3A_193 : vector<256xf32> to vector<256x1xf32>
    %jit3A_195 = arith.constant 0x7F800000 : f32
    %broadcast_in_dim3A_196 = vector.broadcast %jit3A_195 : f32 to vector<256x2048xf32>
    %select_n3A_197 = arith.select %eq3A_188, %broadcast_in_dim3A_196, %select_n3A_183 : vector<256x2048xi1>, vector<256x2048xf32>
    %reduce_min3A_198 = arith.constant dense<0x7F800000> : vector<256xf32>
    %reduce_min3A_199 = vector.multi_reduction <minimumf>, %select_n3A_197, %reduce_min3A_198 [1] : vector<256x2048xf32> to vector<256xf32>
    %broadcast_in_dim3A_200 = vector.shape_cast %reduce_min3A_199 : vector<256xf32> to vector<256x1xf32>
    %eq3A_201 = vector.broadcast %broadcast_in_dim3A_200 : vector<256x1xf32> to vector<256x2048xf32>
    %eq3A_202 = arith.cmpf oeq, %select_n3A_197, %eq3A_201 : vector<256x2048xf32>
    %jit3A_203 = arith.constant 4.096000e+03 : f32
    %broadcast_in_dim3A_204 = vector.broadcast %jit3A_203 : f32 to vector<256x2048xf32>
    %select_n3A_205 = arith.select %eq3A_202, %convert_element_type3A, %broadcast_in_dim3A_204 : vector<256x2048xi1>, vector<256x2048xf32>
    %reduce_min3A_206 = arith.constant dense<0x7F800000> : vector<256xf32>
    %reduce_min3A_207 = vector.multi_reduction <minimumf>, %select_n3A_205, %reduce_min3A_206 [1] : vector<256x2048xf32> to vector<256xf32>
    %broadcast_in_dim3A_208 = vector.shape_cast %reduce_min3A_207 : vector<256xf32> to vector<256x1xf32>
    %jit3A_209 = arith.constant 0x7F800000 : f32
    %broadcast_in_dim3A_210 = vector.broadcast %jit3A_209 : f32 to vector<256x2048xf32>
    %select_n3A_211 = arith.select %eq3A_202, %broadcast_in_dim3A_210, %select_n3A_197 : vector<256x2048xi1>, vector<256x2048xf32>
    %reduce_min3A_212 = arith.constant dense<0x7F800000> : vector<256xf32>
    %reduce_min3A_213 = vector.multi_reduction <minimumf>, %select_n3A_211, %reduce_min3A_212 [1] : vector<256x2048xf32> to vector<256xf32>
    %broadcast_in_dim3A_214 = vector.shape_cast %reduce_min3A_213 : vector<256xf32> to vector<256x1xf32>
    %eq3A_215 = vector.broadcast %broadcast_in_dim3A_214 : vector<256x1xf32> to vector<256x2048xf32>
    %eq3A_216 = arith.cmpf oeq, %select_n3A_211, %eq3A_215 : vector<256x2048xf32>
    %jit3A_217 = arith.constant 4.096000e+03 : f32
    %broadcast_in_dim3A_218 = vector.broadcast %jit3A_217 : f32 to vector<256x2048xf32>
    %select_n3A_219 = arith.select %eq3A_216, %convert_element_type3A, %broadcast_in_dim3A_218 : vector<256x2048xi1>, vector<256x2048xf32>
    %reduce_min3A_220 = arith.constant dense<0x7F800000> : vector<256xf32>
    %reduce_min3A_221 = vector.multi_reduction <minimumf>, %select_n3A_219, %reduce_min3A_220 [1] : vector<256x2048xf32> to vector<256xf32>
    %broadcast_in_dim3A_222 = vector.shape_cast %reduce_min3A_221 : vector<256xf32> to vector<256x1xf32>
    %jit3A_223 = arith.constant 0x7F800000 : f32
    %broadcast_in_dim3A_224 = vector.broadcast %jit3A_223 : f32 to vector<256x2048xf32>
    %select_n3A_225 = arith.select %eq3A_216, %broadcast_in_dim3A_224, %select_n3A_211 : vector<256x2048xi1>, vector<256x2048xf32>
    %reduce_min3A_226 = arith.constant dense<0x7F800000> : vector<256xf32>
    %reduce_min3A_227 = vector.multi_reduction <minimumf>, %select_n3A_225, %reduce_min3A_226 [1] : vector<256x2048xf32> to vector<256xf32>
    %broadcast_in_dim3A_228 = vector.shape_cast %reduce_min3A_227 : vector<256xf32> to vector<256x1xf32>
    %eq3A_229 = vector.broadcast %broadcast_in_dim3A_228 : vector<256x1xf32> to vector<256x2048xf32>
    %eq3A_230 = arith.cmpf oeq, %select_n3A_225, %eq3A_229 : vector<256x2048xf32>
    %jit3A_231 = arith.constant 4.096000e+03 : f32
    %broadcast_in_dim3A_232 = vector.broadcast %jit3A_231 : f32 to vector<256x2048xf32>
    %select_n3A_233 = arith.select %eq3A_230, %convert_element_type3A, %broadcast_in_dim3A_232 : vector<256x2048xi1>, vector<256x2048xf32>
    %reduce_min3A_234 = arith.constant dense<0x7F800000> : vector<256xf32>
    %reduce_min3A_235 = vector.multi_reduction <minimumf>, %select_n3A_233, %reduce_min3A_234 [1] : vector<256x2048xf32> to vector<256xf32>
    %broadcast_in_dim3A_236 = vector.shape_cast %reduce_min3A_235 : vector<256xf32> to vector<256x1xf32>
    %jit3A_237 = arith.constant 0x7F800000 : f32
    %broadcast_in_dim3A_238 = vector.broadcast %jit3A_237 : f32 to vector<256x2048xf32>
    %select_n3A_239 = arith.select %eq3A_230, %broadcast_in_dim3A_238, %select_n3A_225 : vector<256x2048xi1>, vector<256x2048xf32>
    %reduce_min3A_240 = arith.constant dense<0x7F800000> : vector<256xf32>
    %reduce_min3A_241 = vector.multi_reduction <minimumf>, %select_n3A_239, %reduce_min3A_240 [1] : vector<256x2048xf32> to vector<256xf32>
    %broadcast_in_dim3A_242 = vector.shape_cast %reduce_min3A_241 : vector<256xf32> to vector<256x1xf32>
    %eq3A_243 = vector.broadcast %broadcast_in_dim3A_242 : vector<256x1xf32> to vector<256x2048xf32>
    %eq3A_244 = arith.cmpf oeq, %select_n3A_239, %eq3A_243 : vector<256x2048xf32>
    %jit3A_245 = arith.constant 4.096000e+03 : f32
    %broadcast_in_dim3A_246 = vector.broadcast %jit3A_245 : f32 to vector<256x2048xf32>
    %select_n3A_247 = arith.select %eq3A_244, %convert_element_type3A, %broadcast_in_dim3A_246 : vector<256x2048xi1>, vector<256x2048xf32>
    %reduce_min3A_248 = arith.constant dense<0x7F800000> : vector<256xf32>
    %reduce_min3A_249 = vector.multi_reduction <minimumf>, %select_n3A_247, %reduce_min3A_248 [1] : vector<256x2048xf32> to vector<256xf32>
    %broadcast_in_dim3A_250 = vector.shape_cast %reduce_min3A_249 : vector<256xf32> to vector<256x1xf32>
    %jit3A_251 = arith.constant 0x7F800000 : f32
    %broadcast_in_dim3A_252 = vector.broadcast %jit3A_251 : f32 to vector<256x2048xf32>
    %select_n3A_253 = arith.select %eq3A_244, %broadcast_in_dim3A_252, %select_n3A_239 : vector<256x2048xi1>, vector<256x2048xf32>
    %reduce_min3A_254 = arith.constant dense<0x7F800000> : vector<256xf32>
    %reduce_min3A_255 = vector.multi_reduction <minimumf>, %select_n3A_253, %reduce_min3A_254 [1] : vector<256x2048xf32> to vector<256xf32>
    %broadcast_in_dim3A_256 = vector.shape_cast %reduce_min3A_255 : vector<256xf32> to vector<256x1xf32>
    %eq3A_257 = vector.broadcast %broadcast_in_dim3A_256 : vector<256x1xf32> to vector<256x2048xf32>
    %eq3A_258 = arith.cmpf oeq, %select_n3A_253, %eq3A_257 : vector<256x2048xf32>
    %jit3A_259 = arith.constant 4.096000e+03 : f32
    %broadcast_in_dim3A_260 = vector.broadcast %jit3A_259 : f32 to vector<256x2048xf32>
    %select_n3A_261 = arith.select %eq3A_258, %convert_element_type3A, %broadcast_in_dim3A_260 : vector<256x2048xi1>, vector<256x2048xf32>
    %reduce_min3A_262 = arith.constant dense<0x7F800000> : vector<256xf32>
    %reduce_min3A_263 = vector.multi_reduction <minimumf>, %select_n3A_261, %reduce_min3A_262 [1] : vector<256x2048xf32> to vector<256xf32>
    %broadcast_in_dim3A_264 = vector.shape_cast %reduce_min3A_263 : vector<256xf32> to vector<256x1xf32>
    %jit3A_265 = arith.constant 0x7F800000 : f32
    %broadcast_in_dim3A_266 = vector.broadcast %jit3A_265 : f32 to vector<256x2048xf32>
    %select_n3A_267 = arith.select %eq3A_258, %broadcast_in_dim3A_266, %select_n3A_253 : vector<256x2048xi1>, vector<256x2048xf32>
    %reduce_min3A_268 = arith.constant dense<0x7F800000> : vector<256xf32>
    %reduce_min3A_269 = vector.multi_reduction <minimumf>, %select_n3A_267, %reduce_min3A_268 [1] : vector<256x2048xf32> to vector<256xf32>
    %broadcast_in_dim3A_270 = vector.shape_cast %reduce_min3A_269 : vector<256xf32> to vector<256x1xf32>
    %eq3A_271 = vector.broadcast %broadcast_in_dim3A_270 : vector<256x1xf32> to vector<256x2048xf32>
    %eq3A_272 = arith.cmpf oeq, %select_n3A_267, %eq3A_271 : vector<256x2048xf32>
    %jit3A_273 = arith.constant 4.096000e+03 : f32
    %broadcast_in_dim3A_274 = vector.broadcast %jit3A_273 : f32 to vector<256x2048xf32>
    %select_n3A_275 = arith.select %eq3A_272, %convert_element_type3A, %broadcast_in_dim3A_274 : vector<256x2048xi1>, vector<256x2048xf32>
    %reduce_min3A_276 = arith.constant dense<0x7F800000> : vector<256xf32>
    %reduce_min3A_277 = vector.multi_reduction <minimumf>, %select_n3A_275, %reduce_min3A_276 [1] : vector<256x2048xf32> to vector<256xf32>
    %broadcast_in_dim3A_278 = vector.shape_cast %reduce_min3A_277 : vector<256xf32> to vector<256x1xf32>
    %jit3A_279 = arith.constant 0x7F800000 : f32
    %broadcast_in_dim3A_280 = vector.broadcast %jit3A_279 : f32 to vector<256x2048xf32>
    %select_n3A_281 = arith.select %eq3A_272, %broadcast_in_dim3A_280, %select_n3A_267 : vector<256x2048xi1>, vector<256x2048xf32>
    %reduce_min3A_282 = arith.constant dense<0x7F800000> : vector<256xf32>
    %reduce_min3A_283 = vector.multi_reduction <minimumf>, %select_n3A_281, %reduce_min3A_282 [1] : vector<256x2048xf32> to vector<256xf32>
    %broadcast_in_dim3A_284 = vector.shape_cast %reduce_min3A_283 : vector<256xf32> to vector<256x1xf32>
    %eq3A_285 = vector.broadcast %broadcast_in_dim3A_284 : vector<256x1xf32> to vector<256x2048xf32>
    %eq3A_286 = arith.cmpf oeq, %select_n3A_281, %eq3A_285 : vector<256x2048xf32>
    %jit3A_287 = arith.constant 4.096000e+03 : f32
    %broadcast_in_dim3A_288 = vector.broadcast %jit3A_287 : f32 to vector<256x2048xf32>
    %select_n3A_289 = arith.select %eq3A_286, %convert_element_type3A, %broadcast_in_dim3A_288 : vector<256x2048xi1>, vector<256x2048xf32>
    %reduce_min3A_290 = arith.constant dense<0x7F800000> : vector<256xf32>
    %reduce_min3A_291 = vector.multi_reduction <minimumf>, %select_n3A_289, %reduce_min3A_290 [1] : vector<256x2048xf32> to vector<256xf32>
    %broadcast_in_dim3A_292 = vector.shape_cast %reduce_min3A_291 : vector<256xf32> to vector<256x1xf32>
    %concatenate3A = tpu.concatenate %broadcast_in_dim3A_26, %broadcast_in_dim3A_40, %broadcast_in_dim3A_54, %broadcast_in_dim3A_68, %broadcast_in_dim3A_82, %broadcast_in_dim3A_96, %broadcast_in_dim3A_110, %broadcast_in_dim3A_124, %broadcast_in_dim3A_138, %broadcast_in_dim3A_152, %broadcast_in_dim3A_166, %broadcast_in_dim3A_180, %broadcast_in_dim3A_194, %broadcast_in_dim3A_208, %broadcast_in_dim3A_222, %broadcast_in_dim3A_236, %broadcast_in_dim3A_250, %broadcast_in_dim3A_264, %broadcast_in_dim3A_278, %broadcast_in_dim3A_292 in 1 : vector<256x1xf32>, vector<256x1xf32>, vector<256x1xf32>, vector<256x1xf32>, vector<256x1xf32>, vector<256x1xf32>, vector<256x1xf32>, vector<256x1xf32>, vector<256x1xf32>, vector<256x1xf32>, vector<256x1xf32>, vector<256x1xf32>, vector<256x1xf32>, vector<256x1xf32>, vector<256x1xf32>, vector<256x1xf32>, vector<256x1xf32>, vector<256x1xf32>, vector<256x1xf32>, vector<256x1xf32> -> vector<256x20xf32>
    %convert_element_type3A_293 = arith.fptosi %concatenate3A : vector<256x20xf32> to vector<256x20xi32>
    %mul3A_294 = arith.constant 2048 : i32
    %mul3A_295 = arith.muli %arg0, %mul3A_294 : i32
    %add3A_296 = vector.broadcast %mul3A_295 : i32 to vector<256x20xi32>
    %add3A_297 = arith.addi %convert_element_type3A_293, %add3A_296 : vector<256x20xi32>
    %swap3A = arith.constant 0 : index
    %swap3A_298 = arith.constant 0 : index
    %swap3A_299 = arith.constant 0 : index
    %swap3A_300 = vector.load %arg4[%swap3A, %swap3A_298, %swap3A_299] : memref<1x256x20xi32, #tpu.memory_space<vmem>>, vector<1x256x20xi32>
    %swap3A_301 = vector.shape_cast %swap3A_300 : vector<1x256x20xi32> to vector<256x20xi32>
    %swap3A_302 = vector.shape_cast %add3A_297 : vector<256x20xi32> to vector<1x256x20xi32>
    tpu.vector_store %arg4[%swap3A, %swap3A_298, %swap3A_299], %swap3A_302 {strides = array<i32>} : memref<1x256x20xi32, #tpu.memory_space<vmem>>, vector<1x256x20xi32>,
    return
  }
  func.func @transform_0(%arg0: i32, %arg1: i32) -> (i32, i32, i32) {
    %c0_i32 = arith.constant 0 : i32
    %c0_i32_0 = arith.constant 0 : i32
    return %arg0, %arg1, %c0_i32 : i32, i32, i32
  }
  func.func @transform_1(%arg0: i32, %arg1: i32) -> (i32, i32, i32) {
    %c0_i32 = arith.constant 0 : i32
    %c0_i32_0 = arith.constant 0 : i32
    %c0_i32_1 = arith.constant 0 : i32
    return %arg0, %c0_i32, %c0_i32_0 : i32, i32, i32
  }
  func.func @transform_2(%arg0: i32, %arg1: i32) -> (i32, i32, i32) {
    %c0_i32 = arith.constant 0 : i32
    %c0_i32_0 = arith.constant 0 : i32
    return %arg0, %arg1, %c0_i32 : i32, i32, i32
  }
}

module attributes {stable_mosaic.version = 14 : i64} {
  func.func @_edge_mlp_body(%arg0: i32, %arg1: memref<128x128xf32, #tpu.memory_space<vmem>>, %arg2: memref<20x128x128xf32, #tpu.memory_space<vmem>>, %arg3: memref<6x64xf32, #tpu.memory_space<vmem>>, %arg4: memref<1x64xf32, #tpu.memory_space<vmem>>, %arg5: memref<128x64xf32, #tpu.memory_space<vmem>>) attributes {dimension_semantics = [#tpu.dimension_semantics<arbitrary>], iteration_bounds = array<i64: 64>, scalar_prefetch = 0 : i64, scratch_operands = 0 : i64, tpu.core_type = #tpu.core_type<tc>, window_params = [{transform_indices = @transform_0, window_bounds = array<i64: 128, 128>}, {transform_indices = @transform_1, window_bounds = array<i64: 20, 128, 128>}, {pipeline_mode = #tpu.pipeline_mode<synchronous>, transform_indices = @transform_2, window_bounds = array<i64: 6, 64>}, {pipeline_mode = #tpu.pipeline_mode<synchronous>, transform_indices = @transform_3, window_bounds = array<i64: 1, 64>}, {transform_indices = @transform_4, window_bounds = array<i64: 128, 64>}]} {
    %get3A = arith.constant 0 : index
    %get3A_0 = arith.constant 0 : index
    %get3A_1 = vector.load %arg1[%get3A, %get3A_0] : memref<128x128xf32, #tpu.memory_space<vmem>>, vector<128x3xf32>
    %get3A_2 = arith.constant 0 : index
    %get3A_3 = arith.constant 0 : index
    %get3A_4 = arith.constant 0 : index
    %get3A_5 = vector.load %arg2[%get3A_2, %get3A_3, %get3A_4] : memref<20x128x128xf32, #tpu.memory_space<vmem>>, vector<1x128x128xf32>
    %get3A_6 = vector.shape_cast %get3A_5 : vector<1x128x128xf32> to vector<128x128xf32>
    %slice3A = vector.extract_strided_slice %get3A_6 {offsets = [0, 0], sizes = [128, 3], strides = [1, 1]} : vector<128x128xf32> to vector<128x3xf32>
    %sub3A = arith.subf %slice3A, %get3A_1 : vector<128x3xf32>
    %get3A_7 = arith.constant 1 : index
    %get3A_8 = arith.constant 0 : index
    %get3A_9 = arith.constant 0 : index
    %get3A_10 = vector.load %arg2[%get3A_7, %get3A_8, %get3A_9] : memref<20x128x128xf32, #tpu.memory_space<vmem>>, vector<1x128x128xf32>
    %get3A_11 = vector.shape_cast %get3A_10 : vector<1x128x128xf32> to vector<128x128xf32>
    %slice3A_12 = vector.extract_strided_slice %get3A_11 {offsets = [0, 0], sizes = [128, 3], strides = [1, 1]} : vector<128x128xf32> to vector<128x3xf32>
    %sub3A_13 = arith.subf %slice3A_12, %get3A_1 : vector<128x3xf32>
    %get3A_14 = arith.constant 2 : index
    %get3A_15 = arith.constant 0 : index
    %get3A_16 = arith.constant 0 : index
    %get3A_17 = vector.load %arg2[%get3A_14, %get3A_15, %get3A_16] : memref<20x128x128xf32, #tpu.memory_space<vmem>>, vector<1x128x128xf32>
    %get3A_18 = vector.shape_cast %get3A_17 : vector<1x128x128xf32> to vector<128x128xf32>
    %slice3A_19 = vector.extract_strided_slice %get3A_18 {offsets = [0, 0], sizes = [128, 3], strides = [1, 1]} : vector<128x128xf32> to vector<128x3xf32>
    %sub3A_20 = arith.subf %slice3A_19, %get3A_1 : vector<128x3xf32>
    %get3A_21 = arith.constant 3 : index
    %get3A_22 = arith.constant 0 : index
    %get3A_23 = arith.constant 0 : index
    %get3A_24 = vector.load %arg2[%get3A_21, %get3A_22, %get3A_23] : memref<20x128x128xf32, #tpu.memory_space<vmem>>, vector<1x128x128xf32>
    %get3A_25 = vector.shape_cast %get3A_24 : vector<1x128x128xf32> to vector<128x128xf32>
    %slice3A_26 = vector.extract_strided_slice %get3A_25 {offsets = [0, 0], sizes = [128, 3], strides = [1, 1]} : vector<128x128xf32> to vector<128x3xf32>
    %sub3A_27 = arith.subf %slice3A_26, %get3A_1 : vector<128x3xf32>
    %get3A_28 = arith.constant 4 : index
    %get3A_29 = arith.constant 0 : index
    %get3A_30 = arith.constant 0 : index
    %get3A_31 = vector.load %arg2[%get3A_28, %get3A_29, %get3A_30] : memref<20x128x128xf32, #tpu.memory_space<vmem>>, vector<1x128x128xf32>
    %get3A_32 = vector.shape_cast %get3A_31 : vector<1x128x128xf32> to vector<128x128xf32>
    %slice3A_33 = vector.extract_strided_slice %get3A_32 {offsets = [0, 0], sizes = [128, 3], strides = [1, 1]} : vector<128x128xf32> to vector<128x3xf32>
    %sub3A_34 = arith.subf %slice3A_33, %get3A_1 : vector<128x3xf32>
    %get3A_35 = arith.constant 5 : index
    %get3A_36 = arith.constant 0 : index
    %get3A_37 = arith.constant 0 : index
    %get3A_38 = vector.load %arg2[%get3A_35, %get3A_36, %get3A_37] : memref<20x128x128xf32, #tpu.memory_space<vmem>>, vector<1x128x128xf32>
    %get3A_39 = vector.shape_cast %get3A_38 : vector<1x128x128xf32> to vector<128x128xf32>
    %slice3A_40 = vector.extract_strided_slice %get3A_39 {offsets = [0, 0], sizes = [128, 3], strides = [1, 1]} : vector<128x128xf32> to vector<128x3xf32>
    %sub3A_41 = arith.subf %slice3A_40, %get3A_1 : vector<128x3xf32>
    %get3A_42 = arith.constant 6 : index
    %get3A_43 = arith.constant 0 : index
    %get3A_44 = arith.constant 0 : index
    %get3A_45 = vector.load %arg2[%get3A_42, %get3A_43, %get3A_44] : memref<20x128x128xf32, #tpu.memory_space<vmem>>, vector<1x128x128xf32>
    %get3A_46 = vector.shape_cast %get3A_45 : vector<1x128x128xf32> to vector<128x128xf32>
    %slice3A_47 = vector.extract_strided_slice %get3A_46 {offsets = [0, 0], sizes = [128, 3], strides = [1, 1]} : vector<128x128xf32> to vector<128x3xf32>
    %sub3A_48 = arith.subf %slice3A_47, %get3A_1 : vector<128x3xf32>
    %get3A_49 = arith.constant 7 : index
    %get3A_50 = arith.constant 0 : index
    %get3A_51 = arith.constant 0 : index
    %get3A_52 = vector.load %arg2[%get3A_49, %get3A_50, %get3A_51] : memref<20x128x128xf32, #tpu.memory_space<vmem>>, vector<1x128x128xf32>
    %get3A_53 = vector.shape_cast %get3A_52 : vector<1x128x128xf32> to vector<128x128xf32>
    %slice3A_54 = vector.extract_strided_slice %get3A_53 {offsets = [0, 0], sizes = [128, 3], strides = [1, 1]} : vector<128x128xf32> to vector<128x3xf32>
    %sub3A_55 = arith.subf %slice3A_54, %get3A_1 : vector<128x3xf32>
    %get3A_56 = arith.constant 8 : index
    %get3A_57 = arith.constant 0 : index
    %get3A_58 = arith.constant 0 : index
    %get3A_59 = vector.load %arg2[%get3A_56, %get3A_57, %get3A_58] : memref<20x128x128xf32, #tpu.memory_space<vmem>>, vector<1x128x128xf32>
    %get3A_60 = vector.shape_cast %get3A_59 : vector<1x128x128xf32> to vector<128x128xf32>
    %slice3A_61 = vector.extract_strided_slice %get3A_60 {offsets = [0, 0], sizes = [128, 3], strides = [1, 1]} : vector<128x128xf32> to vector<128x3xf32>
    %sub3A_62 = arith.subf %slice3A_61, %get3A_1 : vector<128x3xf32>
    %get3A_63 = arith.constant 9 : index
    %get3A_64 = arith.constant 0 : index
    %get3A_65 = arith.constant 0 : index
    %get3A_66 = vector.load %arg2[%get3A_63, %get3A_64, %get3A_65] : memref<20x128x128xf32, #tpu.memory_space<vmem>>, vector<1x128x128xf32>
    %get3A_67 = vector.shape_cast %get3A_66 : vector<1x128x128xf32> to vector<128x128xf32>
    %slice3A_68 = vector.extract_strided_slice %get3A_67 {offsets = [0, 0], sizes = [128, 3], strides = [1, 1]} : vector<128x128xf32> to vector<128x3xf32>
    %sub3A_69 = arith.subf %slice3A_68, %get3A_1 : vector<128x3xf32>
    %get3A_70 = arith.constant 10 : index
    %get3A_71 = arith.constant 0 : index
    %get3A_72 = arith.constant 0 : index
    %get3A_73 = vector.load %arg2[%get3A_70, %get3A_71, %get3A_72] : memref<20x128x128xf32, #tpu.memory_space<vmem>>, vector<1x128x128xf32>
    %get3A_74 = vector.shape_cast %get3A_73 : vector<1x128x128xf32> to vector<128x128xf32>
    %slice3A_75 = vector.extract_strided_slice %get3A_74 {offsets = [0, 0], sizes = [128, 3], strides = [1, 1]} : vector<128x128xf32> to vector<128x3xf32>
    %sub3A_76 = arith.subf %slice3A_75, %get3A_1 : vector<128x3xf32>
    %get3A_77 = arith.constant 11 : index
    %get3A_78 = arith.constant 0 : index
    %get3A_79 = arith.constant 0 : index
    %get3A_80 = vector.load %arg2[%get3A_77, %get3A_78, %get3A_79] : memref<20x128x128xf32, #tpu.memory_space<vmem>>, vector<1x128x128xf32>
    %get3A_81 = vector.shape_cast %get3A_80 : vector<1x128x128xf32> to vector<128x128xf32>
    %slice3A_82 = vector.extract_strided_slice %get3A_81 {offsets = [0, 0], sizes = [128, 3], strides = [1, 1]} : vector<128x128xf32> to vector<128x3xf32>
    %sub3A_83 = arith.subf %slice3A_82, %get3A_1 : vector<128x3xf32>
    %get3A_84 = arith.constant 12 : index
    %get3A_85 = arith.constant 0 : index
    %get3A_86 = arith.constant 0 : index
    %get3A_87 = vector.load %arg2[%get3A_84, %get3A_85, %get3A_86] : memref<20x128x128xf32, #tpu.memory_space<vmem>>, vector<1x128x128xf32>
    %get3A_88 = vector.shape_cast %get3A_87 : vector<1x128x128xf32> to vector<128x128xf32>
    %slice3A_89 = vector.extract_strided_slice %get3A_88 {offsets = [0, 0], sizes = [128, 3], strides = [1, 1]} : vector<128x128xf32> to vector<128x3xf32>
    %sub3A_90 = arith.subf %slice3A_89, %get3A_1 : vector<128x3xf32>
    %get3A_91 = arith.constant 13 : index
    %get3A_92 = arith.constant 0 : index
    %get3A_93 = arith.constant 0 : index
    %get3A_94 = vector.load %arg2[%get3A_91, %get3A_92, %get3A_93] : memref<20x128x128xf32, #tpu.memory_space<vmem>>, vector<1x128x128xf32>
    %get3A_95 = vector.shape_cast %get3A_94 : vector<1x128x128xf32> to vector<128x128xf32>
    %slice3A_96 = vector.extract_strided_slice %get3A_95 {offsets = [0, 0], sizes = [128, 3], strides = [1, 1]} : vector<128x128xf32> to vector<128x3xf32>
    %sub3A_97 = arith.subf %slice3A_96, %get3A_1 : vector<128x3xf32>
    %get3A_98 = arith.constant 14 : index
    %get3A_99 = arith.constant 0 : index
    %get3A_100 = arith.constant 0 : index
    %get3A_101 = vector.load %arg2[%get3A_98, %get3A_99, %get3A_100] : memref<20x128x128xf32, #tpu.memory_space<vmem>>, vector<1x128x128xf32>
    %get3A_102 = vector.shape_cast %get3A_101 : vector<1x128x128xf32> to vector<128x128xf32>
    %slice3A_103 = vector.extract_strided_slice %get3A_102 {offsets = [0, 0], sizes = [128, 3], strides = [1, 1]} : vector<128x128xf32> to vector<128x3xf32>
    %sub3A_104 = arith.subf %slice3A_103, %get3A_1 : vector<128x3xf32>
    %get3A_105 = arith.constant 15 : index
    %get3A_106 = arith.constant 0 : index
    %get3A_107 = arith.constant 0 : index
    %get3A_108 = vector.load %arg2[%get3A_105, %get3A_106, %get3A_107] : memref<20x128x128xf32, #tpu.memory_space<vmem>>, vector<1x128x128xf32>
    %get3A_109 = vector.shape_cast %get3A_108 : vector<1x128x128xf32> to vector<128x128xf32>
    %slice3A_110 = vector.extract_strided_slice %get3A_109 {offsets = [0, 0], sizes = [128, 3], strides = [1, 1]} : vector<128x128xf32> to vector<128x3xf32>
    %sub3A_111 = arith.subf %slice3A_110, %get3A_1 : vector<128x3xf32>
    %get3A_112 = arith.constant 16 : index
    %get3A_113 = arith.constant 0 : index
    %get3A_114 = arith.constant 0 : index
    %get3A_115 = vector.load %arg2[%get3A_112, %get3A_113, %get3A_114] : memref<20x128x128xf32, #tpu.memory_space<vmem>>, vector<1x128x128xf32>
    %get3A_116 = vector.shape_cast %get3A_115 : vector<1x128x128xf32> to vector<128x128xf32>
    %slice3A_117 = vector.extract_strided_slice %get3A_116 {offsets = [0, 0], sizes = [128, 3], strides = [1, 1]} : vector<128x128xf32> to vector<128x3xf32>
    %sub3A_118 = arith.subf %slice3A_117, %get3A_1 : vector<128x3xf32>
    %get3A_119 = arith.constant 17 : index
    %get3A_120 = arith.constant 0 : index
    %get3A_121 = arith.constant 0 : index
    %get3A_122 = vector.load %arg2[%get3A_119, %get3A_120, %get3A_121] : memref<20x128x128xf32, #tpu.memory_space<vmem>>, vector<1x128x128xf32>
    %get3A_123 = vector.shape_cast %get3A_122 : vector<1x128x128xf32> to vector<128x128xf32>
    %slice3A_124 = vector.extract_strided_slice %get3A_123 {offsets = [0, 0], sizes = [128, 3], strides = [1, 1]} : vector<128x128xf32> to vector<128x3xf32>
    %sub3A_125 = arith.subf %slice3A_124, %get3A_1 : vector<128x3xf32>
    %get3A_126 = arith.constant 18 : index
    %get3A_127 = arith.constant 0 : index
    %get3A_128 = arith.constant 0 : index
    %get3A_129 = vector.load %arg2[%get3A_126, %get3A_127, %get3A_128] : memref<20x128x128xf32, #tpu.memory_space<vmem>>, vector<1x128x128xf32>
    %get3A_130 = vector.shape_cast %get3A_129 : vector<1x128x128xf32> to vector<128x128xf32>
    %slice3A_131 = vector.extract_strided_slice %get3A_130 {offsets = [0, 0], sizes = [128, 3], strides = [1, 1]} : vector<128x128xf32> to vector<128x3xf32>
    %sub3A_132 = arith.subf %slice3A_131, %get3A_1 : vector<128x3xf32>
    %get3A_133 = arith.constant 19 : index
    %get3A_134 = arith.constant 0 : index
    %get3A_135 = arith.constant 0 : index
    %get3A_136 = vector.load %arg2[%get3A_133, %get3A_134, %get3A_135] : memref<20x128x128xf32, #tpu.memory_space<vmem>>, vector<1x128x128xf32>
    %get3A_137 = vector.shape_cast %get3A_136 : vector<1x128x128xf32> to vector<128x128xf32>
    %slice3A_138 = vector.extract_strided_slice %get3A_137 {offsets = [0, 0], sizes = [128, 3], strides = [1, 1]} : vector<128x128xf32> to vector<128x3xf32>
    %sub3A_139 = arith.subf %slice3A_138, %get3A_1 : vector<128x3xf32>
    %concatenate3A = tpu.concatenate %get3A_1, %sub3A in 1 : vector<128x3xf32>, vector<128x3xf32> -> vector<128x6xf32>
    %concatenate3A_140 = tpu.concatenate %get3A_1, %sub3A_13 in 1 : vector<128x3xf32>, vector<128x3xf32> -> vector<128x6xf32>
    %concatenate3A_141 = tpu.concatenate %get3A_1, %sub3A_20 in 1 : vector<128x3xf32>, vector<128x3xf32> -> vector<128x6xf32>
    %concatenate3A_142 = tpu.concatenate %get3A_1, %sub3A_27 in 1 : vector<128x3xf32>, vector<128x3xf32> -> vector<128x6xf32>
    %concatenate3A_143 = tpu.concatenate %get3A_1, %sub3A_34 in 1 : vector<128x3xf32>, vector<128x3xf32> -> vector<128x6xf32>
    %concatenate3A_144 = tpu.concatenate %get3A_1, %sub3A_41 in 1 : vector<128x3xf32>, vector<128x3xf32> -> vector<128x6xf32>
    %concatenate3A_145 = tpu.concatenate %get3A_1, %sub3A_48 in 1 : vector<128x3xf32>, vector<128x3xf32> -> vector<128x6xf32>
    %concatenate3A_146 = tpu.concatenate %get3A_1, %sub3A_55 in 1 : vector<128x3xf32>, vector<128x3xf32> -> vector<128x6xf32>
    %concatenate3A_147 = tpu.concatenate %get3A_1, %sub3A_62 in 1 : vector<128x3xf32>, vector<128x3xf32> -> vector<128x6xf32>
    %concatenate3A_148 = tpu.concatenate %get3A_1, %sub3A_69 in 1 : vector<128x3xf32>, vector<128x3xf32> -> vector<128x6xf32>
    %concatenate3A_149 = tpu.concatenate %get3A_1, %sub3A_76 in 1 : vector<128x3xf32>, vector<128x3xf32> -> vector<128x6xf32>
    %concatenate3A_150 = tpu.concatenate %get3A_1, %sub3A_83 in 1 : vector<128x3xf32>, vector<128x3xf32> -> vector<128x6xf32>
    %concatenate3A_151 = tpu.concatenate %get3A_1, %sub3A_90 in 1 : vector<128x3xf32>, vector<128x3xf32> -> vector<128x6xf32>
    %concatenate3A_152 = tpu.concatenate %get3A_1, %sub3A_97 in 1 : vector<128x3xf32>, vector<128x3xf32> -> vector<128x6xf32>
    %concatenate3A_153 = tpu.concatenate %get3A_1, %sub3A_104 in 1 : vector<128x3xf32>, vector<128x3xf32> -> vector<128x6xf32>
    %concatenate3A_154 = tpu.concatenate %get3A_1, %sub3A_111 in 1 : vector<128x3xf32>, vector<128x3xf32> -> vector<128x6xf32>
    %concatenate3A_155 = tpu.concatenate %get3A_1, %sub3A_118 in 1 : vector<128x3xf32>, vector<128x3xf32> -> vector<128x6xf32>
    %concatenate3A_156 = tpu.concatenate %get3A_1, %sub3A_125 in 1 : vector<128x3xf32>, vector<128x3xf32> -> vector<128x6xf32>
    %concatenate3A_157 = tpu.concatenate %get3A_1, %sub3A_132 in 1 : vector<128x3xf32>, vector<128x3xf32> -> vector<128x6xf32>
    %concatenate3A_158 = tpu.concatenate %get3A_1, %sub3A_139 in 1 : vector<128x3xf32>, vector<128x3xf32> -> vector<128x6xf32>
    %concatenate3A_159 = tpu.concatenate %concatenate3A, %concatenate3A_140, %concatenate3A_141, %concatenate3A_142, %concatenate3A_143, %concatenate3A_144, %concatenate3A_145, %concatenate3A_146, %concatenate3A_147, %concatenate3A_148, %concatenate3A_149, %concatenate3A_150, %concatenate3A_151, %concatenate3A_152, %concatenate3A_153, %concatenate3A_154, %concatenate3A_155, %concatenate3A_156, %concatenate3A_157, %concatenate3A_158 in 0 : vector<128x6xf32>, vector<128x6xf32>, vector<128x6xf32>, vector<128x6xf32>, vector<128x6xf32>, vector<128x6xf32>, vector<128x6xf32>, vector<128x6xf32>, vector<128x6xf32>, vector<128x6xf32>, vector<128x6xf32>, vector<128x6xf32>, vector<128x6xf32>, vector<128x6xf32>, vector<128x6xf32>, vector<128x6xf32>, vector<128x6xf32>, vector<128x6xf32>, vector<128x6xf32>, vector<128x6xf32> -> vector<2560x6xf32>
    %get3A_160 = arith.constant 0 : index
    %get3A_161 = arith.constant 0 : index
    %get3A_162 = vector.load %arg3[%get3A_160, %get3A_161] : memref<6x64xf32, #tpu.memory_space<vmem>>, vector<6x64xf32>
    %dot_general3A = arith.constant dense<0.000000e+00> : vector<2560x64xf32>
    %dot_general3A_163 = tpu.matmul %concatenate3A_159, %get3A_162, %dot_general3A {dimension_numbers = #tpu.dot_dimension_numbers<[1], [0], [0], [1], [0, 0, 1, 1], [], []>, transpose_lhs_hint = false} : vector<2560x6xf32>, vector<6x64xf32>, vector<2560x64xf32> -> vector<2560x64xf32>
    %slice3A_164 = vector.extract_strided_slice %dot_general3A_163 {offsets = [0, 0], sizes = [128, 64], strides = [1, 1]} : vector<2560x64xf32> to vector<128x64xf32>
    %slice3A_165 = vector.extract_strided_slice %dot_general3A_163 {offsets = [128, 0], sizes = [128, 64], strides = [1, 1]} : vector<2560x64xf32> to vector<128x64xf32>
    %max3A = arith.maximumf %slice3A_164, %slice3A_165 : vector<128x64xf32>
    %slice3A_166 = vector.extract_strided_slice %dot_general3A_163 {offsets = [256, 0], sizes = [128, 64], strides = [1, 1]} : vector<2560x64xf32> to vector<128x64xf32>
    %max3A_167 = arith.maximumf %max3A, %slice3A_166 : vector<128x64xf32>
    %slice3A_168 = vector.extract_strided_slice %dot_general3A_163 {offsets = [384, 0], sizes = [128, 64], strides = [1, 1]} : vector<2560x64xf32> to vector<128x64xf32>
    %max3A_169 = arith.maximumf %max3A_167, %slice3A_168 : vector<128x64xf32>
    %slice3A_170 = vector.extract_strided_slice %dot_general3A_163 {offsets = [512, 0], sizes = [128, 64], strides = [1, 1]} : vector<2560x64xf32> to vector<128x64xf32>
    %max3A_171 = arith.maximumf %max3A_169, %slice3A_170 : vector<128x64xf32>
    %slice3A_172 = vector.extract_strided_slice %dot_general3A_163 {offsets = [640, 0], sizes = [128, 64], strides = [1, 1]} : vector<2560x64xf32> to vector<128x64xf32>
    %max3A_173 = arith.maximumf %max3A_171, %slice3A_172 : vector<128x64xf32>
    %slice3A_174 = vector.extract_strided_slice %dot_general3A_163 {offsets = [768, 0], sizes = [128, 64], strides = [1, 1]} : vector<2560x64xf32> to vector<128x64xf32>
    %max3A_175 = arith.maximumf %max3A_173, %slice3A_174 : vector<128x64xf32>
    %slice3A_176 = vector.extract_strided_slice %dot_general3A_163 {offsets = [896, 0], sizes = [128, 64], strides = [1, 1]} : vector<2560x64xf32> to vector<128x64xf32>
    %max3A_177 = arith.maximumf %max3A_175, %slice3A_176 : vector<128x64xf32>
    %slice3A_178 = vector.extract_strided_slice %dot_general3A_163 {offsets = [1024, 0], sizes = [128, 64], strides = [1, 1]} : vector<2560x64xf32> to vector<128x64xf32>
    %max3A_179 = arith.maximumf %max3A_177, %slice3A_178 : vector<128x64xf32>
    %slice3A_180 = vector.extract_strided_slice %dot_general3A_163 {offsets = [1152, 0], sizes = [128, 64], strides = [1, 1]} : vector<2560x64xf32> to vector<128x64xf32>
    %max3A_181 = arith.maximumf %max3A_179, %slice3A_180 : vector<128x64xf32>
    %slice3A_182 = vector.extract_strided_slice %dot_general3A_163 {offsets = [1280, 0], sizes = [128, 64], strides = [1, 1]} : vector<2560x64xf32> to vector<128x64xf32>
    %max3A_183 = arith.maximumf %max3A_181, %slice3A_182 : vector<128x64xf32>
    %slice3A_184 = vector.extract_strided_slice %dot_general3A_163 {offsets = [1408, 0], sizes = [128, 64], strides = [1, 1]} : vector<2560x64xf32> to vector<128x64xf32>
    %max3A_185 = arith.maximumf %max3A_183, %slice3A_184 : vector<128x64xf32>
    %slice3A_186 = vector.extract_strided_slice %dot_general3A_163 {offsets = [1536, 0], sizes = [128, 64], strides = [1, 1]} : vector<2560x64xf32> to vector<128x64xf32>
    %max3A_187 = arith.maximumf %max3A_185, %slice3A_186 : vector<128x64xf32>
    %slice3A_188 = vector.extract_strided_slice %dot_general3A_163 {offsets = [1664, 0], sizes = [128, 64], strides = [1, 1]} : vector<2560x64xf32> to vector<128x64xf32>
    %max3A_189 = arith.maximumf %max3A_187, %slice3A_188 : vector<128x64xf32>
    %slice3A_190 = vector.extract_strided_slice %dot_general3A_163 {offsets = [1792, 0], sizes = [128, 64], strides = [1, 1]} : vector<2560x64xf32> to vector<128x64xf32>
    %max3A_191 = arith.maximumf %max3A_189, %slice3A_190 : vector<128x64xf32>
    %slice3A_192 = vector.extract_strided_slice %dot_general3A_163 {offsets = [1920, 0], sizes = [128, 64], strides = [1, 1]} : vector<2560x64xf32> to vector<128x64xf32>
    %max3A_193 = arith.maximumf %max3A_191, %slice3A_192 : vector<128x64xf32>
    %slice3A_194 = vector.extract_strided_slice %dot_general3A_163 {offsets = [2048, 0], sizes = [128, 64], strides = [1, 1]} : vector<2560x64xf32> to vector<128x64xf32>
    %max3A_195 = arith.maximumf %max3A_193, %slice3A_194 : vector<128x64xf32>
    %slice3A_196 = vector.extract_strided_slice %dot_general3A_163 {offsets = [2176, 0], sizes = [128, 64], strides = [1, 1]} : vector<2560x64xf32> to vector<128x64xf32>
    %max3A_197 = arith.maximumf %max3A_195, %slice3A_196 : vector<128x64xf32>
    %slice3A_198 = vector.extract_strided_slice %dot_general3A_163 {offsets = [2304, 0], sizes = [128, 64], strides = [1, 1]} : vector<2560x64xf32> to vector<128x64xf32>
    %max3A_199 = arith.maximumf %max3A_197, %slice3A_198 : vector<128x64xf32>
    %slice3A_200 = vector.extract_strided_slice %dot_general3A_163 {offsets = [2432, 0], sizes = [128, 64], strides = [1, 1]} : vector<2560x64xf32> to vector<128x64xf32>
    %max3A_201 = arith.maximumf %max3A_199, %slice3A_200 : vector<128x64xf32>
    %get3A_202 = arith.constant 0 : index
    %get3A_203 = arith.constant 0 : index
    %get3A_204 = vector.load %arg4[%get3A_202, %get3A_203] : memref<1x64xf32, #tpu.memory_space<vmem>>, vector<1x64xf32>
    %add3A = vector.broadcast %get3A_204 : vector<1x64xf32> to vector<128x64xf32>
    %add3A_205 = arith.addf %max3A_201, %add3A : vector<128x64xf32>
    %swap3A = arith.constant 0 : index
    %swap3A_206 = arith.constant 0 : index
    %swap3A_207 = vector.load %arg5[%swap3A, %swap3A_206] : memref<128x64xf32, #tpu.memory_space<vmem>>, vector<128x64xf32>
    tpu.vector_store %arg5[%swap3A, %swap3A_206], %add3A_205 {strides = array<i32>} : memref<128x64xf32, #tpu.memory_space<vmem>>, vector<128x64xf32>,
    return
  }
  func.func @transform_0(%arg0: i32) -> (i32, i32) {
    %c0_i32 = arith.constant 0 : i32
    %c0_i32_0 = arith.constant 0 : i32
    return %arg0, %c0_i32 : i32, i32
  }
  func.func @transform_1(%arg0: i32) -> (i32, i32, i32) {
    %c0_i32 = arith.constant 0 : i32
    %c0_i32_0 = arith.constant 0 : i32
    %c0_i32_1 = arith.constant 0 : i32
    return %c0_i32, %arg0, %c0_i32_0 : i32, i32, i32
  }
  func.func @transform_2(%arg0: i32) -> (i32, i32) {
    %c0_i32 = arith.constant 0 : i32
    %c0_i32_0 = arith.constant 0 : i32
    %c0_i32_1 = arith.constant 0 : i32
    return %c0_i32, %c0_i32_0 : i32, i32
  }
  func.func @transform_3(%arg0: i32) -> (i32, i32) {
    %c0_i32 = arith.constant 0 : i32
    %c0_i32_0 = arith.constant 0 : i32
    %c0_i32_1 = arith.constant 0 : i32
    return %c0_i32, %c0_i32_0 : i32, i32
  }
  func.func @transform_4(%arg0: i32) -> (i32, i32) {
    %c0_i32 = arith.constant 0 : i32
    %c0_i32_0 = arith.constant 0 : i32
    return %arg0, %c0_i32 : i32, i32
  }
}

module attributes {stable_mosaic.version = 14 : i64} {
  func.func @_knn_body(%arg0: i32, %arg1: i32, %arg2: memref<1x256x64xf32, #tpu.memory_space<vmem>>, %arg3: memref<1x64x2048xf32, #tpu.memory_space<vmem>>, %arg4: memref<1x256x20xi32, #tpu.memory_space<vmem>>) attributes {dimension_semantics = [#tpu.dimension_semantics<arbitrary>, #tpu.dimension_semantics<arbitrary>], iteration_bounds = array<i64: 4, 8>, scalar_prefetch = 0 : i64, scratch_operands = 0 : i64, tpu.core_type = #tpu.core_type<tc>, window_params = [{transform_indices = @transform_0, window_bounds = array<i64: 1, 256, 64>}, {transform_indices = @transform_1, window_bounds = array<i64: 1, 64, 2048>}, {transform_indices = @transform_2, window_bounds = array<i64: 1, 256, 20>}]} {
    %get3A = arith.constant 0 : index
    %get3A_0 = arith.constant 0 : index
    %get3A_1 = arith.constant 0 : index
    %get3A_2 = vector.load %arg2[%get3A, %get3A_0, %get3A_1] : memref<1x256x64xf32, #tpu.memory_space<vmem>>, vector<1x256x64xf32>
    %get3A_3 = vector.shape_cast %get3A_2 : vector<1x256x64xf32> to vector<256x64xf32>
    %get3A_4 = arith.constant 0 : index
    %get3A_5 = arith.constant 0 : index
    %get3A_6 = arith.constant 0 : index
    %get3A_7 = vector.load %arg3[%get3A_4, %get3A_5, %get3A_6] : memref<1x64x2048xf32, #tpu.memory_space<vmem>>, vector<1x64x2048xf32>
    %get3A_8 = vector.shape_cast %get3A_7 : vector<1x64x2048xf32> to vector<64x2048xf32>
    %mul3A = arith.mulf %get3A_3, %get3A_3 : vector<256x64xf32>
    %reduce_sum3A = arith.constant dense<0.000000e+00> : vector<256xf32>
    %reduce_sum3A_9 = vector.multi_reduction <add>, %mul3A, %reduce_sum3A [1] : vector<256x64xf32> to vector<256xf32>
    %broadcast_in_dim3A = vector.shape_cast %reduce_sum3A_9 : vector<256xf32> to vector<256x1xf32>
    %mul3A_10 = arith.mulf %get3A_8, %get3A_8 : vector<64x2048xf32>
    %reduce_sum3A_11 = arith.constant dense<0.000000e+00> : vector<2048xf32>
    %reduce_sum3A_12 = vector.multi_reduction <add>, %mul3A_10, %reduce_sum3A_11 [0] : vector<64x2048xf32> to vector<2048xf32>
    %broadcast_in_dim3A_13 = vector.shape_cast %reduce_sum3A_12 : vector<2048xf32> to vector<1x2048xf32>
    %dot_general3A = arith.constant dense<0.000000e+00> : vector<256x2048xf32>
    %dot_general3A_14 = tpu.matmul %get3A_3, %get3A_8, %dot_general3A {dimension_numbers = #tpu.dot_dimension_numbers<[1], [0], [0], [1], [0, 0, 1, 1], [], []>, transpose_lhs_hint = false} : vector<256x64xf32>, vector<64x2048xf32>, vector<256x2048xf32> -> vector<256x2048xf32>
    %mul3A_15 = arith.constant 2.000000e+00 : f32
    %mul3A_16 = vector.broadcast %mul3A_15 : f32 to vector<256x2048xf32>
    %mul3A_17 = arith.mulf %mul3A_16, %dot_general3A_14 : vector<256x2048xf32>
    %sub3A = vector.broadcast %broadcast_in_dim3A : vector<256x1xf32> to vector<256x2048xf32>
    %sub3A_18 = arith.subf %sub3A, %mul3A_17 : vector<256x2048xf32>
    %add3A = vector.broadcast %broadcast_in_dim3A_13 : vector<1x2048xf32> to vector<256x2048xf32>
    %add3A_19 = arith.addf %sub3A_18, %add3A : vector<256x2048xf32>
    %iota3A = tpu.iota {dimensions = array<i32: 1>} : vector<256x2048xi32>
    %convert_element_type3A = arith.sitofp %iota3A : vector<256x2048xi32> to vector<256x2048xf32>
    %reduce_min3A = arith.constant dense<0x7F800000> : vector<256xf32>
    %reduce_min3A_20 = vector.multi_reduction <minimumf>, %add3A_19, %reduce_min3A [1] : vector<256x2048xf32> to vector<256xf32>
    %broadcast_in_dim3A_21 = vector.shape_cast %reduce_min3A_20 : vector<256xf32> to vector<256x1xf32>
    %eq3A = vector.broadcast %broadcast_in_dim3A_21 : vector<256x1xf32> to vector<256x2048xf32>
    %eq3A_22 = arith.cmpf oeq, %add3A_19, %eq3A : vector<256x2048xf32>
    %jit3A = arith.constant 4.096000e+03 : f32
    %broadcast_in_dim3A_23 = vector.broadcast %jit3A : f32 to vector<256x2048xf32>
    %select_n3A = arith.select %eq3A_22, %convert_element_type3A, %broadcast_in_dim3A_23 : vector<256x2048xi1>, vector<256x2048xf32>
    %reduce_min3A_24 = arith.constant dense<0x7F800000> : vector<256xf32>
    %reduce_min3A_25 = vector.multi_reduction <minimumf>, %select_n3A, %reduce_min3A_24 [1] : vector<256x2048xf32> to vector<256xf32>
    %broadcast_in_dim3A_26 = vector.shape_cast %reduce_min3A_25 : vector<256xf32> to vector<256x1xf32>
    %jit3A_27 = arith.constant 0x7F800000 : f32
    %broadcast_in_dim3A_28 = vector.broadcast %jit3A_27 : f32 to vector<256x2048xf32>
    %select_n3A_29 = arith.select %eq3A_22, %broadcast_in_dim3A_28, %add3A_19 : vector<256x2048xi1>, vector<256x2048xf32>
    %reduce_min3A_30 = arith.constant dense<0x7F800000> : vector<256xf32>
    %reduce_min3A_31 = vector.multi_reduction <minimumf>, %select_n3A_29, %reduce_min3A_30 [1] : vector<256x2048xf32> to vector<256xf32>
    %broadcast_in_dim3A_32 = vector.shape_cast %reduce_min3A_31 : vector<256xf32> to vector<256x1xf32>
    %eq3A_33 = vector.broadcast %broadcast_in_dim3A_32 : vector<256x1xf32> to vector<256x2048xf32>
    %eq3A_34 = arith.cmpf oeq, %select_n3A_29, %eq3A_33 : vector<256x2048xf32>
    %jit3A_35 = arith.constant 4.096000e+03 : f32
    %broadcast_in_dim3A_36 = vector.broadcast %jit3A_35 : f32 to vector<256x2048xf32>
    %select_n3A_37 = arith.select %eq3A_34, %convert_element_type3A, %broadcast_in_dim3A_36 : vector<256x2048xi1>, vector<256x2048xf32>
    %reduce_min3A_38 = arith.constant dense<0x7F800000> : vector<256xf32>
    %reduce_min3A_39 = vector.multi_reduction <minimumf>, %select_n3A_37, %reduce_min3A_38 [1] : vector<256x2048xf32> to vector<256xf32>
    %broadcast_in_dim3A_40 = vector.shape_cast %reduce_min3A_39 : vector<256xf32> to vector<256x1xf32>
    %jit3A_41 = arith.constant 0x7F800000 : f32
    %broadcast_in_dim3A_42 = vector.broadcast %jit3A_41 : f32 to vector<256x2048xf32>
    %select_n3A_43 = arith.select %eq3A_34, %broadcast_in_dim3A_42, %select_n3A_29 : vector<256x2048xi1>, vector<256x2048xf32>
    %reduce_min3A_44 = arith.constant dense<0x7F800000> : vector<256xf32>
    %reduce_min3A_45 = vector.multi_reduction <minimumf>, %select_n3A_43, %reduce_min3A_44 [1] : vector<256x2048xf32> to vector<256xf32>
    %broadcast_in_dim3A_46 = vector.shape_cast %reduce_min3A_45 : vector<256xf32> to vector<256x1xf32>
    %eq3A_47 = vector.broadcast %broadcast_in_dim3A_46 : vector<256x1xf32> to vector<256x2048xf32>
    %eq3A_48 = arith.cmpf oeq, %select_n3A_43, %eq3A_47 : vector<256x2048xf32>
    %jit3A_49 = arith.constant 4.096000e+03 : f32
    %broadcast_in_dim3A_50 = vector.broadcast %jit3A_49 : f32 to vector<256x2048xf32>
    %select_n3A_51 = arith.select %eq3A_48, %convert_element_type3A, %broadcast_in_dim3A_50 : vector<256x2048xi1>, vector<256x2048xf32>
    %reduce_min3A_52 = arith.constant dense<0x7F800000> : vector<256xf32>
    %reduce_min3A_53 = vector.multi_reduction <minimumf>, %select_n3A_51, %reduce_min3A_52 [1] : vector<256x2048xf32> to vector<256xf32>
    %broadcast_in_dim3A_54 = vector.shape_cast %reduce_min3A_53 : vector<256xf32> to vector<256x1xf32>
    %jit3A_55 = arith.constant 0x7F800000 : f32
    %broadcast_in_dim3A_56 = vector.broadcast %jit3A_55 : f32 to vector<256x2048xf32>
    %select_n3A_57 = arith.select %eq3A_48, %broadcast_in_dim3A_56, %select_n3A_43 : vector<256x2048xi1>, vector<256x2048xf32>
    %reduce_min3A_58 = arith.constant dense<0x7F800000> : vector<256xf32>
    %reduce_min3A_59 = vector.multi_reduction <minimumf>, %select_n3A_57, %reduce_min3A_58 [1] : vector<256x2048xf32> to vector<256xf32>
    %broadcast_in_dim3A_60 = vector.shape_cast %reduce_min3A_59 : vector<256xf32> to vector<256x1xf32>
    %eq3A_61 = vector.broadcast %broadcast_in_dim3A_60 : vector<256x1xf32> to vector<256x2048xf32>
    %eq3A_62 = arith.cmpf oeq, %select_n3A_57, %eq3A_61 : vector<256x2048xf32>
    %jit3A_63 = arith.constant 4.096000e+03 : f32
    %broadcast_in_dim3A_64 = vector.broadcast %jit3A_63 : f32 to vector<256x2048xf32>
    %select_n3A_65 = arith.select %eq3A_62, %convert_element_type3A, %broadcast_in_dim3A_64 : vector<256x2048xi1>, vector<256x2048xf32>
    %reduce_min3A_66 = arith.constant dense<0x7F800000> : vector<256xf32>
    %reduce_min3A_67 = vector.multi_reduction <minimumf>, %select_n3A_65, %reduce_min3A_66 [1] : vector<256x2048xf32> to vector<256xf32>
    %broadcast_in_dim3A_68 = vector.shape_cast %reduce_min3A_67 : vector<256xf32> to vector<256x1xf32>
    %jit3A_69 = arith.constant 0x7F800000 : f32
    %broadcast_in_dim3A_70 = vector.broadcast %jit3A_69 : f32 to vector<256x2048xf32>
    %select_n3A_71 = arith.select %eq3A_62, %broadcast_in_dim3A_70, %select_n3A_57 : vector<256x2048xi1>, vector<256x2048xf32>
    %reduce_min3A_72 = arith.constant dense<0x7F800000> : vector<256xf32>
    %reduce_min3A_73 = vector.multi_reduction <minimumf>, %select_n3A_71, %reduce_min3A_72 [1] : vector<256x2048xf32> to vector<256xf32>
    %broadcast_in_dim3A_74 = vector.shape_cast %reduce_min3A_73 : vector<256xf32> to vector<256x1xf32>
    %eq3A_75 = vector.broadcast %broadcast_in_dim3A_74 : vector<256x1xf32> to vector<256x2048xf32>
    %eq3A_76 = arith.cmpf oeq, %select_n3A_71, %eq3A_75 : vector<256x2048xf32>
    %jit3A_77 = arith.constant 4.096000e+03 : f32
    %broadcast_in_dim3A_78 = vector.broadcast %jit3A_77 : f32 to vector<256x2048xf32>
    %select_n3A_79 = arith.select %eq3A_76, %convert_element_type3A, %broadcast_in_dim3A_78 : vector<256x2048xi1>, vector<256x2048xf32>
    %reduce_min3A_80 = arith.constant dense<0x7F800000> : vector<256xf32>
    %reduce_min3A_81 = vector.multi_reduction <minimumf>, %select_n3A_79, %reduce_min3A_80 [1] : vector<256x2048xf32> to vector<256xf32>
    %broadcast_in_dim3A_82 = vector.shape_cast %reduce_min3A_81 : vector<256xf32> to vector<256x1xf32>
    %jit3A_83 = arith.constant 0x7F800000 : f32
    %broadcast_in_dim3A_84 = vector.broadcast %jit3A_83 : f32 to vector<256x2048xf32>
    %select_n3A_85 = arith.select %eq3A_76, %broadcast_in_dim3A_84, %select_n3A_71 : vector<256x2048xi1>, vector<256x2048xf32>
    %reduce_min3A_86 = arith.constant dense<0x7F800000> : vector<256xf32>
    %reduce_min3A_87 = vector.multi_reduction <minimumf>, %select_n3A_85, %reduce_min3A_86 [1] : vector<256x2048xf32> to vector<256xf32>
    %broadcast_in_dim3A_88 = vector.shape_cast %reduce_min3A_87 : vector<256xf32> to vector<256x1xf32>
    %eq3A_89 = vector.broadcast %broadcast_in_dim3A_88 : vector<256x1xf32> to vector<256x2048xf32>
    %eq3A_90 = arith.cmpf oeq, %select_n3A_85, %eq3A_89 : vector<256x2048xf32>
    %jit3A_91 = arith.constant 4.096000e+03 : f32
    %broadcast_in_dim3A_92 = vector.broadcast %jit3A_91 : f32 to vector<256x2048xf32>
    %select_n3A_93 = arith.select %eq3A_90, %convert_element_type3A, %broadcast_in_dim3A_92 : vector<256x2048xi1>, vector<256x2048xf32>
    %reduce_min3A_94 = arith.constant dense<0x7F800000> : vector<256xf32>
    %reduce_min3A_95 = vector.multi_reduction <minimumf>, %select_n3A_93, %reduce_min3A_94 [1] : vector<256x2048xf32> to vector<256xf32>
    %broadcast_in_dim3A_96 = vector.shape_cast %reduce_min3A_95 : vector<256xf32> to vector<256x1xf32>
    %jit3A_97 = arith.constant 0x7F800000 : f32
    %broadcast_in_dim3A_98 = vector.broadcast %jit3A_97 : f32 to vector<256x2048xf32>
    %select_n3A_99 = arith.select %eq3A_90, %broadcast_in_dim3A_98, %select_n3A_85 : vector<256x2048xi1>, vector<256x2048xf32>
    %reduce_min3A_100 = arith.constant dense<0x7F800000> : vector<256xf32>
    %reduce_min3A_101 = vector.multi_reduction <minimumf>, %select_n3A_99, %reduce_min3A_100 [1] : vector<256x2048xf32> to vector<256xf32>
    %broadcast_in_dim3A_102 = vector.shape_cast %reduce_min3A_101 : vector<256xf32> to vector<256x1xf32>
    %eq3A_103 = vector.broadcast %broadcast_in_dim3A_102 : vector<256x1xf32> to vector<256x2048xf32>
    %eq3A_104 = arith.cmpf oeq, %select_n3A_99, %eq3A_103 : vector<256x2048xf32>
    %jit3A_105 = arith.constant 4.096000e+03 : f32
    %broadcast_in_dim3A_106 = vector.broadcast %jit3A_105 : f32 to vector<256x2048xf32>
    %select_n3A_107 = arith.select %eq3A_104, %convert_element_type3A, %broadcast_in_dim3A_106 : vector<256x2048xi1>, vector<256x2048xf32>
    %reduce_min3A_108 = arith.constant dense<0x7F800000> : vector<256xf32>
    %reduce_min3A_109 = vector.multi_reduction <minimumf>, %select_n3A_107, %reduce_min3A_108 [1] : vector<256x2048xf32> to vector<256xf32>
    %broadcast_in_dim3A_110 = vector.shape_cast %reduce_min3A_109 : vector<256xf32> to vector<256x1xf32>
    %jit3A_111 = arith.constant 0x7F800000 : f32
    %broadcast_in_dim3A_112 = vector.broadcast %jit3A_111 : f32 to vector<256x2048xf32>
    %select_n3A_113 = arith.select %eq3A_104, %broadcast_in_dim3A_112, %select_n3A_99 : vector<256x2048xi1>, vector<256x2048xf32>
    %reduce_min3A_114 = arith.constant dense<0x7F800000> : vector<256xf32>
    %reduce_min3A_115 = vector.multi_reduction <minimumf>, %select_n3A_113, %reduce_min3A_114 [1] : vector<256x2048xf32> to vector<256xf32>
    %broadcast_in_dim3A_116 = vector.shape_cast %reduce_min3A_115 : vector<256xf32> to vector<256x1xf32>
    %eq3A_117 = vector.broadcast %broadcast_in_dim3A_116 : vector<256x1xf32> to vector<256x2048xf32>
    %eq3A_118 = arith.cmpf oeq, %select_n3A_113, %eq3A_117 : vector<256x2048xf32>
    %jit3A_119 = arith.constant 4.096000e+03 : f32
    %broadcast_in_dim3A_120 = vector.broadcast %jit3A_119 : f32 to vector<256x2048xf32>
    %select_n3A_121 = arith.select %eq3A_118, %convert_element_type3A, %broadcast_in_dim3A_120 : vector<256x2048xi1>, vector<256x2048xf32>
    %reduce_min3A_122 = arith.constant dense<0x7F800000> : vector<256xf32>
    %reduce_min3A_123 = vector.multi_reduction <minimumf>, %select_n3A_121, %reduce_min3A_122 [1] : vector<256x2048xf32> to vector<256xf32>
    %broadcast_in_dim3A_124 = vector.shape_cast %reduce_min3A_123 : vector<256xf32> to vector<256x1xf32>
    %jit3A_125 = arith.constant 0x7F800000 : f32
    %broadcast_in_dim3A_126 = vector.broadcast %jit3A_125 : f32 to vector<256x2048xf32>
    %select_n3A_127 = arith.select %eq3A_118, %broadcast_in_dim3A_126, %select_n3A_113 : vector<256x2048xi1>, vector<256x2048xf32>
    %reduce_min3A_128 = arith.constant dense<0x7F800000> : vector<256xf32>
    %reduce_min3A_129 = vector.multi_reduction <minimumf>, %select_n3A_127, %reduce_min3A_128 [1] : vector<256x2048xf32> to vector<256xf32>
    %broadcast_in_dim3A_130 = vector.shape_cast %reduce_min3A_129 : vector<256xf32> to vector<256x1xf32>
    %eq3A_131 = vector.broadcast %broadcast_in_dim3A_130 : vector<256x1xf32> to vector<256x2048xf32>
    %eq3A_132 = arith.cmpf oeq, %select_n3A_127, %eq3A_131 : vector<256x2048xf32>
    %jit3A_133 = arith.constant 4.096000e+03 : f32
    %broadcast_in_dim3A_134 = vector.broadcast %jit3A_133 : f32 to vector<256x2048xf32>
    %select_n3A_135 = arith.select %eq3A_132, %convert_element_type3A, %broadcast_in_dim3A_134 : vector<256x2048xi1>, vector<256x2048xf32>
    %reduce_min3A_136 = arith.constant dense<0x7F800000> : vector<256xf32>
    %reduce_min3A_137 = vector.multi_reduction <minimumf>, %select_n3A_135, %reduce_min3A_136 [1] : vector<256x2048xf32> to vector<256xf32>
    %broadcast_in_dim3A_138 = vector.shape_cast %reduce_min3A_137 : vector<256xf32> to vector<256x1xf32>
    %jit3A_139 = arith.constant 0x7F800000 : f32
    %broadcast_in_dim3A_140 = vector.broadcast %jit3A_139 : f32 to vector<256x2048xf32>
    %select_n3A_141 = arith.select %eq3A_132, %broadcast_in_dim3A_140, %select_n3A_127 : vector<256x2048xi1>, vector<256x2048xf32>
    %reduce_min3A_142 = arith.constant dense<0x7F800000> : vector<256xf32>
    %reduce_min3A_143 = vector.multi_reduction <minimumf>, %select_n3A_141, %reduce_min3A_142 [1] : vector<256x2048xf32> to vector<256xf32>
    %broadcast_in_dim3A_144 = vector.shape_cast %reduce_min3A_143 : vector<256xf32> to vector<256x1xf32>
    %eq3A_145 = vector.broadcast %broadcast_in_dim3A_144 : vector<256x1xf32> to vector<256x2048xf32>
    %eq3A_146 = arith.cmpf oeq, %select_n3A_141, %eq3A_145 : vector<256x2048xf32>
    %jit3A_147 = arith.constant 4.096000e+03 : f32
    %broadcast_in_dim3A_148 = vector.broadcast %jit3A_147 : f32 to vector<256x2048xf32>
    %select_n3A_149 = arith.select %eq3A_146, %convert_element_type3A, %broadcast_in_dim3A_148 : vector<256x2048xi1>, vector<256x2048xf32>
    %reduce_min3A_150 = arith.constant dense<0x7F800000> : vector<256xf32>
    %reduce_min3A_151 = vector.multi_reduction <minimumf>, %select_n3A_149, %reduce_min3A_150 [1] : vector<256x2048xf32> to vector<256xf32>
    %broadcast_in_dim3A_152 = vector.shape_cast %reduce_min3A_151 : vector<256xf32> to vector<256x1xf32>
    %jit3A_153 = arith.constant 0x7F800000 : f32
    %broadcast_in_dim3A_154 = vector.broadcast %jit3A_153 : f32 to vector<256x2048xf32>
    %select_n3A_155 = arith.select %eq3A_146, %broadcast_in_dim3A_154, %select_n3A_141 : vector<256x2048xi1>, vector<256x2048xf32>
    %reduce_min3A_156 = arith.constant dense<0x7F800000> : vector<256xf32>
    %reduce_min3A_157 = vector.multi_reduction <minimumf>, %select_n3A_155, %reduce_min3A_156 [1] : vector<256x2048xf32> to vector<256xf32>
    %broadcast_in_dim3A_158 = vector.shape_cast %reduce_min3A_157 : vector<256xf32> to vector<256x1xf32>
    %eq3A_159 = vector.broadcast %broadcast_in_dim3A_158 : vector<256x1xf32> to vector<256x2048xf32>
    %eq3A_160 = arith.cmpf oeq, %select_n3A_155, %eq3A_159 : vector<256x2048xf32>
    %jit3A_161 = arith.constant 4.096000e+03 : f32
    %broadcast_in_dim3A_162 = vector.broadcast %jit3A_161 : f32 to vector<256x2048xf32>
    %select_n3A_163 = arith.select %eq3A_160, %convert_element_type3A, %broadcast_in_dim3A_162 : vector<256x2048xi1>, vector<256x2048xf32>
    %reduce_min3A_164 = arith.constant dense<0x7F800000> : vector<256xf32>
    %reduce_min3A_165 = vector.multi_reduction <minimumf>, %select_n3A_163, %reduce_min3A_164 [1] : vector<256x2048xf32> to vector<256xf32>
    %broadcast_in_dim3A_166 = vector.shape_cast %reduce_min3A_165 : vector<256xf32> to vector<256x1xf32>
    %jit3A_167 = arith.constant 0x7F800000 : f32
    %broadcast_in_dim3A_168 = vector.broadcast %jit3A_167 : f32 to vector<256x2048xf32>
    %select_n3A_169 = arith.select %eq3A_160, %broadcast_in_dim3A_168, %select_n3A_155 : vector<256x2048xi1>, vector<256x2048xf32>
    %reduce_min3A_170 = arith.constant dense<0x7F800000> : vector<256xf32>
    %reduce_min3A_171 = vector.multi_reduction <minimumf>, %select_n3A_169, %reduce_min3A_170 [1] : vector<256x2048xf32> to vector<256xf32>
    %broadcast_in_dim3A_172 = vector.shape_cast %reduce_min3A_171 : vector<256xf32> to vector<256x1xf32>
    %eq3A_173 = vector.broadcast %broadcast_in_dim3A_172 : vector<256x1xf32> to vector<256x2048xf32>
    %eq3A_174 = arith.cmpf oeq, %select_n3A_169, %eq3A_173 : vector<256x2048xf32>
    %jit3A_175 = arith.constant 4.096000e+03 : f32
    %broadcast_in_dim3A_176 = vector.broadcast %jit3A_175 : f32 to vector<256x2048xf32>
    %select_n3A_177 = arith.select %eq3A_174, %convert_element_type3A, %broadcast_in_dim3A_176 : vector<256x2048xi1>, vector<256x2048xf32>
    %reduce_min3A_178 = arith.constant dense<0x7F800000> : vector<256xf32>
    %reduce_min3A_179 = vector.multi_reduction <minimumf>, %select_n3A_177, %reduce_min3A_178 [1] : vector<256x2048xf32> to vector<256xf32>
    %broadcast_in_dim3A_180 = vector.shape_cast %reduce_min3A_179 : vector<256xf32> to vector<256x1xf32>
    %jit3A_181 = arith.constant 0x7F800000 : f32
    %broadcast_in_dim3A_182 = vector.broadcast %jit3A_181 : f32 to vector<256x2048xf32>
    %select_n3A_183 = arith.select %eq3A_174, %broadcast_in_dim3A_182, %select_n3A_169 : vector<256x2048xi1>, vector<256x2048xf32>
    %reduce_min3A_184 = arith.constant dense<0x7F800000> : vector<256xf32>
    %reduce_min3A_185 = vector.multi_reduction <minimumf>, %select_n3A_183, %reduce_min3A_184 [1] : vector<256x2048xf32> to vector<256xf32>
    %broadcast_in_dim3A_186 = vector.shape_cast %reduce_min3A_185 : vector<256xf32> to vector<256x1xf32>
    %eq3A_187 = vector.broadcast %broadcast_in_dim3A_186 : vector<256x1xf32> to vector<256x2048xf32>
    %eq3A_188 = arith.cmpf oeq, %select_n3A_183, %eq3A_187 : vector<256x2048xf32>
    %jit3A_189 = arith.constant 4.096000e+03 : f32
    %broadcast_in_dim3A_190 = vector.broadcast %jit3A_189 : f32 to vector<256x2048xf32>
    %select_n3A_191 = arith.select %eq3A_188, %convert_element_type3A, %broadcast_in_dim3A_190 : vector<256x2048xi1>, vector<256x2048xf32>
    %reduce_min3A_192 = arith.constant dense<0x7F800000> : vector<256xf32>
    %reduce_min3A_193 = vector.multi_reduction <minimumf>, %select_n3A_191, %reduce_min3A_192 [1] : vector<256x2048xf32> to vector<256xf32>
    %broadcast_in_dim3A_194 = vector.shape_cast %reduce_min3A_193 : vector<256xf32> to vector<256x1xf32>
    %jit3A_195 = arith.constant 0x7F800000 : f32
    %broadcast_in_dim3A_196 = vector.broadcast %jit3A_195 : f32 to vector<256x2048xf32>
    %select_n3A_197 = arith.select %eq3A_188, %broadcast_in_dim3A_196, %select_n3A_183 : vector<256x2048xi1>, vector<256x2048xf32>
    %reduce_min3A_198 = arith.constant dense<0x7F800000> : vector<256xf32>
    %reduce_min3A_199 = vector.multi_reduction <minimumf>, %select_n3A_197, %reduce_min3A_198 [1] : vector<256x2048xf32> to vector<256xf32>
    %broadcast_in_dim3A_200 = vector.shape_cast %reduce_min3A_199 : vector<256xf32> to vector<256x1xf32>
    %eq3A_201 = vector.broadcast %broadcast_in_dim3A_200 : vector<256x1xf32> to vector<256x2048xf32>
    %eq3A_202 = arith.cmpf oeq, %select_n3A_197, %eq3A_201 : vector<256x2048xf32>
    %jit3A_203 = arith.constant 4.096000e+03 : f32
    %broadcast_in_dim3A_204 = vector.broadcast %jit3A_203 : f32 to vector<256x2048xf32>
    %select_n3A_205 = arith.select %eq3A_202, %convert_element_type3A, %broadcast_in_dim3A_204 : vector<256x2048xi1>, vector<256x2048xf32>
    %reduce_min3A_206 = arith.constant dense<0x7F800000> : vector<256xf32>
    %reduce_min3A_207 = vector.multi_reduction <minimumf>, %select_n3A_205, %reduce_min3A_206 [1] : vector<256x2048xf32> to vector<256xf32>
    %broadcast_in_dim3A_208 = vector.shape_cast %reduce_min3A_207 : vector<256xf32> to vector<256x1xf32>
    %jit3A_209 = arith.constant 0x7F800000 : f32
    %broadcast_in_dim3A_210 = vector.broadcast %jit3A_209 : f32 to vector<256x2048xf32>
    %select_n3A_211 = arith.select %eq3A_202, %broadcast_in_dim3A_210, %select_n3A_197 : vector<256x2048xi1>, vector<256x2048xf32>
    %reduce_min3A_212 = arith.constant dense<0x7F800000> : vector<256xf32>
    %reduce_min3A_213 = vector.multi_reduction <minimumf>, %select_n3A_211, %reduce_min3A_212 [1] : vector<256x2048xf32> to vector<256xf32>
    %broadcast_in_dim3A_214 = vector.shape_cast %reduce_min3A_213 : vector<256xf32> to vector<256x1xf32>
    %eq3A_215 = vector.broadcast %broadcast_in_dim3A_214 : vector<256x1xf32> to vector<256x2048xf32>
    %eq3A_216 = arith.cmpf oeq, %select_n3A_211, %eq3A_215 : vector<256x2048xf32>
    %jit3A_217 = arith.constant 4.096000e+03 : f32
    %broadcast_in_dim3A_218 = vector.broadcast %jit3A_217 : f32 to vector<256x2048xf32>
    %select_n3A_219 = arith.select %eq3A_216, %convert_element_type3A, %broadcast_in_dim3A_218 : vector<256x2048xi1>, vector<256x2048xf32>
    %reduce_min3A_220 = arith.constant dense<0x7F800000> : vector<256xf32>
    %reduce_min3A_221 = vector.multi_reduction <minimumf>, %select_n3A_219, %reduce_min3A_220 [1] : vector<256x2048xf32> to vector<256xf32>
    %broadcast_in_dim3A_222 = vector.shape_cast %reduce_min3A_221 : vector<256xf32> to vector<256x1xf32>
    %jit3A_223 = arith.constant 0x7F800000 : f32
    %broadcast_in_dim3A_224 = vector.broadcast %jit3A_223 : f32 to vector<256x2048xf32>
    %select_n3A_225 = arith.select %eq3A_216, %broadcast_in_dim3A_224, %select_n3A_211 : vector<256x2048xi1>, vector<256x2048xf32>
    %reduce_min3A_226 = arith.constant dense<0x7F800000> : vector<256xf32>
    %reduce_min3A_227 = vector.multi_reduction <minimumf>, %select_n3A_225, %reduce_min3A_226 [1] : vector<256x2048xf32> to vector<256xf32>
    %broadcast_in_dim3A_228 = vector.shape_cast %reduce_min3A_227 : vector<256xf32> to vector<256x1xf32>
    %eq3A_229 = vector.broadcast %broadcast_in_dim3A_228 : vector<256x1xf32> to vector<256x2048xf32>
    %eq3A_230 = arith.cmpf oeq, %select_n3A_225, %eq3A_229 : vector<256x2048xf32>
    %jit3A_231 = arith.constant 4.096000e+03 : f32
    %broadcast_in_dim3A_232 = vector.broadcast %jit3A_231 : f32 to vector<256x2048xf32>
    %select_n3A_233 = arith.select %eq3A_230, %convert_element_type3A, %broadcast_in_dim3A_232 : vector<256x2048xi1>, vector<256x2048xf32>
    %reduce_min3A_234 = arith.constant dense<0x7F800000> : vector<256xf32>
    %reduce_min3A_235 = vector.multi_reduction <minimumf>, %select_n3A_233, %reduce_min3A_234 [1] : vector<256x2048xf32> to vector<256xf32>
    %broadcast_in_dim3A_236 = vector.shape_cast %reduce_min3A_235 : vector<256xf32> to vector<256x1xf32>
    %jit3A_237 = arith.constant 0x7F800000 : f32
    %broadcast_in_dim3A_238 = vector.broadcast %jit3A_237 : f32 to vector<256x2048xf32>
    %select_n3A_239 = arith.select %eq3A_230, %broadcast_in_dim3A_238, %select_n3A_225 : vector<256x2048xi1>, vector<256x2048xf32>
    %reduce_min3A_240 = arith.constant dense<0x7F800000> : vector<256xf32>
    %reduce_min3A_241 = vector.multi_reduction <minimumf>, %select_n3A_239, %reduce_min3A_240 [1] : vector<256x2048xf32> to vector<256xf32>
    %broadcast_in_dim3A_242 = vector.shape_cast %reduce_min3A_241 : vector<256xf32> to vector<256x1xf32>
    %eq3A_243 = vector.broadcast %broadcast_in_dim3A_242 : vector<256x1xf32> to vector<256x2048xf32>
    %eq3A_244 = arith.cmpf oeq, %select_n3A_239, %eq3A_243 : vector<256x2048xf32>
    %jit3A_245 = arith.constant 4.096000e+03 : f32
    %broadcast_in_dim3A_246 = vector.broadcast %jit3A_245 : f32 to vector<256x2048xf32>
    %select_n3A_247 = arith.select %eq3A_244, %convert_element_type3A, %broadcast_in_dim3A_246 : vector<256x2048xi1>, vector<256x2048xf32>
    %reduce_min3A_248 = arith.constant dense<0x7F800000> : vector<256xf32>
    %reduce_min3A_249 = vector.multi_reduction <minimumf>, %select_n3A_247, %reduce_min3A_248 [1] : vector<256x2048xf32> to vector<256xf32>
    %broadcast_in_dim3A_250 = vector.shape_cast %reduce_min3A_249 : vector<256xf32> to vector<256x1xf32>
    %jit3A_251 = arith.constant 0x7F800000 : f32
    %broadcast_in_dim3A_252 = vector.broadcast %jit3A_251 : f32 to vector<256x2048xf32>
    %select_n3A_253 = arith.select %eq3A_244, %broadcast_in_dim3A_252, %select_n3A_239 : vector<256x2048xi1>, vector<256x2048xf32>
    %reduce_min3A_254 = arith.constant dense<0x7F800000> : vector<256xf32>
    %reduce_min3A_255 = vector.multi_reduction <minimumf>, %select_n3A_253, %reduce_min3A_254 [1] : vector<256x2048xf32> to vector<256xf32>
    %broadcast_in_dim3A_256 = vector.shape_cast %reduce_min3A_255 : vector<256xf32> to vector<256x1xf32>
    %eq3A_257 = vector.broadcast %broadcast_in_dim3A_256 : vector<256x1xf32> to vector<256x2048xf32>
    %eq3A_258 = arith.cmpf oeq, %select_n3A_253, %eq3A_257 : vector<256x2048xf32>
    %jit3A_259 = arith.constant 4.096000e+03 : f32
    %broadcast_in_dim3A_260 = vector.broadcast %jit3A_259 : f32 to vector<256x2048xf32>
    %select_n3A_261 = arith.select %eq3A_258, %convert_element_type3A, %broadcast_in_dim3A_260 : vector<256x2048xi1>, vector<256x2048xf32>
    %reduce_min3A_262 = arith.constant dense<0x7F800000> : vector<256xf32>
    %reduce_min3A_263 = vector.multi_reduction <minimumf>, %select_n3A_261, %reduce_min3A_262 [1] : vector<256x2048xf32> to vector<256xf32>
    %broadcast_in_dim3A_264 = vector.shape_cast %reduce_min3A_263 : vector<256xf32> to vector<256x1xf32>
    %jit3A_265 = arith.constant 0x7F800000 : f32
    %broadcast_in_dim3A_266 = vector.broadcast %jit3A_265 : f32 to vector<256x2048xf32>
    %select_n3A_267 = arith.select %eq3A_258, %broadcast_in_dim3A_266, %select_n3A_253 : vector<256x2048xi1>, vector<256x2048xf32>
    %reduce_min3A_268 = arith.constant dense<0x7F800000> : vector<256xf32>
    %reduce_min3A_269 = vector.multi_reduction <minimumf>, %select_n3A_267, %reduce_min3A_268 [1] : vector<256x2048xf32> to vector<256xf32>
    %broadcast_in_dim3A_270 = vector.shape_cast %reduce_min3A_269 : vector<256xf32> to vector<256x1xf32>
    %eq3A_271 = vector.broadcast %broadcast_in_dim3A_270 : vector<256x1xf32> to vector<256x2048xf32>
    %eq3A_272 = arith.cmpf oeq, %select_n3A_267, %eq3A_271 : vector<256x2048xf32>
    %jit3A_273 = arith.constant 4.096000e+03 : f32
    %broadcast_in_dim3A_274 = vector.broadcast %jit3A_273 : f32 to vector<256x2048xf32>
    %select_n3A_275 = arith.select %eq3A_272, %convert_element_type3A, %broadcast_in_dim3A_274 : vector<256x2048xi1>, vector<256x2048xf32>
    %reduce_min3A_276 = arith.constant dense<0x7F800000> : vector<256xf32>
    %reduce_min3A_277 = vector.multi_reduction <minimumf>, %select_n3A_275, %reduce_min3A_276 [1] : vector<256x2048xf32> to vector<256xf32>
    %broadcast_in_dim3A_278 = vector.shape_cast %reduce_min3A_277 : vector<256xf32> to vector<256x1xf32>
    %jit3A_279 = arith.constant 0x7F800000 : f32
    %broadcast_in_dim3A_280 = vector.broadcast %jit3A_279 : f32 to vector<256x2048xf32>
    %select_n3A_281 = arith.select %eq3A_272, %broadcast_in_dim3A_280, %select_n3A_267 : vector<256x2048xi1>, vector<256x2048xf32>
    %reduce_min3A_282 = arith.constant dense<0x7F800000> : vector<256xf32>
    %reduce_min3A_283 = vector.multi_reduction <minimumf>, %select_n3A_281, %reduce_min3A_282 [1] : vector<256x2048xf32> to vector<256xf32>
    %broadcast_in_dim3A_284 = vector.shape_cast %reduce_min3A_283 : vector<256xf32> to vector<256x1xf32>
    %eq3A_285 = vector.broadcast %broadcast_in_dim3A_284 : vector<256x1xf32> to vector<256x2048xf32>
    %eq3A_286 = arith.cmpf oeq, %select_n3A_281, %eq3A_285 : vector<256x2048xf32>
    %jit3A_287 = arith.constant 4.096000e+03 : f32
    %broadcast_in_dim3A_288 = vector.broadcast %jit3A_287 : f32 to vector<256x2048xf32>
    %select_n3A_289 = arith.select %eq3A_286, %convert_element_type3A, %broadcast_in_dim3A_288 : vector<256x2048xi1>, vector<256x2048xf32>
    %reduce_min3A_290 = arith.constant dense<0x7F800000> : vector<256xf32>
    %reduce_min3A_291 = vector.multi_reduction <minimumf>, %select_n3A_289, %reduce_min3A_290 [1] : vector<256x2048xf32> to vector<256xf32>
    %broadcast_in_dim3A_292 = vector.shape_cast %reduce_min3A_291 : vector<256xf32> to vector<256x1xf32>
    %concatenate3A = tpu.concatenate %broadcast_in_dim3A_26, %broadcast_in_dim3A_40, %broadcast_in_dim3A_54, %broadcast_in_dim3A_68, %broadcast_in_dim3A_82, %broadcast_in_dim3A_96, %broadcast_in_dim3A_110, %broadcast_in_dim3A_124, %broadcast_in_dim3A_138, %broadcast_in_dim3A_152, %broadcast_in_dim3A_166, %broadcast_in_dim3A_180, %broadcast_in_dim3A_194, %broadcast_in_dim3A_208, %broadcast_in_dim3A_222, %broadcast_in_dim3A_236, %broadcast_in_dim3A_250, %broadcast_in_dim3A_264, %broadcast_in_dim3A_278, %broadcast_in_dim3A_292 in 1 : vector<256x1xf32>, vector<256x1xf32>, vector<256x1xf32>, vector<256x1xf32>, vector<256x1xf32>, vector<256x1xf32>, vector<256x1xf32>, vector<256x1xf32>, vector<256x1xf32>, vector<256x1xf32>, vector<256x1xf32>, vector<256x1xf32>, vector<256x1xf32>, vector<256x1xf32>, vector<256x1xf32>, vector<256x1xf32>, vector<256x1xf32>, vector<256x1xf32>, vector<256x1xf32>, vector<256x1xf32> -> vector<256x20xf32>
    %convert_element_type3A_293 = arith.fptosi %concatenate3A : vector<256x20xf32> to vector<256x20xi32>
    %mul3A_294 = arith.constant 2048 : i32
    %mul3A_295 = arith.muli %arg0, %mul3A_294 : i32
    %add3A_296 = vector.broadcast %mul3A_295 : i32 to vector<256x20xi32>
    %add3A_297 = arith.addi %convert_element_type3A_293, %add3A_296 : vector<256x20xi32>
    %swap3A = arith.constant 0 : index
    %swap3A_298 = arith.constant 0 : index
    %swap3A_299 = arith.constant 0 : index
    %swap3A_300 = vector.load %arg4[%swap3A, %swap3A_298, %swap3A_299] : memref<1x256x20xi32, #tpu.memory_space<vmem>>, vector<1x256x20xi32>
    %swap3A_301 = vector.shape_cast %swap3A_300 : vector<1x256x20xi32> to vector<256x20xi32>
    %swap3A_302 = vector.shape_cast %add3A_297 : vector<256x20xi32> to vector<1x256x20xi32>
    tpu.vector_store %arg4[%swap3A, %swap3A_298, %swap3A_299], %swap3A_302 {strides = array<i32>} : memref<1x256x20xi32, #tpu.memory_space<vmem>>, vector<1x256x20xi32>,
    return
  }
  func.func @transform_0(%arg0: i32, %arg1: i32) -> (i32, i32, i32) {
    %c0_i32 = arith.constant 0 : i32
    %c0_i32_0 = arith.constant 0 : i32
    return %arg0, %arg1, %c0_i32 : i32, i32, i32
  }
  func.func @transform_1(%arg0: i32, %arg1: i32) -> (i32, i32, i32) {
    %c0_i32 = arith.constant 0 : i32
    %c0_i32_0 = arith.constant 0 : i32
    %c0_i32_1 = arith.constant 0 : i32
    return %arg0, %c0_i32, %c0_i32_0 : i32, i32, i32
  }
  func.func @transform_2(%arg0: i32, %arg1: i32) -> (i32, i32, i32) {
    %c0_i32 = arith.constant 0 : i32
    %c0_i32_0 = arith.constant 0 : i32
    return %arg0, %arg1, %c0_i32 : i32, i32, i32
  }
}

module attributes {stable_mosaic.version = 14 : i64} {
  func.func @_edge_mlp_body(%arg0: i32, %arg1: memref<128x128xf32, #tpu.memory_space<vmem>>, %arg2: memref<20x128x128xf32, #tpu.memory_space<vmem>>, %arg3: memref<128x128xf32, #tpu.memory_space<vmem>>, %arg4: memref<1x128xf32, #tpu.memory_space<vmem>>, %arg5: memref<128x128xf32, #tpu.memory_space<vmem>>) attributes {dimension_semantics = [#tpu.dimension_semantics<arbitrary>], iteration_bounds = array<i64: 64>, scalar_prefetch = 0 : i64, scratch_operands = 0 : i64, tpu.core_type = #tpu.core_type<tc>, window_params = [{transform_indices = @transform_0, window_bounds = array<i64: 128, 128>}, {transform_indices = @transform_1, window_bounds = array<i64: 20, 128, 128>}, {pipeline_mode = #tpu.pipeline_mode<synchronous>, transform_indices = @transform_2, window_bounds = array<i64: 128, 128>}, {pipeline_mode = #tpu.pipeline_mode<synchronous>, transform_indices = @transform_3, window_bounds = array<i64: 1, 128>}, {transform_indices = @transform_4, window_bounds = array<i64: 128, 128>}]} {
    %get3A = arith.constant 0 : index
    %get3A_0 = arith.constant 0 : index
    %get3A_1 = vector.load %arg1[%get3A, %get3A_0] : memref<128x128xf32, #tpu.memory_space<vmem>>, vector<128x64xf32>
    %get3A_2 = arith.constant 0 : index
    %get3A_3 = arith.constant 0 : index
    %get3A_4 = arith.constant 0 : index
    %get3A_5 = vector.load %arg2[%get3A_2, %get3A_3, %get3A_4] : memref<20x128x128xf32, #tpu.memory_space<vmem>>, vector<1x128x128xf32>
    %get3A_6 = vector.shape_cast %get3A_5 : vector<1x128x128xf32> to vector<128x128xf32>
    %slice3A = vector.extract_strided_slice %get3A_6 {offsets = [0, 0], sizes = [128, 64], strides = [1, 1]} : vector<128x128xf32> to vector<128x64xf32>
    %sub3A = arith.subf %slice3A, %get3A_1 : vector<128x64xf32>
    %get3A_7 = arith.constant 1 : index
    %get3A_8 = arith.constant 0 : index
    %get3A_9 = arith.constant 0 : index
    %get3A_10 = vector.load %arg2[%get3A_7, %get3A_8, %get3A_9] : memref<20x128x128xf32, #tpu.memory_space<vmem>>, vector<1x128x128xf32>
    %get3A_11 = vector.shape_cast %get3A_10 : vector<1x128x128xf32> to vector<128x128xf32>
    %slice3A_12 = vector.extract_strided_slice %get3A_11 {offsets = [0, 0], sizes = [128, 64], strides = [1, 1]} : vector<128x128xf32> to vector<128x64xf32>
    %sub3A_13 = arith.subf %slice3A_12, %get3A_1 : vector<128x64xf32>
    %get3A_14 = arith.constant 2 : index
    %get3A_15 = arith.constant 0 : index
    %get3A_16 = arith.constant 0 : index
    %get3A_17 = vector.load %arg2[%get3A_14, %get3A_15, %get3A_16] : memref<20x128x128xf32, #tpu.memory_space<vmem>>, vector<1x128x128xf32>
    %get3A_18 = vector.shape_cast %get3A_17 : vector<1x128x128xf32> to vector<128x128xf32>
    %slice3A_19 = vector.extract_strided_slice %get3A_18 {offsets = [0, 0], sizes = [128, 64], strides = [1, 1]} : vector<128x128xf32> to vector<128x64xf32>
    %sub3A_20 = arith.subf %slice3A_19, %get3A_1 : vector<128x64xf32>
    %get3A_21 = arith.constant 3 : index
    %get3A_22 = arith.constant 0 : index
    %get3A_23 = arith.constant 0 : index
    %get3A_24 = vector.load %arg2[%get3A_21, %get3A_22, %get3A_23] : memref<20x128x128xf32, #tpu.memory_space<vmem>>, vector<1x128x128xf32>
    %get3A_25 = vector.shape_cast %get3A_24 : vector<1x128x128xf32> to vector<128x128xf32>
    %slice3A_26 = vector.extract_strided_slice %get3A_25 {offsets = [0, 0], sizes = [128, 64], strides = [1, 1]} : vector<128x128xf32> to vector<128x64xf32>
    %sub3A_27 = arith.subf %slice3A_26, %get3A_1 : vector<128x64xf32>
    %get3A_28 = arith.constant 4 : index
    %get3A_29 = arith.constant 0 : index
    %get3A_30 = arith.constant 0 : index
    %get3A_31 = vector.load %arg2[%get3A_28, %get3A_29, %get3A_30] : memref<20x128x128xf32, #tpu.memory_space<vmem>>, vector<1x128x128xf32>
    %get3A_32 = vector.shape_cast %get3A_31 : vector<1x128x128xf32> to vector<128x128xf32>
    %slice3A_33 = vector.extract_strided_slice %get3A_32 {offsets = [0, 0], sizes = [128, 64], strides = [1, 1]} : vector<128x128xf32> to vector<128x64xf32>
    %sub3A_34 = arith.subf %slice3A_33, %get3A_1 : vector<128x64xf32>
    %get3A_35 = arith.constant 5 : index
    %get3A_36 = arith.constant 0 : index
    %get3A_37 = arith.constant 0 : index
    %get3A_38 = vector.load %arg2[%get3A_35, %get3A_36, %get3A_37] : memref<20x128x128xf32, #tpu.memory_space<vmem>>, vector<1x128x128xf32>
    %get3A_39 = vector.shape_cast %get3A_38 : vector<1x128x128xf32> to vector<128x128xf32>
    %slice3A_40 = vector.extract_strided_slice %get3A_39 {offsets = [0, 0], sizes = [128, 64], strides = [1, 1]} : vector<128x128xf32> to vector<128x64xf32>
    %sub3A_41 = arith.subf %slice3A_40, %get3A_1 : vector<128x64xf32>
    %get3A_42 = arith.constant 6 : index
    %get3A_43 = arith.constant 0 : index
    %get3A_44 = arith.constant 0 : index
    %get3A_45 = vector.load %arg2[%get3A_42, %get3A_43, %get3A_44] : memref<20x128x128xf32, #tpu.memory_space<vmem>>, vector<1x128x128xf32>
    %get3A_46 = vector.shape_cast %get3A_45 : vector<1x128x128xf32> to vector<128x128xf32>
    %slice3A_47 = vector.extract_strided_slice %get3A_46 {offsets = [0, 0], sizes = [128, 64], strides = [1, 1]} : vector<128x128xf32> to vector<128x64xf32>
    %sub3A_48 = arith.subf %slice3A_47, %get3A_1 : vector<128x64xf32>
    %get3A_49 = arith.constant 7 : index
    %get3A_50 = arith.constant 0 : index
    %get3A_51 = arith.constant 0 : index
    %get3A_52 = vector.load %arg2[%get3A_49, %get3A_50, %get3A_51] : memref<20x128x128xf32, #tpu.memory_space<vmem>>, vector<1x128x128xf32>
    %get3A_53 = vector.shape_cast %get3A_52 : vector<1x128x128xf32> to vector<128x128xf32>
    %slice3A_54 = vector.extract_strided_slice %get3A_53 {offsets = [0, 0], sizes = [128, 64], strides = [1, 1]} : vector<128x128xf32> to vector<128x64xf32>
    %sub3A_55 = arith.subf %slice3A_54, %get3A_1 : vector<128x64xf32>
    %get3A_56 = arith.constant 8 : index
    %get3A_57 = arith.constant 0 : index
    %get3A_58 = arith.constant 0 : index
    %get3A_59 = vector.load %arg2[%get3A_56, %get3A_57, %get3A_58] : memref<20x128x128xf32, #tpu.memory_space<vmem>>, vector<1x128x128xf32>
    %get3A_60 = vector.shape_cast %get3A_59 : vector<1x128x128xf32> to vector<128x128xf32>
    %slice3A_61 = vector.extract_strided_slice %get3A_60 {offsets = [0, 0], sizes = [128, 64], strides = [1, 1]} : vector<128x128xf32> to vector<128x64xf32>
    %sub3A_62 = arith.subf %slice3A_61, %get3A_1 : vector<128x64xf32>
    %get3A_63 = arith.constant 9 : index
    %get3A_64 = arith.constant 0 : index
    %get3A_65 = arith.constant 0 : index
    %get3A_66 = vector.load %arg2[%get3A_63, %get3A_64, %get3A_65] : memref<20x128x128xf32, #tpu.memory_space<vmem>>, vector<1x128x128xf32>
    %get3A_67 = vector.shape_cast %get3A_66 : vector<1x128x128xf32> to vector<128x128xf32>
    %slice3A_68 = vector.extract_strided_slice %get3A_67 {offsets = [0, 0], sizes = [128, 64], strides = [1, 1]} : vector<128x128xf32> to vector<128x64xf32>
    %sub3A_69 = arith.subf %slice3A_68, %get3A_1 : vector<128x64xf32>
    %get3A_70 = arith.constant 10 : index
    %get3A_71 = arith.constant 0 : index
    %get3A_72 = arith.constant 0 : index
    %get3A_73 = vector.load %arg2[%get3A_70, %get3A_71, %get3A_72] : memref<20x128x128xf32, #tpu.memory_space<vmem>>, vector<1x128x128xf32>
    %get3A_74 = vector.shape_cast %get3A_73 : vector<1x128x128xf32> to vector<128x128xf32>
    %slice3A_75 = vector.extract_strided_slice %get3A_74 {offsets = [0, 0], sizes = [128, 64], strides = [1, 1]} : vector<128x128xf32> to vector<128x64xf32>
    %sub3A_76 = arith.subf %slice3A_75, %get3A_1 : vector<128x64xf32>
    %get3A_77 = arith.constant 11 : index
    %get3A_78 = arith.constant 0 : index
    %get3A_79 = arith.constant 0 : index
    %get3A_80 = vector.load %arg2[%get3A_77, %get3A_78, %get3A_79] : memref<20x128x128xf32, #tpu.memory_space<vmem>>, vector<1x128x128xf32>
    %get3A_81 = vector.shape_cast %get3A_80 : vector<1x128x128xf32> to vector<128x128xf32>
    %slice3A_82 = vector.extract_strided_slice %get3A_81 {offsets = [0, 0], sizes = [128, 64], strides = [1, 1]} : vector<128x128xf32> to vector<128x64xf32>
    %sub3A_83 = arith.subf %slice3A_82, %get3A_1 : vector<128x64xf32>
    %get3A_84 = arith.constant 12 : index
    %get3A_85 = arith.constant 0 : index
    %get3A_86 = arith.constant 0 : index
    %get3A_87 = vector.load %arg2[%get3A_84, %get3A_85, %get3A_86] : memref<20x128x128xf32, #tpu.memory_space<vmem>>, vector<1x128x128xf32>
    %get3A_88 = vector.shape_cast %get3A_87 : vector<1x128x128xf32> to vector<128x128xf32>
    %slice3A_89 = vector.extract_strided_slice %get3A_88 {offsets = [0, 0], sizes = [128, 64], strides = [1, 1]} : vector<128x128xf32> to vector<128x64xf32>
    %sub3A_90 = arith.subf %slice3A_89, %get3A_1 : vector<128x64xf32>
    %get3A_91 = arith.constant 13 : index
    %get3A_92 = arith.constant 0 : index
    %get3A_93 = arith.constant 0 : index
    %get3A_94 = vector.load %arg2[%get3A_91, %get3A_92, %get3A_93] : memref<20x128x128xf32, #tpu.memory_space<vmem>>, vector<1x128x128xf32>
    %get3A_95 = vector.shape_cast %get3A_94 : vector<1x128x128xf32> to vector<128x128xf32>
    %slice3A_96 = vector.extract_strided_slice %get3A_95 {offsets = [0, 0], sizes = [128, 64], strides = [1, 1]} : vector<128x128xf32> to vector<128x64xf32>
    %sub3A_97 = arith.subf %slice3A_96, %get3A_1 : vector<128x64xf32>
    %get3A_98 = arith.constant 14 : index
    %get3A_99 = arith.constant 0 : index
    %get3A_100 = arith.constant 0 : index
    %get3A_101 = vector.load %arg2[%get3A_98, %get3A_99, %get3A_100] : memref<20x128x128xf32, #tpu.memory_space<vmem>>, vector<1x128x128xf32>
    %get3A_102 = vector.shape_cast %get3A_101 : vector<1x128x128xf32> to vector<128x128xf32>
    %slice3A_103 = vector.extract_strided_slice %get3A_102 {offsets = [0, 0], sizes = [128, 64], strides = [1, 1]} : vector<128x128xf32> to vector<128x64xf32>
    %sub3A_104 = arith.subf %slice3A_103, %get3A_1 : vector<128x64xf32>
    %get3A_105 = arith.constant 15 : index
    %get3A_106 = arith.constant 0 : index
    %get3A_107 = arith.constant 0 : index
    %get3A_108 = vector.load %arg2[%get3A_105, %get3A_106, %get3A_107] : memref<20x128x128xf32, #tpu.memory_space<vmem>>, vector<1x128x128xf32>
    %get3A_109 = vector.shape_cast %get3A_108 : vector<1x128x128xf32> to vector<128x128xf32>
    %slice3A_110 = vector.extract_strided_slice %get3A_109 {offsets = [0, 0], sizes = [128, 64], strides = [1, 1]} : vector<128x128xf32> to vector<128x64xf32>
    %sub3A_111 = arith.subf %slice3A_110, %get3A_1 : vector<128x64xf32>
    %get3A_112 = arith.constant 16 : index
    %get3A_113 = arith.constant 0 : index
    %get3A_114 = arith.constant 0 : index
    %get3A_115 = vector.load %arg2[%get3A_112, %get3A_113, %get3A_114] : memref<20x128x128xf32, #tpu.memory_space<vmem>>, vector<1x128x128xf32>
    %get3A_116 = vector.shape_cast %get3A_115 : vector<1x128x128xf32> to vector<128x128xf32>
    %slice3A_117 = vector.extract_strided_slice %get3A_116 {offsets = [0, 0], sizes = [128, 64], strides = [1, 1]} : vector<128x128xf32> to vector<128x64xf32>
    %sub3A_118 = arith.subf %slice3A_117, %get3A_1 : vector<128x64xf32>
    %get3A_119 = arith.constant 17 : index
    %get3A_120 = arith.constant 0 : index
    %get3A_121 = arith.constant 0 : index
    %get3A_122 = vector.load %arg2[%get3A_119, %get3A_120, %get3A_121] : memref<20x128x128xf32, #tpu.memory_space<vmem>>, vector<1x128x128xf32>
    %get3A_123 = vector.shape_cast %get3A_122 : vector<1x128x128xf32> to vector<128x128xf32>
    %slice3A_124 = vector.extract_strided_slice %get3A_123 {offsets = [0, 0], sizes = [128, 64], strides = [1, 1]} : vector<128x128xf32> to vector<128x64xf32>
    %sub3A_125 = arith.subf %slice3A_124, %get3A_1 : vector<128x64xf32>
    %get3A_126 = arith.constant 18 : index
    %get3A_127 = arith.constant 0 : index
    %get3A_128 = arith.constant 0 : index
    %get3A_129 = vector.load %arg2[%get3A_126, %get3A_127, %get3A_128] : memref<20x128x128xf32, #tpu.memory_space<vmem>>, vector<1x128x128xf32>
    %get3A_130 = vector.shape_cast %get3A_129 : vector<1x128x128xf32> to vector<128x128xf32>
    %slice3A_131 = vector.extract_strided_slice %get3A_130 {offsets = [0, 0], sizes = [128, 64], strides = [1, 1]} : vector<128x128xf32> to vector<128x64xf32>
    %sub3A_132 = arith.subf %slice3A_131, %get3A_1 : vector<128x64xf32>
    %get3A_133 = arith.constant 19 : index
    %get3A_134 = arith.constant 0 : index
    %get3A_135 = arith.constant 0 : index
    %get3A_136 = vector.load %arg2[%get3A_133, %get3A_134, %get3A_135] : memref<20x128x128xf32, #tpu.memory_space<vmem>>, vector<1x128x128xf32>
    %get3A_137 = vector.shape_cast %get3A_136 : vector<1x128x128xf32> to vector<128x128xf32>
    %slice3A_138 = vector.extract_strided_slice %get3A_137 {offsets = [0, 0], sizes = [128, 64], strides = [1, 1]} : vector<128x128xf32> to vector<128x64xf32>
    %sub3A_139 = arith.subf %slice3A_138, %get3A_1 : vector<128x64xf32>
    %concatenate3A = tpu.concatenate %get3A_1, %sub3A in 1 : vector<128x64xf32>, vector<128x64xf32> -> vector<128x128xf32>
    %concatenate3A_140 = tpu.concatenate %get3A_1, %sub3A_13 in 1 : vector<128x64xf32>, vector<128x64xf32> -> vector<128x128xf32>
    %concatenate3A_141 = tpu.concatenate %get3A_1, %sub3A_20 in 1 : vector<128x64xf32>, vector<128x64xf32> -> vector<128x128xf32>
    %concatenate3A_142 = tpu.concatenate %get3A_1, %sub3A_27 in 1 : vector<128x64xf32>, vector<128x64xf32> -> vector<128x128xf32>
    %concatenate3A_143 = tpu.concatenate %get3A_1, %sub3A_34 in 1 : vector<128x64xf32>, vector<128x64xf32> -> vector<128x128xf32>
    %concatenate3A_144 = tpu.concatenate %get3A_1, %sub3A_41 in 1 : vector<128x64xf32>, vector<128x64xf32> -> vector<128x128xf32>
    %concatenate3A_145 = tpu.concatenate %get3A_1, %sub3A_48 in 1 : vector<128x64xf32>, vector<128x64xf32> -> vector<128x128xf32>
    %concatenate3A_146 = tpu.concatenate %get3A_1, %sub3A_55 in 1 : vector<128x64xf32>, vector<128x64xf32> -> vector<128x128xf32>
    %concatenate3A_147 = tpu.concatenate %get3A_1, %sub3A_62 in 1 : vector<128x64xf32>, vector<128x64xf32> -> vector<128x128xf32>
    %concatenate3A_148 = tpu.concatenate %get3A_1, %sub3A_69 in 1 : vector<128x64xf32>, vector<128x64xf32> -> vector<128x128xf32>
    %concatenate3A_149 = tpu.concatenate %get3A_1, %sub3A_76 in 1 : vector<128x64xf32>, vector<128x64xf32> -> vector<128x128xf32>
    %concatenate3A_150 = tpu.concatenate %get3A_1, %sub3A_83 in 1 : vector<128x64xf32>, vector<128x64xf32> -> vector<128x128xf32>
    %concatenate3A_151 = tpu.concatenate %get3A_1, %sub3A_90 in 1 : vector<128x64xf32>, vector<128x64xf32> -> vector<128x128xf32>
    %concatenate3A_152 = tpu.concatenate %get3A_1, %sub3A_97 in 1 : vector<128x64xf32>, vector<128x64xf32> -> vector<128x128xf32>
    %concatenate3A_153 = tpu.concatenate %get3A_1, %sub3A_104 in 1 : vector<128x64xf32>, vector<128x64xf32> -> vector<128x128xf32>
    %concatenate3A_154 = tpu.concatenate %get3A_1, %sub3A_111 in 1 : vector<128x64xf32>, vector<128x64xf32> -> vector<128x128xf32>
    %concatenate3A_155 = tpu.concatenate %get3A_1, %sub3A_118 in 1 : vector<128x64xf32>, vector<128x64xf32> -> vector<128x128xf32>
    %concatenate3A_156 = tpu.concatenate %get3A_1, %sub3A_125 in 1 : vector<128x64xf32>, vector<128x64xf32> -> vector<128x128xf32>
    %concatenate3A_157 = tpu.concatenate %get3A_1, %sub3A_132 in 1 : vector<128x64xf32>, vector<128x64xf32> -> vector<128x128xf32>
    %concatenate3A_158 = tpu.concatenate %get3A_1, %sub3A_139 in 1 : vector<128x64xf32>, vector<128x64xf32> -> vector<128x128xf32>
    %concatenate3A_159 = tpu.concatenate %concatenate3A, %concatenate3A_140, %concatenate3A_141, %concatenate3A_142, %concatenate3A_143, %concatenate3A_144, %concatenate3A_145, %concatenate3A_146, %concatenate3A_147, %concatenate3A_148, %concatenate3A_149, %concatenate3A_150, %concatenate3A_151, %concatenate3A_152, %concatenate3A_153, %concatenate3A_154, %concatenate3A_155, %concatenate3A_156, %concatenate3A_157, %concatenate3A_158 in 0 : vector<128x128xf32>, vector<128x128xf32>, vector<128x128xf32>, vector<128x128xf32>, vector<128x128xf32>, vector<128x128xf32>, vector<128x128xf32>, vector<128x128xf32>, vector<128x128xf32>, vector<128x128xf32>, vector<128x128xf32>, vector<128x128xf32>, vector<128x128xf32>, vector<128x128xf32>, vector<128x128xf32>, vector<128x128xf32>, vector<128x128xf32>, vector<128x128xf32>, vector<128x128xf32>, vector<128x128xf32> -> vector<2560x128xf32>
    %get3A_160 = arith.constant 0 : index
    %get3A_161 = arith.constant 0 : index
    %get3A_162 = vector.load %arg3[%get3A_160, %get3A_161] : memref<128x128xf32, #tpu.memory_space<vmem>>, vector<128x128xf32>
    %dot_general3A = arith.constant dense<0.000000e+00> : vector<2560x128xf32>
    %dot_general3A_163 = tpu.matmul %concatenate3A_159, %get3A_162, %dot_general3A {dimension_numbers = #tpu.dot_dimension_numbers<[1], [0], [0], [1], [0, 0, 1, 1], [], []>, transpose_lhs_hint = false} : vector<2560x128xf32>, vector<128x128xf32>, vector<2560x128xf32> -> vector<2560x128xf32>
    %slice3A_164 = vector.extract_strided_slice %dot_general3A_163 {offsets = [0, 0], sizes = [128, 128], strides = [1, 1]} : vector<2560x128xf32> to vector<128x128xf32>
    %slice3A_165 = vector.extract_strided_slice %dot_general3A_163 {offsets = [128, 0], sizes = [128, 128], strides = [1, 1]} : vector<2560x128xf32> to vector<128x128xf32>
    %max3A = arith.maximumf %slice3A_164, %slice3A_165 : vector<128x128xf32>
    %slice3A_166 = vector.extract_strided_slice %dot_general3A_163 {offsets = [256, 0], sizes = [128, 128], strides = [1, 1]} : vector<2560x128xf32> to vector<128x128xf32>
    %max3A_167 = arith.maximumf %max3A, %slice3A_166 : vector<128x128xf32>
    %slice3A_168 = vector.extract_strided_slice %dot_general3A_163 {offsets = [384, 0], sizes = [128, 128], strides = [1, 1]} : vector<2560x128xf32> to vector<128x128xf32>
    %max3A_169 = arith.maximumf %max3A_167, %slice3A_168 : vector<128x128xf32>
    %slice3A_170 = vector.extract_strided_slice %dot_general3A_163 {offsets = [512, 0], sizes = [128, 128], strides = [1, 1]} : vector<2560x128xf32> to vector<128x128xf32>
    %max3A_171 = arith.maximumf %max3A_169, %slice3A_170 : vector<128x128xf32>
    %slice3A_172 = vector.extract_strided_slice %dot_general3A_163 {offsets = [640, 0], sizes = [128, 128], strides = [1, 1]} : vector<2560x128xf32> to vector<128x128xf32>
    %max3A_173 = arith.maximumf %max3A_171, %slice3A_172 : vector<128x128xf32>
    %slice3A_174 = vector.extract_strided_slice %dot_general3A_163 {offsets = [768, 0], sizes = [128, 128], strides = [1, 1]} : vector<2560x128xf32> to vector<128x128xf32>
    %max3A_175 = arith.maximumf %max3A_173, %slice3A_174 : vector<128x128xf32>
    %slice3A_176 = vector.extract_strided_slice %dot_general3A_163 {offsets = [896, 0], sizes = [128, 128], strides = [1, 1]} : vector<2560x128xf32> to vector<128x128xf32>
    %max3A_177 = arith.maximumf %max3A_175, %slice3A_176 : vector<128x128xf32>
    %slice3A_178 = vector.extract_strided_slice %dot_general3A_163 {offsets = [1024, 0], sizes = [128, 128], strides = [1, 1]} : vector<2560x128xf32> to vector<128x128xf32>
    %max3A_179 = arith.maximumf %max3A_177, %slice3A_178 : vector<128x128xf32>
    %slice3A_180 = vector.extract_strided_slice %dot_general3A_163 {offsets = [1152, 0], sizes = [128, 128], strides = [1, 1]} : vector<2560x128xf32> to vector<128x128xf32>
    %max3A_181 = arith.maximumf %max3A_179, %slice3A_180 : vector<128x128xf32>
    %slice3A_182 = vector.extract_strided_slice %dot_general3A_163 {offsets = [1280, 0], sizes = [128, 128], strides = [1, 1]} : vector<2560x128xf32> to vector<128x128xf32>
    %max3A_183 = arith.maximumf %max3A_181, %slice3A_182 : vector<128x128xf32>
    %slice3A_184 = vector.extract_strided_slice %dot_general3A_163 {offsets = [1408, 0], sizes = [128, 128], strides = [1, 1]} : vector<2560x128xf32> to vector<128x128xf32>
    %max3A_185 = arith.maximumf %max3A_183, %slice3A_184 : vector<128x128xf32>
    %slice3A_186 = vector.extract_strided_slice %dot_general3A_163 {offsets = [1536, 0], sizes = [128, 128], strides = [1, 1]} : vector<2560x128xf32> to vector<128x128xf32>
    %max3A_187 = arith.maximumf %max3A_185, %slice3A_186 : vector<128x128xf32>
    %slice3A_188 = vector.extract_strided_slice %dot_general3A_163 {offsets = [1664, 0], sizes = [128, 128], strides = [1, 1]} : vector<2560x128xf32> to vector<128x128xf32>
    %max3A_189 = arith.maximumf %max3A_187, %slice3A_188 : vector<128x128xf32>
    %slice3A_190 = vector.extract_strided_slice %dot_general3A_163 {offsets = [1792, 0], sizes = [128, 128], strides = [1, 1]} : vector<2560x128xf32> to vector<128x128xf32>
    %max3A_191 = arith.maximumf %max3A_189, %slice3A_190 : vector<128x128xf32>
    %slice3A_192 = vector.extract_strided_slice %dot_general3A_163 {offsets = [1920, 0], sizes = [128, 128], strides = [1, 1]} : vector<2560x128xf32> to vector<128x128xf32>
    %max3A_193 = arith.maximumf %max3A_191, %slice3A_192 : vector<128x128xf32>
    %slice3A_194 = vector.extract_strided_slice %dot_general3A_163 {offsets = [2048, 0], sizes = [128, 128], strides = [1, 1]} : vector<2560x128xf32> to vector<128x128xf32>
    %max3A_195 = arith.maximumf %max3A_193, %slice3A_194 : vector<128x128xf32>
    %slice3A_196 = vector.extract_strided_slice %dot_general3A_163 {offsets = [2176, 0], sizes = [128, 128], strides = [1, 1]} : vector<2560x128xf32> to vector<128x128xf32>
    %max3A_197 = arith.maximumf %max3A_195, %slice3A_196 : vector<128x128xf32>
    %slice3A_198 = vector.extract_strided_slice %dot_general3A_163 {offsets = [2304, 0], sizes = [128, 128], strides = [1, 1]} : vector<2560x128xf32> to vector<128x128xf32>
    %max3A_199 = arith.maximumf %max3A_197, %slice3A_198 : vector<128x128xf32>
    %slice3A_200 = vector.extract_strided_slice %dot_general3A_163 {offsets = [2432, 0], sizes = [128, 128], strides = [1, 1]} : vector<2560x128xf32> to vector<128x128xf32>
    %max3A_201 = arith.maximumf %max3A_199, %slice3A_200 : vector<128x128xf32>
    %get3A_202 = arith.constant 0 : index
    %get3A_203 = arith.constant 0 : index
    %get3A_204 = vector.load %arg4[%get3A_202, %get3A_203] : memref<1x128xf32, #tpu.memory_space<vmem>>, vector<1x128xf32>
    %add3A = vector.broadcast %get3A_204 : vector<1x128xf32> to vector<128x128xf32>
    %add3A_205 = arith.addf %max3A_201, %add3A : vector<128x128xf32>
    %swap3A = arith.constant 0 : index
    %swap3A_206 = arith.constant 0 : index
    %swap3A_207 = vector.load %arg5[%swap3A, %swap3A_206] : memref<128x128xf32, #tpu.memory_space<vmem>>, vector<128x128xf32>
    tpu.vector_store %arg5[%swap3A, %swap3A_206], %add3A_205 {strides = array<i32>} : memref<128x128xf32, #tpu.memory_space<vmem>>, vector<128x128xf32>,
    return
  }
  func.func @transform_0(%arg0: i32) -> (i32, i32) {
    %c0_i32 = arith.constant 0 : i32
    %c0_i32_0 = arith.constant 0 : i32
    return %arg0, %c0_i32 : i32, i32
  }
  func.func @transform_1(%arg0: i32) -> (i32, i32, i32) {
    %c0_i32 = arith.constant 0 : i32
    %c0_i32_0 = arith.constant 0 : i32
    %c0_i32_1 = arith.constant 0 : i32
    return %c0_i32, %arg0, %c0_i32_0 : i32, i32, i32
  }
  func.func @transform_2(%arg0: i32) -> (i32, i32) {
    %c0_i32 = arith.constant 0 : i32
    %c0_i32_0 = arith.constant 0 : i32
    %c0_i32_1 = arith.constant 0 : i32
    return %c0_i32, %c0_i32_0 : i32, i32
  }
  func.func @transform_3(%arg0: i32) -> (i32, i32) {
    %c0_i32 = arith.constant 0 : i32
    %c0_i32_0 = arith.constant 0 : i32
    %c0_i32_1 = arith.constant 0 : i32
    return %c0_i32, %c0_i32_0 : i32, i32
  }
  func.func @transform_4(%arg0: i32) -> (i32, i32) {
    %c0_i32 = arith.constant 0 : i32
    %c0_i32_0 = arith.constant 0 : i32
    return %arg0, %c0_i32 : i32, i32
  }
}

module attributes {stable_mosaic.version = 14 : i64} {
  func.func @_knn_body(%arg0: i32, %arg1: i32, %arg2: memref<1x256x128xf32, #tpu.memory_space<vmem>>, %arg3: memref<1x128x2048xf32, #tpu.memory_space<vmem>>, %arg4: memref<1x256x20xi32, #tpu.memory_space<vmem>>) attributes {dimension_semantics = [#tpu.dimension_semantics<arbitrary>, #tpu.dimension_semantics<arbitrary>], iteration_bounds = array<i64: 4, 8>, scalar_prefetch = 0 : i64, scratch_operands = 0 : i64, tpu.core_type = #tpu.core_type<tc>, window_params = [{transform_indices = @transform_0, window_bounds = array<i64: 1, 256, 128>}, {transform_indices = @transform_1, window_bounds = array<i64: 1, 128, 2048>}, {transform_indices = @transform_2, window_bounds = array<i64: 1, 256, 20>}]} {
    %get3A = arith.constant 0 : index
    %get3A_0 = arith.constant 0 : index
    %get3A_1 = arith.constant 0 : index
    %get3A_2 = vector.load %arg2[%get3A, %get3A_0, %get3A_1] : memref<1x256x128xf32, #tpu.memory_space<vmem>>, vector<1x256x128xf32>
    %get3A_3 = vector.shape_cast %get3A_2 : vector<1x256x128xf32> to vector<256x128xf32>
    %get3A_4 = arith.constant 0 : index
    %get3A_5 = arith.constant 0 : index
    %get3A_6 = arith.constant 0 : index
    %get3A_7 = vector.load %arg3[%get3A_4, %get3A_5, %get3A_6] : memref<1x128x2048xf32, #tpu.memory_space<vmem>>, vector<1x128x2048xf32>
    %get3A_8 = vector.shape_cast %get3A_7 : vector<1x128x2048xf32> to vector<128x2048xf32>
    %mul3A = arith.mulf %get3A_3, %get3A_3 : vector<256x128xf32>
    %reduce_sum3A = arith.constant dense<0.000000e+00> : vector<256xf32>
    %reduce_sum3A_9 = vector.multi_reduction <add>, %mul3A, %reduce_sum3A [1] : vector<256x128xf32> to vector<256xf32>
    %broadcast_in_dim3A = vector.shape_cast %reduce_sum3A_9 : vector<256xf32> to vector<256x1xf32>
    %mul3A_10 = arith.mulf %get3A_8, %get3A_8 : vector<128x2048xf32>
    %reduce_sum3A_11 = arith.constant dense<0.000000e+00> : vector<2048xf32>
    %reduce_sum3A_12 = vector.multi_reduction <add>, %mul3A_10, %reduce_sum3A_11 [0] : vector<128x2048xf32> to vector<2048xf32>
    %broadcast_in_dim3A_13 = vector.shape_cast %reduce_sum3A_12 : vector<2048xf32> to vector<1x2048xf32>
    %dot_general3A = arith.constant dense<0.000000e+00> : vector<256x2048xf32>
    %dot_general3A_14 = tpu.matmul %get3A_3, %get3A_8, %dot_general3A {dimension_numbers = #tpu.dot_dimension_numbers<[1], [0], [0], [1], [0, 0, 1, 1], [], []>, transpose_lhs_hint = false} : vector<256x128xf32>, vector<128x2048xf32>, vector<256x2048xf32> -> vector<256x2048xf32>
    %mul3A_15 = arith.constant 2.000000e+00 : f32
    %mul3A_16 = vector.broadcast %mul3A_15 : f32 to vector<256x2048xf32>
    %mul3A_17 = arith.mulf %mul3A_16, %dot_general3A_14 : vector<256x2048xf32>
    %sub3A = vector.broadcast %broadcast_in_dim3A : vector<256x1xf32> to vector<256x2048xf32>
    %sub3A_18 = arith.subf %sub3A, %mul3A_17 : vector<256x2048xf32>
    %add3A = vector.broadcast %broadcast_in_dim3A_13 : vector<1x2048xf32> to vector<256x2048xf32>
    %add3A_19 = arith.addf %sub3A_18, %add3A : vector<256x2048xf32>
    %iota3A = tpu.iota {dimensions = array<i32: 1>} : vector<256x2048xi32>
    %convert_element_type3A = arith.sitofp %iota3A : vector<256x2048xi32> to vector<256x2048xf32>
    %reduce_min3A = arith.constant dense<0x7F800000> : vector<256xf32>
    %reduce_min3A_20 = vector.multi_reduction <minimumf>, %add3A_19, %reduce_min3A [1] : vector<256x2048xf32> to vector<256xf32>
    %broadcast_in_dim3A_21 = vector.shape_cast %reduce_min3A_20 : vector<256xf32> to vector<256x1xf32>
    %eq3A = vector.broadcast %broadcast_in_dim3A_21 : vector<256x1xf32> to vector<256x2048xf32>
    %eq3A_22 = arith.cmpf oeq, %add3A_19, %eq3A : vector<256x2048xf32>
    %jit3A = arith.constant 4.096000e+03 : f32
    %broadcast_in_dim3A_23 = vector.broadcast %jit3A : f32 to vector<256x2048xf32>
    %select_n3A = arith.select %eq3A_22, %convert_element_type3A, %broadcast_in_dim3A_23 : vector<256x2048xi1>, vector<256x2048xf32>
    %reduce_min3A_24 = arith.constant dense<0x7F800000> : vector<256xf32>
    %reduce_min3A_25 = vector.multi_reduction <minimumf>, %select_n3A, %reduce_min3A_24 [1] : vector<256x2048xf32> to vector<256xf32>
    %broadcast_in_dim3A_26 = vector.shape_cast %reduce_min3A_25 : vector<256xf32> to vector<256x1xf32>
    %jit3A_27 = arith.constant 0x7F800000 : f32
    %broadcast_in_dim3A_28 = vector.broadcast %jit3A_27 : f32 to vector<256x2048xf32>
    %select_n3A_29 = arith.select %eq3A_22, %broadcast_in_dim3A_28, %add3A_19 : vector<256x2048xi1>, vector<256x2048xf32>
    %reduce_min3A_30 = arith.constant dense<0x7F800000> : vector<256xf32>
    %reduce_min3A_31 = vector.multi_reduction <minimumf>, %select_n3A_29, %reduce_min3A_30 [1] : vector<256x2048xf32> to vector<256xf32>
    %broadcast_in_dim3A_32 = vector.shape_cast %reduce_min3A_31 : vector<256xf32> to vector<256x1xf32>
    %eq3A_33 = vector.broadcast %broadcast_in_dim3A_32 : vector<256x1xf32> to vector<256x2048xf32>
    %eq3A_34 = arith.cmpf oeq, %select_n3A_29, %eq3A_33 : vector<256x2048xf32>
    %jit3A_35 = arith.constant 4.096000e+03 : f32
    %broadcast_in_dim3A_36 = vector.broadcast %jit3A_35 : f32 to vector<256x2048xf32>
    %select_n3A_37 = arith.select %eq3A_34, %convert_element_type3A, %broadcast_in_dim3A_36 : vector<256x2048xi1>, vector<256x2048xf32>
    %reduce_min3A_38 = arith.constant dense<0x7F800000> : vector<256xf32>
    %reduce_min3A_39 = vector.multi_reduction <minimumf>, %select_n3A_37, %reduce_min3A_38 [1] : vector<256x2048xf32> to vector<256xf32>
    %broadcast_in_dim3A_40 = vector.shape_cast %reduce_min3A_39 : vector<256xf32> to vector<256x1xf32>
    %jit3A_41 = arith.constant 0x7F800000 : f32
    %broadcast_in_dim3A_42 = vector.broadcast %jit3A_41 : f32 to vector<256x2048xf32>
    %select_n3A_43 = arith.select %eq3A_34, %broadcast_in_dim3A_42, %select_n3A_29 : vector<256x2048xi1>, vector<256x2048xf32>
    %reduce_min3A_44 = arith.constant dense<0x7F800000> : vector<256xf32>
    %reduce_min3A_45 = vector.multi_reduction <minimumf>, %select_n3A_43, %reduce_min3A_44 [1] : vector<256x2048xf32> to vector<256xf32>
    %broadcast_in_dim3A_46 = vector.shape_cast %reduce_min3A_45 : vector<256xf32> to vector<256x1xf32>
    %eq3A_47 = vector.broadcast %broadcast_in_dim3A_46 : vector<256x1xf32> to vector<256x2048xf32>
    %eq3A_48 = arith.cmpf oeq, %select_n3A_43, %eq3A_47 : vector<256x2048xf32>
    %jit3A_49 = arith.constant 4.096000e+03 : f32
    %broadcast_in_dim3A_50 = vector.broadcast %jit3A_49 : f32 to vector<256x2048xf32>
    %select_n3A_51 = arith.select %eq3A_48, %convert_element_type3A, %broadcast_in_dim3A_50 : vector<256x2048xi1>, vector<256x2048xf32>
    %reduce_min3A_52 = arith.constant dense<0x7F800000> : vector<256xf32>
    %reduce_min3A_53 = vector.multi_reduction <minimumf>, %select_n3A_51, %reduce_min3A_52 [1] : vector<256x2048xf32> to vector<256xf32>
    %broadcast_in_dim3A_54 = vector.shape_cast %reduce_min3A_53 : vector<256xf32> to vector<256x1xf32>
    %jit3A_55 = arith.constant 0x7F800000 : f32
    %broadcast_in_dim3A_56 = vector.broadcast %jit3A_55 : f32 to vector<256x2048xf32>
    %select_n3A_57 = arith.select %eq3A_48, %broadcast_in_dim3A_56, %select_n3A_43 : vector<256x2048xi1>, vector<256x2048xf32>
    %reduce_min3A_58 = arith.constant dense<0x7F800000> : vector<256xf32>
    %reduce_min3A_59 = vector.multi_reduction <minimumf>, %select_n3A_57, %reduce_min3A_58 [1] : vector<256x2048xf32> to vector<256xf32>
    %broadcast_in_dim3A_60 = vector.shape_cast %reduce_min3A_59 : vector<256xf32> to vector<256x1xf32>
    %eq3A_61 = vector.broadcast %broadcast_in_dim3A_60 : vector<256x1xf32> to vector<256x2048xf32>
    %eq3A_62 = arith.cmpf oeq, %select_n3A_57, %eq3A_61 : vector<256x2048xf32>
    %jit3A_63 = arith.constant 4.096000e+03 : f32
    %broadcast_in_dim3A_64 = vector.broadcast %jit3A_63 : f32 to vector<256x2048xf32>
    %select_n3A_65 = arith.select %eq3A_62, %convert_element_type3A, %broadcast_in_dim3A_64 : vector<256x2048xi1>, vector<256x2048xf32>
    %reduce_min3A_66 = arith.constant dense<0x7F800000> : vector<256xf32>
    %reduce_min3A_67 = vector.multi_reduction <minimumf>, %select_n3A_65, %reduce_min3A_66 [1] : vector<256x2048xf32> to vector<256xf32>
    %broadcast_in_dim3A_68 = vector.shape_cast %reduce_min3A_67 : vector<256xf32> to vector<256x1xf32>
    %jit3A_69 = arith.constant 0x7F800000 : f32
    %broadcast_in_dim3A_70 = vector.broadcast %jit3A_69 : f32 to vector<256x2048xf32>
    %select_n3A_71 = arith.select %eq3A_62, %broadcast_in_dim3A_70, %select_n3A_57 : vector<256x2048xi1>, vector<256x2048xf32>
    %reduce_min3A_72 = arith.constant dense<0x7F800000> : vector<256xf32>
    %reduce_min3A_73 = vector.multi_reduction <minimumf>, %select_n3A_71, %reduce_min3A_72 [1] : vector<256x2048xf32> to vector<256xf32>
    %broadcast_in_dim3A_74 = vector.shape_cast %reduce_min3A_73 : vector<256xf32> to vector<256x1xf32>
    %eq3A_75 = vector.broadcast %broadcast_in_dim3A_74 : vector<256x1xf32> to vector<256x2048xf32>
    %eq3A_76 = arith.cmpf oeq, %select_n3A_71, %eq3A_75 : vector<256x2048xf32>
    %jit3A_77 = arith.constant 4.096000e+03 : f32
    %broadcast_in_dim3A_78 = vector.broadcast %jit3A_77 : f32 to vector<256x2048xf32>
    %select_n3A_79 = arith.select %eq3A_76, %convert_element_type3A, %broadcast_in_dim3A_78 : vector<256x2048xi1>, vector<256x2048xf32>
    %reduce_min3A_80 = arith.constant dense<0x7F800000> : vector<256xf32>
    %reduce_min3A_81 = vector.multi_reduction <minimumf>, %select_n3A_79, %reduce_min3A_80 [1] : vector<256x2048xf32> to vector<256xf32>
    %broadcast_in_dim3A_82 = vector.shape_cast %reduce_min3A_81 : vector<256xf32> to vector<256x1xf32>
    %jit3A_83 = arith.constant 0x7F800000 : f32
    %broadcast_in_dim3A_84 = vector.broadcast %jit3A_83 : f32 to vector<256x2048xf32>
    %select_n3A_85 = arith.select %eq3A_76, %broadcast_in_dim3A_84, %select_n3A_71 : vector<256x2048xi1>, vector<256x2048xf32>
    %reduce_min3A_86 = arith.constant dense<0x7F800000> : vector<256xf32>
    %reduce_min3A_87 = vector.multi_reduction <minimumf>, %select_n3A_85, %reduce_min3A_86 [1] : vector<256x2048xf32> to vector<256xf32>
    %broadcast_in_dim3A_88 = vector.shape_cast %reduce_min3A_87 : vector<256xf32> to vector<256x1xf32>
    %eq3A_89 = vector.broadcast %broadcast_in_dim3A_88 : vector<256x1xf32> to vector<256x2048xf32>
    %eq3A_90 = arith.cmpf oeq, %select_n3A_85, %eq3A_89 : vector<256x2048xf32>
    %jit3A_91 = arith.constant 4.096000e+03 : f32
    %broadcast_in_dim3A_92 = vector.broadcast %jit3A_91 : f32 to vector<256x2048xf32>
    %select_n3A_93 = arith.select %eq3A_90, %convert_element_type3A, %broadcast_in_dim3A_92 : vector<256x2048xi1>, vector<256x2048xf32>
    %reduce_min3A_94 = arith.constant dense<0x7F800000> : vector<256xf32>
    %reduce_min3A_95 = vector.multi_reduction <minimumf>, %select_n3A_93, %reduce_min3A_94 [1] : vector<256x2048xf32> to vector<256xf32>
    %broadcast_in_dim3A_96 = vector.shape_cast %reduce_min3A_95 : vector<256xf32> to vector<256x1xf32>
    %jit3A_97 = arith.constant 0x7F800000 : f32
    %broadcast_in_dim3A_98 = vector.broadcast %jit3A_97 : f32 to vector<256x2048xf32>
    %select_n3A_99 = arith.select %eq3A_90, %broadcast_in_dim3A_98, %select_n3A_85 : vector<256x2048xi1>, vector<256x2048xf32>
    %reduce_min3A_100 = arith.constant dense<0x7F800000> : vector<256xf32>
    %reduce_min3A_101 = vector.multi_reduction <minimumf>, %select_n3A_99, %reduce_min3A_100 [1] : vector<256x2048xf32> to vector<256xf32>
    %broadcast_in_dim3A_102 = vector.shape_cast %reduce_min3A_101 : vector<256xf32> to vector<256x1xf32>
    %eq3A_103 = vector.broadcast %broadcast_in_dim3A_102 : vector<256x1xf32> to vector<256x2048xf32>
    %eq3A_104 = arith.cmpf oeq, %select_n3A_99, %eq3A_103 : vector<256x2048xf32>
    %jit3A_105 = arith.constant 4.096000e+03 : f32
    %broadcast_in_dim3A_106 = vector.broadcast %jit3A_105 : f32 to vector<256x2048xf32>
    %select_n3A_107 = arith.select %eq3A_104, %convert_element_type3A, %broadcast_in_dim3A_106 : vector<256x2048xi1>, vector<256x2048xf32>
    %reduce_min3A_108 = arith.constant dense<0x7F800000> : vector<256xf32>
    %reduce_min3A_109 = vector.multi_reduction <minimumf>, %select_n3A_107, %reduce_min3A_108 [1] : vector<256x2048xf32> to vector<256xf32>
    %broadcast_in_dim3A_110 = vector.shape_cast %reduce_min3A_109 : vector<256xf32> to vector<256x1xf32>
    %jit3A_111 = arith.constant 0x7F800000 : f32
    %broadcast_in_dim3A_112 = vector.broadcast %jit3A_111 : f32 to vector<256x2048xf32>
    %select_n3A_113 = arith.select %eq3A_104, %broadcast_in_dim3A_112, %select_n3A_99 : vector<256x2048xi1>, vector<256x2048xf32>
    %reduce_min3A_114 = arith.constant dense<0x7F800000> : vector<256xf32>
    %reduce_min3A_115 = vector.multi_reduction <minimumf>, %select_n3A_113, %reduce_min3A_114 [1] : vector<256x2048xf32> to vector<256xf32>
    %broadcast_in_dim3A_116 = vector.shape_cast %reduce_min3A_115 : vector<256xf32> to vector<256x1xf32>
    %eq3A_117 = vector.broadcast %broadcast_in_dim3A_116 : vector<256x1xf32> to vector<256x2048xf32>
    %eq3A_118 = arith.cmpf oeq, %select_n3A_113, %eq3A_117 : vector<256x2048xf32>
    %jit3A_119 = arith.constant 4.096000e+03 : f32
    %broadcast_in_dim3A_120 = vector.broadcast %jit3A_119 : f32 to vector<256x2048xf32>
    %select_n3A_121 = arith.select %eq3A_118, %convert_element_type3A, %broadcast_in_dim3A_120 : vector<256x2048xi1>, vector<256x2048xf32>
    %reduce_min3A_122 = arith.constant dense<0x7F800000> : vector<256xf32>
    %reduce_min3A_123 = vector.multi_reduction <minimumf>, %select_n3A_121, %reduce_min3A_122 [1] : vector<256x2048xf32> to vector<256xf32>
    %broadcast_in_dim3A_124 = vector.shape_cast %reduce_min3A_123 : vector<256xf32> to vector<256x1xf32>
    %jit3A_125 = arith.constant 0x7F800000 : f32
    %broadcast_in_dim3A_126 = vector.broadcast %jit3A_125 : f32 to vector<256x2048xf32>
    %select_n3A_127 = arith.select %eq3A_118, %broadcast_in_dim3A_126, %select_n3A_113 : vector<256x2048xi1>, vector<256x2048xf32>
    %reduce_min3A_128 = arith.constant dense<0x7F800000> : vector<256xf32>
    %reduce_min3A_129 = vector.multi_reduction <minimumf>, %select_n3A_127, %reduce_min3A_128 [1] : vector<256x2048xf32> to vector<256xf32>
    %broadcast_in_dim3A_130 = vector.shape_cast %reduce_min3A_129 : vector<256xf32> to vector<256x1xf32>
    %eq3A_131 = vector.broadcast %broadcast_in_dim3A_130 : vector<256x1xf32> to vector<256x2048xf32>
    %eq3A_132 = arith.cmpf oeq, %select_n3A_127, %eq3A_131 : vector<256x2048xf32>
    %jit3A_133 = arith.constant 4.096000e+03 : f32
    %broadcast_in_dim3A_134 = vector.broadcast %jit3A_133 : f32 to vector<256x2048xf32>
    %select_n3A_135 = arith.select %eq3A_132, %convert_element_type3A, %broadcast_in_dim3A_134 : vector<256x2048xi1>, vector<256x2048xf32>
    %reduce_min3A_136 = arith.constant dense<0x7F800000> : vector<256xf32>
    %reduce_min3A_137 = vector.multi_reduction <minimumf>, %select_n3A_135, %reduce_min3A_136 [1] : vector<256x2048xf32> to vector<256xf32>
    %broadcast_in_dim3A_138 = vector.shape_cast %reduce_min3A_137 : vector<256xf32> to vector<256x1xf32>
    %jit3A_139 = arith.constant 0x7F800000 : f32
    %broadcast_in_dim3A_140 = vector.broadcast %jit3A_139 : f32 to vector<256x2048xf32>
    %select_n3A_141 = arith.select %eq3A_132, %broadcast_in_dim3A_140, %select_n3A_127 : vector<256x2048xi1>, vector<256x2048xf32>
    %reduce_min3A_142 = arith.constant dense<0x7F800000> : vector<256xf32>
    %reduce_min3A_143 = vector.multi_reduction <minimumf>, %select_n3A_141, %reduce_min3A_142 [1] : vector<256x2048xf32> to vector<256xf32>
    %broadcast_in_dim3A_144 = vector.shape_cast %reduce_min3A_143 : vector<256xf32> to vector<256x1xf32>
    %eq3A_145 = vector.broadcast %broadcast_in_dim3A_144 : vector<256x1xf32> to vector<256x2048xf32>
    %eq3A_146 = arith.cmpf oeq, %select_n3A_141, %eq3A_145 : vector<256x2048xf32>
    %jit3A_147 = arith.constant 4.096000e+03 : f32
    %broadcast_in_dim3A_148 = vector.broadcast %jit3A_147 : f32 to vector<256x2048xf32>
    %select_n3A_149 = arith.select %eq3A_146, %convert_element_type3A, %broadcast_in_dim3A_148 : vector<256x2048xi1>, vector<256x2048xf32>
    %reduce_min3A_150 = arith.constant dense<0x7F800000> : vector<256xf32>
    %reduce_min3A_151 = vector.multi_reduction <minimumf>, %select_n3A_149, %reduce_min3A_150 [1] : vector<256x2048xf32> to vector<256xf32>
    %broadcast_in_dim3A_152 = vector.shape_cast %reduce_min3A_151 : vector<256xf32> to vector<256x1xf32>
    %jit3A_153 = arith.constant 0x7F800000 : f32
    %broadcast_in_dim3A_154 = vector.broadcast %jit3A_153 : f32 to vector<256x2048xf32>
    %select_n3A_155 = arith.select %eq3A_146, %broadcast_in_dim3A_154, %select_n3A_141 : vector<256x2048xi1>, vector<256x2048xf32>
    %reduce_min3A_156 = arith.constant dense<0x7F800000> : vector<256xf32>
    %reduce_min3A_157 = vector.multi_reduction <minimumf>, %select_n3A_155, %reduce_min3A_156 [1] : vector<256x2048xf32> to vector<256xf32>
    %broadcast_in_dim3A_158 = vector.shape_cast %reduce_min3A_157 : vector<256xf32> to vector<256x1xf32>
    %eq3A_159 = vector.broadcast %broadcast_in_dim3A_158 : vector<256x1xf32> to vector<256x2048xf32>
    %eq3A_160 = arith.cmpf oeq, %select_n3A_155, %eq3A_159 : vector<256x2048xf32>
    %jit3A_161 = arith.constant 4.096000e+03 : f32
    %broadcast_in_dim3A_162 = vector.broadcast %jit3A_161 : f32 to vector<256x2048xf32>
    %select_n3A_163 = arith.select %eq3A_160, %convert_element_type3A, %broadcast_in_dim3A_162 : vector<256x2048xi1>, vector<256x2048xf32>
    %reduce_min3A_164 = arith.constant dense<0x7F800000> : vector<256xf32>
    %reduce_min3A_165 = vector.multi_reduction <minimumf>, %select_n3A_163, %reduce_min3A_164 [1] : vector<256x2048xf32> to vector<256xf32>
    %broadcast_in_dim3A_166 = vector.shape_cast %reduce_min3A_165 : vector<256xf32> to vector<256x1xf32>
    %jit3A_167 = arith.constant 0x7F800000 : f32
    %broadcast_in_dim3A_168 = vector.broadcast %jit3A_167 : f32 to vector<256x2048xf32>
    %select_n3A_169 = arith.select %eq3A_160, %broadcast_in_dim3A_168, %select_n3A_155 : vector<256x2048xi1>, vector<256x2048xf32>
    %reduce_min3A_170 = arith.constant dense<0x7F800000> : vector<256xf32>
    %reduce_min3A_171 = vector.multi_reduction <minimumf>, %select_n3A_169, %reduce_min3A_170 [1] : vector<256x2048xf32> to vector<256xf32>
    %broadcast_in_dim3A_172 = vector.shape_cast %reduce_min3A_171 : vector<256xf32> to vector<256x1xf32>
    %eq3A_173 = vector.broadcast %broadcast_in_dim3A_172 : vector<256x1xf32> to vector<256x2048xf32>
    %eq3A_174 = arith.cmpf oeq, %select_n3A_169, %eq3A_173 : vector<256x2048xf32>
    %jit3A_175 = arith.constant 4.096000e+03 : f32
    %broadcast_in_dim3A_176 = vector.broadcast %jit3A_175 : f32 to vector<256x2048xf32>
    %select_n3A_177 = arith.select %eq3A_174, %convert_element_type3A, %broadcast_in_dim3A_176 : vector<256x2048xi1>, vector<256x2048xf32>
    %reduce_min3A_178 = arith.constant dense<0x7F800000> : vector<256xf32>
    %reduce_min3A_179 = vector.multi_reduction <minimumf>, %select_n3A_177, %reduce_min3A_178 [1] : vector<256x2048xf32> to vector<256xf32>
    %broadcast_in_dim3A_180 = vector.shape_cast %reduce_min3A_179 : vector<256xf32> to vector<256x1xf32>
    %jit3A_181 = arith.constant 0x7F800000 : f32
    %broadcast_in_dim3A_182 = vector.broadcast %jit3A_181 : f32 to vector<256x2048xf32>
    %select_n3A_183 = arith.select %eq3A_174, %broadcast_in_dim3A_182, %select_n3A_169 : vector<256x2048xi1>, vector<256x2048xf32>
    %reduce_min3A_184 = arith.constant dense<0x7F800000> : vector<256xf32>
    %reduce_min3A_185 = vector.multi_reduction <minimumf>, %select_n3A_183, %reduce_min3A_184 [1] : vector<256x2048xf32> to vector<256xf32>
    %broadcast_in_dim3A_186 = vector.shape_cast %reduce_min3A_185 : vector<256xf32> to vector<256x1xf32>
    %eq3A_187 = vector.broadcast %broadcast_in_dim3A_186 : vector<256x1xf32> to vector<256x2048xf32>
    %eq3A_188 = arith.cmpf oeq, %select_n3A_183, %eq3A_187 : vector<256x2048xf32>
    %jit3A_189 = arith.constant 4.096000e+03 : f32
    %broadcast_in_dim3A_190 = vector.broadcast %jit3A_189 : f32 to vector<256x2048xf32>
    %select_n3A_191 = arith.select %eq3A_188, %convert_element_type3A, %broadcast_in_dim3A_190 : vector<256x2048xi1>, vector<256x2048xf32>
    %reduce_min3A_192 = arith.constant dense<0x7F800000> : vector<256xf32>
    %reduce_min3A_193 = vector.multi_reduction <minimumf>, %select_n3A_191, %reduce_min3A_192 [1] : vector<256x2048xf32> to vector<256xf32>
    %broadcast_in_dim3A_194 = vector.shape_cast %reduce_min3A_193 : vector<256xf32> to vector<256x1xf32>
    %jit3A_195 = arith.constant 0x7F800000 : f32
    %broadcast_in_dim3A_196 = vector.broadcast %jit3A_195 : f32 to vector<256x2048xf32>
    %select_n3A_197 = arith.select %eq3A_188, %broadcast_in_dim3A_196, %select_n3A_183 : vector<256x2048xi1>, vector<256x2048xf32>
    %reduce_min3A_198 = arith.constant dense<0x7F800000> : vector<256xf32>
    %reduce_min3A_199 = vector.multi_reduction <minimumf>, %select_n3A_197, %reduce_min3A_198 [1] : vector<256x2048xf32> to vector<256xf32>
    %broadcast_in_dim3A_200 = vector.shape_cast %reduce_min3A_199 : vector<256xf32> to vector<256x1xf32>
    %eq3A_201 = vector.broadcast %broadcast_in_dim3A_200 : vector<256x1xf32> to vector<256x2048xf32>
    %eq3A_202 = arith.cmpf oeq, %select_n3A_197, %eq3A_201 : vector<256x2048xf32>
    %jit3A_203 = arith.constant 4.096000e+03 : f32
    %broadcast_in_dim3A_204 = vector.broadcast %jit3A_203 : f32 to vector<256x2048xf32>
    %select_n3A_205 = arith.select %eq3A_202, %convert_element_type3A, %broadcast_in_dim3A_204 : vector<256x2048xi1>, vector<256x2048xf32>
    %reduce_min3A_206 = arith.constant dense<0x7F800000> : vector<256xf32>
    %reduce_min3A_207 = vector.multi_reduction <minimumf>, %select_n3A_205, %reduce_min3A_206 [1] : vector<256x2048xf32> to vector<256xf32>
    %broadcast_in_dim3A_208 = vector.shape_cast %reduce_min3A_207 : vector<256xf32> to vector<256x1xf32>
    %jit3A_209 = arith.constant 0x7F800000 : f32
    %broadcast_in_dim3A_210 = vector.broadcast %jit3A_209 : f32 to vector<256x2048xf32>
    %select_n3A_211 = arith.select %eq3A_202, %broadcast_in_dim3A_210, %select_n3A_197 : vector<256x2048xi1>, vector<256x2048xf32>
    %reduce_min3A_212 = arith.constant dense<0x7F800000> : vector<256xf32>
    %reduce_min3A_213 = vector.multi_reduction <minimumf>, %select_n3A_211, %reduce_min3A_212 [1] : vector<256x2048xf32> to vector<256xf32>
    %broadcast_in_dim3A_214 = vector.shape_cast %reduce_min3A_213 : vector<256xf32> to vector<256x1xf32>
    %eq3A_215 = vector.broadcast %broadcast_in_dim3A_214 : vector<256x1xf32> to vector<256x2048xf32>
    %eq3A_216 = arith.cmpf oeq, %select_n3A_211, %eq3A_215 : vector<256x2048xf32>
    %jit3A_217 = arith.constant 4.096000e+03 : f32
    %broadcast_in_dim3A_218 = vector.broadcast %jit3A_217 : f32 to vector<256x2048xf32>
    %select_n3A_219 = arith.select %eq3A_216, %convert_element_type3A, %broadcast_in_dim3A_218 : vector<256x2048xi1>, vector<256x2048xf32>
    %reduce_min3A_220 = arith.constant dense<0x7F800000> : vector<256xf32>
    %reduce_min3A_221 = vector.multi_reduction <minimumf>, %select_n3A_219, %reduce_min3A_220 [1] : vector<256x2048xf32> to vector<256xf32>
    %broadcast_in_dim3A_222 = vector.shape_cast %reduce_min3A_221 : vector<256xf32> to vector<256x1xf32>
    %jit3A_223 = arith.constant 0x7F800000 : f32
    %broadcast_in_dim3A_224 = vector.broadcast %jit3A_223 : f32 to vector<256x2048xf32>
    %select_n3A_225 = arith.select %eq3A_216, %broadcast_in_dim3A_224, %select_n3A_211 : vector<256x2048xi1>, vector<256x2048xf32>
    %reduce_min3A_226 = arith.constant dense<0x7F800000> : vector<256xf32>
    %reduce_min3A_227 = vector.multi_reduction <minimumf>, %select_n3A_225, %reduce_min3A_226 [1] : vector<256x2048xf32> to vector<256xf32>
    %broadcast_in_dim3A_228 = vector.shape_cast %reduce_min3A_227 : vector<256xf32> to vector<256x1xf32>
    %eq3A_229 = vector.broadcast %broadcast_in_dim3A_228 : vector<256x1xf32> to vector<256x2048xf32>
    %eq3A_230 = arith.cmpf oeq, %select_n3A_225, %eq3A_229 : vector<256x2048xf32>
    %jit3A_231 = arith.constant 4.096000e+03 : f32
    %broadcast_in_dim3A_232 = vector.broadcast %jit3A_231 : f32 to vector<256x2048xf32>
    %select_n3A_233 = arith.select %eq3A_230, %convert_element_type3A, %broadcast_in_dim3A_232 : vector<256x2048xi1>, vector<256x2048xf32>
    %reduce_min3A_234 = arith.constant dense<0x7F800000> : vector<256xf32>
    %reduce_min3A_235 = vector.multi_reduction <minimumf>, %select_n3A_233, %reduce_min3A_234 [1] : vector<256x2048xf32> to vector<256xf32>
    %broadcast_in_dim3A_236 = vector.shape_cast %reduce_min3A_235 : vector<256xf32> to vector<256x1xf32>
    %jit3A_237 = arith.constant 0x7F800000 : f32
    %broadcast_in_dim3A_238 = vector.broadcast %jit3A_237 : f32 to vector<256x2048xf32>
    %select_n3A_239 = arith.select %eq3A_230, %broadcast_in_dim3A_238, %select_n3A_225 : vector<256x2048xi1>, vector<256x2048xf32>
    %reduce_min3A_240 = arith.constant dense<0x7F800000> : vector<256xf32>
    %reduce_min3A_241 = vector.multi_reduction <minimumf>, %select_n3A_239, %reduce_min3A_240 [1] : vector<256x2048xf32> to vector<256xf32>
    %broadcast_in_dim3A_242 = vector.shape_cast %reduce_min3A_241 : vector<256xf32> to vector<256x1xf32>
    %eq3A_243 = vector.broadcast %broadcast_in_dim3A_242 : vector<256x1xf32> to vector<256x2048xf32>
    %eq3A_244 = arith.cmpf oeq, %select_n3A_239, %eq3A_243 : vector<256x2048xf32>
    %jit3A_245 = arith.constant 4.096000e+03 : f32
    %broadcast_in_dim3A_246 = vector.broadcast %jit3A_245 : f32 to vector<256x2048xf32>
    %select_n3A_247 = arith.select %eq3A_244, %convert_element_type3A, %broadcast_in_dim3A_246 : vector<256x2048xi1>, vector<256x2048xf32>
    %reduce_min3A_248 = arith.constant dense<0x7F800000> : vector<256xf32>
    %reduce_min3A_249 = vector.multi_reduction <minimumf>, %select_n3A_247, %reduce_min3A_248 [1] : vector<256x2048xf32> to vector<256xf32>
    %broadcast_in_dim3A_250 = vector.shape_cast %reduce_min3A_249 : vector<256xf32> to vector<256x1xf32>
    %jit3A_251 = arith.constant 0x7F800000 : f32
    %broadcast_in_dim3A_252 = vector.broadcast %jit3A_251 : f32 to vector<256x2048xf32>
    %select_n3A_253 = arith.select %eq3A_244, %broadcast_in_dim3A_252, %select_n3A_239 : vector<256x2048xi1>, vector<256x2048xf32>
    %reduce_min3A_254 = arith.constant dense<0x7F800000> : vector<256xf32>
    %reduce_min3A_255 = vector.multi_reduction <minimumf>, %select_n3A_253, %reduce_min3A_254 [1] : vector<256x2048xf32> to vector<256xf32>
    %broadcast_in_dim3A_256 = vector.shape_cast %reduce_min3A_255 : vector<256xf32> to vector<256x1xf32>
    %eq3A_257 = vector.broadcast %broadcast_in_dim3A_256 : vector<256x1xf32> to vector<256x2048xf32>
    %eq3A_258 = arith.cmpf oeq, %select_n3A_253, %eq3A_257 : vector<256x2048xf32>
    %jit3A_259 = arith.constant 4.096000e+03 : f32
    %broadcast_in_dim3A_260 = vector.broadcast %jit3A_259 : f32 to vector<256x2048xf32>
    %select_n3A_261 = arith.select %eq3A_258, %convert_element_type3A, %broadcast_in_dim3A_260 : vector<256x2048xi1>, vector<256x2048xf32>
    %reduce_min3A_262 = arith.constant dense<0x7F800000> : vector<256xf32>
    %reduce_min3A_263 = vector.multi_reduction <minimumf>, %select_n3A_261, %reduce_min3A_262 [1] : vector<256x2048xf32> to vector<256xf32>
    %broadcast_in_dim3A_264 = vector.shape_cast %reduce_min3A_263 : vector<256xf32> to vector<256x1xf32>
    %jit3A_265 = arith.constant 0x7F800000 : f32
    %broadcast_in_dim3A_266 = vector.broadcast %jit3A_265 : f32 to vector<256x2048xf32>
    %select_n3A_267 = arith.select %eq3A_258, %broadcast_in_dim3A_266, %select_n3A_253 : vector<256x2048xi1>, vector<256x2048xf32>
    %reduce_min3A_268 = arith.constant dense<0x7F800000> : vector<256xf32>
    %reduce_min3A_269 = vector.multi_reduction <minimumf>, %select_n3A_267, %reduce_min3A_268 [1] : vector<256x2048xf32> to vector<256xf32>
    %broadcast_in_dim3A_270 = vector.shape_cast %reduce_min3A_269 : vector<256xf32> to vector<256x1xf32>
    %eq3A_271 = vector.broadcast %broadcast_in_dim3A_270 : vector<256x1xf32> to vector<256x2048xf32>
    %eq3A_272 = arith.cmpf oeq, %select_n3A_267, %eq3A_271 : vector<256x2048xf32>
    %jit3A_273 = arith.constant 4.096000e+03 : f32
    %broadcast_in_dim3A_274 = vector.broadcast %jit3A_273 : f32 to vector<256x2048xf32>
    %select_n3A_275 = arith.select %eq3A_272, %convert_element_type3A, %broadcast_in_dim3A_274 : vector<256x2048xi1>, vector<256x2048xf32>
    %reduce_min3A_276 = arith.constant dense<0x7F800000> : vector<256xf32>
    %reduce_min3A_277 = vector.multi_reduction <minimumf>, %select_n3A_275, %reduce_min3A_276 [1] : vector<256x2048xf32> to vector<256xf32>
    %broadcast_in_dim3A_278 = vector.shape_cast %reduce_min3A_277 : vector<256xf32> to vector<256x1xf32>
    %jit3A_279 = arith.constant 0x7F800000 : f32
    %broadcast_in_dim3A_280 = vector.broadcast %jit3A_279 : f32 to vector<256x2048xf32>
    %select_n3A_281 = arith.select %eq3A_272, %broadcast_in_dim3A_280, %select_n3A_267 : vector<256x2048xi1>, vector<256x2048xf32>
    %reduce_min3A_282 = arith.constant dense<0x7F800000> : vector<256xf32>
    %reduce_min3A_283 = vector.multi_reduction <minimumf>, %select_n3A_281, %reduce_min3A_282 [1] : vector<256x2048xf32> to vector<256xf32>
    %broadcast_in_dim3A_284 = vector.shape_cast %reduce_min3A_283 : vector<256xf32> to vector<256x1xf32>
    %eq3A_285 = vector.broadcast %broadcast_in_dim3A_284 : vector<256x1xf32> to vector<256x2048xf32>
    %eq3A_286 = arith.cmpf oeq, %select_n3A_281, %eq3A_285 : vector<256x2048xf32>
    %jit3A_287 = arith.constant 4.096000e+03 : f32
    %broadcast_in_dim3A_288 = vector.broadcast %jit3A_287 : f32 to vector<256x2048xf32>
    %select_n3A_289 = arith.select %eq3A_286, %convert_element_type3A, %broadcast_in_dim3A_288 : vector<256x2048xi1>, vector<256x2048xf32>
    %reduce_min3A_290 = arith.constant dense<0x7F800000> : vector<256xf32>
    %reduce_min3A_291 = vector.multi_reduction <minimumf>, %select_n3A_289, %reduce_min3A_290 [1] : vector<256x2048xf32> to vector<256xf32>
    %broadcast_in_dim3A_292 = vector.shape_cast %reduce_min3A_291 : vector<256xf32> to vector<256x1xf32>
    %concatenate3A = tpu.concatenate %broadcast_in_dim3A_26, %broadcast_in_dim3A_40, %broadcast_in_dim3A_54, %broadcast_in_dim3A_68, %broadcast_in_dim3A_82, %broadcast_in_dim3A_96, %broadcast_in_dim3A_110, %broadcast_in_dim3A_124, %broadcast_in_dim3A_138, %broadcast_in_dim3A_152, %broadcast_in_dim3A_166, %broadcast_in_dim3A_180, %broadcast_in_dim3A_194, %broadcast_in_dim3A_208, %broadcast_in_dim3A_222, %broadcast_in_dim3A_236, %broadcast_in_dim3A_250, %broadcast_in_dim3A_264, %broadcast_in_dim3A_278, %broadcast_in_dim3A_292 in 1 : vector<256x1xf32>, vector<256x1xf32>, vector<256x1xf32>, vector<256x1xf32>, vector<256x1xf32>, vector<256x1xf32>, vector<256x1xf32>, vector<256x1xf32>, vector<256x1xf32>, vector<256x1xf32>, vector<256x1xf32>, vector<256x1xf32>, vector<256x1xf32>, vector<256x1xf32>, vector<256x1xf32>, vector<256x1xf32>, vector<256x1xf32>, vector<256x1xf32>, vector<256x1xf32>, vector<256x1xf32> -> vector<256x20xf32>
    %convert_element_type3A_293 = arith.fptosi %concatenate3A : vector<256x20xf32> to vector<256x20xi32>
    %mul3A_294 = arith.constant 2048 : i32
    %mul3A_295 = arith.muli %arg0, %mul3A_294 : i32
    %add3A_296 = vector.broadcast %mul3A_295 : i32 to vector<256x20xi32>
    %add3A_297 = arith.addi %convert_element_type3A_293, %add3A_296 : vector<256x20xi32>
    %swap3A = arith.constant 0 : index
    %swap3A_298 = arith.constant 0 : index
    %swap3A_299 = arith.constant 0 : index
    %swap3A_300 = vector.load %arg4[%swap3A, %swap3A_298, %swap3A_299] : memref<1x256x20xi32, #tpu.memory_space<vmem>>, vector<1x256x20xi32>
    %swap3A_301 = vector.shape_cast %swap3A_300 : vector<1x256x20xi32> to vector<256x20xi32>
    %swap3A_302 = vector.shape_cast %add3A_297 : vector<256x20xi32> to vector<1x256x20xi32>
    tpu.vector_store %arg4[%swap3A, %swap3A_298, %swap3A_299], %swap3A_302 {strides = array<i32>} : memref<1x256x20xi32, #tpu.memory_space<vmem>>, vector<1x256x20xi32>,
    return
  }
  func.func @transform_0(%arg0: i32, %arg1: i32) -> (i32, i32, i32) {
    %c0_i32 = arith.constant 0 : i32
    %c0_i32_0 = arith.constant 0 : i32
    return %arg0, %arg1, %c0_i32 : i32, i32, i32
  }
  func.func @transform_1(%arg0: i32, %arg1: i32) -> (i32, i32, i32) {
    %c0_i32 = arith.constant 0 : i32
    %c0_i32_0 = arith.constant 0 : i32
    %c0_i32_1 = arith.constant 0 : i32
    return %arg0, %c0_i32, %c0_i32_0 : i32, i32, i32
  }
  func.func @transform_2(%arg0: i32, %arg1: i32) -> (i32, i32, i32) {
    %c0_i32 = arith.constant 0 : i32
    %c0_i32_0 = arith.constant 0 : i32
    return %arg0, %arg1, %c0_i32 : i32, i32, i32
  }
}

module attributes {stable_mosaic.version = 14 : i64} {
  func.func @_edge_mlp_body(%arg0: i32, %arg1: memref<128x128xf32, #tpu.memory_space<vmem>>, %arg2: memref<20x128x128xf32, #tpu.memory_space<vmem>>, %arg3: memref<256x256xf32, #tpu.memory_space<vmem>>, %arg4: memref<1x256xf32, #tpu.memory_space<vmem>>, %arg5: memref<128x256xf32, #tpu.memory_space<vmem>>) attributes {dimension_semantics = [#tpu.dimension_semantics<arbitrary>], iteration_bounds = array<i64: 64>, scalar_prefetch = 0 : i64, scratch_operands = 0 : i64, tpu.core_type = #tpu.core_type<tc>, window_params = [{transform_indices = @transform_0, window_bounds = array<i64: 128, 128>}, {transform_indices = @transform_1, window_bounds = array<i64: 20, 128, 128>}, {pipeline_mode = #tpu.pipeline_mode<synchronous>, transform_indices = @transform_2, window_bounds = array<i64: 256, 256>}, {pipeline_mode = #tpu.pipeline_mode<synchronous>, transform_indices = @transform_3, window_bounds = array<i64: 1, 256>}, {transform_indices = @transform_4, window_bounds = array<i64: 128, 256>}]} {
    %get3A = arith.constant 0 : index
    %get3A_0 = arith.constant 0 : index
    %get3A_1 = vector.load %arg1[%get3A, %get3A_0] : memref<128x128xf32, #tpu.memory_space<vmem>>, vector<128x128xf32>
    %get3A_2 = arith.constant 0 : index
    %get3A_3 = arith.constant 0 : index
    %get3A_4 = arith.constant 0 : index
    %get3A_5 = vector.load %arg2[%get3A_2, %get3A_3, %get3A_4] : memref<20x128x128xf32, #tpu.memory_space<vmem>>, vector<1x128x128xf32>
    %get3A_6 = vector.shape_cast %get3A_5 : vector<1x128x128xf32> to vector<128x128xf32>
    %sub3A = arith.subf %get3A_6, %get3A_1 : vector<128x128xf32>
    %get3A_7 = arith.constant 1 : index
    %get3A_8 = arith.constant 0 : index
    %get3A_9 = arith.constant 0 : index
    %get3A_10 = vector.load %arg2[%get3A_7, %get3A_8, %get3A_9] : memref<20x128x128xf32, #tpu.memory_space<vmem>>, vector<1x128x128xf32>
    %get3A_11 = vector.shape_cast %get3A_10 : vector<1x128x128xf32> to vector<128x128xf32>
    %sub3A_12 = arith.subf %get3A_11, %get3A_1 : vector<128x128xf32>
    %get3A_13 = arith.constant 2 : index
    %get3A_14 = arith.constant 0 : index
    %get3A_15 = arith.constant 0 : index
    %get3A_16 = vector.load %arg2[%get3A_13, %get3A_14, %get3A_15] : memref<20x128x128xf32, #tpu.memory_space<vmem>>, vector<1x128x128xf32>
    %get3A_17 = vector.shape_cast %get3A_16 : vector<1x128x128xf32> to vector<128x128xf32>
    %sub3A_18 = arith.subf %get3A_17, %get3A_1 : vector<128x128xf32>
    %get3A_19 = arith.constant 3 : index
    %get3A_20 = arith.constant 0 : index
    %get3A_21 = arith.constant 0 : index
    %get3A_22 = vector.load %arg2[%get3A_19, %get3A_20, %get3A_21] : memref<20x128x128xf32, #tpu.memory_space<vmem>>, vector<1x128x128xf32>
    %get3A_23 = vector.shape_cast %get3A_22 : vector<1x128x128xf32> to vector<128x128xf32>
    %sub3A_24 = arith.subf %get3A_23, %get3A_1 : vector<128x128xf32>
    %get3A_25 = arith.constant 4 : index
    %get3A_26 = arith.constant 0 : index
    %get3A_27 = arith.constant 0 : index
    %get3A_28 = vector.load %arg2[%get3A_25, %get3A_26, %get3A_27] : memref<20x128x128xf32, #tpu.memory_space<vmem>>, vector<1x128x128xf32>
    %get3A_29 = vector.shape_cast %get3A_28 : vector<1x128x128xf32> to vector<128x128xf32>
    %sub3A_30 = arith.subf %get3A_29, %get3A_1 : vector<128x128xf32>
    %get3A_31 = arith.constant 5 : index
    %get3A_32 = arith.constant 0 : index
    %get3A_33 = arith.constant 0 : index
    %get3A_34 = vector.load %arg2[%get3A_31, %get3A_32, %get3A_33] : memref<20x128x128xf32, #tpu.memory_space<vmem>>, vector<1x128x128xf32>
    %get3A_35 = vector.shape_cast %get3A_34 : vector<1x128x128xf32> to vector<128x128xf32>
    %sub3A_36 = arith.subf %get3A_35, %get3A_1 : vector<128x128xf32>
    %get3A_37 = arith.constant 6 : index
    %get3A_38 = arith.constant 0 : index
    %get3A_39 = arith.constant 0 : index
    %get3A_40 = vector.load %arg2[%get3A_37, %get3A_38, %get3A_39] : memref<20x128x128xf32, #tpu.memory_space<vmem>>, vector<1x128x128xf32>
    %get3A_41 = vector.shape_cast %get3A_40 : vector<1x128x128xf32> to vector<128x128xf32>
    %sub3A_42 = arith.subf %get3A_41, %get3A_1 : vector<128x128xf32>
    %get3A_43 = arith.constant 7 : index
    %get3A_44 = arith.constant 0 : index
    %get3A_45 = arith.constant 0 : index
    %get3A_46 = vector.load %arg2[%get3A_43, %get3A_44, %get3A_45] : memref<20x128x128xf32, #tpu.memory_space<vmem>>, vector<1x128x128xf32>
    %get3A_47 = vector.shape_cast %get3A_46 : vector<1x128x128xf32> to vector<128x128xf32>
    %sub3A_48 = arith.subf %get3A_47, %get3A_1 : vector<128x128xf32>
    %get3A_49 = arith.constant 8 : index
    %get3A_50 = arith.constant 0 : index
    %get3A_51 = arith.constant 0 : index
    %get3A_52 = vector.load %arg2[%get3A_49, %get3A_50, %get3A_51] : memref<20x128x128xf32, #tpu.memory_space<vmem>>, vector<1x128x128xf32>
    %get3A_53 = vector.shape_cast %get3A_52 : vector<1x128x128xf32> to vector<128x128xf32>
    %sub3A_54 = arith.subf %get3A_53, %get3A_1 : vector<128x128xf32>
    %get3A_55 = arith.constant 9 : index
    %get3A_56 = arith.constant 0 : index
    %get3A_57 = arith.constant 0 : index
    %get3A_58 = vector.load %arg2[%get3A_55, %get3A_56, %get3A_57] : memref<20x128x128xf32, #tpu.memory_space<vmem>>, vector<1x128x128xf32>
    %get3A_59 = vector.shape_cast %get3A_58 : vector<1x128x128xf32> to vector<128x128xf32>
    %sub3A_60 = arith.subf %get3A_59, %get3A_1 : vector<128x128xf32>
    %get3A_61 = arith.constant 10 : index
    %get3A_62 = arith.constant 0 : index
    %get3A_63 = arith.constant 0 : index
    %get3A_64 = vector.load %arg2[%get3A_61, %get3A_62, %get3A_63] : memref<20x128x128xf32, #tpu.memory_space<vmem>>, vector<1x128x128xf32>
    %get3A_65 = vector.shape_cast %get3A_64 : vector<1x128x128xf32> to vector<128x128xf32>
    %sub3A_66 = arith.subf %get3A_65, %get3A_1 : vector<128x128xf32>
    %get3A_67 = arith.constant 11 : index
    %get3A_68 = arith.constant 0 : index
    %get3A_69 = arith.constant 0 : index
    %get3A_70 = vector.load %arg2[%get3A_67, %get3A_68, %get3A_69] : memref<20x128x128xf32, #tpu.memory_space<vmem>>, vector<1x128x128xf32>
    %get3A_71 = vector.shape_cast %get3A_70 : vector<1x128x128xf32> to vector<128x128xf32>
    %sub3A_72 = arith.subf %get3A_71, %get3A_1 : vector<128x128xf32>
    %get3A_73 = arith.constant 12 : index
    %get3A_74 = arith.constant 0 : index
    %get3A_75 = arith.constant 0 : index
    %get3A_76 = vector.load %arg2[%get3A_73, %get3A_74, %get3A_75] : memref<20x128x128xf32, #tpu.memory_space<vmem>>, vector<1x128x128xf32>
    %get3A_77 = vector.shape_cast %get3A_76 : vector<1x128x128xf32> to vector<128x128xf32>
    %sub3A_78 = arith.subf %get3A_77, %get3A_1 : vector<128x128xf32>
    %get3A_79 = arith.constant 13 : index
    %get3A_80 = arith.constant 0 : index
    %get3A_81 = arith.constant 0 : index
    %get3A_82 = vector.load %arg2[%get3A_79, %get3A_80, %get3A_81] : memref<20x128x128xf32, #tpu.memory_space<vmem>>, vector<1x128x128xf32>
    %get3A_83 = vector.shape_cast %get3A_82 : vector<1x128x128xf32> to vector<128x128xf32>
    %sub3A_84 = arith.subf %get3A_83, %get3A_1 : vector<128x128xf32>
    %get3A_85 = arith.constant 14 : index
    %get3A_86 = arith.constant 0 : index
    %get3A_87 = arith.constant 0 : index
    %get3A_88 = vector.load %arg2[%get3A_85, %get3A_86, %get3A_87] : memref<20x128x128xf32, #tpu.memory_space<vmem>>, vector<1x128x128xf32>
    %get3A_89 = vector.shape_cast %get3A_88 : vector<1x128x128xf32> to vector<128x128xf32>
    %sub3A_90 = arith.subf %get3A_89, %get3A_1 : vector<128x128xf32>
    %get3A_91 = arith.constant 15 : index
    %get3A_92 = arith.constant 0 : index
    %get3A_93 = arith.constant 0 : index
    %get3A_94 = vector.load %arg2[%get3A_91, %get3A_92, %get3A_93] : memref<20x128x128xf32, #tpu.memory_space<vmem>>, vector<1x128x128xf32>
    %get3A_95 = vector.shape_cast %get3A_94 : vector<1x128x128xf32> to vector<128x128xf32>
    %sub3A_96 = arith.subf %get3A_95, %get3A_1 : vector<128x128xf32>
    %get3A_97 = arith.constant 16 : index
    %get3A_98 = arith.constant 0 : index
    %get3A_99 = arith.constant 0 : index
    %get3A_100 = vector.load %arg2[%get3A_97, %get3A_98, %get3A_99] : memref<20x128x128xf32, #tpu.memory_space<vmem>>, vector<1x128x128xf32>
    %get3A_101 = vector.shape_cast %get3A_100 : vector<1x128x128xf32> to vector<128x128xf32>
    %sub3A_102 = arith.subf %get3A_101, %get3A_1 : vector<128x128xf32>
    %get3A_103 = arith.constant 17 : index
    %get3A_104 = arith.constant 0 : index
    %get3A_105 = arith.constant 0 : index
    %get3A_106 = vector.load %arg2[%get3A_103, %get3A_104, %get3A_105] : memref<20x128x128xf32, #tpu.memory_space<vmem>>, vector<1x128x128xf32>
    %get3A_107 = vector.shape_cast %get3A_106 : vector<1x128x128xf32> to vector<128x128xf32>
    %sub3A_108 = arith.subf %get3A_107, %get3A_1 : vector<128x128xf32>
    %get3A_109 = arith.constant 18 : index
    %get3A_110 = arith.constant 0 : index
    %get3A_111 = arith.constant 0 : index
    %get3A_112 = vector.load %arg2[%get3A_109, %get3A_110, %get3A_111] : memref<20x128x128xf32, #tpu.memory_space<vmem>>, vector<1x128x128xf32>
    %get3A_113 = vector.shape_cast %get3A_112 : vector<1x128x128xf32> to vector<128x128xf32>
    %sub3A_114 = arith.subf %get3A_113, %get3A_1 : vector<128x128xf32>
    %get3A_115 = arith.constant 19 : index
    %get3A_116 = arith.constant 0 : index
    %get3A_117 = arith.constant 0 : index
    %get3A_118 = vector.load %arg2[%get3A_115, %get3A_116, %get3A_117] : memref<20x128x128xf32, #tpu.memory_space<vmem>>, vector<1x128x128xf32>
    %get3A_119 = vector.shape_cast %get3A_118 : vector<1x128x128xf32> to vector<128x128xf32>
    %sub3A_120 = arith.subf %get3A_119, %get3A_1 : vector<128x128xf32>
    %concatenate3A = tpu.concatenate %get3A_1, %sub3A in 1 : vector<128x128xf32>, vector<128x128xf32> -> vector<128x256xf32>
    %concatenate3A_121 = tpu.concatenate %get3A_1, %sub3A_12 in 1 : vector<128x128xf32>, vector<128x128xf32> -> vector<128x256xf32>
    %concatenate3A_122 = tpu.concatenate %get3A_1, %sub3A_18 in 1 : vector<128x128xf32>, vector<128x128xf32> -> vector<128x256xf32>
    %concatenate3A_123 = tpu.concatenate %get3A_1, %sub3A_24 in 1 : vector<128x128xf32>, vector<128x128xf32> -> vector<128x256xf32>
    %concatenate3A_124 = tpu.concatenate %get3A_1, %sub3A_30 in 1 : vector<128x128xf32>, vector<128x128xf32> -> vector<128x256xf32>
    %concatenate3A_125 = tpu.concatenate %get3A_1, %sub3A_36 in 1 : vector<128x128xf32>, vector<128x128xf32> -> vector<128x256xf32>
    %concatenate3A_126 = tpu.concatenate %get3A_1, %sub3A_42 in 1 : vector<128x128xf32>, vector<128x128xf32> -> vector<128x256xf32>
    %concatenate3A_127 = tpu.concatenate %get3A_1, %sub3A_48 in 1 : vector<128x128xf32>, vector<128x128xf32> -> vector<128x256xf32>
    %concatenate3A_128 = tpu.concatenate %get3A_1, %sub3A_54 in 1 : vector<128x128xf32>, vector<128x128xf32> -> vector<128x256xf32>
    %concatenate3A_129 = tpu.concatenate %get3A_1, %sub3A_60 in 1 : vector<128x128xf32>, vector<128x128xf32> -> vector<128x256xf32>
    %concatenate3A_130 = tpu.concatenate %get3A_1, %sub3A_66 in 1 : vector<128x128xf32>, vector<128x128xf32> -> vector<128x256xf32>
    %concatenate3A_131 = tpu.concatenate %get3A_1, %sub3A_72 in 1 : vector<128x128xf32>, vector<128x128xf32> -> vector<128x256xf32>
    %concatenate3A_132 = tpu.concatenate %get3A_1, %sub3A_78 in 1 : vector<128x128xf32>, vector<128x128xf32> -> vector<128x256xf32>
    %concatenate3A_133 = tpu.concatenate %get3A_1, %sub3A_84 in 1 : vector<128x128xf32>, vector<128x128xf32> -> vector<128x256xf32>
    %concatenate3A_134 = tpu.concatenate %get3A_1, %sub3A_90 in 1 : vector<128x128xf32>, vector<128x128xf32> -> vector<128x256xf32>
    %concatenate3A_135 = tpu.concatenate %get3A_1, %sub3A_96 in 1 : vector<128x128xf32>, vector<128x128xf32> -> vector<128x256xf32>
    %concatenate3A_136 = tpu.concatenate %get3A_1, %sub3A_102 in 1 : vector<128x128xf32>, vector<128x128xf32> -> vector<128x256xf32>
    %concatenate3A_137 = tpu.concatenate %get3A_1, %sub3A_108 in 1 : vector<128x128xf32>, vector<128x128xf32> -> vector<128x256xf32>
    %concatenate3A_138 = tpu.concatenate %get3A_1, %sub3A_114 in 1 : vector<128x128xf32>, vector<128x128xf32> -> vector<128x256xf32>
    %concatenate3A_139 = tpu.concatenate %get3A_1, %sub3A_120 in 1 : vector<128x128xf32>, vector<128x128xf32> -> vector<128x256xf32>
    %concatenate3A_140 = tpu.concatenate %concatenate3A, %concatenate3A_121, %concatenate3A_122, %concatenate3A_123, %concatenate3A_124, %concatenate3A_125, %concatenate3A_126, %concatenate3A_127, %concatenate3A_128, %concatenate3A_129, %concatenate3A_130, %concatenate3A_131, %concatenate3A_132, %concatenate3A_133, %concatenate3A_134, %concatenate3A_135, %concatenate3A_136, %concatenate3A_137, %concatenate3A_138, %concatenate3A_139 in 0 : vector<128x256xf32>, vector<128x256xf32>, vector<128x256xf32>, vector<128x256xf32>, vector<128x256xf32>, vector<128x256xf32>, vector<128x256xf32>, vector<128x256xf32>, vector<128x256xf32>, vector<128x256xf32>, vector<128x256xf32>, vector<128x256xf32>, vector<128x256xf32>, vector<128x256xf32>, vector<128x256xf32>, vector<128x256xf32>, vector<128x256xf32>, vector<128x256xf32>, vector<128x256xf32>, vector<128x256xf32> -> vector<2560x256xf32>
    %get3A_141 = arith.constant 0 : index
    %get3A_142 = arith.constant 0 : index
    %get3A_143 = vector.load %arg3[%get3A_141, %get3A_142] : memref<256x256xf32, #tpu.memory_space<vmem>>, vector<256x256xf32>
    %dot_general3A = arith.constant dense<0.000000e+00> : vector<2560x256xf32>
    %dot_general3A_144 = tpu.matmul %concatenate3A_140, %get3A_143, %dot_general3A {dimension_numbers = #tpu.dot_dimension_numbers<[1], [0], [0], [1], [0, 0, 1, 1], [], []>, transpose_lhs_hint = false} : vector<2560x256xf32>, vector<256x256xf32>, vector<2560x256xf32> -> vector<2560x256xf32>
    %slice3A = vector.extract_strided_slice %dot_general3A_144 {offsets = [0, 0], sizes = [128, 256], strides = [1, 1]} : vector<2560x256xf32> to vector<128x256xf32>
    %slice3A_145 = vector.extract_strided_slice %dot_general3A_144 {offsets = [128, 0], sizes = [128, 256], strides = [1, 1]} : vector<2560x256xf32> to vector<128x256xf32>
    %max3A = arith.maximumf %slice3A, %slice3A_145 : vector<128x256xf32>
    %slice3A_146 = vector.extract_strided_slice %dot_general3A_144 {offsets = [256, 0], sizes = [128, 256], strides = [1, 1]} : vector<2560x256xf32> to vector<128x256xf32>
    %max3A_147 = arith.maximumf %max3A, %slice3A_146 : vector<128x256xf32>
    %slice3A_148 = vector.extract_strided_slice %dot_general3A_144 {offsets = [384, 0], sizes = [128, 256], strides = [1, 1]} : vector<2560x256xf32> to vector<128x256xf32>
    %max3A_149 = arith.maximumf %max3A_147, %slice3A_148 : vector<128x256xf32>
    %slice3A_150 = vector.extract_strided_slice %dot_general3A_144 {offsets = [512, 0], sizes = [128, 256], strides = [1, 1]} : vector<2560x256xf32> to vector<128x256xf32>
    %max3A_151 = arith.maximumf %max3A_149, %slice3A_150 : vector<128x256xf32>
    %slice3A_152 = vector.extract_strided_slice %dot_general3A_144 {offsets = [640, 0], sizes = [128, 256], strides = [1, 1]} : vector<2560x256xf32> to vector<128x256xf32>
    %max3A_153 = arith.maximumf %max3A_151, %slice3A_152 : vector<128x256xf32>
    %slice3A_154 = vector.extract_strided_slice %dot_general3A_144 {offsets = [768, 0], sizes = [128, 256], strides = [1, 1]} : vector<2560x256xf32> to vector<128x256xf32>
    %max3A_155 = arith.maximumf %max3A_153, %slice3A_154 : vector<128x256xf32>
    %slice3A_156 = vector.extract_strided_slice %dot_general3A_144 {offsets = [896, 0], sizes = [128, 256], strides = [1, 1]} : vector<2560x256xf32> to vector<128x256xf32>
    %max3A_157 = arith.maximumf %max3A_155, %slice3A_156 : vector<128x256xf32>
    %slice3A_158 = vector.extract_strided_slice %dot_general3A_144 {offsets = [1024, 0], sizes = [128, 256], strides = [1, 1]} : vector<2560x256xf32> to vector<128x256xf32>
    %max3A_159 = arith.maximumf %max3A_157, %slice3A_158 : vector<128x256xf32>
    %slice3A_160 = vector.extract_strided_slice %dot_general3A_144 {offsets = [1152, 0], sizes = [128, 256], strides = [1, 1]} : vector<2560x256xf32> to vector<128x256xf32>
    %max3A_161 = arith.maximumf %max3A_159, %slice3A_160 : vector<128x256xf32>
    %slice3A_162 = vector.extract_strided_slice %dot_general3A_144 {offsets = [1280, 0], sizes = [128, 256], strides = [1, 1]} : vector<2560x256xf32> to vector<128x256xf32>
    %max3A_163 = arith.maximumf %max3A_161, %slice3A_162 : vector<128x256xf32>
    %slice3A_164 = vector.extract_strided_slice %dot_general3A_144 {offsets = [1408, 0], sizes = [128, 256], strides = [1, 1]} : vector<2560x256xf32> to vector<128x256xf32>
    %max3A_165 = arith.maximumf %max3A_163, %slice3A_164 : vector<128x256xf32>
    %slice3A_166 = vector.extract_strided_slice %dot_general3A_144 {offsets = [1536, 0], sizes = [128, 256], strides = [1, 1]} : vector<2560x256xf32> to vector<128x256xf32>
    %max3A_167 = arith.maximumf %max3A_165, %slice3A_166 : vector<128x256xf32>
    %slice3A_168 = vector.extract_strided_slice %dot_general3A_144 {offsets = [1664, 0], sizes = [128, 256], strides = [1, 1]} : vector<2560x256xf32> to vector<128x256xf32>
    %max3A_169 = arith.maximumf %max3A_167, %slice3A_168 : vector<128x256xf32>
    %slice3A_170 = vector.extract_strided_slice %dot_general3A_144 {offsets = [1792, 0], sizes = [128, 256], strides = [1, 1]} : vector<2560x256xf32> to vector<128x256xf32>
    %max3A_171 = arith.maximumf %max3A_169, %slice3A_170 : vector<128x256xf32>
    %slice3A_172 = vector.extract_strided_slice %dot_general3A_144 {offsets = [1920, 0], sizes = [128, 256], strides = [1, 1]} : vector<2560x256xf32> to vector<128x256xf32>
    %max3A_173 = arith.maximumf %max3A_171, %slice3A_172 : vector<128x256xf32>
    %slice3A_174 = vector.extract_strided_slice %dot_general3A_144 {offsets = [2048, 0], sizes = [128, 256], strides = [1, 1]} : vector<2560x256xf32> to vector<128x256xf32>
    %max3A_175 = arith.maximumf %max3A_173, %slice3A_174 : vector<128x256xf32>
    %slice3A_176 = vector.extract_strided_slice %dot_general3A_144 {offsets = [2176, 0], sizes = [128, 256], strides = [1, 1]} : vector<2560x256xf32> to vector<128x256xf32>
    %max3A_177 = arith.maximumf %max3A_175, %slice3A_176 : vector<128x256xf32>
    %slice3A_178 = vector.extract_strided_slice %dot_general3A_144 {offsets = [2304, 0], sizes = [128, 256], strides = [1, 1]} : vector<2560x256xf32> to vector<128x256xf32>
    %max3A_179 = arith.maximumf %max3A_177, %slice3A_178 : vector<128x256xf32>
    %slice3A_180 = vector.extract_strided_slice %dot_general3A_144 {offsets = [2432, 0], sizes = [128, 256], strides = [1, 1]} : vector<2560x256xf32> to vector<128x256xf32>
    %max3A_181 = arith.maximumf %max3A_179, %slice3A_180 : vector<128x256xf32>
    %get3A_182 = arith.constant 0 : index
    %get3A_183 = arith.constant 0 : index
    %get3A_184 = vector.load %arg4[%get3A_182, %get3A_183] : memref<1x256xf32, #tpu.memory_space<vmem>>, vector<1x256xf32>
    %add3A = vector.broadcast %get3A_184 : vector<1x256xf32> to vector<128x256xf32>
    %add3A_185 = arith.addf %max3A_181, %add3A : vector<128x256xf32>
    %swap3A = arith.constant 0 : index
    %swap3A_186 = arith.constant 0 : index
    %swap3A_187 = vector.load %arg5[%swap3A, %swap3A_186] : memref<128x256xf32, #tpu.memory_space<vmem>>, vector<128x256xf32>
    tpu.vector_store %arg5[%swap3A, %swap3A_186], %add3A_185 {strides = array<i32>} : memref<128x256xf32, #tpu.memory_space<vmem>>, vector<128x256xf32>,
    return
  }
  func.func @transform_0(%arg0: i32) -> (i32, i32) {
    %c0_i32 = arith.constant 0 : i32
    %c0_i32_0 = arith.constant 0 : i32
    return %arg0, %c0_i32 : i32, i32
  }
  func.func @transform_1(%arg0: i32) -> (i32, i32, i32) {
    %c0_i32 = arith.constant 0 : i32
    %c0_i32_0 = arith.constant 0 : i32
    %c0_i32_1 = arith.constant 0 : i32
    return %c0_i32, %arg0, %c0_i32_0 : i32, i32, i32
  }
  func.func @transform_2(%arg0: i32) -> (i32, i32) {
    %c0_i32 = arith.constant 0 : i32
    %c0_i32_0 = arith.constant 0 : i32
    %c0_i32_1 = arith.constant 0 : i32
    return %c0_i32, %c0_i32_0 : i32, i32
  }
  func.func @transform_3(%arg0: i32) -> (i32, i32) {
    %c0_i32 = arith.constant 0 : i32
    %c0_i32_0 = arith.constant 0 : i32
    %c0_i32_1 = arith.constant 0 : i32
    return %c0_i32, %c0_i32_0 : i32, i32
  }
  func.func @transform_4(%arg0: i32) -> (i32, i32) {
    %c0_i32 = arith.constant 0 : i32
    %c0_i32_0 = arith.constant 0 : i32
    return %arg0, %c0_i32 : i32, i32
  }
}

module attributes {stable_mosaic.version = 14 : i64} {
  func.func @_head_body(%arg0: memref<8x2048x256xf32, #tpu.memory_space<vmem>>, %arg1: memref<256x512xf32, #tpu.memory_space<vmem>>, %arg2: memref<1x512xf32, #tpu.memory_space<vmem>>, %arg3: memref<512x256xf32, #tpu.memory_space<vmem>>, %arg4: memref<1x256xf32, #tpu.memory_space<vmem>>, %arg5: memref<256x10xf32, #tpu.memory_space<vmem>>, %arg6: memref<1x10xf32, #tpu.memory_space<vmem>>, %arg7: memref<8x10xf32, #tpu.memory_space<vmem>>) attributes {dimension_semantics = [], scalar_prefetch = 0 : i64, scratch_operands = 0 : i64, tpu.core_type = #tpu.core_type<tc>} {
    %get3A = arith.constant 0 : index
    %get3A_0 = arith.constant 0 : index
    %get3A_1 = arith.constant 0 : index
    %get3A_2 = vector.load %arg0[%get3A, %get3A_0, %get3A_1] : memref<8x2048x256xf32, #tpu.memory_space<vmem>>, vector<8x2048x256xf32>
    %reduce_max3A = arith.constant dense<0xFF800000> : vector<8x256xf32>
    %reduce_max3A_3 = vector.multi_reduction <maximumf>, %get3A_2, %reduce_max3A [1] : vector<8x2048x256xf32> to vector<8x256xf32>
    %get3A_4 = arith.constant 0 : index
    %get3A_5 = arith.constant 0 : index
    %get3A_6 = vector.load %arg1[%get3A_4, %get3A_5] : memref<256x512xf32, #tpu.memory_space<vmem>>, vector<256x512xf32>
    %dot_general3A = arith.constant dense<0.000000e+00> : vector<8x512xf32>
    %dot_general3A_7 = tpu.matmul %reduce_max3A_3, %get3A_6, %dot_general3A {dimension_numbers = #tpu.dot_dimension_numbers<[1], [0], [0], [1], [0, 0, 1, 1], [], []>, transpose_lhs_hint = false} : vector<8x256xf32>, vector<256x512xf32>, vector<8x512xf32> -> vector<8x512xf32>
    %get3A_8 = arith.constant 0 : index
    %get3A_9 = arith.constant 0 : index
    %get3A_10 = vector.load %arg2[%get3A_8, %get3A_9] : memref<1x512xf32, #tpu.memory_space<vmem>>, vector<1x512xf32>
    %add3A = vector.broadcast %get3A_10 : vector<1x512xf32> to vector<8x512xf32>
    %add3A_11 = arith.addf %dot_general3A_7, %add3A : vector<8x512xf32>
    %max3A = arith.constant 0.000000e+00 : f32
    %max3A_12 = vector.broadcast %max3A : f32 to vector<8x512xf32>
    %max3A_13 = arith.maximumf %add3A_11, %max3A_12 : vector<8x512xf32>
    %get3A_14 = arith.constant 0 : index
    %get3A_15 = arith.constant 0 : index
    %get3A_16 = vector.load %arg3[%get3A_14, %get3A_15] : memref<512x256xf32, #tpu.memory_space<vmem>>, vector<512x256xf32>
    %dot_general3A_17 = arith.constant dense<0.000000e+00> : vector<8x256xf32>
    %dot_general3A_18 = tpu.matmul %max3A_13, %get3A_16, %dot_general3A_17 {dimension_numbers = #tpu.dot_dimension_numbers<[1], [0], [0], [1], [0, 0, 1, 1], [], []>, transpose_lhs_hint = false} : vector<8x512xf32>, vector<512x256xf32>, vector<8x256xf32> -> vector<8x256xf32>
    %get3A_19 = arith.constant 0 : index
    %get3A_20 = arith.constant 0 : index
    %get3A_21 = vector.load %arg4[%get3A_19, %get3A_20] : memref<1x256xf32, #tpu.memory_space<vmem>>, vector<1x256xf32>
    %add3A_22 = vector.broadcast %get3A_21 : vector<1x256xf32> to vector<8x256xf32>
    %add3A_23 = arith.addf %dot_general3A_18, %add3A_22 : vector<8x256xf32>
    %max3A_24 = arith.constant 0.000000e+00 : f32
    %max3A_25 = vector.broadcast %max3A_24 : f32 to vector<8x256xf32>
    %max3A_26 = arith.maximumf %add3A_23, %max3A_25 : vector<8x256xf32>
    %get3A_27 = arith.constant 0 : index
    %get3A_28 = arith.constant 0 : index
    %get3A_29 = vector.load %arg5[%get3A_27, %get3A_28] : memref<256x10xf32, #tpu.memory_space<vmem>>, vector<256x10xf32>
    %dot_general3A_30 = arith.constant dense<0.000000e+00> : vector<8x10xf32>
    %dot_general3A_31 = tpu.matmul %max3A_26, %get3A_29, %dot_general3A_30 {dimension_numbers = #tpu.dot_dimension_numbers<[1], [0], [0], [1], [0, 0, 1, 1], [], []>, transpose_lhs_hint = false} : vector<8x256xf32>, vector<256x10xf32>, vector<8x10xf32> -> vector<8x10xf32>
    %get3A_32 = arith.constant 0 : index
    %get3A_33 = arith.constant 0 : index
    %get3A_34 = vector.load %arg6[%get3A_32, %get3A_33] : memref<1x10xf32, #tpu.memory_space<vmem>>, vector<1x10xf32>
    %add3A_35 = vector.broadcast %get3A_34 : vector<1x10xf32> to vector<8x10xf32>
    %add3A_36 = arith.addf %dot_general3A_31, %add3A_35 : vector<8x10xf32>
    %swap3A = arith.constant 0 : index
    %swap3A_37 = arith.constant 0 : index
    %swap3A_38 = vector.load %arg7[%swap3A, %swap3A_37] : memref<8x10xf32, #tpu.memory_space<vmem>>, vector<8x10xf32>
    tpu.vector_store %arg7[%swap3A, %swap3A_37], %add3A_36 {strides = array<i32>} : memref<8x10xf32, #tpu.memory_space<vmem>>, vector<8x10xf32>,
    return
  }
}

</mosaic_0001>

<sc_bundles>
// kernel: kernel.21.cloned.1.call-start
scs
__scs_entry_jumppad:
0x0: {  	(pc) =	sbr.rel $0x88, $3  }
0x1: {  	(tag) =	ssettag $0x0;
	lr =	simm.s32 $0x1  }
0x2: {  	[smem:$0x3F94] =	sst lr;
	_ =	strace $0xD0000000  }
0x3: {  	_ = 	snop  }
0x4: {  	_ = 	snop  }
0x5: {  	_ = 	snop  }
0x6: {  	_ = 	snop  }
0x7: {  	_ = 	snop  }
__scs_overlays_trampoline_lowered:
0x8: {  	[smem:$0x3FA3] =	sst s0  }
0x9: {  	[smem:$0x3FA4] =	sst s1  }
0xa: {  	[smem:$0x3FA5] =	sst s2  }
0xb: {  	[smem:$0x3FA6] =	sst s3  }
0xc: {  	[smem:$0x3FA7] =	sst s4  }
0xd: {  	[smem:$0x3FA8] =	sst s5  }
0xe: {  	[smem:$0x3FA9] =	sst s6  }
0xf: {  	[smem:$0x3FAA] =	sst s7  }
0x10: {  	[smem:$0x3FAB] =	sst s8  }
0x11: {  	[smem:$0x3FAC] =	sst s9;
	s0 =	simm.s32 @!p0 $0x0  }
0x12: {  	s1 =	sld [smem:$0x3F92];
	s0 =	simm.s32 @p0 $0x1  }
0x13: {  	[smem:$0x3FAD] =	sst s0;
	s0 =	simm.s32 @!p1 $0x0  }
0x14: {  	s2 =	sld [smem:$0x3F91];
	s0 =	simm.s32 @p1 $0x1  }
0x15: {  	[smem:$0x3FAE] =	sst s0;
	s0 =	simm.s32 @!p2 $0x0  }
0x16: {  	s3 =	sld [smem:$0x3FDB];
	s0 =	simm.s32 @p2 $0x1  }
0x17: {  	s4 =	simm.s32 $0x1BF5;
	[smem:$0x3FB0] =	sst s0  }
0x18: {  	s0 =	sld [smem:$0x3F93];
	_ =	swait.ge [sflag:s4], $0x0  }
0x19: {  	s7 =	sld [smem:$0x3F94]  }
0x1a: {  	s8 =	sadd.s32 $0xFFFFE003, lr  }
0x1b: {  	s9 =	sadd.s32 $0xFFFFFEF7, lr;
	s5 =	simm.s32 $0xFFFFFFFF;
	p2 =	slt.u32 s8, $0xFFFFF086  }
0x1c: {  	p1 =	slt.u32 s9, $0xF7A;
	s5 =	simm.s32 @!p2 $0x0  }
0x1d: {  	s5 =	simm.s32 @p1 $0x1;
	p0 =	seq.s32 s7, s2  }
0x1e: {  	s7 =	smul.u32 @!p0 $0xF7A, s2;
	p2 =	seq.s32 @!p0 s5, $0x0  }
0x1f: {  	s9 =	smul.u32 $0xF7A, s1;
	s8 =	simm.s32 @!p0 $0x1BF5;
	p2 =	por !p2, p0  }
0x20: {  	[sflag:s8] =	ssyncset.s32 @!p0 $0xFFFFF086;
	s6 =	sadd.s32 @!p0 s3, s7;
	s7 =	simm.s32 @!p0 $0x108  }
0x21: {  	s3 =	sadd.s32 s3, s9;
	s6 =	sadd.s32 @!p0 $0x88, s6;
	s7 =	simm.s32 @p2 $0x1082  }
0x22: {  	[simem:s7], [sflag:s8] =	dma.local @!p0 [hbm:s6], $0xF7A  }
0x23: {  	s9 =	sor.u32 $0xD0000000, s2;
	s6 =	simm.s32 $0x108;
	_ =	swait.ge @!p0 [sflag:s8], $0x0  }
0x24: {  	s3 =	sadd.s32 $0x88, s3;
	s6 =	simm.s32 @!p1 $0x1082;
	[sflag:s4] =	ssyncset.s32 $0xFFFFF086  }
0x25: {  	[simem:s6], [sflag:s4] =	dma.local [hbm:s3], $0xF7A  }
0x26: {  	[smem:$0x3F94] =	sst s1;
	(tag) =	ssettag s2;
	_ =	strace s9  }
0x27: {  	s1 =	sld [smem:$0x3FA4]  }
0x28: {  	s2 =	sld [smem:$0x3FA5]  }
0x29: {  	s4 =	sld [smem:$0x3FA7]  }
0x2a: {  	p0 =	seq.s32 s5, $0x0;
	s5 =	sld [smem:$0x3FA8]  }
0x2b: {  	s6 =	sld [smem:$0x3FA9]  }
0x2c: {  	s7 =	sld [smem:$0x3FAA]  }
0x2d: {  	s3 =	simm.s32 $0x108;
	s8 =	sld [smem:$0x3FAB]  }
0x2e: {  	s3 =	simm.s32 @!p0 $0x1082;
	s9 =	sld [smem:$0x3FAC]  }
0x2f: {  	lr =	sadd.s32 s0, s3;
	s0 =	sld [smem:$0x3FA3]  }
0x30: {  	s3 =	sld [smem:$0x3FA6]  }
0x31: {  	[smem:$0x3FAF] =	sst s10  }
0x32: {  	s10 =	sld [smem:$0x3FAD];
	_ =	sdelay $0x3  }
0x33: {  	p0 =	seq.s32 s10, $0x1;
	s10 =	sld [smem:$0x3FAF];
	_ =	sdelay $0x3  }
0x34: {  	[smem:$0x3FAF] =	sst s10  }
0x35: {  	s10 =	sld [smem:$0x3FAE];
	_ =	sdelay $0x3  }
0x36: {  	p1 =	seq.s32 s10, $0x1;
	s10 =	sld [smem:$0x3FAF];
	_ =	sdelay $0x3  }
0x37: {  	[smem:$0x3FAF] =	sst s10  }
0x38: {  	s10 =	sld [smem:$0x3FB0]  }
0x39: {  	_ = 	snop;
	(pc) =	sbr.ind lr, $3  }
0x3a: {  	_ = 	snop  }
0x3b: {  	_ = 	snop  }
0x3c: {  	p2 =	seq.s32 s10, $0x1;
	s10 =	sld [smem:$0x3FAF]  }
0x3d: {  	_ =	shalt  }
0x3e: {  	_ =	shalt  }
0x3f: {  	_ =	shalt  }
0x40: {  	_ =	shalt  }
0x41: {  	_ =	shalt  }
0x42: {  	_ =	shalt  }
0x43: {  	_ =	shalt  }
0x44: {  	_ =	shalt  }
0x45: {  	_ =	shalt  }
0x46: {  	_ =	shalt  }
0x47: {  	_ =	shalt  }
0x48: {  	_ =	shalt  }
0x49: {  	_ =	shalt  }
0x4a: {  	_ =	shalt  }
0x4b: {  	_ =	shalt  }
0x4c: {  	_ =	shalt  }
0x4d: {  	_ =	shalt  }
0x4e: {  	_ =	shalt  }
0x4f: {  	_ =	shalt  }
0x50: {  	_ =	shalt  }
0x51: {  	_ =	shalt  }
0x52: {  	_ =	shalt  }
0x53: {  	_ =	shalt  }
0x54: {  	_ =	shalt  }
0x55: {  	_ =	shalt  }
0x56: {  	_ =	shalt  }
0x57: {  	_ =	shalt  }
0x58: {  	_ =	shalt  }
0x59: {  	_ =	shalt  }
0x5a: {  	_ =	shalt  }
0x5b: {  	_ =	shalt  }
0x5c: {  	_ =	shalt  }
0x5d: {  	_ =	shalt  }
0x5e: {  	_ =	shalt  }
0x5f: {  	_ =	shalt  }
0x60: {  	_ =	shalt  }
0x61: {  	_ =	shalt  }
0x62: {  	_ =	shalt  }
0x63: {  	_ =	shalt  }
0x64: {  	_ =	shalt  }
0x65: {  	_ =	shalt  }
0x66: {  	_ =	shalt  }
0x67: {  	_ =	shalt  }
0x68: {  	_ =	shalt  }
0x69: {  	_ =	shalt  }
0x6a: {  	_ =	shalt  }
0x6b: {  	_ =	shalt  }
0x6c: {  	_ =	shalt  }
0x6d: {  	_ =	shalt  }
0x6e: {  	_ =	shalt  }
0x6f: {  	_ =	shalt  }
0x70: {  	_ =	shalt  }
0x71: {  	_ =	shalt  }
0x72: {  	_ =	shalt  }
0x73: {  	_ =	shalt  }
0x74: {  	_ =	shalt  }
0x75: {  	_ =	shalt  }
0x76: {  	_ =	shalt  }
0x77: {  	_ =	shalt  }
0x78: {  	_ =	shalt  }
0x79: {  	_ =	shalt  }
0x7a: {  	_ =	shalt  }
0x7b: {  	_ =	shalt  }
0x7c: {  	_ =	shalt  }
0x7d: {  	_ =	shalt  }
0x7e: {  	_ =	shalt  }
0x7f: {  	_ =	shalt  }
0x80: {  	_ =	shalt  }
0x81: {  	_ =	shalt  }
0x82: {  	_ =	shalt  }
0x83: {  	_ =	shalt  }
0x84: {  	_ =	shalt  }
0x85: {  	_ =	shalt  }
0x86: {  	_ =	shalt  }
0x87: {  	_ =	shalt  }
.Lfunc_end0:
.L_simem_size_0:
called_computation_lowered:
.L_overlay_start_0:
0x88: {  	s2 =	sld [smem:$0x3FD9]  }
0x89: {  	s3 =	sld [smem:$0x3FFE];
	_ =	sdelay $0x1  }
0x8a: {  	s1 =	srdreg.scid  }
0x8b: {  	s0 =	sand.u32 $0x1, s1  }
0x8c: {  	s16 =	sshll.u32 s0, $0xA;
	s2 =	sadd.s32 s3, s2  }
0x8d: {  	s2 =	sadd.s32 s2, s16  }
0x8e: {  	[smem:$0x3FBB] =	sst s2  }
0x8f: {  	_ = 	snop  }
0x90: {  	(tm) =	ssettm $0x1  }
0x91: {  	s17 =	sld [smem:$0x3FFB];
	_ =	sdelay $0x3  }
0x92: {  	_ =	strace s17  }
0x93: {  	s2 =	sld [smem:$0x3FFC];
	_ =	sdelay $0x3  }
0x94: {  	_ =	strace s2  }
0x95: {  	s2 =	sld [smem:$0x3FFD];
	_ =	sdelay $0x3  }
0x96: {  	_ =	strace s2  }
0x97: {  	_ =	strace $0x8FFFFFFF  }
0x98: {  	s18 =	sld [smem:$0x3FDB];
	_ =	sdelay $0x1  }
0x99: {  	s19 =	simm.s32 $_scs_section_size  }
0x9a: {  	s4 =	simm.s32 $_size__tile_overlayer_lowered;
	s5 =	simm.s32 $_tile_overlayer_lowered  }
0x9b: {  	s22 =	simm.s32 $0x1BFF;
	s21 =	sshll.u32 s5, $0x1;
	s2 =	sadd.s32 s19, s18  }
0x9c: {  	s6 =	simm.s32 $0x0;
	s20 =	sshll.u32 s4, $0x1;
	s4 =	sadd.s32 s21, s2  }
0x9d: {  	[timem:s6], [sflag:s22] =	dma.local [hbm:s4], s20  }
0x9e: {  	_ =	swait.ge [sflag:s22], s20  }
0x9f: {  	s3 =	ssub.s32 $0x0, s20;
	[sflag:s22] =	ssyncset.done $0x0  }
0xa0: {  	[sflag:s22] =	ssyncadd.s32 s3;
	_ =	sdelay $0x1  }
0xa1: {  	s23 =	simm.s32 $0x1B8B  }
0xa2: {  	_ =	swait.ge [sflag:s23], $0x1  }
0xa3: {  	[sflag:s23] =	ssyncset.done $0x0  }
0xa4: {  	s25 =	simm.s32 $0x1B8E;
	s24 =	sld [smem:$0x3FFE];
	[sflag:s23] =	ssyncadd.s32 $0xFFFFFFFF  }
0xa5: {  	s26 =	simm.s32 $execute0_lowered;
	[smem:$0x3FD2] =	sst s25  }
0xa6: {  	s4 =	sshll.u32 s26, $0x1;
	_ =	strace $0x80000046;
	[dreg:$0x1] =	wrdreg $0xFFFFFFFF  }
0xa7: {  	s28 =	simm.s32 $_size_execute0_lowered;
	s2 =	sadd.s32 s2, s4;
	[dreg:$0x0] =	wrdreg $0x0  }
0xa8: {  	s4 =	sshll.u32 s28, $0x1;
	[dreg:$0x2] =	wrdreg s2  }
0xa9: {  	[dreg:$0x3] =	wrdreg s4  }
0xaa: {  	[dreg:$0x4] =	wrdreg $0xC0  }
0xab: {  	_ =	task [dreg:s6], $0x5FFFF  }
0xac: {  	[dreg:$0x1] =	wrdreg $0xFFFFFFFF  }
0xad: {  	[dreg:$0x0] =	wrdreg $0x60  }
0xae: {  	[dreg:$0x2] =	wrdreg s24  }
0xaf: {  	[dreg:$0x3] =	wrdreg $0xA  }
0xb0: {  	_ =	task.clear_ibuf [dreg:s6], $0x4FFFF;
	_ =	strace $0x90000046  }
0xb1: {  	s29 =	simm.s32 $0xA;
	_ =	strace $0x80000048  }
0xb2: {  	_ =	swait.ge [sflag:s29], $0x1  }
0xb3: {  	[sflag:s29] =	ssyncadd.s32 $0xFFFFFFFF  }
0xb4: {  	_ =	strace $0x90000048  }
0xb5: {  	_ =	sfence  }
0xb6: {  	s30 =	sld [smem:$0x0];
	_ =	sdelay $0x2  }
0xb7: {  	s31 =	sshll.u32 s1, $0xD;
	s1 =	sshrl.u32 s1, $0x2  }
0xb8: {  	s3 =	sand.u32 $0x4000, s31;
	s1 =	sadd.s32 s1, s30  }
0xb9: {  	s0 =	sor.u32 s3, s0;
	s1 =	sshll.u32 s1, $0x11  }
0xba: {  	s0 =	sor.u32 s1, s0  }
0xbb: {  	s0 =	sadd.s32 $0x8F2B, s0  }
0xbc: {  	[sflag:s0] =	ssyncadd.remote.s32 $0x1  }
0xbd: {  	_ =	sfence.sel $0xFFFF  }
0xbe: {  	[dreg:$0x0] =	wrdreg $0xFFFFFFFF;
	(pc) =	sbr.abs _section_cstart, $3  }
0xbf: {  	[dreg:$0x1] =	wrdreg $0xFFFFFFFF  }
0xc0: {  	_ =	task.clear_ibuf [dreg:s6], $0x2FFFF;
	_ =	strace $0x9FFFFFFF  }
0xc1: {  	(tm) =	ssettm $0x7FFFFFFF  }
tec
execute0_lowered:
.L_overlay_start_1:
0x0: {  	(tag) =	ssettag $0x1  }
0x1: {  	s1 =	srdreg.scid;
	s0 =	stileid.u32  }
0x2: {  	s4 =	rddreg [dreg:$0x0];
	s2 =	simm.s32 $0x0;
	s11 =	simm.s32 $0x80  }
0x3: {  	s12 =	simm.s32 $0x1400;
	s13 =	simm.s32 $0x5400;
	s14 =	simm.s32 $0x1  }
0x4: {  	s15 =	simm.s32 $0x2;
	s5 =	sand.u32 $0x1, s1;
	s1 =	rddreg [dreg:$0x1]  }
0x5: {  	s16 =	simm.s32 $0x0;
	s3 =	sshll.u32 s0, $0x1;
	[smem:$0x7FF] =	sst s2  }
0x6: {  	s10 =	sadd.s32 $0x29600, s4;
	s29 =	sshll.u32 s0, $0x10;
	s6 =	sor.u32 s5, s3  }
0x7: {  	s8 =	ssub.s32 $0x2, s5;
	_ =	strace $0x80000047;
	s3 =	sadd.s32 $0x9600, s4  }
0x8: {  	s7 =	smul.u32 $0x280, s6;
	s9 =	sshrl.u32 s8, $0x1;
	s6 =	sshll.u32 s6, $0xC  }
0x9: {  	s5 =	sshll.u32 s5, $0xF;
	s8 =	ssub.s32 s8, s9;
	s30 =	sadd.s32 s6, s10  }
0xa: {  	s9 =	sor.u32 s5, s29;
	s7 =	sadd.s32 s7, s4;
	s5 =	smax.u32 s8, $0x1  }
0xb: {  	s6 =	sadd.s32 $0x260000, s30;
	s31 =	sor.u32 $0x4000, s9;
	s9 =	sshrl.u32 s9, $0x3  }
0xc: {  	s4 =	sadd.s32 $0x4600, s7;
	s7 =	sadd.s32 $0x260800, s30;
	s8 =	sshrl.u32 s31, $0x3  }
0xd: {  	s9 =	sadd.s32 s9, s10;
	s8 =	sadd.s32 s8, s10;
	s10 =	simm.s32 $0x3  }
.LBB2_1:
0xe: {  	[tilespmem:s2], [sflag:$0x3] =	stream.linear.gather [hbm4b:s4+s2], $0x1400, $0x38;
	[tilespmem:$0x9400] =	vst v63  }
0xf: {  	_ =	swait.ge [sflag:s10], $0x1400  }
0x10: {  	[sflag:s10] =	ssyncset.done $0x0  }
0x11: {  	[sflag:s10] =	ssyncadd.s32 $0xFFFFEC00  }
0x12: {  	[tilespmem:s12], [sflag:$0x1] =	stream.indirect.gather [hbm4b:s3+s11], $0x80, s2, s11, $0xb8;
	[tilespmem:$0x9400] =	vst v63  }
0x13: {  	_ = 	snop  }
0x14: {  	[tilespmem:s13], [sflag:$0x2] =	stream.indirect.gather [hbm4b:s3+s11], $0x80, s11, s11, $0xb8;
	[tilespmem:$0x9400] =	vst v63  }
0x15: {  	_ =	swait.ge [sflag:s14], $0x4000  }
0x16: {  	[sflag:s14] =	ssyncset.done $0x0  }
0x17: {  	s17 =	sadd.s32 $0x0, s9;
	[sflag:s14] =	ssyncadd.s32 $0xFFFFC000  }
0x18: {  	[hbm4b:s17+s2] =	stream.linear.scatter [tilespmem:s12], [sflag:$0x3], $0x4000, $0x38;
	[tilespmem:$0x9400] =	vst v63  }
0x19: {  	_ =	swait.ge [sflag:s10], $0x4000  }
0x1a: {  	[sflag:s10] =	ssyncset.done $0x0  }
0x1b: {  	s30 =	simm.s32 $0x100;
	[sflag:s10] =	ssyncadd.s32 $0xFFFFC000  }
0x1c: {  	[tilespmem:s12], [sflag:$0x1] =	stream.indirect.gather [hbm4b:s3+s11], $0x80, s30, s11, $0xb8;
	[tilespmem:$0x9400] =	vst v63  }
0x1d: {  	_ =	swait.ge [sflag:s15], $0x4000  }
0x1e: {  	[sflag:s15] =	ssyncset.done $0x0  }
0x1f: {  	s31 =	sadd.s32 $0x0, s8;
	[sflag:s15] =	ssyncadd.s32 $0xFFFFC000  }
0x20: {  	[hbm4b:s31+s2] =	stream.linear.scatter [tilespmem:s13], [sflag:$0x3], $0x4000, $0x38;
	[tilespmem:$0x9400] =	vst v63  }
0x21: {  	_ =	swait.ge [sflag:s10], $0x4000  }
0x22: {  	s18 =	simm.s32 $0x20000;
	[sflag:s10] =	ssyncset.done $0x0  }
0x23: {  	s19 =	simm.s32 $0x280;
	s17 =	simm.s32 $0x180;
	[sflag:s10] =	ssyncadd.s32 $0xFFFFC000  }
.LBB2_2:
0x24: {  	[tilespmem:s13], [sflag:$0x2] =	stream.indirect.gather [hbm4b:s3+s11], $0x80, s17, s11, $0xb8;
	[tilespmem:$0x9400] =	vst v63  }
0x25: {  	s20 =	smov.u32 s18;
	s17 =	smov.u32 s19  }
0x26: {  	p0 =	sne.s32 s18, $0x240000;
	s18 =	sadd.s32 $0x20000, s18;
	_ =	swait.ge [sflag:s14], $0x4000  }
0x27: {  	[sflag:s14] =	ssyncset.done $0x0  }
0x28: {  	s21 =	sadd.s32 s20, s9;
	[sflag:s14] =	ssyncadd.s32 $0xFFFFC000  }
0x29: {  	[hbm4b:s21+s2] =	stream.linear.scatter [tilespmem:s12], [sflag:$0x3], $0x4000, $0x38;
	[tilespmem:$0x9400] =	vst v63  }
0x2a: {  	_ =	swait.ge [sflag:s10], $0x4000  }
0x2b: {  	[sflag:s10] =	ssyncset.done $0x0  }
0x2c: {  	s21 =	sadd.s32 $0xFFFFFF80, s19;
	[sflag:s10] =	ssyncadd.s32 $0xFFFFC000  }
0x2d: {  	[tilespmem:s12], [sflag:$0x1] =	stream.indirect.gather [hbm4b:s3+s11], $0x80, s21, s11, $0xb8;
	[tilespmem:$0x9400] =	vst v63  }
0x2e: {  	_ =	swait.ge [sflag:s15], $0x4000  }
0x2f: {  	[sflag:s15] =	ssyncset.done $0x0  }
.Ltmp0:
0x30: {  	s20 =	sadd.s32 s20, s8;
	[sflag:s15] =	ssyncadd.s32 $0xFFFFC000;
	(pc) =	sbr.rel @p0 .LBB2_2-.Ltmp0, $4  }
0x31: {  	[hbm4b:s20+s2] =	stream.linear.scatter [tilespmem:s13], [sflag:$0x3], $0x4000, $0x38;
	[tilespmem:$0x9400] =	vst v63  }
0x32: {  	_ =	swait.ge [sflag:s10], $0x4000  }
0x33: {  	[sflag:s10] =	ssyncset.done $0x0  }
0x34: {  	s19 =	sadd.s32 $0x100, s19;
	[sflag:s10] =	ssyncadd.s32 $0xFFFFC000  }
0x35: {  	[tilespmem:s13], [sflag:$0x2] =	stream.indirect.gather [hbm4b:s3+s11], $0x80, s17, s11, $0xb8;
	[tilespmem:$0x9400] =	vst v63  }
0x36: {  	_ =	swait.ge [sflag:s14], $0x4000  }
0x37: {  	[sflag:s14] =	ssyncset.done $0x0  }
0x38: {  	[sflag:s14] =	ssyncadd.s32 $0xFFFFC000  }
0x39: {  	[hbm4b:s6+s2] =	stream.linear.scatter [tilespmem:s12], [sflag:$0x3], $0x4000, $0x38;
	[tilespmem:$0x9400] =	vst v63  }
0x3a: {  	_ =	swait.ge [sflag:s10], $0x4000  }
0x3b: {  	[sflag:s10] =	ssyncset.done $0x0  }
0x3c: {  	[sflag:s10] =	ssyncadd.s32 $0xFFFFC000  }
0x3d: {  	s16 =	sadd.s32 $0x1, s16;
	_ =	swait.ge [sflag:s15], $0x4000  }
0x3e: {  	p0 =	sne.s32 s16, s5;
	[sflag:s15] =	ssyncset.done $0x0  }
.Ltmp1:
0x3f: {  	[sflag:s15] =	ssyncadd.s32 $0xFFFFC000;
	(pc) =	sbr.rel @p0 .LBB2_1-.Ltmp1, $4  }
0x40: {  	[hbm4b:s7+s2] =	stream.linear.scatter [tilespmem:s13], [sflag:$0x3], $0x4000, $0x38;
	[tilespmem:$0x9400] =	vst v63  }
0x41: {  	_ =	swait.ge [sflag:s10], $0x4000  }
0x42: {  	[sflag:s10] =	ssyncset.done $0x0  }
0x43: {  	[sflag:s10] =	ssyncadd.s32 $0xFFFFC000  }
0x44: {  	_ =	sfence.sel $0x180000  }
0x45: {  	[bflag:$0x0] =	sbarrier.arrive $0xFFFF  }
0x46: {  	p0 =	sne.s32 s0, $0x0;
	_ =	strace $0x90000047  }
0x47: {  	s0 =	sadd.s32 @!p0 $0x100000, s1;
	[bflag:$0x2] =	sbarrier.arrive $0xFFFF  }
0x48: {  	[sflag:s0] =	ssyncadd.tile.s32 @!p0 $0x1;
	_ =	shalt  }
.Lfunc_end2:
_tile_overlayer_lowered:
.L_overlay_start_2:
0x49: {  	(tag) =	ssettag $0x2  }
0x4a: {  	s0 =	rddreg [dreg:$0x0];
	s2 =	stileid.u32  }
0x4b: {  	s1 =	rddreg [dreg:$0x1];
	p0 =	sne.s32 s2, $0x0  }
0x4c: {  	s3 =	rddreg [dreg:$0x2];
	[bflag:$0x3] =	sbarrier.arrive $0xFFFF;
	s2 =	simm.s32 @!p0 $0x1C03  }
0x4d: {  	[timem:s3], [sflag:s2] =	dma.local @!p0 [hbm:s0], s1  }
0x4e: {  	s0 =	simm.s32 @!p0 $0x3  }
0x4f: {  	_ =	swait.ge @!p0 [sflag:s0], s1  }
0x50: {  	s1 =	ssub.s32 @!p0 $0x0, s1;
	[sflag:s0] =	ssyncset.done @!p0 $0x0  }
0x51: {  	[sflag:s0] =	ssyncadd.s32 @!p0 s1  }
0x52: {  	[bflag:$0x3] =	sbarrier.arrive $0xFFFF  }
0x53: {  	_ =	shalt  }

// kernel: kernel.24.cloned.1.call-start
scs
__scs_entry_jumppad:
0x0: {  	(pc) =	sbr.rel $0x88, $3  }
0x1: {  	(tag) =	ssettag $0x0;
	lr =	simm.s32 $0x1  }
0x2: {  	[smem:$0x3F94] =	sst lr;
	_ =	strace $0xD0000000  }
0x3: {  	_ = 	snop  }
0x4: {  	_ = 	snop  }
0x5: {  	_ = 	snop  }
0x6: {  	_ = 	snop  }
0x7: {  	_ = 	snop  }
__scs_overlays_trampoline_lowered:
0x8: {  	[smem:$0x3FA3] =	sst s0  }
0x9: {  	[smem:$0x3FA4] =	sst s1  }
0xa: {  	[smem:$0x3FA5] =	sst s2  }
0xb: {  	[smem:$0x3FA6] =	sst s3  }
0xc: {  	[smem:$0x3FA7] =	sst s4  }
0xd: {  	[smem:$0x3FA8] =	sst s5  }
0xe: {  	[smem:$0x3FA9] =	sst s6  }
0xf: {  	[smem:$0x3FAA] =	sst s7  }
0x10: {  	[smem:$0x3FAB] =	sst s8  }
0x11: {  	[smem:$0x3FAC] =	sst s9;
	s0 =	simm.s32 @!p0 $0x0  }
0x12: {  	s1 =	sld [smem:$0x3F92];
	s0 =	simm.s32 @p0 $0x1  }
0x13: {  	[smem:$0x3FAD] =	sst s0;
	s0 =	simm.s32 @!p1 $0x0  }
0x14: {  	s2 =	sld [smem:$0x3F91];
	s0 =	simm.s32 @p1 $0x1  }
0x15: {  	[smem:$0x3FAE] =	sst s0;
	s0 =	simm.s32 @!p2 $0x0  }
0x16: {  	s3 =	sld [smem:$0x3FDB];
	s0 =	simm.s32 @p2 $0x1  }
0x17: {  	s4 =	simm.s32 $0x1BF5;
	[smem:$0x3FB0] =	sst s0  }
0x18: {  	s0 =	sld [smem:$0x3F93];
	_ =	swait.ge [sflag:s4], $0x0  }
0x19: {  	s7 =	sld [smem:$0x3F94]  }
0x1a: {  	s8 =	sadd.s32 $0xFFFFE003, lr  }
0x1b: {  	s9 =	sadd.s32 $0xFFFFFEF7, lr;
	s5 =	simm.s32 $0xFFFFFFFF;
	p2 =	slt.u32 s8, $0xFFFFF086  }
0x1c: {  	p1 =	slt.u32 s9, $0xF7A;
	s5 =	simm.s32 @!p2 $0x0  }
0x1d: {  	s5 =	simm.s32 @p1 $0x1;
	p0 =	seq.s32 s7, s2  }
0x1e: {  	s7 =	smul.u32 @!p0 $0xF7A, s2;
	p2 =	seq.s32 @!p0 s5, $0x0  }
0x1f: {  	s9 =	smul.u32 $0xF7A, s1;
	s8 =	simm.s32 @!p0 $0x1BF5;
	p2 =	por !p2, p0  }
0x20: {  	[sflag:s8] =	ssyncset.s32 @!p0 $0xFFFFF086;
	s6 =	sadd.s32 @!p0 s3, s7;
	s7 =	simm.s32 @!p0 $0x108  }
0x21: {  	s3 =	sadd.s32 s3, s9;
	s6 =	sadd.s32 @!p0 $0x88, s6;
	s7 =	simm.s32 @p2 $0x1082  }
0x22: {  	[simem:s7], [sflag:s8] =	dma.local @!p0 [hbm:s6], $0xF7A  }
0x23: {  	s9 =	sor.u32 $0xD0000000, s2;
	s6 =	simm.s32 $0x108;
	_ =	swait.ge @!p0 [sflag:s8], $0x0  }
0x24: {  	s3 =	sadd.s32 $0x88, s3;
	s6 =	simm.s32 @!p1 $0x1082;
	[sflag:s4] =	ssyncset.s32 $0xFFFFF086  }
0x25: {  	[simem:s6], [sflag:s4] =	dma.local [hbm:s3], $0xF7A  }
0x26: {  	[smem:$0x3F94] =	sst s1;
	(tag) =	ssettag s2;
	_ =	strace s9  }
0x27: {  	s1 =	sld [smem:$0x3FA4]  }
0x28: {  	s2 =	sld [smem:$0x3FA5]  }
0x29: {  	s4 =	sld [smem:$0x3FA7]  }
0x2a: {  	p0 =	seq.s32 s5, $0x0;
	s5 =	sld [smem:$0x3FA8]  }
0x2b: {  	s6 =	sld [smem:$0x3FA9]  }
0x2c: {  	s7 =	sld [smem:$0x3FAA]  }
0x2d: {  	s3 =	simm.s32 $0x108;
	s8 =	sld [smem:$0x3FAB]  }
0x2e: {  	s3 =	simm.s32 @!p0 $0x1082;
	s9 =	sld [smem:$0x3FAC]  }
0x2f: {  	lr =	sadd.s32 s0, s3;
	s0 =	sld [smem:$0x3FA3]  }
0x30: {  	s3 =	sld [smem:$0x3FA6]  }
0x31: {  	[smem:$0x3FAF] =	sst s10  }
0x32: {  	s10 =	sld [smem:$0x3FAD];
	_ =	sdelay $0x3  }
0x33: {  	p0 =	seq.s32 s10, $0x1;
	s10 =	sld [smem:$0x3FAF];
	_ =	sdelay $0x3  }
0x34: {  	[smem:$0x3FAF] =	sst s10  }
0x35: {  	s10 =	sld [smem:$0x3FAE];
	_ =	sdelay $0x3  }
0x36: {  	p1 =	seq.s32 s10, $0x1;
	s10 =	sld [smem:$0x3FAF];
	_ =	sdelay $0x3  }
0x37: {  	[smem:$0x3FAF] =	sst s10  }
0x38: {  	s10 =	sld [smem:$0x3FB0]  }
0x39: {  	_ = 	snop;
	(pc) =	sbr.ind lr, $3  }
0x3a: {  	_ = 	snop  }
0x3b: {  	_ = 	snop  }
0x3c: {  	p2 =	seq.s32 s10, $0x1;
	s10 =	sld [smem:$0x3FAF]  }
0x3d: {  	_ =	shalt  }
0x3e: {  	_ =	shalt  }
0x3f: {  	_ =	shalt  }
0x40: {  	_ =	shalt  }
0x41: {  	_ =	shalt  }
0x42: {  	_ =	shalt  }
0x43: {  	_ =	shalt  }
0x44: {  	_ =	shalt  }
0x45: {  	_ =	shalt  }
0x46: {  	_ =	shalt  }
0x47: {  	_ =	shalt  }
0x48: {  	_ =	shalt  }
0x49: {  	_ =	shalt  }
0x4a: {  	_ =	shalt  }
0x4b: {  	_ =	shalt  }
0x4c: {  	_ =	shalt  }
0x4d: {  	_ =	shalt  }
0x4e: {  	_ =	shalt  }
0x4f: {  	_ =	shalt  }
0x50: {  	_ =	shalt  }
0x51: {  	_ =	shalt  }
0x52: {  	_ =	shalt  }
0x53: {  	_ =	shalt  }
0x54: {  	_ =	shalt  }
0x55: {  	_ =	shalt  }
0x56: {  	_ =	shalt  }
0x57: {  	_ =	shalt  }
0x58: {  	_ =	shalt  }
0x59: {  	_ =	shalt  }
0x5a: {  	_ =	shalt  }
0x5b: {  	_ =	shalt  }
0x5c: {  	_ =	shalt  }
0x5d: {  	_ =	shalt  }
0x5e: {  	_ =	shalt  }
0x5f: {  	_ =	shalt  }
0x60: {  	_ =	shalt  }
0x61: {  	_ =	shalt  }
0x62: {  	_ =	shalt  }
0x63: {  	_ =	shalt  }
0x64: {  	_ =	shalt  }
0x65: {  	_ =	shalt  }
0x66: {  	_ =	shalt  }
0x67: {  	_ =	shalt  }
0x68: {  	_ =	shalt  }
0x69: {  	_ =	shalt  }
0x6a: {  	_ =	shalt  }
0x6b: {  	_ =	shalt  }
0x6c: {  	_ =	shalt  }
0x6d: {  	_ =	shalt  }
0x6e: {  	_ =	shalt  }
0x6f: {  	_ =	shalt  }
0x70: {  	_ =	shalt  }
0x71: {  	_ =	shalt  }
0x72: {  	_ =	shalt  }
0x73: {  	_ =	shalt  }
0x74: {  	_ =	shalt  }
0x75: {  	_ =	shalt  }
0x76: {  	_ =	shalt  }
0x77: {  	_ =	shalt  }
0x78: {  	_ =	shalt  }
0x79: {  	_ =	shalt  }
0x7a: {  	_ =	shalt  }
0x7b: {  	_ =	shalt  }
0x7c: {  	_ =	shalt  }
0x7d: {  	_ =	shalt  }
0x7e: {  	_ =	shalt  }
0x7f: {  	_ =	shalt  }
0x80: {  	_ =	shalt  }
0x81: {  	_ =	shalt  }
0x82: {  	_ =	shalt  }
0x83: {  	_ =	shalt  }
0x84: {  	_ =	shalt  }
0x85: {  	_ =	shalt  }
0x86: {  	_ =	shalt  }
0x87: {  	_ =	shalt  }
.Lfunc_end0:
.L_simem_size_0:
called_computation.1_lowered:
.L_overlay_start_0:
0x88: {  	s2 =	sld [smem:$0x3FD9]  }
0x89: {  	s3 =	sld [smem:$0x3FFE];
	_ =	sdelay $0x1  }
0x8a: {  	s1 =	srdreg.scid  }
0x8b: {  	s0 =	sand.u32 $0x1, s1  }
0x8c: {  	s17 =	sshll.u32 s0, $0xA;
	s2 =	sadd.s32 s3, s2  }
0x8d: {  	s2 =	sadd.s32 s2, s17  }
0x8e: {  	[smem:$0x3FBB] =	sst s2  }
0x8f: {  	_ = 	snop  }
0x90: {  	(tm) =	ssettm $0x1  }
0x91: {  	s18 =	sld [smem:$0x3FFB];
	_ =	sdelay $0x3  }
0x92: {  	_ =	strace s18  }
0x93: {  	s2 =	sld [smem:$0x3FFC];
	_ =	sdelay $0x3  }
0x94: {  	_ =	strace s2  }
0x95: {  	s2 =	sld [smem:$0x3FFD];
	_ =	sdelay $0x3  }
0x96: {  	_ =	strace s2  }
0x97: {  	_ =	strace $0x8FFFFFFF  }
0x98: {  	s19 =	sld [smem:$0x3FDB];
	_ =	sdelay $0x1  }
0x99: {  	s20 =	simm.s32 $_scs_section_size  }
0x9a: {  	s4 =	simm.s32 $_size__tile_overlayer_lowered;
	s5 =	simm.s32 $_tile_overlayer_lowered  }
0x9b: {  	s6 =	simm.s32 $0x1BFF;
	s21 =	sshll.u32 s5, $0x1;
	s3 =	sadd.s32 s20, s19  }
0x9c: {  	s22 =	simm.s32 $0x0;
	s4 =	sshll.u32 s4, $0x1;
	s5 =	sadd.s32 s21, s3  }
0x9d: {  	[timem:s22], [sflag:s6] =	dma.local [hbm:s5], s4  }
0x9e: {  	_ =	swait.ge [sflag:s6], s4  }
0x9f: {  	s4 =	ssub.s32 $0x0, s4;
	[sflag:s6] =	ssyncset.done $0x0  }
0xa0: {  	[sflag:s6] =	ssyncadd.s32 s4;
	_ =	sdelay $0x1  }
0xa1: {  	s23 =	simm.s32 $0x1B8B  }
0xa2: {  	_ =	swait.ge [sflag:s23], $0x1  }
0xa3: {  	[sflag:s23] =	ssyncset.done $0x0  }
0xa4: {  	[sflag:s23] =	ssyncadd.s32 $0xFFFFFFFF  }
0xa5: {  	s4 =	sld [smem:$0x0]  }
0xa6: {  	s5 =	sand.u32 $0xFFFFFFFE, s1  }
0xa7: {  	p0 =	sne.s32 s1, s5  }
0xa8: {  	s5 =	sshll.u32 @p0 s5, $0xE  }
0xa9: {  	s5 =	sadd.s32 @p0 $0x11B8D, s5;
	s6 =	sshll.u32 @p0 s4, $0x11  }
0xaa: {  	s5 =	sor.u32 @p0 s6, s5  }
0xab: {  	[sflag:s5] =	ssyncadd.remote.s32 @p0 $0x1;
	_ =	sdelay $0x1  }
0xac: {  	s5 =	simm.s32 @p0 $0x1B8D  }
0xad: {  	_ =	swait.eq @p0 [sflag:s5], $0x1  }
0xae: {  	[sflag:s5] =	ssyncadd.s32 @p0 $0xFFFFFFFF  }
0xaf: {  	s6 =	sshll.u32 @!p0 s1, $0xE  }
0xb0: {  	s6 =	sor.u32 @!p0 $0x4000, s6;
	s5 =	simm.s32 @!p0 $0x1B8D  }
0xb1: {  	s4 =	sshll.u32 @!p0 s4, $0x11;
	s6 =	sadd.s32 @!p0 $0x11B8D, s6;
	_ =	swait.eq @!p0 [sflag:s5], $0x1  }
0xb2: {  	s4 =	sor.u32 @!p0 s4, s6;
	[sflag:s5] =	ssyncadd.s32 @!p0 $0xFFFFFFFF  }
0xb3: {  	s25 =	simm.s32 $0x1B8E;
	s24 =	sld [smem:$0x3FFE];
	[sflag:s4] =	ssyncadd.remote.s32 @!p0 $0x1  }
0xb4: {  	s26 =	simm.s32 $execute0_lowered;
	[smem:$0x3FD2] =	sst s25  }
0xb5: {  	s5 =	sshll.u32 s26, $0x1;
	_ =	strace $0x80000049;
	[dreg:$0x1] =	wrdreg $0xFFFFFFFF  }
0xb6: {  	s28 =	simm.s32 $_size_execute0_lowered;
	s3 =	sadd.s32 s3, s5;
	[dreg:$0x0] =	wrdreg $0x0  }
0xb7: {  	s5 =	sshll.u32 s28, $0x1;
	[dreg:$0x2] =	wrdreg s3  }
0xb8: {  	[dreg:$0x3] =	wrdreg s5  }
0xb9: {  	[dreg:$0x4] =	wrdreg $0xC0  }
0xba: {  	_ =	task [dreg:s22], $0x5FFFF  }
0xbb: {  	[dreg:$0x1] =	wrdreg $0xFFFFFFFF  }
0xbc: {  	[dreg:$0x0] =	wrdreg $0x60  }
0xbd: {  	[dreg:$0x2] =	wrdreg s24  }
0xbe: {  	[dreg:$0x3] =	wrdreg $0x9  }
0xbf: {  	_ =	task.clear_ibuf [dreg:s22], $0x4FFFF;
	_ =	strace $0x90000049  }
0xc0: {  	s29 =	simm.s32 $0x9;
	_ =	strace $0x8000004B  }
0xc1: {  	_ =	swait.ge [sflag:s29], $0x1  }
0xc2: {  	[sflag:s29] =	ssyncadd.s32 $0xFFFFFFFF  }
0xc3: {  	_ =	strace $0x9000004B  }
0xc4: {  	_ =	sfence  }
0xc5: {  	s30 =	sld [smem:$0x0];
	_ =	sdelay $0x2  }
0xc6: {  	s31 =	sshll.u32 s1, $0xD;
	s1 =	sshrl.u32 s1, $0x2  }
0xc7: {  	s4 =	sand.u32 $0x4000, s31;
	s1 =	sadd.s32 s1, s30  }
0xc8: {  	s0 =	sor.u32 s4, s0;
	s1 =	sshll.u32 s1, $0x11  }
0xc9: {  	s0 =	sor.u32 s1, s0  }
0xca: {  	s0 =	sadd.s32 $0x8F2B, s0  }
0xcb: {  	[sflag:s0] =	ssyncadd.remote.s32 $0x1  }
0xcc: {  	_ =	sfence.sel $0xFFFF  }
0xcd: {  	[dreg:$0x0] =	wrdreg $0xFFFFFFFF;
	(pc) =	sbr.abs _section_cstart, $3  }
0xce: {  	[dreg:$0x1] =	wrdreg $0xFFFFFFFF  }
0xcf: {  	_ =	task.clear_ibuf [dreg:s22], $0x2FFFF;
	_ =	strace $0x9FFFFFFF  }
0xd0: {  	(tm) =	ssettm $0x7FFFFFFF  }
0xd1: {  	_ =	shalt  }
tec
execute0_lowered:
.L_overlay_start_1:
0x0: {  	(tag) =	ssettag $0x1  }
0x1: {  	s1 =	srdreg.scid;
	s0 =	stileid.u32  }
0x2: {  	s4 =	rddreg [dreg:$0x0];
	s2 =	simm.s32 $0x0;
	s11 =	simm.s32 $0x80  }
0x3: {  	s12 =	simm.s32 $0x1400;
	s13 =	simm.s32 $0x5400;
	s14 =	simm.s32 $0x1  }
0x4: {  	s15 =	simm.s32 $0x2;
	s5 =	sand.u32 $0x1, s1;
	s1 =	rddreg [dreg:$0x1]  }
0x5: {  	s16 =	simm.s32 $0x0;
	s3 =	sshll.u32 s0, $0x1;
	[smem:$0x7FF] =	sst s2  }
0x6: {  	s10 =	sadd.s32 $0x2CE600, s4;
	s29 =	sshll.u32 s0, $0x10;
	s6 =	sor.u32 s5, s3  }
0x7: {  	s8 =	ssub.s32 $0x2, s5;
	_ =	strace $0x8000004A;
	s3 =	sadd.s32 $0x2AE600, s4  }
0x8: {  	s7 =	smul.u32 $0x280, s6;
	s9 =	sshrl.u32 s8, $0x1;
	s6 =	sshll.u32 s6, $0xC  }
0x9: {  	s5 =	sshll.u32 s5, $0xF;
	s8 =	ssub.s32 s8, s9;
	s30 =	sadd.s32 s6, s10  }
0xa: {  	s9 =	sor.u32 s5, s29;
	s7 =	sadd.s32 s7, s4;
	s5 =	smax.u32 s8, $0x1  }
0xb: {  	s6 =	sadd.s32 $0x260000, s30;
	s31 =	sor.u32 $0x4000, s9;
	s9 =	sshrl.u32 s9, $0x3  }
0xc: {  	s4 =	sadd.s32 $0x2A9600, s7;
	s7 =	sadd.s32 $0x260800, s30;
	s8 =	sshrl.u32 s31, $0x3  }
0xd: {  	s9 =	sadd.s32 s9, s10;
	s8 =	sadd.s32 s8, s10;
	s10 =	simm.s32 $0x3  }
.LBB2_1:
0xe: {  	[tilespmem:s2], [sflag:$0x3] =	stream.linear.gather [hbm4b:s4+s2], $0x1400, $0x38;
	[tilespmem:$0x9400] =	vst v63  }
0xf: {  	_ =	swait.ge [sflag:s10], $0x1400  }
0x10: {  	[sflag:s10] =	ssyncset.done $0x0  }
0x11: {  	[sflag:s10] =	ssyncadd.s32 $0xFFFFEC00  }
0x12: {  	[tilespmem:s12], [sflag:$0x1] =	stream.indirect.gather [hbm4b:s3+s11], $0x80, s2, s11, $0xb8;
	[tilespmem:$0x9400] =	vst v63  }
0x13: {  	_ = 	snop  }
0x14: {  	[tilespmem:s13], [sflag:$0x2] =	stream.indirect.gather [hbm4b:s3+s11], $0x80, s11, s11, $0xb8;
	[tilespmem:$0x9400] =	vst v63  }
0x15: {  	_ =	swait.ge [sflag:s14], $0x4000  }
0x16: {  	[sflag:s14] =	ssyncset.done $0x0  }
0x17: {  	s17 =	sadd.s32 $0x0, s9;
	[sflag:s14] =	ssyncadd.s32 $0xFFFFC000  }
0x18: {  	[hbm4b:s17+s2] =	stream.linear.scatter [tilespmem:s12], [sflag:$0x3], $0x4000, $0x38;
	[tilespmem:$0x9400] =	vst v63  }
0x19: {  	_ =	swait.ge [sflag:s10], $0x4000  }
0x1a: {  	[sflag:s10] =	ssyncset.done $0x0  }
0x1b: {  	s30 =	simm.s32 $0x100;
	[sflag:s10] =	ssyncadd.s32 $0xFFFFC000  }
0x1c: {  	[tilespmem:s12], [sflag:$0x1] =	stream.indirect.gather [hbm4b:s3+s11], $0x80, s30, s11, $0xb8;
	[tilespmem:$0x9400] =	vst v63  }
0x1d: {  	_ =	swait.ge [sflag:s15], $0x4000  }
0x1e: {  	[sflag:s15] =	ssyncset.done $0x0  }
0x1f: {  	s31 =	sadd.s32 $0x0, s8;
	[sflag:s15] =	ssyncadd.s32 $0xFFFFC000  }
0x20: {  	[hbm4b:s31+s2] =	stream.linear.scatter [tilespmem:s13], [sflag:$0x3], $0x4000, $0x38;
	[tilespmem:$0x9400] =	vst v63  }
0x21: {  	_ =	swait.ge [sflag:s10], $0x4000  }
0x22: {  	s18 =	simm.s32 $0x20000;
	[sflag:s10] =	ssyncset.done $0x0  }
0x23: {  	s19 =	simm.s32 $0x280;
	s17 =	simm.s32 $0x180;
	[sflag:s10] =	ssyncadd.s32 $0xFFFFC000  }
.LBB2_2:
0x24: {  	[tilespmem:s13], [sflag:$0x2] =	stream.indirect.gather [hbm4b:s3+s11], $0x80, s17, s11, $0xb8;
	[tilespmem:$0x9400] =	vst v63  }
0x25: {  	s20 =	smov.u32 s18;
	s17 =	smov.u32 s19  }
0x26: {  	p0 =	sne.s32 s18, $0x240000;
	s18 =	sadd.s32 $0x20000, s18;
	_ =	swait.ge [sflag:s14], $0x4000  }
0x27: {  	[sflag:s14] =	ssyncset.done $0x0  }
0x28: {  	s21 =	sadd.s32 s20, s9;
	[sflag:s14] =	ssyncadd.s32 $0xFFFFC000  }
0x29: {  	[hbm4b:s21+s2] =	stream.linear.scatter [tilespmem:s12], [sflag:$0x3], $0x4000, $0x38;
	[tilespmem:$0x9400] =	vst v63  }
0x2a: {  	_ =	swait.ge [sflag:s10], $0x4000  }
0x2b: {  	[sflag:s10] =	ssyncset.done $0x0  }
0x2c: {  	s21 =	sadd.s32 $0xFFFFFF80, s19;
	[sflag:s10] =	ssyncadd.s32 $0xFFFFC000  }
0x2d: {  	[tilespmem:s12], [sflag:$0x1] =	stream.indirect.gather [hbm4b:s3+s11], $0x80, s21, s11, $0xb8;
	[tilespmem:$0x9400] =	vst v63  }
0x2e: {  	_ =	swait.ge [sflag:s15], $0x4000  }
0x2f: {  	[sflag:s15] =	ssyncset.done $0x0  }
.Ltmp0:
0x30: {  	s20 =	sadd.s32 s20, s8;
	[sflag:s15] =	ssyncadd.s32 $0xFFFFC000;
	(pc) =	sbr.rel @p0 .LBB2_2-.Ltmp0, $4  }
0x31: {  	[hbm4b:s20+s2] =	stream.linear.scatter [tilespmem:s13], [sflag:$0x3], $0x4000, $0x38;
	[tilespmem:$0x9400] =	vst v63  }
0x32: {  	_ =	swait.ge [sflag:s10], $0x4000  }
0x33: {  	[sflag:s10] =	ssyncset.done $0x0  }
0x34: {  	s19 =	sadd.s32 $0x100, s19;
	[sflag:s10] =	ssyncadd.s32 $0xFFFFC000  }
0x35: {  	[tilespmem:s13], [sflag:$0x2] =	stream.indirect.gather [hbm4b:s3+s11], $0x80, s17, s11, $0xb8;
	[tilespmem:$0x9400] =	vst v63  }
0x36: {  	_ =	swait.ge [sflag:s14], $0x4000  }
0x37: {  	[sflag:s14] =	ssyncset.done $0x0  }
0x38: {  	[sflag:s14] =	ssyncadd.s32 $0xFFFFC000  }
0x39: {  	[hbm4b:s6+s2] =	stream.linear.scatter [tilespmem:s12], [sflag:$0x3], $0x4000, $0x38;
	[tilespmem:$0x9400] =	vst v63  }
0x3a: {  	_ =	swait.ge [sflag:s10], $0x4000  }
0x3b: {  	[sflag:s10] =	ssyncset.done $0x0  }
0x3c: {  	[sflag:s10] =	ssyncadd.s32 $0xFFFFC000  }
0x3d: {  	s16 =	sadd.s32 $0x1, s16;
	_ =	swait.ge [sflag:s15], $0x4000  }
0x3e: {  	p0 =	sne.s32 s16, s5;
	[sflag:s15] =	ssyncset.done $0x0  }
.Ltmp1:
0x3f: {  	[sflag:s15] =	ssyncadd.s32 $0xFFFFC000;
	(pc) =	sbr.rel @p0 .LBB2_1-.Ltmp1, $4  }
0x40: {  	[hbm4b:s7+s2] =	stream.linear.scatter [tilespmem:s13], [sflag:$0x3], $0x4000, $0x38;
	[tilespmem:$0x9400] =	vst v63  }
0x41: {  	_ =	swait.ge [sflag:s10], $0x4000  }
0x42: {  	[sflag:s10] =	ssyncset.done $0x0  }
0x43: {  	[sflag:s10] =	ssyncadd.s32 $0xFFFFC000  }
0x44: {  	_ =	sfence.sel $0x180000  }
0x45: {  	[bflag:$0x0] =	sbarrier.arrive $0xFFFF  }
0x46: {  	p0 =	sne.s32 s0, $0x0;
	_ =	strace $0x9000004A  }
0x47: {  	s0 =	sadd.s32 @!p0 $0x100000, s1;
	[bflag:$0x2] =	sbarrier.arrive $0xFFFF  }
0x48: {  	[sflag:s0] =	ssyncadd.tile.s32 @!p0 $0x1;
	_ =	shalt  }
.Lfunc_end2:
_tile_overlayer_lowered:
.L_overlay_start_2:
0x49: {  	(tag) =	ssettag $0x2  }
0x4a: {  	s0 =	rddreg [dreg:$0x0];
	s2 =	stileid.u32  }
0x4b: {  	s1 =	rddreg [dreg:$0x1];
	p0 =	sne.s32 s2, $0x0  }
0x4c: {  	s3 =	rddreg [dreg:$0x2];
	[bflag:$0x3] =	sbarrier.arrive $0xFFFF;
	s2 =	simm.s32 @!p0 $0x1C03  }
0x4d: {  	[timem:s3], [sflag:s2] =	dma.local @!p0 [hbm:s0], s1  }
0x4e: {  	s0 =	simm.s32 @!p0 $0x3  }
0x4f: {  	_ =	swait.ge @!p0 [sflag:s0], s1  }
0x50: {  	s1 =	ssub.s32 @!p0 $0x0, s1;
	[sflag:s0] =	ssyncset.done @!p0 $0x0  }
0x51: {  	[sflag:s0] =	ssyncadd.s32 @!p0 s1  }
0x52: {  	[bflag:$0x3] =	sbarrier.arrive $0xFFFF  }
0x53: {  	_ =	shalt  }

// kernel: kernel.27.cloned.1.call-start
scs
__scs_entry_jumppad:
0x0: {  	(pc) =	sbr.rel $0x88, $3  }
0x1: {  	(tag) =	ssettag $0x0;
	lr =	simm.s32 $0x1  }
0x2: {  	[smem:$0x3F94] =	sst lr;
	_ =	strace $0xD0000000  }
0x3: {  	_ = 	snop  }
0x4: {  	_ = 	snop  }
0x5: {  	_ = 	snop  }
0x6: {  	_ = 	snop  }
0x7: {  	_ = 	snop  }
__scs_overlays_trampoline_lowered:
0x8: {  	[smem:$0x3FA3] =	sst s0  }
0x9: {  	[smem:$0x3FA4] =	sst s1  }
0xa: {  	[smem:$0x3FA5] =	sst s2  }
0xb: {  	[smem:$0x3FA6] =	sst s3  }
0xc: {  	[smem:$0x3FA7] =	sst s4  }
0xd: {  	[smem:$0x3FA8] =	sst s5  }
0xe: {  	[smem:$0x3FA9] =	sst s6  }
0xf: {  	[smem:$0x3FAA] =	sst s7  }
0x10: {  	[smem:$0x3FAB] =	sst s8  }
0x11: {  	[smem:$0x3FAC] =	sst s9;
	s0 =	simm.s32 @!p0 $0x0  }
0x12: {  	s1 =	sld [smem:$0x3F92];
	s0 =	simm.s32 @p0 $0x1  }
0x13: {  	[smem:$0x3FAD] =	sst s0;
	s0 =	simm.s32 @!p1 $0x0  }
0x14: {  	s2 =	sld [smem:$0x3F91];
	s0 =	simm.s32 @p1 $0x1  }
0x15: {  	[smem:$0x3FAE] =	sst s0;
	s0 =	simm.s32 @!p2 $0x0  }
0x16: {  	s3 =	sld [smem:$0x3FDB];
	s0 =	simm.s32 @p2 $0x1  }
0x17: {  	s4 =	simm.s32 $0x1BF5;
	[smem:$0x3FB0] =	sst s0  }
0x18: {  	s0 =	sld [smem:$0x3F93];
	_ =	swait.ge [sflag:s4], $0x0  }
0x19: {  	s7 =	sld [smem:$0x3F94]  }
0x1a: {  	s8 =	sadd.s32 $0xFFFFE003, lr  }
0x1b: {  	s9 =	sadd.s32 $0xFFFFFEF7, lr;
	s5 =	simm.s32 $0xFFFFFFFF;
	p2 =	slt.u32 s8, $0xFFFFF086  }
0x1c: {  	p1 =	slt.u32 s9, $0xF7A;
	s5 =	simm.s32 @!p2 $0x0  }
0x1d: {  	s5 =	simm.s32 @p1 $0x1;
	p0 =	seq.s32 s7, s2  }
0x1e: {  	s7 =	smul.u32 @!p0 $0xF7A, s2;
	p2 =	seq.s32 @!p0 s5, $0x0  }
0x1f: {  	s9 =	smul.u32 $0xF7A, s1;
	s8 =	simm.s32 @!p0 $0x1BF5;
	p2 =	por !p2, p0  }
0x20: {  	[sflag:s8] =	ssyncset.s32 @!p0 $0xFFFFF086;
	s6 =	sadd.s32 @!p0 s3, s7;
	s7 =	simm.s32 @!p0 $0x108  }
0x21: {  	s3 =	sadd.s32 s3, s9;
	s6 =	sadd.s32 @!p0 $0x88, s6;
	s7 =	simm.s32 @p2 $0x1082  }
0x22: {  	[simem:s7], [sflag:s8] =	dma.local @!p0 [hbm:s6], $0xF7A  }
0x23: {  	s9 =	sor.u32 $0xD0000000, s2;
	s6 =	simm.s32 $0x108;
	_ =	swait.ge @!p0 [sflag:s8], $0x0  }
0x24: {  	s3 =	sadd.s32 $0x88, s3;
	s6 =	simm.s32 @!p1 $0x1082;
	[sflag:s4] =	ssyncset.s32 $0xFFFFF086  }
0x25: {  	[simem:s6], [sflag:s4] =	dma.local [hbm:s3], $0xF7A  }
0x26: {  	[smem:$0x3F94] =	sst s1;
	(tag) =	ssettag s2;
	_ =	strace s9  }
0x27: {  	s1 =	sld [smem:$0x3FA4]  }
0x28: {  	s2 =	sld [smem:$0x3FA5]  }
0x29: {  	s4 =	sld [smem:$0x3FA7]  }
0x2a: {  	p0 =	seq.s32 s5, $0x0;
	s5 =	sld [smem:$0x3FA8]  }
0x2b: {  	s6 =	sld [smem:$0x3FA9]  }
0x2c: {  	s7 =	sld [smem:$0x3FAA]  }
0x2d: {  	s3 =	simm.s32 $0x108;
	s8 =	sld [smem:$0x3FAB]  }
0x2e: {  	s3 =	simm.s32 @!p0 $0x1082;
	s9 =	sld [smem:$0x3FAC]  }
0x2f: {  	lr =	sadd.s32 s0, s3;
	s0 =	sld [smem:$0x3FA3]  }
0x30: {  	s3 =	sld [smem:$0x3FA6]  }
0x31: {  	[smem:$0x3FAF] =	sst s10  }
0x32: {  	s10 =	sld [smem:$0x3FAD];
	_ =	sdelay $0x3  }
0x33: {  	p0 =	seq.s32 s10, $0x1;
	s10 =	sld [smem:$0x3FAF];
	_ =	sdelay $0x3  }
0x34: {  	[smem:$0x3FAF] =	sst s10  }
0x35: {  	s10 =	sld [smem:$0x3FAE];
	_ =	sdelay $0x3  }
0x36: {  	p1 =	seq.s32 s10, $0x1;
	s10 =	sld [smem:$0x3FAF];
	_ =	sdelay $0x3  }
0x37: {  	[smem:$0x3FAF] =	sst s10  }
0x38: {  	s10 =	sld [smem:$0x3FB0]  }
0x39: {  	_ = 	snop;
	(pc) =	sbr.ind lr, $3  }
0x3a: {  	_ = 	snop  }
0x3b: {  	_ = 	snop  }
0x3c: {  	p2 =	seq.s32 s10, $0x1;
	s10 =	sld [smem:$0x3FAF]  }
0x3d: {  	_ =	shalt  }
0x3e: {  	_ =	shalt  }
0x3f: {  	_ =	shalt  }
0x40: {  	_ =	shalt  }
0x41: {  	_ =	shalt  }
0x42: {  	_ =	shalt  }
0x43: {  	_ =	shalt  }
0x44: {  	_ =	shalt  }
0x45: {  	_ =	shalt  }
0x46: {  	_ =	shalt  }
0x47: {  	_ =	shalt  }
0x48: {  	_ =	shalt  }
0x49: {  	_ =	shalt  }
0x4a: {  	_ =	shalt  }
0x4b: {  	_ =	shalt  }
0x4c: {  	_ =	shalt  }
0x4d: {  	_ =	shalt  }
0x4e: {  	_ =	shalt  }
0x4f: {  	_ =	shalt  }
0x50: {  	_ =	shalt  }
0x51: {  	_ =	shalt  }
0x52: {  	_ =	shalt  }
0x53: {  	_ =	shalt  }
0x54: {  	_ =	shalt  }
0x55: {  	_ =	shalt  }
0x56: {  	_ =	shalt  }
0x57: {  	_ =	shalt  }
0x58: {  	_ =	shalt  }
0x59: {  	_ =	shalt  }
0x5a: {  	_ =	shalt  }
0x5b: {  	_ =	shalt  }
0x5c: {  	_ =	shalt  }
0x5d: {  	_ =	shalt  }
0x5e: {  	_ =	shalt  }
0x5f: {  	_ =	shalt  }
0x60: {  	_ =	shalt  }
0x61: {  	_ =	shalt  }
0x62: {  	_ =	shalt  }
0x63: {  	_ =	shalt  }
0x64: {  	_ =	shalt  }
0x65: {  	_ =	shalt  }
0x66: {  	_ =	shalt  }
0x67: {  	_ =	shalt  }
0x68: {  	_ =	shalt  }
0x69: {  	_ =	shalt  }
0x6a: {  	_ =	shalt  }
0x6b: {  	_ =	shalt  }
0x6c: {  	_ =	shalt  }
0x6d: {  	_ =	shalt  }
0x6e: {  	_ =	shalt  }
0x6f: {  	_ =	shalt  }
0x70: {  	_ =	shalt  }
0x71: {  	_ =	shalt  }
0x72: {  	_ =	shalt  }
0x73: {  	_ =	shalt  }
0x74: {  	_ =	shalt  }
0x75: {  	_ =	shalt  }
0x76: {  	_ =	shalt  }
0x77: {  	_ =	shalt  }
0x78: {  	_ =	shalt  }
0x79: {  	_ =	shalt  }
0x7a: {  	_ =	shalt  }
0x7b: {  	_ =	shalt  }
0x7c: {  	_ =	shalt  }
0x7d: {  	_ =	shalt  }
0x7e: {  	_ =	shalt  }
0x7f: {  	_ =	shalt  }
0x80: {  	_ =	shalt  }
0x81: {  	_ =	shalt  }
0x82: {  	_ =	shalt  }
0x83: {  	_ =	shalt  }
0x84: {  	_ =	shalt  }
0x85: {  	_ =	shalt  }
0x86: {  	_ =	shalt  }
0x87: {  	_ =	shalt  }
.Lfunc_end0:
.L_simem_size_0:
called_computation.2_lowered:
.L_overlay_start_0:
0x88: {  	s2 =	sld [smem:$0x3FD9]  }
0x89: {  	s3 =	sld [smem:$0x3FFE];
	_ =	sdelay $0x1  }
0x8a: {  	s1 =	srdreg.scid  }
0x8b: {  	s0 =	sand.u32 $0x1, s1  }
0x8c: {  	s17 =	sshll.u32 s0, $0xA;
	s2 =	sadd.s32 s3, s2  }
0x8d: {  	s2 =	sadd.s32 s2, s17  }
0x8e: {  	[smem:$0x3FBB] =	sst s2  }
0x8f: {  	_ = 	snop  }
0x90: {  	(tm) =	ssettm $0x1  }
0x91: {  	s18 =	sld [smem:$0x3FFB];
	_ =	sdelay $0x3  }
0x92: {  	_ =	strace s18  }
0x93: {  	s2 =	sld [smem:$0x3FFC];
	_ =	sdelay $0x3  }
0x94: {  	_ =	strace s2  }
0x95: {  	s2 =	sld [smem:$0x3FFD];
	_ =	sdelay $0x3  }
0x96: {  	_ =	strace s2  }
0x97: {  	_ =	strace $0x8FFFFFFF  }
0x98: {  	s19 =	sld [smem:$0x3FDB];
	_ =	sdelay $0x1  }
0x99: {  	s20 =	simm.s32 $_scs_section_size  }
0x9a: {  	s4 =	simm.s32 $_size__tile_overlayer_lowered;
	s5 =	simm.s32 $_tile_overlayer_lowered  }
0x9b: {  	s6 =	simm.s32 $0x1BFF;
	s21 =	sshll.u32 s5, $0x1;
	s3 =	sadd.s32 s20, s19  }
0x9c: {  	s22 =	simm.s32 $0x0;
	s4 =	sshll.u32 s4, $0x1;
	s5 =	sadd.s32 s21, s3  }
0x9d: {  	[timem:s22], [sflag:s6] =	dma.local [hbm:s5], s4  }
0x9e: {  	_ =	swait.ge [sflag:s6], s4  }
0x9f: {  	s4 =	ssub.s32 $0x0, s4;
	[sflag:s6] =	ssyncset.done $0x0  }
0xa0: {  	[sflag:s6] =	ssyncadd.s32 s4;
	_ =	sdelay $0x1  }
0xa1: {  	s23 =	simm.s32 $0x1B8B  }
0xa2: {  	_ =	swait.ge [sflag:s23], $0x1  }
0xa3: {  	[sflag:s23] =	ssyncset.done $0x0  }
0xa4: {  	[sflag:s23] =	ssyncadd.s32 $0xFFFFFFFF  }
0xa5: {  	s4 =	sld [smem:$0x0]  }
0xa6: {  	s5 =	sand.u32 $0xFFFFFFFE, s1  }
0xa7: {  	p0 =	sne.s32 s1, s5  }
0xa8: {  	s5 =	sshll.u32 @p0 s5, $0xE  }
0xa9: {  	s5 =	sadd.s32 @p0 $0x11B8D, s5;
	s6 =	sshll.u32 @p0 s4, $0x11  }
0xaa: {  	s5 =	sor.u32 @p0 s6, s5  }
0xab: {  	[sflag:s5] =	ssyncadd.remote.s32 @p0 $0x1;
	_ =	sdelay $0x1  }
0xac: {  	s5 =	simm.s32 @p0 $0x1B8D  }
0xad: {  	_ =	swait.eq @p0 [sflag:s5], $0x1  }
0xae: {  	[sflag:s5] =	ssyncadd.s32 @p0 $0xFFFFFFFF  }
0xaf: {  	s6 =	sshll.u32 @!p0 s1, $0xE  }
0xb0: {  	s6 =	sor.u32 @!p0 $0x4000, s6;
	s5 =	simm.s32 @!p0 $0x1B8D  }
0xb1: {  	s4 =	sshll.u32 @!p0 s4, $0x11;
	s6 =	sadd.s32 @!p0 $0x11B8D, s6;
	_ =	swait.eq @!p0 [sflag:s5], $0x1  }
0xb2: {  	s4 =	sor.u32 @!p0 s4, s6;
	[sflag:s5] =	ssyncadd.s32 @!p0 $0xFFFFFFFF  }
0xb3: {  	s25 =	simm.s32 $0x1B8E;
	s24 =	sld [smem:$0x3FFE];
	[sflag:s4] =	ssyncadd.remote.s32 @!p0 $0x1  }
0xb4: {  	s26 =	simm.s32 $execute0_lowered;
	[smem:$0x3FD2] =	sst s25  }
0xb5: {  	s5 =	sshll.u32 s26, $0x1;
	_ =	strace $0x8000004C;
	[dreg:$0x1] =	wrdreg $0xFFFFFFFF  }
0xb6: {  	s28 =	simm.s32 $_size_execute0_lowered;
	s3 =	sadd.s32 s3, s5;
	[dreg:$0x0] =	wrdreg $0x0  }
0xb7: {  	s5 =	sshll.u32 s28, $0x1;
	[dreg:$0x2] =	wrdreg s3  }
0xb8: {  	[dreg:$0x3] =	wrdreg s5  }
0xb9: {  	[dreg:$0x4] =	wrdreg $0xC0  }
0xba: {  	_ =	task [dreg:s22], $0x5FFFF  }
0xbb: {  	[dreg:$0x1] =	wrdreg $0xFFFFFFFF  }
0xbc: {  	[dreg:$0x0] =	wrdreg $0x60  }
0xbd: {  	[dreg:$0x2] =	wrdreg s24  }
0xbe: {  	[dreg:$0x3] =	wrdreg $0xA  }
0xbf: {  	_ =	task.clear_ibuf [dreg:s22], $0x4FFFF;
	_ =	strace $0x9000004C  }
0xc0: {  	s29 =	simm.s32 $0xA;
	_ =	strace $0x8000004E  }
0xc1: {  	_ =	swait.ge [sflag:s29], $0x1  }
0xc2: {  	[sflag:s29] =	ssyncadd.s32 $0xFFFFFFFF  }
0xc3: {  	_ =	strace $0x9000004E  }
0xc4: {  	_ =	sfence  }
0xc5: {  	s30 =	sld [smem:$0x0];
	_ =	sdelay $0x2  }
0xc6: {  	s31 =	sshll.u32 s1, $0xD;
	s1 =	sshrl.u32 s1, $0x2  }
0xc7: {  	s4 =	sand.u32 $0x4000, s31;
	s1 =	sadd.s32 s1, s30  }
0xc8: {  	s0 =	sor.u32 s4, s0;
	s1 =	sshll.u32 s1, $0x11  }
0xc9: {  	s0 =	sor.u32 s1, s0  }
0xca: {  	s0 =	sadd.s32 $0x8F2B, s0  }
0xcb: {  	[sflag:s0] =	ssyncadd.remote.s32 $0x1  }
0xcc: {  	_ =	sfence.sel $0xFFFF  }
0xcd: {  	[dreg:$0x0] =	wrdreg $0xFFFFFFFF;
	(pc) =	sbr.abs _section_cstart, $3  }
0xce: {  	[dreg:$0x1] =	wrdreg $0xFFFFFFFF  }
0xcf: {  	_ =	task.clear_ibuf [dreg:s22], $0x2FFFF;
	_ =	strace $0x9FFFFFFF  }
0xd0: {  	(tm) =	ssettm $0x7FFFFFFF  }
0xd1: {  	_ =	shalt  }
tec
execute0_lowered:
.L_overlay_start_1:
0x0: {  	(tag) =	ssettag $0x1  }
0x1: {  	s1 =	srdreg.scid;
	s0 =	stileid.u32  }
0x2: {  	s4 =	rddreg [dreg:$0x0];
	s2 =	simm.s32 $0x0;
	s11 =	simm.s32 $0x80  }
0x3: {  	s12 =	simm.s32 $0x1400;
	s13 =	simm.s32 $0x5400;
	s14 =	simm.s32 $0x1  }
0x4: {  	s15 =	simm.s32 $0x2;
	s5 =	sand.u32 $0x1, s1;
	s1 =	rddreg [dreg:$0x1]  }
0x5: {  	s16 =	simm.s32 $0x0;
	s3 =	sshll.u32 s0, $0x1;
	[smem:$0x7FF] =	sst s2  }
0x6: {  	s10 =	sadd.s32 $0x29600, s4;
	s29 =	sshll.u32 s0, $0x10;
	s6 =	sor.u32 s5, s3  }
0x7: {  	s8 =	ssub.s32 $0x2, s5;
	_ =	strace $0x8000004D;
	s3 =	sadd.s32 $0x4600, s4  }
0x8: {  	s7 =	smul.u32 $0x280, s6;
	s9 =	sshrl.u32 s8, $0x1;
	s6 =	sshll.u32 s6, $0xC  }
0x9: {  	s5 =	sshll.u32 s5, $0xF;
	s8 =	ssub.s32 s8, s9;
	s30 =	sadd.s32 s6, s10  }
0xa: {  	s9 =	sor.u32 s5, s29;
	s7 =	sadd.s32 s7, s4;
	s5 =	smax.u32 s8, $0x1  }
0xb: {  	s6 =	sadd.s32 $0x260000, s30;
	s31 =	sor.u32 $0x4000, s9;
	s9 =	sshrl.u32 s9, $0x3  }
0xc: {  	s4 =	sadd.s32 $0x24600, s7;
	s7 =	sadd.s32 $0x260800, s30;
	s8 =	sshrl.u32 s31, $0x3  }
0xd: {  	s9 =	sadd.s32 s9, s10;
	s8 =	sadd.s32 s8, s10;
	s10 =	simm.s32 $0x3  }
.LBB2_1:
0xe: {  	[tilespmem:s2], [sflag:$0x3] =	stream.linear.gather [hbm4b:s4+s2], $0x1400, $0x38;
	[tilespmem:$0x9400] =	vst v63  }
0xf: {  	_ =	swait.ge [sflag:s10], $0x1400  }
0x10: {  	[sflag:s10] =	ssyncset.done $0x0  }
0x11: {  	[sflag:s10] =	ssyncadd.s32 $0xFFFFEC00  }
0x12: {  	[tilespmem:s12], [sflag:$0x1] =	stream.indirect.gather [hbm4b:s3+s11], $0x80, s2, s11, $0xb8;
	[tilespmem:$0x9400] =	vst v63  }
0x13: {  	_ = 	snop  }
0x14: {  	[tilespmem:s13], [sflag:$0x2] =	stream.indirect.gather [hbm4b:s3+s11], $0x80, s11, s11, $0xb8;
	[tilespmem:$0x9400] =	vst v63  }
0x15: {  	_ =	swait.ge [sflag:s14], $0x4000  }
0x16: {  	[sflag:s14] =	ssyncset.done $0x0  }
0x17: {  	s17 =	sadd.s32 $0x0, s9;
	[sflag:s14] =	ssyncadd.s32 $0xFFFFC000  }
0x18: {  	[hbm4b:s17+s2] =	stream.linear.scatter [tilespmem:s12], [sflag:$0x3], $0x4000, $0x38;
	[tilespmem:$0x9400] =	vst v63  }
0x19: {  	_ =	swait.ge [sflag:s10], $0x4000  }
0x1a: {  	[sflag:s10] =	ssyncset.done $0x0  }
0x1b: {  	s30 =	simm.s32 $0x100;
	[sflag:s10] =	ssyncadd.s32 $0xFFFFC000  }
0x1c: {  	[tilespmem:s12], [sflag:$0x1] =	stream.indirect.gather [hbm4b:s3+s11], $0x80, s30, s11, $0xb8;
	[tilespmem:$0x9400] =	vst v63  }
0x1d: {  	_ =	swait.ge [sflag:s15], $0x4000  }
0x1e: {  	[sflag:s15] =	ssyncset.done $0x0  }
0x1f: {  	s31 =	sadd.s32 $0x0, s8;
	[sflag:s15] =	ssyncadd.s32 $0xFFFFC000  }
0x20: {  	[hbm4b:s31+s2] =	stream.linear.scatter [tilespmem:s13], [sflag:$0x3], $0x4000, $0x38;
	[tilespmem:$0x9400] =	vst v63  }
0x21: {  	_ =	swait.ge [sflag:s10], $0x4000  }
0x22: {  	s18 =	simm.s32 $0x20000;
	[sflag:s10] =	ssyncset.done $0x0  }
0x23: {  	s19 =	simm.s32 $0x280;
	s17 =	simm.s32 $0x180;
	[sflag:s10] =	ssyncadd.s32 $0xFFFFC000  }
.LBB2_2:
0x24: {  	[tilespmem:s13], [sflag:$0x2] =	stream.indirect.gather [hbm4b:s3+s11], $0x80, s17, s11, $0xb8;
	[tilespmem:$0x9400] =	vst v63  }
0x25: {  	s20 =	smov.u32 s18;
	s17 =	smov.u32 s19  }
0x26: {  	p0 =	sne.s32 s18, $0x240000;
	s18 =	sadd.s32 $0x20000, s18;
	_ =	swait.ge [sflag:s14], $0x4000  }
0x27: {  	[sflag:s14] =	ssyncset.done $0x0  }
0x28: {  	s21 =	sadd.s32 s20, s9;
	[sflag:s14] =	ssyncadd.s32 $0xFFFFC000  }
0x29: {  	[hbm4b:s21+s2] =	stream.linear.scatter [tilespmem:s12], [sflag:$0x3], $0x4000, $0x38;
	[tilespmem:$0x9400] =	vst v63  }
0x2a: {  	_ =	swait.ge [sflag:s10], $0x4000  }
0x2b: {  	[sflag:s10] =	ssyncset.done $0x0  }
0x2c: {  	s21 =	sadd.s32 $0xFFFFFF80, s19;
	[sflag:s10] =	ssyncadd.s32 $0xFFFFC000  }
0x2d: {  	[tilespmem:s12], [sflag:$0x1] =	stream.indirect.gather [hbm4b:s3+s11], $0x80, s21, s11, $0xb8;
	[tilespmem:$0x9400] =	vst v63  }
0x2e: {  	_ =	swait.ge [sflag:s15], $0x4000  }
0x2f: {  	[sflag:s15] =	ssyncset.done $0x0  }
.Ltmp0:
0x30: {  	s20 =	sadd.s32 s20, s8;
	[sflag:s15] =	ssyncadd.s32 $0xFFFFC000;
	(pc) =	sbr.rel @p0 .LBB2_2-.Ltmp0, $4  }
0x31: {  	[hbm4b:s20+s2] =	stream.linear.scatter [tilespmem:s13], [sflag:$0x3], $0x4000, $0x38;
	[tilespmem:$0x9400] =	vst v63  }
0x32: {  	_ =	swait.ge [sflag:s10], $0x4000  }
0x33: {  	[sflag:s10] =	ssyncset.done $0x0  }
0x34: {  	s19 =	sadd.s32 $0x100, s19;
	[sflag:s10] =	ssyncadd.s32 $0xFFFFC000  }
0x35: {  	[tilespmem:s13], [sflag:$0x2] =	stream.indirect.gather [hbm4b:s3+s11], $0x80, s17, s11, $0xb8;
	[tilespmem:$0x9400] =	vst v63  }
0x36: {  	_ =	swait.ge [sflag:s14], $0x4000  }
0x37: {  	[sflag:s14] =	ssyncset.done $0x0  }
0x38: {  	[sflag:s14] =	ssyncadd.s32 $0xFFFFC000  }
0x39: {  	[hbm4b:s6+s2] =	stream.linear.scatter [tilespmem:s12], [sflag:$0x3], $0x4000, $0x38;
	[tilespmem:$0x9400] =	vst v63  }
0x3a: {  	_ =	swait.ge [sflag:s10], $0x4000  }
0x3b: {  	[sflag:s10] =	ssyncset.done $0x0  }
0x3c: {  	[sflag:s10] =	ssyncadd.s32 $0xFFFFC000  }
0x3d: {  	s16 =	sadd.s32 $0x1, s16;
	_ =	swait.ge [sflag:s15], $0x4000  }
0x3e: {  	p0 =	sne.s32 s16, s5;
	[sflag:s15] =	ssyncset.done $0x0  }
.Ltmp1:
0x3f: {  	[sflag:s15] =	ssyncadd.s32 $0xFFFFC000;
	(pc) =	sbr.rel @p0 .LBB2_1-.Ltmp1, $4  }
0x40: {  	[hbm4b:s7+s2] =	stream.linear.scatter [tilespmem:s13], [sflag:$0x3], $0x4000, $0x38;
	[tilespmem:$0x9400] =	vst v63  }
0x41: {  	_ =	swait.ge [sflag:s10], $0x4000  }
0x42: {  	[sflag:s10] =	ssyncset.done $0x0  }
0x43: {  	[sflag:s10] =	ssyncadd.s32 $0xFFFFC000  }
0x44: {  	_ =	sfence.sel $0x180000  }
0x45: {  	[bflag:$0x0] =	sbarrier.arrive $0xFFFF  }
0x46: {  	p0 =	sne.s32 s0, $0x0;
	_ =	strace $0x9000004D  }
0x47: {  	s0 =	sadd.s32 @!p0 $0x100000, s1;
	[bflag:$0x2] =	sbarrier.arrive $0xFFFF  }
0x48: {  	[sflag:s0] =	ssyncadd.tile.s32 @!p0 $0x1;
	_ =	shalt  }
.Lfunc_end2:
_tile_overlayer_lowered:
.L_overlay_start_2:
0x49: {  	(tag) =	ssettag $0x2  }
0x4a: {  	s0 =	rddreg [dreg:$0x0];
	s2 =	stileid.u32  }
0x4b: {  	s1 =	rddreg [dreg:$0x1];
	p0 =	sne.s32 s2, $0x0  }
0x4c: {  	s3 =	rddreg [dreg:$0x2];
	[bflag:$0x3] =	sbarrier.arrive $0xFFFF;
	s2 =	simm.s32 @!p0 $0x1C03  }
0x4d: {  	[timem:s3], [sflag:s2] =	dma.local @!p0 [hbm:s0], s1  }
0x4e: {  	s0 =	simm.s32 @!p0 $0x3  }
0x4f: {  	_ =	swait.ge @!p0 [sflag:s0], s1  }
0x50: {  	s1 =	ssub.s32 @!p0 $0x0, s1;
	[sflag:s0] =	ssyncset.done @!p0 $0x0  }
0x51: {  	[sflag:s0] =	ssyncadd.s32 @!p0 s1  }
0x52: {  	[bflag:$0x3] =	sbarrier.arrive $0xFFFF  }
0x53: {  	_ =	shalt  }

// kernel: kernel.30.cloned.1.call-start
scs
__scs_entry_jumppad:
0x0: {  	(pc) =	sbr.rel $0x88, $3  }
0x1: {  	(tag) =	ssettag $0x0;
	lr =	simm.s32 $0x1  }
0x2: {  	[smem:$0x3F94] =	sst lr;
	_ =	strace $0xD0000000  }
0x3: {  	_ = 	snop  }
0x4: {  	_ = 	snop  }
0x5: {  	_ = 	snop  }
0x6: {  	_ = 	snop  }
0x7: {  	_ = 	snop  }
__scs_overlays_trampoline_lowered:
0x8: {  	[smem:$0x3FA3] =	sst s0  }
0x9: {  	[smem:$0x3FA4] =	sst s1  }
0xa: {  	[smem:$0x3FA5] =	sst s2  }
0xb: {  	[smem:$0x3FA6] =	sst s3  }
0xc: {  	[smem:$0x3FA7] =	sst s4  }
0xd: {  	[smem:$0x3FA8] =	sst s5  }
0xe: {  	[smem:$0x3FA9] =	sst s6  }
0xf: {  	[smem:$0x3FAA] =	sst s7  }
0x10: {  	[smem:$0x3FAB] =	sst s8  }
0x11: {  	[smem:$0x3FAC] =	sst s9;
	s0 =	simm.s32 @!p0 $0x0  }
0x12: {  	s1 =	sld [smem:$0x3F92];
	s0 =	simm.s32 @p0 $0x1  }
0x13: {  	[smem:$0x3FAD] =	sst s0;
	s0 =	simm.s32 @!p1 $0x0  }
0x14: {  	s2 =	sld [smem:$0x3F91];
	s0 =	simm.s32 @p1 $0x1  }
0x15: {  	[smem:$0x3FAE] =	sst s0;
	s0 =	simm.s32 @!p2 $0x0  }
0x16: {  	s3 =	sld [smem:$0x3FDB];
	s0 =	simm.s32 @p2 $0x1  }
0x17: {  	s4 =	simm.s32 $0x1BF5;
	[smem:$0x3FB0] =	sst s0  }
0x18: {  	s0 =	sld [smem:$0x3F93];
	_ =	swait.ge [sflag:s4], $0x0  }
0x19: {  	s7 =	sld [smem:$0x3F94]  }
0x1a: {  	s8 =	sadd.s32 $0xFFFFE003, lr  }
0x1b: {  	s9 =	sadd.s32 $0xFFFFFEF7, lr;
	s5 =	simm.s32 $0xFFFFFFFF;
	p2 =	slt.u32 s8, $0xFFFFF086  }
0x1c: {  	p1 =	slt.u32 s9, $0xF7A;
	s5 =	simm.s32 @!p2 $0x0  }
0x1d: {  	s5 =	simm.s32 @p1 $0x1;
	p0 =	seq.s32 s7, s2  }
0x1e: {  	s7 =	smul.u32 @!p0 $0xF7A, s2;
	p2 =	seq.s32 @!p0 s5, $0x0  }
0x1f: {  	s9 =	smul.u32 $0xF7A, s1;
	s8 =	simm.s32 @!p0 $0x1BF5;
	p2 =	por !p2, p0  }
0x20: {  	[sflag:s8] =	ssyncset.s32 @!p0 $0xFFFFF086;
	s6 =	sadd.s32 @!p0 s3, s7;
	s7 =	simm.s32 @!p0 $0x108  }
0x21: {  	s3 =	sadd.s32 s3, s9;
	s6 =	sadd.s32 @!p0 $0x88, s6;
	s7 =	simm.s32 @p2 $0x1082  }
0x22: {  	[simem:s7], [sflag:s8] =	dma.local @!p0 [hbm:s6], $0xF7A  }
0x23: {  	s9 =	sor.u32 $0xD0000000, s2;
	s6 =	simm.s32 $0x108;
	_ =	swait.ge @!p0 [sflag:s8], $0x0  }
0x24: {  	s3 =	sadd.s32 $0x88, s3;
	s6 =	simm.s32 @!p1 $0x1082;
	[sflag:s4] =	ssyncset.s32 $0xFFFFF086  }
0x25: {  	[simem:s6], [sflag:s4] =	dma.local [hbm:s3], $0xF7A  }
0x26: {  	[smem:$0x3F94] =	sst s1;
	(tag) =	ssettag s2;
	_ =	strace s9  }
0x27: {  	s1 =	sld [smem:$0x3FA4]  }
0x28: {  	s2 =	sld [smem:$0x3FA5]  }
0x29: {  	s4 =	sld [smem:$0x3FA7]  }
0x2a: {  	p0 =	seq.s32 s5, $0x0;
	s5 =	sld [smem:$0x3FA8]  }
0x2b: {  	s6 =	sld [smem:$0x3FA9]  }
0x2c: {  	s7 =	sld [smem:$0x3FAA]  }
0x2d: {  	s3 =	simm.s32 $0x108;
	s8 =	sld [smem:$0x3FAB]  }
0x2e: {  	s3 =	simm.s32 @!p0 $0x1082;
	s9 =	sld [smem:$0x3FAC]  }
0x2f: {  	lr =	sadd.s32 s0, s3;
	s0 =	sld [smem:$0x3FA3]  }
0x30: {  	s3 =	sld [smem:$0x3FA6]  }
0x31: {  	[smem:$0x3FAF] =	sst s10  }
0x32: {  	s10 =	sld [smem:$0x3FAD];
	_ =	sdelay $0x3  }
0x33: {  	p0 =	seq.s32 s10, $0x1;
	s10 =	sld [smem:$0x3FAF];
	_ =	sdelay $0x3  }
0x34: {  	[smem:$0x3FAF] =	sst s10  }
0x35: {  	s10 =	sld [smem:$0x3FAE];
	_ =	sdelay $0x3  }
0x36: {  	p1 =	seq.s32 s10, $0x1;
	s10 =	sld [smem:$0x3FAF];
	_ =	sdelay $0x3  }
0x37: {  	[smem:$0x3FAF] =	sst s10  }
0x38: {  	s10 =	sld [smem:$0x3FB0]  }
0x39: {  	_ = 	snop;
	(pc) =	sbr.ind lr, $3  }
0x3a: {  	_ = 	snop  }
0x3b: {  	_ = 	snop  }
0x3c: {  	p2 =	seq.s32 s10, $0x1;
	s10 =	sld [smem:$0x3FAF]  }
0x3d: {  	_ =	shalt  }
0x3e: {  	_ =	shalt  }
0x3f: {  	_ =	shalt  }
0x40: {  	_ =	shalt  }
0x41: {  	_ =	shalt  }
0x42: {  	_ =	shalt  }
0x43: {  	_ =	shalt  }
0x44: {  	_ =	shalt  }
0x45: {  	_ =	shalt  }
0x46: {  	_ =	shalt  }
0x47: {  	_ =	shalt  }
0x48: {  	_ =	shalt  }
0x49: {  	_ =	shalt  }
0x4a: {  	_ =	shalt  }
0x4b: {  	_ =	shalt  }
0x4c: {  	_ =	shalt  }
0x4d: {  	_ =	shalt  }
0x4e: {  	_ =	shalt  }
0x4f: {  	_ =	shalt  }
0x50: {  	_ =	shalt  }
0x51: {  	_ =	shalt  }
0x52: {  	_ =	shalt  }
0x53: {  	_ =	shalt  }
0x54: {  	_ =	shalt  }
0x55: {  	_ =	shalt  }
0x56: {  	_ =	shalt  }
0x57: {  	_ =	shalt  }
0x58: {  	_ =	shalt  }
0x59: {  	_ =	shalt  }
0x5a: {  	_ =	shalt  }
0x5b: {  	_ =	shalt  }
0x5c: {  	_ =	shalt  }
0x5d: {  	_ =	shalt  }
0x5e: {  	_ =	shalt  }
0x5f: {  	_ =	shalt  }
0x60: {  	_ =	shalt  }
0x61: {  	_ =	shalt  }
0x62: {  	_ =	shalt  }
0x63: {  	_ =	shalt  }
0x64: {  	_ =	shalt  }
0x65: {  	_ =	shalt  }
0x66: {  	_ =	shalt  }
0x67: {  	_ =	shalt  }
0x68: {  	_ =	shalt  }
0x69: {  	_ =	shalt  }
0x6a: {  	_ =	shalt  }
0x6b: {  	_ =	shalt  }
0x6c: {  	_ =	shalt  }
0x6d: {  	_ =	shalt  }
0x6e: {  	_ =	shalt  }
0x6f: {  	_ =	shalt  }
0x70: {  	_ =	shalt  }
0x71: {  	_ =	shalt  }
0x72: {  	_ =	shalt  }
0x73: {  	_ =	shalt  }
0x74: {  	_ =	shalt  }
0x75: {  	_ =	shalt  }
0x76: {  	_ =	shalt  }
0x77: {  	_ =	shalt  }
0x78: {  	_ =	shalt  }
0x79: {  	_ =	shalt  }
0x7a: {  	_ =	shalt  }
0x7b: {  	_ =	shalt  }
0x7c: {  	_ =	shalt  }
0x7d: {  	_ =	shalt  }
0x7e: {  	_ =	shalt  }
0x7f: {  	_ =	shalt  }
0x80: {  	_ =	shalt  }
0x81: {  	_ =	shalt  }
0x82: {  	_ =	shalt  }
0x83: {  	_ =	shalt  }
0x84: {  	_ =	shalt  }
0x85: {  	_ =	shalt  }
0x86: {  	_ =	shalt  }
0x87: {  	_ =	shalt  }
.Lfunc_end0:
.L_simem_size_0:
called_computation.3_lowered:
.L_overlay_start_0:
0x88: {  	s2 =	sld [smem:$0x3FD9]  }
0x89: {  	s3 =	sld [smem:$0x3FFE];
	_ =	sdelay $0x1  }
0x8a: {  	s1 =	srdreg.scid  }
0x8b: {  	s0 =	sand.u32 $0x1, s1  }
0x8c: {  	s17 =	sshll.u32 s0, $0xA;
	s2 =	sadd.s32 s3, s2  }
0x8d: {  	s2 =	sadd.s32 s2, s17  }
0x8e: {  	[smem:$0x3FBB] =	sst s2  }
0x8f: {  	_ = 	snop  }
0x90: {  	(tm) =	ssettm $0x1  }
0x91: {  	s18 =	sld [smem:$0x3FFB];
	_ =	sdelay $0x3  }
0x92: {  	_ =	strace s18  }
0x93: {  	s2 =	sld [smem:$0x3FFC];
	_ =	sdelay $0x3  }
0x94: {  	_ =	strace s2  }
0x95: {  	s2 =	sld [smem:$0x3FFD];
	_ =	sdelay $0x3  }
0x96: {  	_ =	strace s2  }
0x97: {  	_ =	strace $0x8FFFFFFF  }
0x98: {  	s19 =	sld [smem:$0x3FDB];
	_ =	sdelay $0x1  }
0x99: {  	s20 =	simm.s32 $_scs_section_size  }
0x9a: {  	s4 =	simm.s32 $_size__tile_overlayer_lowered;
	s5 =	simm.s32 $_tile_overlayer_lowered  }
0x9b: {  	s6 =	simm.s32 $0x1BFF;
	s21 =	sshll.u32 s5, $0x1;
	s3 =	sadd.s32 s20, s19  }
0x9c: {  	s22 =	simm.s32 $0x0;
	s4 =	sshll.u32 s4, $0x1;
	s5 =	sadd.s32 s21, s3  }
0x9d: {  	[timem:s22], [sflag:s6] =	dma.local [hbm:s5], s4  }
0x9e: {  	_ =	swait.ge [sflag:s6], s4  }
0x9f: {  	s4 =	ssub.s32 $0x0, s4;
	[sflag:s6] =	ssyncset.done $0x0  }
0xa0: {  	[sflag:s6] =	ssyncadd.s32 s4;
	_ =	sdelay $0x1  }
0xa1: {  	s23 =	simm.s32 $0x1B8B  }
0xa2: {  	_ =	swait.ge [sflag:s23], $0x1  }
0xa3: {  	[sflag:s23] =	ssyncset.done $0x0  }
0xa4: {  	[sflag:s23] =	ssyncadd.s32 $0xFFFFFFFF  }
0xa5: {  	s4 =	sld [smem:$0x0]  }
0xa6: {  	s5 =	sand.u32 $0xFFFFFFFE, s1  }
0xa7: {  	p0 =	sne.s32 s1, s5  }
0xa8: {  	s5 =	sshll.u32 @p0 s5, $0xE  }
0xa9: {  	s5 =	sadd.s32 @p0 $0x11B8D, s5;
	s6 =	sshll.u32 @p0 s4, $0x11  }
0xaa: {  	s5 =	sor.u32 @p0 s6, s5  }
0xab: {  	[sflag:s5] =	ssyncadd.remote.s32 @p0 $0x1;
	_ =	sdelay $0x1  }
0xac: {  	s5 =	simm.s32 @p0 $0x1B8D  }
0xad: {  	_ =	swait.eq @p0 [sflag:s5], $0x1  }
0xae: {  	[sflag:s5] =	ssyncadd.s32 @p0 $0xFFFFFFFF  }
0xaf: {  	s6 =	sshll.u32 @!p0 s1, $0xE  }
0xb0: {  	s6 =	sor.u32 @!p0 $0x4000, s6;
	s5 =	simm.s32 @!p0 $0x1B8D  }
0xb1: {  	s4 =	sshll.u32 @!p0 s4, $0x11;
	s6 =	sadd.s32 @!p0 $0x11B8D, s6;
	_ =	swait.eq @!p0 [sflag:s5], $0x1  }
0xb2: {  	s4 =	sor.u32 @!p0 s4, s6;
	[sflag:s5] =	ssyncadd.s32 @!p0 $0xFFFFFFFF  }
0xb3: {  	s25 =	simm.s32 $0x1B8E;
	s24 =	sld [smem:$0x3FFE];
	[sflag:s4] =	ssyncadd.remote.s32 @!p0 $0x1  }
0xb4: {  	s26 =	simm.s32 $execute0_lowered;
	[smem:$0x3FD2] =	sst s25  }
0xb5: {  	s5 =	sshll.u32 s26, $0x1;
	_ =	strace $0x8000004F;
	[dreg:$0x1] =	wrdreg $0xFFFFFFFF  }
0xb6: {  	s28 =	simm.s32 $_size_execute0_lowered;
	s3 =	sadd.s32 s3, s5;
	[dreg:$0x0] =	wrdreg $0x0  }
0xb7: {  	s5 =	sshll.u32 s28, $0x1;
	[dreg:$0x2] =	wrdreg s3  }
0xb8: {  	[dreg:$0x3] =	wrdreg s5  }
0xb9: {  	[dreg:$0x4] =	wrdreg $0xC0  }
0xba: {  	_ =	task [dreg:s22], $0x5FFFF  }
0xbb: {  	[dreg:$0x1] =	wrdreg $0xFFFFFFFF  }
0xbc: {  	[dreg:$0x0] =	wrdreg $0x60  }
0xbd: {  	[dreg:$0x2] =	wrdreg s24  }
0xbe: {  	[dreg:$0x3] =	wrdreg $0x9  }
0xbf: {  	_ =	task.clear_ibuf [dreg:s22], $0x4FFFF;
	_ =	strace $0x9000004F  }
0xc0: {  	s29 =	simm.s32 $0x9;
	_ =	strace $0x80000051  }
0xc1: {  	_ =	swait.ge [sflag:s29], $0x1  }
0xc2: {  	[sflag:s29] =	ssyncadd.s32 $0xFFFFFFFF  }
0xc3: {  	_ =	strace $0x90000051  }
0xc4: {  	_ =	sfence  }
0xc5: {  	s30 =	sld [smem:$0x0];
	_ =	sdelay $0x2  }
0xc6: {  	s31 =	sshll.u32 s1, $0xD;
	s1 =	sshrl.u32 s1, $0x2  }
0xc7: {  	s4 =	sand.u32 $0x4000, s31;
	s1 =	sadd.s32 s1, s30  }
0xc8: {  	s0 =	sor.u32 s4, s0;
	s1 =	sshll.u32 s1, $0x11  }
0xc9: {  	s0 =	sor.u32 s1, s0  }
0xca: {  	s0 =	sadd.s32 $0x8F2B, s0  }
0xcb: {  	[sflag:s0] =	ssyncadd.remote.s32 $0x1  }
0xcc: {  	_ =	sfence.sel $0xFFFF  }
0xcd: {  	[dreg:$0x0] =	wrdreg $0xFFFFFFFF;
	(pc) =	sbr.abs _section_cstart, $3  }
0xce: {  	[dreg:$0x1] =	wrdreg $0xFFFFFFFF  }
0xcf: {  	_ =	task.clear_ibuf [dreg:s22], $0x2FFFF;
	_ =	strace $0x9FFFFFFF  }
0xd0: {  	(tm) =	ssettm $0x7FFFFFFF  }
0xd1: {  	_ =	shalt  }
tec
execute0_lowered:
.L_overlay_start_1:
0x0: {  	(tag) =	ssettag $0x1  }
0x1: {  	s1 =	srdreg.scid;
	s0 =	stileid.u32  }
0x2: {  	s4 =	rddreg [dreg:$0x0];
	s2 =	simm.s32 $0x0;
	s11 =	simm.s32 $0x80  }
0x3: {  	s12 =	simm.s32 $0x1400;
	s13 =	simm.s32 $0x5400;
	s14 =	simm.s32 $0x1  }
0x4: {  	s15 =	simm.s32 $0x2;
	s5 =	sand.u32 $0x1, s1;
	s1 =	rddreg [dreg:$0x1]  }
0x5: {  	s16 =	simm.s32 $0x0;
	s3 =	sshll.u32 s0, $0x1;
	[smem:$0x7FF] =	sst s2  }
0x6: {  	s10 =	sadd.s32 $0x2CE600, s4;
	s29 =	sshll.u32 s0, $0x10;
	s6 =	sor.u32 s5, s3  }
0x7: {  	s8 =	ssub.s32 $0x2, s5;
	_ =	strace $0x80000050;
	s3 =	sadd.s32 $0x2A9600, s4  }
0x8: {  	s7 =	smul.u32 $0x280, s6;
	s9 =	sshrl.u32 s8, $0x1;
	s6 =	sshll.u32 s6, $0xC  }
0x9: {  	s5 =	sshll.u32 s5, $0xF;
	s8 =	ssub.s32 s8, s9;
	s30 =	sadd.s32 s6, s10  }
0xa: {  	s9 =	sor.u32 s5, s29;
	s7 =	sadd.s32 s7, s4;
	s5 =	smax.u32 s8, $0x1  }
0xb: {  	s6 =	sadd.s32 $0x260000, s30;
	s31 =	sor.u32 $0x4000, s9;
	s9 =	sshrl.u32 s9, $0x3  }
0xc: {  	s4 =	sadd.s32 $0x2C9600, s7;
	s7 =	sadd.s32 $0x260800, s30;
	s8 =	sshrl.u32 s31, $0x3  }
0xd: {  	s9 =	sadd.s32 s9, s10;
	s8 =	sadd.s32 s8, s10;
	s10 =	simm.s32 $0x3  }
.LBB2_1:
0xe: {  	[tilespmem:s2], [sflag:$0x3] =	stream.linear.gather [hbm4b:s4+s2], $0x1400, $0x38;
	[tilespmem:$0x9400] =	vst v63  }
0xf: {  	_ =	swait.ge [sflag:s10], $0x1400  }
0x10: {  	[sflag:s10] =	ssyncset.done $0x0  }
0x11: {  	[sflag:s10] =	ssyncadd.s32 $0xFFFFEC00  }
0x12: {  	[tilespmem:s12], [sflag:$0x1] =	stream.indirect.gather [hbm4b:s3+s11], $0x80, s2, s11, $0xb8;
	[tilespmem:$0x9400] =	vst v63  }
0x13: {  	_ = 	snop  }
0x14: {  	[tilespmem:s13], [sflag:$0x2] =	stream.indirect.gather [hbm4b:s3+s11], $0x80, s11, s11, $0xb8;
	[tilespmem:$0x9400] =	vst v63  }
0x15: {  	_ =	swait.ge [sflag:s14], $0x4000  }
0x16: {  	[sflag:s14] =	ssyncset.done $0x0  }
0x17: {  	s17 =	sadd.s32 $0x0, s9;
	[sflag:s14] =	ssyncadd.s32 $0xFFFFC000  }
0x18: {  	[hbm4b:s17+s2] =	stream.linear.scatter [tilespmem:s12], [sflag:$0x3], $0x4000, $0x38;
	[tilespmem:$0x9400] =	vst v63  }
0x19: {  	_ =	swait.ge [sflag:s10], $0x4000  }
0x1a: {  	[sflag:s10] =	ssyncset.done $0x0  }
0x1b: {  	s30 =	simm.s32 $0x100;
	[sflag:s10] =	ssyncadd.s32 $0xFFFFC000  }
0x1c: {  	[tilespmem:s12], [sflag:$0x1] =	stream.indirect.gather [hbm4b:s3+s11], $0x80, s30, s11, $0xb8;
	[tilespmem:$0x9400] =	vst v63  }
0x1d: {  	_ =	swait.ge [sflag:s15], $0x4000  }
0x1e: {  	[sflag:s15] =	ssyncset.done $0x0  }
0x1f: {  	s31 =	sadd.s32 $0x0, s8;
	[sflag:s15] =	ssyncadd.s32 $0xFFFFC000  }
0x20: {  	[hbm4b:s31+s2] =	stream.linear.scatter [tilespmem:s13], [sflag:$0x3], $0x4000, $0x38;
	[tilespmem:$0x9400] =	vst v63  }
0x21: {  	_ =	swait.ge [sflag:s10], $0x4000  }
0x22: {  	s18 =	simm.s32 $0x20000;
	[sflag:s10] =	ssyncset.done $0x0  }
0x23: {  	s19 =	simm.s32 $0x280;
	s17 =	simm.s32 $0x180;
	[sflag:s10] =	ssyncadd.s32 $0xFFFFC000  }
.LBB2_2:
0x24: {  	[tilespmem:s13], [sflag:$0x2] =	stream.indirect.gather [hbm4b:s3+s11], $0x80, s17, s11, $0xb8;
	[tilespmem:$0x9400] =	vst v63  }
0x25: {  	s20 =	smov.u32 s18;
	s17 =	smov.u32 s19  }
0x26: {  	p0 =	sne.s32 s18, $0x240000;
	s18 =	sadd.s32 $0x20000, s18;
	_ =	swait.ge [sflag:s14], $0x4000  }
0x27: {  	[sflag:s14] =	ssyncset.done $0x0  }
0x28: {  	s21 =	sadd.s32 s20, s9;
	[sflag:s14] =	ssyncadd.s32 $0xFFFFC000  }
0x29: {  	[hbm4b:s21+s2] =	stream.linear.scatter [tilespmem:s12], [sflag:$0x3], $0x4000, $0x38;
	[tilespmem:$0x9400] =	vst v63  }
0x2a: {  	_ =	swait.ge [sflag:s10], $0x4000  }
0x2b: {  	[sflag:s10] =	ssyncset.done $0x0  }
0x2c: {  	s21 =	sadd.s32 $0xFFFFFF80, s19;
	[sflag:s10] =	ssyncadd.s32 $0xFFFFC000  }
0x2d: {  	[tilespmem:s12], [sflag:$0x1] =	stream.indirect.gather [hbm4b:s3+s11], $0x80, s21, s11, $0xb8;
	[tilespmem:$0x9400] =	vst v63  }
0x2e: {  	_ =	swait.ge [sflag:s15], $0x4000  }
0x2f: {  	[sflag:s15] =	ssyncset.done $0x0  }
.Ltmp0:
0x30: {  	s20 =	sadd.s32 s20, s8;
	[sflag:s15] =	ssyncadd.s32 $0xFFFFC000;
	(pc) =	sbr.rel @p0 .LBB2_2-.Ltmp0, $4  }
0x31: {  	[hbm4b:s20+s2] =	stream.linear.scatter [tilespmem:s13], [sflag:$0x3], $0x4000, $0x38;
	[tilespmem:$0x9400] =	vst v63  }
0x32: {  	_ =	swait.ge [sflag:s10], $0x4000  }
0x33: {  	[sflag:s10] =	ssyncset.done $0x0  }
0x34: {  	s19 =	sadd.s32 $0x100, s19;
	[sflag:s10] =	ssyncadd.s32 $0xFFFFC000  }
0x35: {  	[tilespmem:s13], [sflag:$0x2] =	stream.indirect.gather [hbm4b:s3+s11], $0x80, s17, s11, $0xb8;
	[tilespmem:$0x9400] =	vst v63  }
0x36: {  	_ =	swait.ge [sflag:s14], $0x4000  }
0x37: {  	[sflag:s14] =	ssyncset.done $0x0  }
0x38: {  	[sflag:s14] =	ssyncadd.s32 $0xFFFFC000  }
0x39: {  	[hbm4b:s6+s2] =	stream.linear.scatter [tilespmem:s12], [sflag:$0x3], $0x4000, $0x38;
	[tilespmem:$0x9400] =	vst v63  }
0x3a: {  	_ =	swait.ge [sflag:s10], $0x4000  }
0x3b: {  	[sflag:s10] =	ssyncset.done $0x0  }
0x3c: {  	[sflag:s10] =	ssyncadd.s32 $0xFFFFC000  }
0x3d: {  	s16 =	sadd.s32 $0x1, s16;
	_ =	swait.ge [sflag:s15], $0x4000  }
0x3e: {  	p0 =	sne.s32 s16, s5;
	[sflag:s15] =	ssyncset.done $0x0  }
.Ltmp1:
0x3f: {  	[sflag:s15] =	ssyncadd.s32 $0xFFFFC000;
	(pc) =	sbr.rel @p0 .LBB2_1-.Ltmp1, $4  }
0x40: {  	[hbm4b:s7+s2] =	stream.linear.scatter [tilespmem:s13], [sflag:$0x3], $0x4000, $0x38;
	[tilespmem:$0x9400] =	vst v63  }
0x41: {  	_ =	swait.ge [sflag:s10], $0x4000  }
0x42: {  	[sflag:s10] =	ssyncset.done $0x0  }
0x43: {  	[sflag:s10] =	ssyncadd.s32 $0xFFFFC000  }
0x44: {  	_ =	sfence.sel $0x180000  }
0x45: {  	[bflag:$0x0] =	sbarrier.arrive $0xFFFF  }
0x46: {  	p0 =	sne.s32 s0, $0x0;
	_ =	strace $0x90000050  }
0x47: {  	s0 =	sadd.s32 @!p0 $0x100000, s1;
	[bflag:$0x2] =	sbarrier.arrive $0xFFFF  }
0x48: {  	[sflag:s0] =	ssyncadd.tile.s32 @!p0 $0x1;
	_ =	shalt  }
.Lfunc_end2:
_tile_overlayer_lowered:
.L_overlay_start_2:
0x49: {  	(tag) =	ssettag $0x2  }
0x4a: {  	s0 =	rddreg [dreg:$0x0];
	s2 =	stileid.u32  }
0x4b: {  	s1 =	rddreg [dreg:$0x1];
	p0 =	sne.s32 s2, $0x0  }
0x4c: {  	s3 =	rddreg [dreg:$0x2];
	[bflag:$0x3] =	sbarrier.arrive $0xFFFF;
	s2 =	simm.s32 @!p0 $0x1C03  }
0x4d: {  	[timem:s3], [sflag:s2] =	dma.local @!p0 [hbm:s0], s1  }
0x4e: {  	s0 =	simm.s32 @!p0 $0x3  }
0x4f: {  	_ =	swait.ge @!p0 [sflag:s0], s1  }
0x50: {  	s1 =	ssub.s32 @!p0 $0x0, s1;
	[sflag:s0] =	ssyncset.done @!p0 $0x0  }
0x51: {  	[sflag:s0] =	ssyncadd.s32 @!p0 s1  }
0x52: {  	[bflag:$0x3] =	sbarrier.arrive $0xFFFF  }
0x53: {  	_ =	shalt  }

// kernel: kernel.33.cloned.1.call-start
scs
__scs_entry_jumppad:
0x0: {  	(pc) =	sbr.rel $0x88, $3  }
0x1: {  	(tag) =	ssettag $0x0;
	lr =	simm.s32 $0x1  }
0x2: {  	[smem:$0x3F94] =	sst lr;
	_ =	strace $0xD0000000  }
0x3: {  	_ = 	snop  }
0x4: {  	_ = 	snop  }
0x5: {  	_ = 	snop  }
0x6: {  	_ = 	snop  }
0x7: {  	_ = 	snop  }
__scs_overlays_trampoline_lowered:
0x8: {  	[smem:$0x3FA3] =	sst s0  }
0x9: {  	[smem:$0x3FA4] =	sst s1  }
0xa: {  	[smem:$0x3FA5] =	sst s2  }
0xb: {  	[smem:$0x3FA6] =	sst s3  }
0xc: {  	[smem:$0x3FA7] =	sst s4  }
0xd: {  	[smem:$0x3FA8] =	sst s5  }
0xe: {  	[smem:$0x3FA9] =	sst s6  }
0xf: {  	[smem:$0x3FAA] =	sst s7  }
0x10: {  	[smem:$0x3FAB] =	sst s8  }
0x11: {  	[smem:$0x3FAC] =	sst s9;
	s0 =	simm.s32 @!p0 $0x0  }
0x12: {  	s1 =	sld [smem:$0x3F92];
	s0 =	simm.s32 @p0 $0x1  }
0x13: {  	[smem:$0x3FAD] =	sst s0;
	s0 =	simm.s32 @!p1 $0x0  }
0x14: {  	s2 =	sld [smem:$0x3F91];
	s0 =	simm.s32 @p1 $0x1  }
0x15: {  	[smem:$0x3FAE] =	sst s0;
	s0 =	simm.s32 @!p2 $0x0  }
0x16: {  	s3 =	sld [smem:$0x3FDB];
	s0 =	simm.s32 @p2 $0x1  }
0x17: {  	s4 =	simm.s32 $0x1BF5;
	[smem:$0x3FB0] =	sst s0  }
0x18: {  	s0 =	sld [smem:$0x3F93];
	_ =	swait.ge [sflag:s4], $0x0  }
0x19: {  	s7 =	sld [smem:$0x3F94]  }
0x1a: {  	s8 =	sadd.s32 $0xFFFFE003, lr  }
0x1b: {  	s9 =	sadd.s32 $0xFFFFFEF7, lr;
	s5 =	simm.s32 $0xFFFFFFFF;
	p2 =	slt.u32 s8, $0xFFFFF086  }
0x1c: {  	p1 =	slt.u32 s9, $0xF7A;
	s5 =	simm.s32 @!p2 $0x0  }
0x1d: {  	s5 =	simm.s32 @p1 $0x1;
	p0 =	seq.s32 s7, s2  }
0x1e: {  	s7 =	smul.u32 @!p0 $0xF7A, s2;
	p2 =	seq.s32 @!p0 s5, $0x0  }
0x1f: {  	s9 =	smul.u32 $0xF7A, s1;
	s8 =	simm.s32 @!p0 $0x1BF5;
	p2 =	por !p2, p0  }
0x20: {  	[sflag:s8] =	ssyncset.s32 @!p0 $0xFFFFF086;
	s6 =	sadd.s32 @!p0 s3, s7;
	s7 =	simm.s32 @!p0 $0x108  }
0x21: {  	s3 =	sadd.s32 s3, s9;
	s6 =	sadd.s32 @!p0 $0x88, s6;
	s7 =	simm.s32 @p2 $0x1082  }
0x22: {  	[simem:s7], [sflag:s8] =	dma.local @!p0 [hbm:s6], $0xF7A  }
0x23: {  	s9 =	sor.u32 $0xD0000000, s2;
	s6 =	simm.s32 $0x108;
	_ =	swait.ge @!p0 [sflag:s8], $0x0  }
0x24: {  	s3 =	sadd.s32 $0x88, s3;
	s6 =	simm.s32 @!p1 $0x1082;
	[sflag:s4] =	ssyncset.s32 $0xFFFFF086  }
0x25: {  	[simem:s6], [sflag:s4] =	dma.local [hbm:s3], $0xF7A  }
0x26: {  	[smem:$0x3F94] =	sst s1;
	(tag) =	ssettag s2;
	_ =	strace s9  }
0x27: {  	s1 =	sld [smem:$0x3FA4]  }
0x28: {  	s2 =	sld [smem:$0x3FA5]  }
0x29: {  	s4 =	sld [smem:$0x3FA7]  }
0x2a: {  	p0 =	seq.s32 s5, $0x0;
	s5 =	sld [smem:$0x3FA8]  }
0x2b: {  	s6 =	sld [smem:$0x3FA9]  }
0x2c: {  	s7 =	sld [smem:$0x3FAA]  }
0x2d: {  	s3 =	simm.s32 $0x108;
	s8 =	sld [smem:$0x3FAB]  }
0x2e: {  	s3 =	simm.s32 @!p0 $0x1082;
	s9 =	sld [smem:$0x3FAC]  }
0x2f: {  	lr =	sadd.s32 s0, s3;
	s0 =	sld [smem:$0x3FA3]  }
0x30: {  	s3 =	sld [smem:$0x3FA6]  }
0x31: {  	[smem:$0x3FAF] =	sst s10  }
0x32: {  	s10 =	sld [smem:$0x3FAD];
	_ =	sdelay $0x3  }
0x33: {  	p0 =	seq.s32 s10, $0x1;
	s10 =	sld [smem:$0x3FAF];
	_ =	sdelay $0x3  }
0x34: {  	[smem:$0x3FAF] =	sst s10  }
0x35: {  	s10 =	sld [smem:$0x3FAE];
	_ =	sdelay $0x3  }
0x36: {  	p1 =	seq.s32 s10, $0x1;
	s10 =	sld [smem:$0x3FAF];
	_ =	sdelay $0x3  }
0x37: {  	[smem:$0x3FAF] =	sst s10  }
0x38: {  	s10 =	sld [smem:$0x3FB0]  }
0x39: {  	_ = 	snop;
	(pc) =	sbr.ind lr, $3  }
0x3a: {  	_ = 	snop  }
0x3b: {  	_ = 	snop  }
0x3c: {  	p2 =	seq.s32 s10, $0x1;
	s10 =	sld [smem:$0x3FAF]  }
0x3d: {  	_ =	shalt  }
0x3e: {  	_ =	shalt  }
0x3f: {  	_ =	shalt  }
0x40: {  	_ =	shalt  }
0x41: {  	_ =	shalt  }
0x42: {  	_ =	shalt  }
0x43: {  	_ =	shalt  }
0x44: {  	_ =	shalt  }
0x45: {  	_ =	shalt  }
0x46: {  	_ =	shalt  }
0x47: {  	_ =	shalt  }
0x48: {  	_ =	shalt  }
0x49: {  	_ =	shalt  }
0x4a: {  	_ =	shalt  }
0x4b: {  	_ =	shalt  }
0x4c: {  	_ =	shalt  }
0x4d: {  	_ =	shalt  }
0x4e: {  	_ =	shalt  }
0x4f: {  	_ =	shalt  }
0x50: {  	_ =	shalt  }
0x51: {  	_ =	shalt  }
0x52: {  	_ =	shalt  }
0x53: {  	_ =	shalt  }
0x54: {  	_ =	shalt  }
0x55: {  	_ =	shalt  }
0x56: {  	_ =	shalt  }
0x57: {  	_ =	shalt  }
0x58: {  	_ =	shalt  }
0x59: {  	_ =	shalt  }
0x5a: {  	_ =	shalt  }
0x5b: {  	_ =	shalt  }
0x5c: {  	_ =	shalt  }
0x5d: {  	_ =	shalt  }
0x5e: {  	_ =	shalt  }
0x5f: {  	_ =	shalt  }
0x60: {  	_ =	shalt  }
0x61: {  	_ =	shalt  }
0x62: {  	_ =	shalt  }
0x63: {  	_ =	shalt  }
0x64: {  	_ =	shalt  }
0x65: {  	_ =	shalt  }
0x66: {  	_ =	shalt  }
0x67: {  	_ =	shalt  }
0x68: {  	_ =	shalt  }
0x69: {  	_ =	shalt  }
0x6a: {  	_ =	shalt  }
0x6b: {  	_ =	shalt  }
0x6c: {  	_ =	shalt  }
0x6d: {  	_ =	shalt  }
0x6e: {  	_ =	shalt  }
0x6f: {  	_ =	shalt  }
0x70: {  	_ =	shalt  }
0x71: {  	_ =	shalt  }
0x72: {  	_ =	shalt  }
0x73: {  	_ =	shalt  }
0x74: {  	_ =	shalt  }
0x75: {  	_ =	shalt  }
0x76: {  	_ =	shalt  }
0x77: {  	_ =	shalt  }
0x78: {  	_ =	shalt  }
0x79: {  	_ =	shalt  }
0x7a: {  	_ =	shalt  }
0x7b: {  	_ =	shalt  }
0x7c: {  	_ =	shalt  }
0x7d: {  	_ =	shalt  }
0x7e: {  	_ =	shalt  }
0x7f: {  	_ =	shalt  }
0x80: {  	_ =	shalt  }
0x81: {  	_ =	shalt  }
0x82: {  	_ =	shalt  }
0x83: {  	_ =	shalt  }
0x84: {  	_ =	shalt  }
0x85: {  	_ =	shalt  }
0x86: {  	_ =	shalt  }
0x87: {  	_ =	shalt  }
.Lfunc_end0:
.L_simem_size_0:
called_computation.4_lowered:
.L_overlay_start_0:
0x88: {  	s2 =	sld [smem:$0x3FD9]  }
0x89: {  	s3 =	sld [smem:$0x3FFE];
	_ =	sdelay $0x1  }
0x8a: {  	s1 =	srdreg.scid  }
0x8b: {  	s0 =	sand.u32 $0x1, s1  }
0x8c: {  	s17 =	sshll.u32 s0, $0xA;
	s2 =	sadd.s32 s3, s2  }
0x8d: {  	s2 =	sadd.s32 s2, s17  }
0x8e: {  	[smem:$0x3FBB] =	sst s2  }
0x8f: {  	_ = 	snop  }
0x90: {  	(tm) =	ssettm $0x1  }
0x91: {  	s18 =	sld [smem:$0x3FFB];
	_ =	sdelay $0x3  }
0x92: {  	_ =	strace s18  }
0x93: {  	s2 =	sld [smem:$0x3FFC];
	_ =	sdelay $0x3  }
0x94: {  	_ =	strace s2  }
0x95: {  	s2 =	sld [smem:$0x3FFD];
	_ =	sdelay $0x3  }
0x96: {  	_ =	strace s2  }
0x97: {  	_ =	strace $0x8FFFFFFF  }
0x98: {  	s19 =	sld [smem:$0x3FDB];
	_ =	sdelay $0x1  }
0x99: {  	s20 =	simm.s32 $_scs_section_size  }
0x9a: {  	s4 =	simm.s32 $_size__tile_overlayer_lowered;
	s5 =	simm.s32 $_tile_overlayer_lowered  }
0x9b: {  	s6 =	simm.s32 $0x1BFF;
	s21 =	sshll.u32 s5, $0x1;
	s3 =	sadd.s32 s20, s19  }
0x9c: {  	s22 =	simm.s32 $0x0;
	s4 =	sshll.u32 s4, $0x1;
	s5 =	sadd.s32 s21, s3  }
0x9d: {  	[timem:s22], [sflag:s6] =	dma.local [hbm:s5], s4  }
0x9e: {  	_ =	swait.ge [sflag:s6], s4  }
0x9f: {  	s4 =	ssub.s32 $0x0, s4;
	[sflag:s6] =	ssyncset.done $0x0  }
0xa0: {  	[sflag:s6] =	ssyncadd.s32 s4;
	_ =	sdelay $0x1  }
0xa1: {  	s23 =	simm.s32 $0x1B8B  }
0xa2: {  	_ =	swait.ge [sflag:s23], $0x1  }
0xa3: {  	[sflag:s23] =	ssyncset.done $0x0  }
0xa4: {  	[sflag:s23] =	ssyncadd.s32 $0xFFFFFFFF  }
0xa5: {  	s4 =	sld [smem:$0x0]  }
0xa6: {  	s5 =	sand.u32 $0xFFFFFFFE, s1  }
0xa7: {  	p0 =	sne.s32 s1, s5  }
0xa8: {  	s5 =	sshll.u32 @p0 s5, $0xE  }
0xa9: {  	s5 =	sadd.s32 @p0 $0x11B8D, s5;
	s6 =	sshll.u32 @p0 s4, $0x11  }
0xaa: {  	s5 =	sor.u32 @p0 s6, s5  }
0xab: {  	[sflag:s5] =	ssyncadd.remote.s32 @p0 $0x1;
	_ =	sdelay $0x1  }
0xac: {  	s5 =	simm.s32 @p0 $0x1B8D  }
0xad: {  	_ =	swait.eq @p0 [sflag:s5], $0x1  }
0xae: {  	[sflag:s5] =	ssyncadd.s32 @p0 $0xFFFFFFFF  }
0xaf: {  	s6 =	sshll.u32 @!p0 s1, $0xE  }
0xb0: {  	s6 =	sor.u32 @!p0 $0x4000, s6;
	s5 =	simm.s32 @!p0 $0x1B8D  }
0xb1: {  	s4 =	sshll.u32 @!p0 s4, $0x11;
	s6 =	sadd.s32 @!p0 $0x11B8D, s6;
	_ =	swait.eq @!p0 [sflag:s5], $0x1  }
0xb2: {  	s4 =	sor.u32 @!p0 s4, s6;
	[sflag:s5] =	ssyncadd.s32 @!p0 $0xFFFFFFFF  }
0xb3: {  	s25 =	simm.s32 $0x1B8E;
	s24 =	sld [smem:$0x3FFE];
	[sflag:s4] =	ssyncadd.remote.s32 @!p0 $0x1  }
0xb4: {  	s26 =	simm.s32 $execute0_lowered;
	[smem:$0x3FD2] =	sst s25  }
0xb5: {  	s5 =	sshll.u32 s26, $0x1;
	_ =	strace $0x80000052;
	[dreg:$0x1] =	wrdreg $0xFFFFFFFF  }
0xb6: {  	s28 =	simm.s32 $_size_execute0_lowered;
	s3 =	sadd.s32 s3, s5;
	[dreg:$0x0] =	wrdreg $0x0  }
0xb7: {  	s5 =	sshll.u32 s28, $0x1;
	[dreg:$0x2] =	wrdreg s3  }
0xb8: {  	[dreg:$0x3] =	wrdreg s5  }
0xb9: {  	[dreg:$0x4] =	wrdreg $0xC0  }
0xba: {  	_ =	task [dreg:s22], $0x5FFFF  }
0xbb: {  	[dreg:$0x1] =	wrdreg $0xFFFFFFFF  }
0xbc: {  	[dreg:$0x0] =	wrdreg $0x60  }
0xbd: {  	[dreg:$0x2] =	wrdreg s24  }
0xbe: {  	[dreg:$0x3] =	wrdreg $0xA  }
0xbf: {  	_ =	task.clear_ibuf [dreg:s22], $0x4FFFF;
	_ =	strace $0x90000052  }
0xc0: {  	s29 =	simm.s32 $0xA;
	_ =	strace $0x80000054  }
0xc1: {  	_ =	swait.ge [sflag:s29], $0x1  }
0xc2: {  	[sflag:s29] =	ssyncadd.s32 $0xFFFFFFFF  }
0xc3: {  	_ =	strace $0x90000054  }
0xc4: {  	_ =	sfence  }
0xc5: {  	s30 =	sld [smem:$0x0];
	_ =	sdelay $0x2  }
0xc6: {  	s31 =	sshll.u32 s1, $0xD;
	s1 =	sshrl.u32 s1, $0x2  }
0xc7: {  	s4 =	sand.u32 $0x4000, s31;
	s1 =	sadd.s32 s1, s30  }
0xc8: {  	s0 =	sor.u32 s4, s0;
	s1 =	sshll.u32 s1, $0x11  }
0xc9: {  	s0 =	sor.u32 s1, s0  }
0xca: {  	s0 =	sadd.s32 $0x8F2B, s0  }
0xcb: {  	[sflag:s0] =	ssyncadd.remote.s32 $0x1  }
0xcc: {  	_ =	sfence.sel $0xFFFF  }
0xcd: {  	[dreg:$0x0] =	wrdreg $0xFFFFFFFF;
	(pc) =	sbr.abs _section_cstart, $3  }
0xce: {  	[dreg:$0x1] =	wrdreg $0xFFFFFFFF  }
0xcf: {  	_ =	task.clear_ibuf [dreg:s22], $0x2FFFF;
	_ =	strace $0x9FFFFFFF  }
0xd0: {  	(tm) =	ssettm $0x7FFFFFFF  }
0xd1: {  	_ =	shalt  }
tec
execute0_lowered:
.L_overlay_start_1:
0x0: {  	(tag) =	ssettag $0x1  }
0x1: {  	s1 =	srdreg.scid;
	s0 =	stileid.u32  }
0x2: {  	s4 =	rddreg [dreg:$0x0];
	s2 =	simm.s32 $0x0;
	s11 =	simm.s32 $0x80  }
0x3: {  	s12 =	simm.s32 $0x1400;
	s13 =	simm.s32 $0x5400;
	s14 =	simm.s32 $0x1  }
0x4: {  	s15 =	simm.s32 $0x2;
	s5 =	sand.u32 $0x1, s1;
	s1 =	rddreg [dreg:$0x1]  }
0x5: {  	s16 =	simm.s32 $0x0;
	s3 =	sshll.u32 s0, $0x1;
	[smem:$0x7FF] =	sst s2  }
0x6: {  	s10 =	sadd.s32 $0x29600, s4;
	s29 =	sshll.u32 s0, $0x10;
	s6 =	sor.u32 s5, s3  }
0x7: {  	s8 =	ssub.s32 $0x2, s5;
	_ =	strace $0x80000053;
	s3 =	sadd.s32 $0x4600, s4  }
0x8: {  	s7 =	smul.u32 $0x280, s6;
	s9 =	sshrl.u32 s8, $0x1;
	s6 =	sshll.u32 s6, $0xC  }
0x9: {  	s5 =	sshll.u32 s5, $0xF;
	s8 =	ssub.s32 s8, s9;
	s30 =	sadd.s32 s6, s10  }
0xa: {  	s9 =	sor.u32 s5, s29;
	s7 =	sadd.s32 s7, s4;
	s5 =	smax.u32 s8, $0x1  }
0xb: {  	s6 =	sadd.s32 $0x260000, s30;
	s31 =	sor.u32 $0x4000, s9;
	s9 =	sshrl.u32 s9, $0x3  }
0xc: {  	s4 =	sadd.s32 $0x24600, s7;
	s7 =	sadd.s32 $0x260800, s30;
	s8 =	sshrl.u32 s31, $0x3  }
0xd: {  	s9 =	sadd.s32 s9, s10;
	s8 =	sadd.s32 s8, s10;
	s10 =	simm.s32 $0x3  }
.LBB2_1:
0xe: {  	[tilespmem:s2], [sflag:$0x3] =	stream.linear.gather [hbm4b:s4+s2], $0x1400, $0x38;
	[tilespmem:$0x9400] =	vst v63  }
0xf: {  	_ =	swait.ge [sflag:s10], $0x1400  }
0x10: {  	[sflag:s10] =	ssyncset.done $0x0  }
0x11: {  	[sflag:s10] =	ssyncadd.s32 $0xFFFFEC00  }
0x12: {  	[tilespmem:s12], [sflag:$0x1] =	stream.indirect.gather [hbm4b:s3+s11], $0x80, s2, s11, $0xb8;
	[tilespmem:$0x9400] =	vst v63  }
0x13: {  	_ = 	snop  }
0x14: {  	[tilespmem:s13], [sflag:$0x2] =	stream.indirect.gather [hbm4b:s3+s11], $0x80, s11, s11, $0xb8;
	[tilespmem:$0x9400] =	vst v63  }
0x15: {  	_ =	swait.ge [sflag:s14], $0x4000  }
0x16: {  	[sflag:s14] =	ssyncset.done $0x0  }
0x17: {  	s17 =	sadd.s32 $0x0, s9;
	[sflag:s14] =	ssyncadd.s32 $0xFFFFC000  }
0x18: {  	[hbm4b:s17+s2] =	stream.linear.scatter [tilespmem:s12], [sflag:$0x3], $0x4000, $0x38;
	[tilespmem:$0x9400] =	vst v63  }
0x19: {  	_ =	swait.ge [sflag:s10], $0x4000  }
0x1a: {  	[sflag:s10] =	ssyncset.done $0x0  }
0x1b: {  	s30 =	simm.s32 $0x100;
	[sflag:s10] =	ssyncadd.s32 $0xFFFFC000  }
0x1c: {  	[tilespmem:s12], [sflag:$0x1] =	stream.indirect.gather [hbm4b:s3+s11], $0x80, s30, s11, $0xb8;
	[tilespmem:$0x9400] =	vst v63  }
0x1d: {  	_ =	swait.ge [sflag:s15], $0x4000  }
0x1e: {  	[sflag:s15] =	ssyncset.done $0x0  }
0x1f: {  	s31 =	sadd.s32 $0x0, s8;
	[sflag:s15] =	ssyncadd.s32 $0xFFFFC000  }
0x20: {  	[hbm4b:s31+s2] =	stream.linear.scatter [tilespmem:s13], [sflag:$0x3], $0x4000, $0x38;
	[tilespmem:$0x9400] =	vst v63  }
0x21: {  	_ =	swait.ge [sflag:s10], $0x4000  }
0x22: {  	s18 =	simm.s32 $0x20000;
	[sflag:s10] =	ssyncset.done $0x0  }
0x23: {  	s19 =	simm.s32 $0x280;
	s17 =	simm.s32 $0x180;
	[sflag:s10] =	ssyncadd.s32 $0xFFFFC000  }
.LBB2_2:
0x24: {  	[tilespmem:s13], [sflag:$0x2] =	stream.indirect.gather [hbm4b:s3+s11], $0x80, s17, s11, $0xb8;
	[tilespmem:$0x9400] =	vst v63  }
0x25: {  	s20 =	smov.u32 s18;
	s17 =	smov.u32 s19  }
0x26: {  	p0 =	sne.s32 s18, $0x240000;
	s18 =	sadd.s32 $0x20000, s18;
	_ =	swait.ge [sflag:s14], $0x4000  }
0x27: {  	[sflag:s14] =	ssyncset.done $0x0  }
0x28: {  	s21 =	sadd.s32 s20, s9;
	[sflag:s14] =	ssyncadd.s32 $0xFFFFC000  }
0x29: {  	[hbm4b:s21+s2] =	stream.linear.scatter [tilespmem:s12], [sflag:$0x3], $0x4000, $0x38;
	[tilespmem:$0x9400] =	vst v63  }
0x2a: {  	_ =	swait.ge [sflag:s10], $0x4000  }
0x2b: {  	[sflag:s10] =	ssyncset.done $0x0  }
0x2c: {  	s21 =	sadd.s32 $0xFFFFFF80, s19;
	[sflag:s10] =	ssyncadd.s32 $0xFFFFC000  }
0x2d: {  	[tilespmem:s12], [sflag:$0x1] =	stream.indirect.gather [hbm4b:s3+s11], $0x80, s21, s11, $0xb8;
	[tilespmem:$0x9400] =	vst v63  }
0x2e: {  	_ =	swait.ge [sflag:s15], $0x4000  }
0x2f: {  	[sflag:s15] =	ssyncset.done $0x0  }
.Ltmp0:
0x30: {  	s20 =	sadd.s32 s20, s8;
	[sflag:s15] =	ssyncadd.s32 $0xFFFFC000;
	(pc) =	sbr.rel @p0 .LBB2_2-.Ltmp0, $4  }
0x31: {  	[hbm4b:s20+s2] =	stream.linear.scatter [tilespmem:s13], [sflag:$0x3], $0x4000, $0x38;
	[tilespmem:$0x9400] =	vst v63  }
0x32: {  	_ =	swait.ge [sflag:s10], $0x4000  }
0x33: {  	[sflag:s10] =	ssyncset.done $0x0  }
0x34: {  	s19 =	sadd.s32 $0x100, s19;
	[sflag:s10] =	ssyncadd.s32 $0xFFFFC000  }
0x35: {  	[tilespmem:s13], [sflag:$0x2] =	stream.indirect.gather [hbm4b:s3+s11], $0x80, s17, s11, $0xb8;
	[tilespmem:$0x9400] =	vst v63  }
0x36: {  	_ =	swait.ge [sflag:s14], $0x4000  }
0x37: {  	[sflag:s14] =	ssyncset.done $0x0  }
0x38: {  	[sflag:s14] =	ssyncadd.s32 $0xFFFFC000  }
0x39: {  	[hbm4b:s6+s2] =	stream.linear.scatter [tilespmem:s12], [sflag:$0x3], $0x4000, $0x38;
	[tilespmem:$0x9400] =	vst v63  }
0x3a: {  	_ =	swait.ge [sflag:s10], $0x4000  }
0x3b: {  	[sflag:s10] =	ssyncset.done $0x0  }
0x3c: {  	[sflag:s10] =	ssyncadd.s32 $0xFFFFC000  }
0x3d: {  	s16 =	sadd.s32 $0x1, s16;
	_ =	swait.ge [sflag:s15], $0x4000  }
0x3e: {  	p0 =	sne.s32 s16, s5;
	[sflag:s15] =	ssyncset.done $0x0  }
.Ltmp1:
0x3f: {  	[sflag:s15] =	ssyncadd.s32 $0xFFFFC000;
	(pc) =	sbr.rel @p0 .LBB2_1-.Ltmp1, $4  }
0x40: {  	[hbm4b:s7+s2] =	stream.linear.scatter [tilespmem:s13], [sflag:$0x3], $0x4000, $0x38;
	[tilespmem:$0x9400] =	vst v63  }
0x41: {  	_ =	swait.ge [sflag:s10], $0x4000  }
0x42: {  	[sflag:s10] =	ssyncset.done $0x0  }
0x43: {  	[sflag:s10] =	ssyncadd.s32 $0xFFFFC000  }
0x44: {  	_ =	sfence.sel $0x180000  }
0x45: {  	[bflag:$0x0] =	sbarrier.arrive $0xFFFF  }
0x46: {  	p0 =	sne.s32 s0, $0x0;
	_ =	strace $0x90000053  }
0x47: {  	s0 =	sadd.s32 @!p0 $0x100000, s1;
	[bflag:$0x2] =	sbarrier.arrive $0xFFFF  }
0x48: {  	[sflag:s0] =	ssyncadd.tile.s32 @!p0 $0x1;
	_ =	shalt  }
.Lfunc_end2:
_tile_overlayer_lowered:
.L_overlay_start_2:
0x49: {  	(tag) =	ssettag $0x2  }
0x4a: {  	s0 =	rddreg [dreg:$0x0];
	s2 =	stileid.u32  }
0x4b: {  	s1 =	rddreg [dreg:$0x1];
	p0 =	sne.s32 s2, $0x0  }
0x4c: {  	s3 =	rddreg [dreg:$0x2];
	[bflag:$0x3] =	sbarrier.arrive $0xFFFF;
	s2 =	simm.s32 @!p0 $0x1C03  }
0x4d: {  	[timem:s3], [sflag:s2] =	dma.local @!p0 [hbm:s0], s1  }
0x4e: {  	s0 =	simm.s32 @!p0 $0x3  }
0x4f: {  	_ =	swait.ge @!p0 [sflag:s0], s1  }
0x50: {  	s1 =	ssub.s32 @!p0 $0x0, s1;
	[sflag:s0] =	ssyncset.done @!p0 $0x0  }
0x51: {  	[sflag:s0] =	ssyncadd.s32 @!p0 s1  }
0x52: {  	[bflag:$0x3] =	sbarrier.arrive $0xFFFF  }
0x53: {  	_ =	shalt  }

// kernel: kernel.36.cloned.1.call-start
scs
__scs_entry_jumppad:
0x0: {  	(pc) =	sbr.rel $0x88, $3  }
0x1: {  	(tag) =	ssettag $0x0;
	lr =	simm.s32 $0x1  }
0x2: {  	[smem:$0x3F94] =	sst lr;
	_ =	strace $0xD0000000  }
0x3: {  	_ = 	snop  }
0x4: {  	_ = 	snop  }
0x5: {  	_ = 	snop  }
0x6: {  	_ = 	snop  }
0x7: {  	_ = 	snop  }
__scs_overlays_trampoline_lowered:
0x8: {  	[smem:$0x3FA3] =	sst s0  }
0x9: {  	[smem:$0x3FA4] =	sst s1  }
0xa: {  	[smem:$0x3FA5] =	sst s2  }
0xb: {  	[smem:$0x3FA6] =	sst s3  }
0xc: {  	[smem:$0x3FA7] =	sst s4  }
0xd: {  	[smem:$0x3FA8] =	sst s5  }
0xe: {  	[smem:$0x3FA9] =	sst s6  }
0xf: {  	[smem:$0x3FAA] =	sst s7  }
0x10: {  	[smem:$0x3FAB] =	sst s8  }
0x11: {  	[smem:$0x3FAC] =	sst s9;
	s0 =	simm.s32 @!p0 $0x0  }
0x12: {  	s1 =	sld [smem:$0x3F92];
	s0 =	simm.s32 @p0 $0x1  }
0x13: {  	[smem:$0x3FAD] =	sst s0;
	s0 =	simm.s32 @!p1 $0x0  }
0x14: {  	s2 =	sld [smem:$0x3F91];
	s0 =	simm.s32 @p1 $0x1  }
0x15: {  	[smem:$0x3FAE] =	sst s0;
	s0 =	simm.s32 @!p2 $0x0  }
0x16: {  	s3 =	sld [smem:$0x3FDB];
	s0 =	simm.s32 @p2 $0x1  }
0x17: {  	s4 =	simm.s32 $0x1BF5;
	[smem:$0x3FB0] =	sst s0  }
0x18: {  	s0 =	sld [smem:$0x3F93];
	_ =	swait.ge [sflag:s4], $0x0  }
0x19: {  	s7 =	sld [smem:$0x3F94]  }
0x1a: {  	s8 =	sadd.s32 $0xFFFFE003, lr  }
0x1b: {  	s9 =	sadd.s32 $0xFFFFFEF7, lr;
	s5 =	simm.s32 $0xFFFFFFFF;
	p2 =	slt.u32 s8, $0xFFFFF086  }
0x1c: {  	p1 =	slt.u32 s9, $0xF7A;
	s5 =	simm.s32 @!p2 $0x0  }
0x1d: {  	s5 =	simm.s32 @p1 $0x1;
	p0 =	seq.s32 s7, s2  }
0x1e: {  	s7 =	smul.u32 @!p0 $0xF7A, s2;
	p2 =	seq.s32 @!p0 s5, $0x0  }
0x1f: {  	s9 =	smul.u32 $0xF7A, s1;
	s8 =	simm.s32 @!p0 $0x1BF5;
	p2 =	por !p2, p0  }
0x20: {  	[sflag:s8] =	ssyncset.s32 @!p0 $0xFFFFF086;
	s6 =	sadd.s32 @!p0 s3, s7;
	s7 =	simm.s32 @!p0 $0x108  }
0x21: {  	s3 =	sadd.s32 s3, s9;
	s6 =	sadd.s32 @!p0 $0x88, s6;
	s7 =	simm.s32 @p2 $0x1082  }
0x22: {  	[simem:s7], [sflag:s8] =	dma.local @!p0 [hbm:s6], $0xF7A  }
0x23: {  	s9 =	sor.u32 $0xD0000000, s2;
	s6 =	simm.s32 $0x108;
	_ =	swait.ge @!p0 [sflag:s8], $0x0  }
0x24: {  	s3 =	sadd.s32 $0x88, s3;
	s6 =	simm.s32 @!p1 $0x1082;
	[sflag:s4] =	ssyncset.s32 $0xFFFFF086  }
0x25: {  	[simem:s6], [sflag:s4] =	dma.local [hbm:s3], $0xF7A  }
0x26: {  	[smem:$0x3F94] =	sst s1;
	(tag) =	ssettag s2;
	_ =	strace s9  }
0x27: {  	s1 =	sld [smem:$0x3FA4]  }
0x28: {  	s2 =	sld [smem:$0x3FA5]  }
0x29: {  	s4 =	sld [smem:$0x3FA7]  }
0x2a: {  	p0 =	seq.s32 s5, $0x0;
	s5 =	sld [smem:$0x3FA8]  }
0x2b: {  	s6 =	sld [smem:$0x3FA9]  }
0x2c: {  	s7 =	sld [smem:$0x3FAA]  }
0x2d: {  	s3 =	simm.s32 $0x108;
	s8 =	sld [smem:$0x3FAB]  }
0x2e: {  	s3 =	simm.s32 @!p0 $0x1082;
	s9 =	sld [smem:$0x3FAC]  }
0x2f: {  	lr =	sadd.s32 s0, s3;
	s0 =	sld [smem:$0x3FA3]  }
0x30: {  	s3 =	sld [smem:$0x3FA6]  }
0x31: {  	[smem:$0x3FAF] =	sst s10  }
0x32: {  	s10 =	sld [smem:$0x3FAD];
	_ =	sdelay $0x3  }
0x33: {  	p0 =	seq.s32 s10, $0x1;
	s10 =	sld [smem:$0x3FAF];
	_ =	sdelay $0x3  }
0x34: {  	[smem:$0x3FAF] =	sst s10  }
0x35: {  	s10 =	sld [smem:$0x3FAE];
	_ =	sdelay $0x3  }
0x36: {  	p1 =	seq.s32 s10, $0x1;
	s10 =	sld [smem:$0x3FAF];
	_ =	sdelay $0x3  }
0x37: {  	[smem:$0x3FAF] =	sst s10  }
0x38: {  	s10 =	sld [smem:$0x3FB0]  }
0x39: {  	_ = 	snop;
	(pc) =	sbr.ind lr, $3  }
0x3a: {  	_ = 	snop  }
0x3b: {  	_ = 	snop  }
0x3c: {  	p2 =	seq.s32 s10, $0x1;
	s10 =	sld [smem:$0x3FAF]  }
0x3d: {  	_ =	shalt  }
0x3e: {  	_ =	shalt  }
0x3f: {  	_ =	shalt  }
0x40: {  	_ =	shalt  }
0x41: {  	_ =	shalt  }
0x42: {  	_ =	shalt  }
0x43: {  	_ =	shalt  }
0x44: {  	_ =	shalt  }
0x45: {  	_ =	shalt  }
0x46: {  	_ =	shalt  }
0x47: {  	_ =	shalt  }
0x48: {  	_ =	shalt  }
0x49: {  	_ =	shalt  }
0x4a: {  	_ =	shalt  }
0x4b: {  	_ =	shalt  }
0x4c: {  	_ =	shalt  }
0x4d: {  	_ =	shalt  }
0x4e: {  	_ =	shalt  }
0x4f: {  	_ =	shalt  }
0x50: {  	_ =	shalt  }
0x51: {  	_ =	shalt  }
0x52: {  	_ =	shalt  }
0x53: {  	_ =	shalt  }
0x54: {  	_ =	shalt  }
0x55: {  	_ =	shalt  }
0x56: {  	_ =	shalt  }
0x57: {  	_ =	shalt  }
0x58: {  	_ =	shalt  }
0x59: {  	_ =	shalt  }
0x5a: {  	_ =	shalt  }
0x5b: {  	_ =	shalt  }
0x5c: {  	_ =	shalt  }
0x5d: {  	_ =	shalt  }
0x5e: {  	_ =	shalt  }
0x5f: {  	_ =	shalt  }
0x60: {  	_ =	shalt  }
0x61: {  	_ =	shalt  }
0x62: {  	_ =	shalt  }
0x63: {  	_ =	shalt  }
0x64: {  	_ =	shalt  }
0x65: {  	_ =	shalt  }
0x66: {  	_ =	shalt  }
0x67: {  	_ =	shalt  }
0x68: {  	_ =	shalt  }
0x69: {  	_ =	shalt  }
0x6a: {  	_ =	shalt  }
0x6b: {  	_ =	shalt  }
0x6c: {  	_ =	shalt  }
0x6d: {  	_ =	shalt  }
0x6e: {  	_ =	shalt  }
0x6f: {  	_ =	shalt  }
0x70: {  	_ =	shalt  }
0x71: {  	_ =	shalt  }
0x72: {  	_ =	shalt  }
0x73: {  	_ =	shalt  }
0x74: {  	_ =	shalt  }
0x75: {  	_ =	shalt  }
0x76: {  	_ =	shalt  }
0x77: {  	_ =	shalt  }
0x78: {  	_ =	shalt  }
0x79: {  	_ =	shalt  }
0x7a: {  	_ =	shalt  }
0x7b: {  	_ =	shalt  }
0x7c: {  	_ =	shalt  }
0x7d: {  	_ =	shalt  }
0x7e: {  	_ =	shalt  }
0x7f: {  	_ =	shalt  }
0x80: {  	_ =	shalt  }
0x81: {  	_ =	shalt  }
0x82: {  	_ =	shalt  }
0x83: {  	_ =	shalt  }
0x84: {  	_ =	shalt  }
0x85: {  	_ =	shalt  }
0x86: {  	_ =	shalt  }
0x87: {  	_ =	shalt  }
.Lfunc_end0:
.L_simem_size_0:
called_computation.5_lowered:
.L_overlay_start_0:
0x88: {  	s2 =	sld [smem:$0x3FD9]  }
0x89: {  	s3 =	sld [smem:$0x3FFE];
	_ =	sdelay $0x1  }
0x8a: {  	s1 =	srdreg.scid  }
0x8b: {  	s0 =	sand.u32 $0x1, s1  }
0x8c: {  	s17 =	sshll.u32 s0, $0xA;
	s2 =	sadd.s32 s3, s2  }
0x8d: {  	s2 =	sadd.s32 s2, s17  }
0x8e: {  	[smem:$0x3FBB] =	sst s2  }
0x8f: {  	_ = 	snop  }
0x90: {  	(tm) =	ssettm $0x1  }
0x91: {  	s18 =	sld [smem:$0x3FFB];
	_ =	sdelay $0x3  }
0x92: {  	_ =	strace s18  }
0x93: {  	s2 =	sld [smem:$0x3FFC];
	_ =	sdelay $0x3  }
0x94: {  	_ =	strace s2  }
0x95: {  	s2 =	sld [smem:$0x3FFD];
	_ =	sdelay $0x3  }
0x96: {  	_ =	strace s2  }
0x97: {  	_ =	strace $0x8FFFFFFF  }
0x98: {  	s19 =	sld [smem:$0x3FDB];
	_ =	sdelay $0x1  }
0x99: {  	s20 =	simm.s32 $_scs_section_size  }
0x9a: {  	s4 =	simm.s32 $_size__tile_overlayer_lowered;
	s5 =	simm.s32 $_tile_overlayer_lowered  }
0x9b: {  	s6 =	simm.s32 $0x1BFF;
	s21 =	sshll.u32 s5, $0x1;
	s3 =	sadd.s32 s20, s19  }
0x9c: {  	s22 =	simm.s32 $0x0;
	s4 =	sshll.u32 s4, $0x1;
	s5 =	sadd.s32 s21, s3  }
0x9d: {  	[timem:s22], [sflag:s6] =	dma.local [hbm:s5], s4  }
0x9e: {  	_ =	swait.ge [sflag:s6], s4  }
0x9f: {  	s4 =	ssub.s32 $0x0, s4;
	[sflag:s6] =	ssyncset.done $0x0  }
0xa0: {  	[sflag:s6] =	ssyncadd.s32 s4;
	_ =	sdelay $0x1  }
0xa1: {  	s23 =	simm.s32 $0x1B8B  }
0xa2: {  	_ =	swait.ge [sflag:s23], $0x1  }
0xa3: {  	[sflag:s23] =	ssyncset.done $0x0  }
0xa4: {  	[sflag:s23] =	ssyncadd.s32 $0xFFFFFFFF  }
0xa5: {  	s4 =	sld [smem:$0x0]  }
0xa6: {  	s5 =	sand.u32 $0xFFFFFFFE, s1  }
0xa7: {  	p0 =	sne.s32 s1, s5  }
0xa8: {  	s5 =	sshll.u32 @p0 s5, $0xE  }
0xa9: {  	s5 =	sadd.s32 @p0 $0x11B8D, s5;
	s6 =	sshll.u32 @p0 s4, $0x11  }
0xaa: {  	s5 =	sor.u32 @p0 s6, s5  }
0xab: {  	[sflag:s5] =	ssyncadd.remote.s32 @p0 $0x1;
	_ =	sdelay $0x1  }
0xac: {  	s5 =	simm.s32 @p0 $0x1B8D  }
0xad: {  	_ =	swait.eq @p0 [sflag:s5], $0x1  }
0xae: {  	[sflag:s5] =	ssyncadd.s32 @p0 $0xFFFFFFFF  }
0xaf: {  	s6 =	sshll.u32 @!p0 s1, $0xE  }
0xb0: {  	s6 =	sor.u32 @!p0 $0x4000, s6;
	s5 =	simm.s32 @!p0 $0x1B8D  }
0xb1: {  	s4 =	sshll.u32 @!p0 s4, $0x11;
	s6 =	sadd.s32 @!p0 $0x11B8D, s6;
	_ =	swait.eq @!p0 [sflag:s5], $0x1  }
0xb2: {  	s4 =	sor.u32 @!p0 s4, s6;
	[sflag:s5] =	ssyncadd.s32 @!p0 $0xFFFFFFFF  }
0xb3: {  	s25 =	simm.s32 $0x1B8E;
	s24 =	sld [smem:$0x3FFE];
	[sflag:s4] =	ssyncadd.remote.s32 @!p0 $0x1  }
0xb4: {  	s26 =	simm.s32 $execute0_lowered;
	[smem:$0x3FD2] =	sst s25  }
0xb5: {  	s5 =	sshll.u32 s26, $0x1;
	_ =	strace $0x80000055;
	[dreg:$0x1] =	wrdreg $0xFFFFFFFF  }
0xb6: {  	s28 =	simm.s32 $_size_execute0_lowered;
	s3 =	sadd.s32 s3, s5;
	[dreg:$0x0] =	wrdreg $0x0  }
0xb7: {  	s5 =	sshll.u32 s28, $0x1;
	[dreg:$0x2] =	wrdreg s3  }
0xb8: {  	[dreg:$0x3] =	wrdreg s5  }
0xb9: {  	[dreg:$0x4] =	wrdreg $0xC0  }
0xba: {  	_ =	task [dreg:s22], $0x5FFFF  }
0xbb: {  	[dreg:$0x1] =	wrdreg $0xFFFFFFFF  }
0xbc: {  	[dreg:$0x0] =	wrdreg $0x60  }
0xbd: {  	[dreg:$0x2] =	wrdreg s24  }
0xbe: {  	[dreg:$0x3] =	wrdreg $0x9  }
0xbf: {  	_ =	task.clear_ibuf [dreg:s22], $0x4FFFF;
	_ =	strace $0x90000055  }
0xc0: {  	s29 =	simm.s32 $0x9;
	_ =	strace $0x80000057  }
0xc1: {  	_ =	swait.ge [sflag:s29], $0x1  }
0xc2: {  	[sflag:s29] =	ssyncadd.s32 $0xFFFFFFFF  }
0xc3: {  	_ =	strace $0x90000057  }
0xc4: {  	_ =	sfence  }
0xc5: {  	s30 =	sld [smem:$0x0];
	_ =	sdelay $0x2  }
0xc6: {  	s31 =	sshll.u32 s1, $0xD;
	s1 =	sshrl.u32 s1, $0x2  }
0xc7: {  	s4 =	sand.u32 $0x4000, s31;
	s1 =	sadd.s32 s1, s30  }
0xc8: {  	s0 =	sor.u32 s4, s0;
	s1 =	sshll.u32 s1, $0x11  }
0xc9: {  	s0 =	sor.u32 s1, s0  }
0xca: {  	s0 =	sadd.s32 $0x8F2B, s0  }
0xcb: {  	[sflag:s0] =	ssyncadd.remote.s32 $0x1  }
0xcc: {  	_ =	sfence.sel $0xFFFF  }
0xcd: {  	[dreg:$0x0] =	wrdreg $0xFFFFFFFF;
	(pc) =	sbr.abs _section_cstart, $3  }
0xce: {  	[dreg:$0x1] =	wrdreg $0xFFFFFFFF  }
0xcf: {  	_ =	task.clear_ibuf [dreg:s22], $0x2FFFF;
	_ =	strace $0x9FFFFFFF  }
0xd0: {  	(tm) =	ssettm $0x7FFFFFFF  }
0xd1: {  	_ =	shalt  }
tec
execute0_lowered:
.L_overlay_start_1:
0x0: {  	(tag) =	ssettag $0x1  }
0x1: {  	s1 =	srdreg.scid;
	s0 =	stileid.u32  }
0x2: {  	s4 =	rddreg [dreg:$0x0];
	s2 =	simm.s32 $0x0;
	s11 =	simm.s32 $0x80  }
0x3: {  	s12 =	simm.s32 $0x1400;
	s13 =	simm.s32 $0x5400;
	s14 =	simm.s32 $0x1  }
0x4: {  	s15 =	simm.s32 $0x2;
	s5 =	sand.u32 $0x1, s1;
	s1 =	rddreg [dreg:$0x1]  }
0x5: {  	s16 =	simm.s32 $0x0;
	s3 =	sshll.u32 s0, $0x1;
	[smem:$0x7FF] =	sst s2  }
0x6: {  	s10 =	sadd.s32 $0x2CE600, s4;
	s29 =	sshll.u32 s0, $0x10;
	s6 =	sor.u32 s5, s3  }
0x7: {  	s8 =	ssub.s32 $0x2, s5;
	_ =	strace $0x80000056;
	s3 =	sadd.s32 $0x2A9600, s4  }
0x8: {  	s7 =	smul.u32 $0x280, s6;
	s9 =	sshrl.u32 s8, $0x1;
	s6 =	sshll.u32 s6, $0xC  }
0x9: {  	s5 =	sshll.u32 s5, $0xF;
	s8 =	ssub.s32 s8, s9;
	s30 =	sadd.s32 s6, s10  }
0xa: {  	s9 =	sor.u32 s5, s29;
	s7 =	sadd.s32 s7, s4;
	s5 =	smax.u32 s8, $0x1  }
0xb: {  	s6 =	sadd.s32 $0x260000, s30;
	s31 =	sor.u32 $0x4000, s9;
	s9 =	sshrl.u32 s9, $0x3  }
0xc: {  	s4 =	sadd.s32 $0x2C9600, s7;
	s7 =	sadd.s32 $0x260800, s30;
	s8 =	sshrl.u32 s31, $0x3  }
0xd: {  	s9 =	sadd.s32 s9, s10;
	s8 =	sadd.s32 s8, s10;
	s10 =	simm.s32 $0x3  }
.LBB2_1:
0xe: {  	[tilespmem:s2], [sflag:$0x3] =	stream.linear.gather [hbm4b:s4+s2], $0x1400, $0x38;
	[tilespmem:$0x9400] =	vst v63  }
0xf: {  	_ =	swait.ge [sflag:s10], $0x1400  }
0x10: {  	[sflag:s10] =	ssyncset.done $0x0  }
0x11: {  	[sflag:s10] =	ssyncadd.s32 $0xFFFFEC00  }
0x12: {  	[tilespmem:s12], [sflag:$0x1] =	stream.indirect.gather [hbm4b:s3+s11], $0x80, s2, s11, $0xb8;
	[tilespmem:$0x9400] =	vst v63  }
0x13: {  	_ = 	snop  }
0x14: {  	[tilespmem:s13], [sflag:$0x2] =	stream.indirect.gather [hbm4b:s3+s11], $0x80, s11, s11, $0xb8;
	[tilespmem:$0x9400] =	vst v63  }
0x15: {  	_ =	swait.ge [sflag:s14], $0x4000  }
0x16: {  	[sflag:s14] =	ssyncset.done $0x0  }
0x17: {  	s17 =	sadd.s32 $0x0, s9;
	[sflag:s14] =	ssyncadd.s32 $0xFFFFC000  }
0x18: {  	[hbm4b:s17+s2] =	stream.linear.scatter [tilespmem:s12], [sflag:$0x3], $0x4000, $0x38;
	[tilespmem:$0x9400] =	vst v63  }
0x19: {  	_ =	swait.ge [sflag:s10], $0x4000  }
0x1a: {  	[sflag:s10] =	ssyncset.done $0x0  }
0x1b: {  	s30 =	simm.s32 $0x100;
	[sflag:s10] =	ssyncadd.s32 $0xFFFFC000  }
0x1c: {  	[tilespmem:s12], [sflag:$0x1] =	stream.indirect.gather [hbm4b:s3+s11], $0x80, s30, s11, $0xb8;
	[tilespmem:$0x9400] =	vst v63  }
0x1d: {  	_ =	swait.ge [sflag:s15], $0x4000  }
0x1e: {  	[sflag:s15] =	ssyncset.done $0x0  }
0x1f: {  	s31 =	sadd.s32 $0x0, s8;
	[sflag:s15] =	ssyncadd.s32 $0xFFFFC000  }
0x20: {  	[hbm4b:s31+s2] =	stream.linear.scatter [tilespmem:s13], [sflag:$0x3], $0x4000, $0x38;
	[tilespmem:$0x9400] =	vst v63  }
0x21: {  	_ =	swait.ge [sflag:s10], $0x4000  }
0x22: {  	s18 =	simm.s32 $0x20000;
	[sflag:s10] =	ssyncset.done $0x0  }
0x23: {  	s19 =	simm.s32 $0x280;
	s17 =	simm.s32 $0x180;
	[sflag:s10] =	ssyncadd.s32 $0xFFFFC000  }
.LBB2_2:
0x24: {  	[tilespmem:s13], [sflag:$0x2] =	stream.indirect.gather [hbm4b:s3+s11], $0x80, s17, s11, $0xb8;
	[tilespmem:$0x9400] =	vst v63  }
0x25: {  	s20 =	smov.u32 s18;
	s17 =	smov.u32 s19  }
0x26: {  	p0 =	sne.s32 s18, $0x240000;
	s18 =	sadd.s32 $0x20000, s18;
	_ =	swait.ge [sflag:s14], $0x4000  }
0x27: {  	[sflag:s14] =	ssyncset.done $0x0  }
0x28: {  	s21 =	sadd.s32 s20, s9;
	[sflag:s14] =	ssyncadd.s32 $0xFFFFC000  }
0x29: {  	[hbm4b:s21+s2] =	stream.linear.scatter [tilespmem:s12], [sflag:$0x3], $0x4000, $0x38;
	[tilespmem:$0x9400] =	vst v63  }
0x2a: {  	_ =	swait.ge [sflag:s10], $0x4000  }
0x2b: {  	[sflag:s10] =	ssyncset.done $0x0  }
0x2c: {  	s21 =	sadd.s32 $0xFFFFFF80, s19;
	[sflag:s10] =	ssyncadd.s32 $0xFFFFC000  }
0x2d: {  	[tilespmem:s12], [sflag:$0x1] =	stream.indirect.gather [hbm4b:s3+s11], $0x80, s21, s11, $0xb8;
	[tilespmem:$0x9400] =	vst v63  }
0x2e: {  	_ =	swait.ge [sflag:s15], $0x4000  }
0x2f: {  	[sflag:s15] =	ssyncset.done $0x0  }
.Ltmp0:
0x30: {  	s20 =	sadd.s32 s20, s8;
	[sflag:s15] =	ssyncadd.s32 $0xFFFFC000;
	(pc) =	sbr.rel @p0 .LBB2_2-.Ltmp0, $4  }
0x31: {  	[hbm4b:s20+s2] =	stream.linear.scatter [tilespmem:s13], [sflag:$0x3], $0x4000, $0x38;
	[tilespmem:$0x9400] =	vst v63  }
0x32: {  	_ =	swait.ge [sflag:s10], $0x4000  }
0x33: {  	[sflag:s10] =	ssyncset.done $0x0  }
0x34: {  	s19 =	sadd.s32 $0x100, s19;
	[sflag:s10] =	ssyncadd.s32 $0xFFFFC000  }
0x35: {  	[tilespmem:s13], [sflag:$0x2] =	stream.indirect.gather [hbm4b:s3+s11], $0x80, s17, s11, $0xb8;
	[tilespmem:$0x9400] =	vst v63  }
0x36: {  	_ =	swait.ge [sflag:s14], $0x4000  }
0x37: {  	[sflag:s14] =	ssyncset.done $0x0  }
0x38: {  	[sflag:s14] =	ssyncadd.s32 $0xFFFFC000  }
0x39: {  	[hbm4b:s6+s2] =	stream.linear.scatter [tilespmem:s12], [sflag:$0x3], $0x4000, $0x38;
	[tilespmem:$0x9400] =	vst v63  }
0x3a: {  	_ =	swait.ge [sflag:s10], $0x4000  }
0x3b: {  	[sflag:s10] =	ssyncset.done $0x0  }
0x3c: {  	[sflag:s10] =	ssyncadd.s32 $0xFFFFC000  }
0x3d: {  	s16 =	sadd.s32 $0x1, s16;
	_ =	swait.ge [sflag:s15], $0x4000  }
0x3e: {  	p0 =	sne.s32 s16, s5;
	[sflag:s15] =	ssyncset.done $0x0  }
.Ltmp1:
0x3f: {  	[sflag:s15] =	ssyncadd.s32 $0xFFFFC000;
	(pc) =	sbr.rel @p0 .LBB2_1-.Ltmp1, $4  }
0x40: {  	[hbm4b:s7+s2] =	stream.linear.scatter [tilespmem:s13], [sflag:$0x3], $0x4000, $0x38;
	[tilespmem:$0x9400] =	vst v63  }
0x41: {  	_ =	swait.ge [sflag:s10], $0x4000  }
0x42: {  	[sflag:s10] =	ssyncset.done $0x0  }
0x43: {  	[sflag:s10] =	ssyncadd.s32 $0xFFFFC000  }
0x44: {  	_ =	sfence.sel $0x180000  }
0x45: {  	[bflag:$0x0] =	sbarrier.arrive $0xFFFF  }
0x46: {  	p0 =	sne.s32 s0, $0x0;
	_ =	strace $0x90000056  }
0x47: {  	s0 =	sadd.s32 @!p0 $0x100000, s1;
	[bflag:$0x2] =	sbarrier.arrive $0xFFFF  }
0x48: {  	[sflag:s0] =	ssyncadd.tile.s32 @!p0 $0x1;
	_ =	shalt  }
.Lfunc_end2:
_tile_overlayer_lowered:
.L_overlay_start_2:
0x49: {  	(tag) =	ssettag $0x2  }
0x4a: {  	s0 =	rddreg [dreg:$0x0];
	s2 =	stileid.u32  }
0x4b: {  	s1 =	rddreg [dreg:$0x1];
	p0 =	sne.s32 s2, $0x0  }
0x4c: {  	s3 =	rddreg [dreg:$0x2];
	[bflag:$0x3] =	sbarrier.arrive $0xFFFF;
	s2 =	simm.s32 @!p0 $0x1C03  }
0x4d: {  	[timem:s3], [sflag:s2] =	dma.local @!p0 [hbm:s0], s1  }
0x4e: {  	s0 =	simm.s32 @!p0 $0x3  }
0x4f: {  	_ =	swait.ge @!p0 [sflag:s0], s1  }
0x50: {  	s1 =	ssub.s32 @!p0 $0x0, s1;
	[sflag:s0] =	ssyncset.done @!p0 $0x0  }
0x51: {  	[sflag:s0] =	ssyncadd.s32 @!p0 s1  }
0x52: {  	[bflag:$0x3] =	sbarrier.arrive $0xFFFF  }
0x53: {  	_ =	shalt  }

</sc_bundles>
